<compile_context>
chip_gen: v7x
topology: tpu7x:2x2x1
jax: 0.10.2.dev20260603
libtpu: 0.0.44.dev20260713+nightly
codegen_flags: <defaults>
</compile_context>

<pallas_src>
import jax
import jax.numpy as jnp
from jax import lax
from jax.experimental import pallas as pl
from jax.experimental.pallas import tpu as pltpu
from jax.experimental.pallas import tpu_sc as plsc

N_NODES = 10000
N_EDGES = 160000
HID = 256
POS_VOCAB = 10000

NC = 2
NS = 16
NW = NC * NS
L = 16

C = 320
RPS = 16
NSTR = C // RPS
SUB = 80
NSUB = C // SUB
PWIN = SUB + 8

BE = 16000
NB = N_EDGES // BE


def _node_body(ids_hbm, mask_hbm, ntab_hbm, ptab_hbm, out_hbm,
               ids_v, mask_v, crow_v, nbufs, pbuf,
               sems_n, sem_p, sems_w, sem_s):
    cid = lax.axis_index("c")
    sid = lax.axis_index("s")
    wid = sid * NC + cid
    base = pl.multiple_of(jnp.minimum(wid * C, N_NODES - C), 8)

    SPS = SUB // RPS
    with jax.named_scope("nk_stage"):
        pltpu.async_copy(ids_hbm.at[pl.ds(base, C)], ids_v, sem_s).wait()
        cp_mask = pltpu.async_copy(mask_hbm, mask_v.at[pl.ds(0, N_NODES)],
                                   sem_s)
    gn = [pltpu.async_copy(ntab_hbm.at[ids_v.at[pl.ds(j * RPS, RPS)]],
                           nbufs[j // SPS].at[pl.ds((j % SPS) * RPS, RPS)],
                           sems_n[j // SPS])
          for j in range(NSTR)]
    cp_mask.wait()

    with jax.named_scope("nk_prefix"):
        def pre_body(k, acc):
            m = mask_v[pl.ds(k * L, L)]
            return acc + jnp.where(m == 1, 1, 0)

        accv = lax.fori_loop(0, base // L, pre_body, jnp.zeros((L,), jnp.int32))
        prefix = jnp.sum(accv)

    with jax.named_scope("nk_ranks"):
        starts, dels, counts = [], [], []
        lane = lax.iota(jnp.int32, L)
        carry = jnp.zeros((), jnp.int32)
        cnt_sub = None
        for k in range(C // L):
            kk = k % (SUB // L)
            s = k // (SUB // L)
            if kk == 0:
                st = jnp.minimum(prefix + carry, POS_VOCAB - PWIN)
                st = pl.multiple_of((st // 8) * 8, 8)
                starts.append(st)
                dels.append(prefix + carry - st)
                cnt_sub = jnp.zeros((), jnp.int32)
            m = mask_v[pl.ds(base + k * L, L)]
            mq = m == 1
            plsc.store_compressed(crow_v.at[pl.ds(s * SUB + cnt_sub, L)],
                                  kk * L + lane, mask=mq)
            nm = jnp.sum(jnp.where(mq, 1, 0))
            cnt_sub = cnt_sub + nm
            carry = carry + nm
            if kk == SUB // L - 1:
                counts.append(cnt_sub)

    gp = pltpu.async_copy(ptab_hbm.at[pl.ds(starts[0], PWIN)], pbuf, sem_p)

    for s in range(NSUB):
        with jax.named_scope("nk_wait"):
            for j in range(SPS):
                gn[SPS * s + j].wait()
            gp.wait()
        with jax.named_scope("nk_add"):
            def add_body(i, _, nb=nbufs[s], d=dels[s], s=s):
                j = crow_v[pl.ds(s * SUB + i, L)][0]
                rel = d + i
                for cb in range(HID // L):
                    nb[j, pl.ds(cb * L, L)] = (
                        nb[j, pl.ds(cb * L, L)]
                        + pbuf[rel, pl.ds(cb * L, L)])
                return 0

            lax.fori_loop(0, counts[s], add_body, 0)
        pltpu.async_copy(nbufs[s], out_hbm.at[pl.ds(base + s * SUB, SUB)],
                         sems_w[s])
        if s + 1 < NSUB:
            gp = pltpu.async_copy(ptab_hbm.at[pl.ds(starts[s + 1], PWIN)],
                                  pbuf, sem_p)
    with jax.named_scope("nk_drain"):
        for s in range(NSUB):
            pltpu.make_async_copy(
                nbufs[s], out_hbm.at[pl.ds(base + s * SUB, SUB)],
                sems_w[s]).wait()


def _edge_body(ids_ref, tbl_ref, g_ref, b_ref, out_ref):
    tbl = tbl_ref[...]
    mean = jnp.mean(tbl, axis=1, keepdims=True)
    var = jnp.mean((tbl - mean) ** 2, axis=1, keepdims=True)
    norm = (tbl - mean) * lax.rsqrt(var + 1e-5) * g_ref[...] + b_ref[...]
    norm_hi = norm.astype(jnp.bfloat16)
    norm_lo = (norm - norm_hi.astype(jnp.float32)).astype(jnp.bfloat16)
    ids = ids_ref[0, 0, :]
    onehot = (ids[:, None] == lax.broadcasted_iota(jnp.int32, (BE, 64), 1)
              ).astype(jnp.bfloat16)
    out_ref[...] = (
        jnp.dot(onehot, norm_hi, preferred_element_type=jnp.float32)
        + jnp.dot(onehot, norm_lo, preferred_element_type=jnp.float32))


@jax.jit
def kernel(node_ids, top_mask, edge_ids, node_table, pos_table, edge_table,
           ln_gamma, ln_beta):
    node_ids = node_ids.astype(jnp.int32)
    top_mask = top_mask.astype(jnp.int32)

    node_feat = pl.kernel(
        _node_body,
        out_type=jax.ShapeDtypeStruct((N_NODES, HID), jnp.float32),
        mesh=plsc.VectorSubcoreMesh(core_axis_name="c", subcore_axis_name="s",
                                    num_cores=NC, num_subcores=NS),
        scratch_types=[
            pltpu.VMEM((C,), jnp.int32),
            pltpu.VMEM((N_NODES + L,), jnp.int32),
            pltpu.VMEM((C + L,), jnp.int32),
            [pltpu.VMEM((SUB, HID), jnp.float32)] * NSUB,
            pltpu.VMEM((PWIN, HID), jnp.float32),
            [pltpu.SemaphoreType.DMA] * NSUB,
            pltpu.SemaphoreType.DMA,
            [pltpu.SemaphoreType.DMA] * NSUB,
            pltpu.SemaphoreType.DMA,
        ],
        compiler_params=pltpu.CompilerParams(needs_layout_passes=False),
    )(node_ids, top_mask, node_table, pos_table)

    edge_feat = pl.pallas_call(
        _edge_body,
        grid=(NB,),
        in_specs=[
            pl.BlockSpec((1, 1, BE), lambda i: (i, 0, 0)),
            pl.BlockSpec((64, HID), lambda i: (0, 0)),
            pl.BlockSpec((1, HID), lambda i: (0, 0)),
            pl.BlockSpec((1, HID), lambda i: (0, 0)),
        ],
        out_specs=pl.BlockSpec((BE, HID), lambda i: (i, 0)),
        out_shape=jax.ShapeDtypeStruct((N_EDGES, HID), jnp.float32),
    )(edge_ids.reshape(NB, 1, BE), edge_table,
      ln_gamma.reshape(1, HID), ln_beta.reshape(1, HID))

    return node_feat, edge_feat

# --- scband reference (transcript-rebuilt; emitter-appended) ---
"""Pipeline reference for scband-graph-embedding-47708496724224 (READ-ONLY COPY).

The authoritative reference and input builder live on the scoring server;
editing this copy changes nothing except your own understanding.
"""

import jax, jax.numpy as jnp
import numpy as np

N_NODES = 10000
N_EDGES = 160000
NODE_VOCAB = 100000
EDGE_VOCAB = 64
HID = 256
POS_VOCAB = 10000


def setup_inputs(seed: int = 0) -> dict:
    key = jax.random.key(seed)
    k1, k2, k3, k4, k5, k6 = jax.random.split(key, 6)
    node_ids = jax.random.randint(k1, (N_NODES,), 0, NODE_VOCAB, dtype=jnp.int64 if jax.config.jax_enable_x64 else jnp.int32)
    top_mask = jax.random.randint(k2, (N_NODES,), 0, 2, dtype=jnp.int32)
    edge_ids = jax.random.randint(k3, (N_EDGES,), 0, EDGE_VOCAB, dtype=jnp.int32)
    node_table = jax.random.normal(k4, (NODE_VOCAB, HID), dtype=jnp.float32)  # pretrained node_embed weight
    pos_table = jax.random.normal(k5, (POS_VOCAB, HID), dtype=jnp.float32)    # pretrained pos_embed weight
    edge_table = jax.random.normal(k6, (EDGE_VOCAB, HID), dtype=jnp.float32)  # edge_embed weight
    ln_gamma = jnp.ones((HID,), dtype=jnp.float32)
    ln_beta = jnp.zeros((HID,), dtype=jnp.float32)
    return {"node_ids": node_ids, "top_mask": top_mask, "edge_ids": edge_ids,
            "node_table": node_table, "pos_table": pos_table, "edge_table": edge_table,
            "ln_gamma": ln_gamma, "ln_beta": ln_beta}


def reference(node_ids, top_mask, edge_ids, node_table, pos_table, edge_table, ln_gamma, ln_beta):
    # node embedding lookup
    node_feat = jnp.take(node_table, node_ids, axis=0)
    # nodes where top_mask == 1 get positional embeddings, indexed by their rank
    # among masked nodes (equivalent to node_feat[mask] += pos_embed(arange(n_top)))
    mask = (top_mask == 1)
    rank = jnp.cumsum(mask.astype(jnp.int32)) - 1
    rank = jnp.clip(rank, 0, pos_table.shape[0] - 1)
    pos_feat = jnp.take(pos_table, rank, axis=0)
    node_feat = node_feat + jnp.where(mask[:, None], pos_feat, jnp.zeros_like(pos_feat))
    # dropout is identity in eval mode
    # edge embedding lookup + layer norm
    edge_feat = jnp.take(edge_table, edge_ids, axis=0)
    mean = jnp.mean(edge_feat, axis=-1, keepdims=True)
    var = jnp.var(edge_feat, axis=-1, keepdims=True)
    edge_feat = (edge_feat - mean) / jnp.sqrt(var + 1e-5) * ln_gamma + ln_beta
    return node_feat, edge_feat

if __name__ == "__main__":
    import jax
    _d = setup_inputs()
    print(jax.jit(kernel)(*tuple(_d.values())))

</pallas_src>

<mosaic_0001>
#map = affine_map<(d0, d1) -> (0)>
#map1 = affine_map<(d0, d1) -> (0, 0)>
module attributes {stable_mosaic.version = 14 : i64} {
  func.func @_node_body(%arg0: i32, %arg1: i32, %arg2: memref<10000xi32, #tpu.memory_space<hbm>>, %arg3: memref<10000xi32, #tpu.memory_space<hbm>>, %arg4: memref<100000x256xf32, #tpu.memory_space<hbm>>, %arg5: memref<10000x256xf32, #tpu.memory_space<hbm>>, %arg6: memref<10000x256xf32, #tpu.memory_space<hbm>>, %arg7: memref<320xi32, #tpu.memory_space<vmem>>, %arg8: memref<10016xi32, #tpu.memory_space<vmem>>, %arg9: memref<336xi32, #tpu.memory_space<vmem>>, %arg10: memref<80x256xf32, #tpu.memory_space<vmem>>, %arg11: memref<80x256xf32, #tpu.memory_space<vmem>>, %arg12: memref<80x256xf32, #tpu.memory_space<vmem>>, %arg13: memref<80x256xf32, #tpu.memory_space<vmem>>, %arg14: memref<88x256xf32, #tpu.memory_space<vmem>>, %arg15: memref<!tpu.dma_semaphore, #tpu.memory_space<semaphore_mem>>, %arg16: memref<!tpu.dma_semaphore, #tpu.memory_space<semaphore_mem>>, %arg17: memref<!tpu.dma_semaphore, #tpu.memory_space<semaphore_mem>>, %arg18: memref<!tpu.dma_semaphore, #tpu.memory_space<semaphore_mem>>, %arg19: memref<!tpu.dma_semaphore, #tpu.memory_space<semaphore_mem>>, %arg20: memref<!tpu.dma_semaphore, #tpu.memory_space<semaphore_mem>>, %arg21: memref<!tpu.dma_semaphore, #tpu.memory_space<semaphore_mem>>, %arg22: memref<!tpu.dma_semaphore, #tpu.memory_space<semaphore_mem>>, %arg23: memref<!tpu.dma_semaphore, #tpu.memory_space<semaphore_mem>>, %arg24: memref<!tpu.dma_semaphore, #tpu.memory_space<semaphore_mem>>) attributes {dimension_semantics = [#tpu.dimension_semantics<core_parallel>, #tpu.dimension_semantics<subcore_parallel>], iteration_bounds = array<i64: 2, 16>, scalar_prefetch = 0 : i64, scratch_operands = 18 : i64, tpu.core_type = #tpu.core_type<sc_vector_subcore>, window_params = [{transform_indices = #map}, {transform_indices = #map}, {transform_indices = #map1}, {transform_indices = #map1}, {transform_indices = #map1}]} {
    %mul3A = arith.constant 2 : i32
    %mul3A_0 = arith.muli %arg1, %mul3A : i32
    %add3A = arith.addi %mul3A_0, %arg0 : i32
    %mul3A_1 = arith.constant 320 : i32
    %mul3A_2 = arith.muli %add3A, %mul3A_1 : i32
    %min3A = arith.constant 9680 : i32
    %min3A_3 = arith.minsi %mul3A_2, %min3A : i32
    %multiple_of3A = tpu.assume_multiple %min3A_3, 8 : i32
    "tpu.trace_start"() <{level = 10 : i32, message = "nk_stage"}> : () -> ()
    %dma_start3A = tpu.memref_slice %arg2[%multiple_of3A] : memref<10000xi32, #tpu.memory_space<hbm>> -> memref<320xi32, #tpu.memory_space<hbm>>
    %dma_start3A_4 = tpu.memref_slice %arg2[%multiple_of3A] : memref<10000xi32, #tpu.memory_space<hbm>> -> memref<320xi32, #tpu.memory_space<hbm>>
    tpu.enqueue_dma source(%dma_start3A_4 : memref<320xi32, #tpu.memory_space<hbm>>) target(%arg7 : memref<320xi32, #tpu.memory_space<vmem>>) target_semaphore(%arg24 : memref<!tpu.dma_semaphore, #tpu.memory_space<semaphore_mem>>)
    %dma_wait3A = tpu.memref_slice %arg2[%multiple_of3A] : memref<10000xi32, #tpu.memory_space<hbm>> -> memref<320xi32, #tpu.memory_space<hbm>>
    %dma_wait3A_5 = tpu.memref_slice %arg2[%multiple_of3A] : memref<10000xi32, #tpu.memory_space<hbm>> -> memref<320xi32, #tpu.memory_space<hbm>>
    tpu.wait_dma2 semaphore(%arg24 : memref<!tpu.dma_semaphore, #tpu.memory_space<semaphore_mem>>) src(%dma_wait3A_5 : memref<320xi32, #tpu.memory_space<hbm>>) dst(%arg7 : memref<320xi32, #tpu.memory_space<vmem>>)
    %dma_start3A_6 = arith.constant 0 : i32
    %dma_start3A_7 = tpu.memref_slice %arg8[%dma_start3A_6] : memref<10016xi32, #tpu.memory_space<vmem>> -> memref<10000xi32, #tpu.memory_space<vmem>>
    %dma_start3A_8 = arith.constant 0 : i32
    %dma_start3A_9 = tpu.memref_slice %arg8[%dma_start3A_8] : memref<10016xi32, #tpu.memory_space<vmem>> -> memref<10000xi32, #tpu.memory_space<vmem>>
    tpu.enqueue_dma source(%arg3 : memref<10000xi32, #tpu.memory_space<hbm>>) target(%dma_start3A_9 : memref<10000xi32, #tpu.memory_space<vmem>>) target_semaphore(%arg24 : memref<!tpu.dma_semaphore, #tpu.memory_space<semaphore_mem>>)
    "tpu.trace_stop"() : () -> ()
    %dma_start3A_10 = arith.constant 0 : i32
    %dma_start3A_11 = arith.constant 0 : i32
    %dma_start3A_12 = tpu.memref_slice %arg10[%dma_start3A_10, %dma_start3A_11] : memref<80x256xf32, #tpu.memory_space<vmem>> -> memref<16x256xf32, #tpu.memory_space<vmem>>
    %dma_start3A_13 = arith.constant 0 : i32
    %dma_start3A_14 = tpu.memref_slice %arg7[%dma_start3A_13] : memref<320xi32, #tpu.memory_space<vmem>> -> memref<16xi32, #tpu.memory_space<vmem>>
    %dma_start3A_15 = arith.constant 0 : i32
    %dma_start3A_16 = arith.constant 0 : i32
    %dma_start3A_17 = tpu.memref_slice %arg4[%dma_start3A_15, %dma_start3A_16] : memref<100000x256xf32, #tpu.memory_space<hbm>> -> memref<100000x256xf32, #tpu.memory_space<hbm>>
    tpu.enqueue_indirect_dma source(%dma_start3A_17 : memref<100000x256xf32, #tpu.memory_space<hbm>>) target(%dma_start3A_12 : memref<16x256xf32, #tpu.memory_space<vmem>>) offsets(%dma_start3A_14 : memref<16xi32, #tpu.memory_space<vmem>>) semaphore(%arg15 : memref<!tpu.dma_semaphore, #tpu.memory_space<semaphore_mem>>)
    %dma_start3A_18 = arith.constant 16 : i32
    %dma_start3A_19 = arith.constant 0 : i32
    %dma_start3A_20 = tpu.memref_slice %arg10[%dma_start3A_18, %dma_start3A_19] : memref<80x256xf32, #tpu.memory_space<vmem>> -> memref<16x256xf32, #tpu.memory_space<vmem>>
    %dma_start3A_21 = arith.constant 16 : i32
    %dma_start3A_22 = tpu.memref_slice %arg7[%dma_start3A_21] : memref<320xi32, #tpu.memory_space<vmem>> -> memref<16xi32, #tpu.memory_space<vmem>>
    %dma_start3A_23 = arith.constant 0 : i32
    %dma_start3A_24 = arith.constant 0 : i32
    %dma_start3A_25 = tpu.memref_slice %arg4[%dma_start3A_23, %dma_start3A_24] : memref<100000x256xf32, #tpu.memory_space<hbm>> -> memref<100000x256xf32, #tpu.memory_space<hbm>>
    tpu.enqueue_indirect_dma source(%dma_start3A_25 : memref<100000x256xf32, #tpu.memory_space<hbm>>) target(%dma_start3A_20 : memref<16x256xf32, #tpu.memory_space<vmem>>) offsets(%dma_start3A_22 : memref<16xi32, #tpu.memory_space<vmem>>) semaphore(%arg15 : memref<!tpu.dma_semaphore, #tpu.memory_space<semaphore_mem>>)
    %dma_start3A_26 = arith.constant 32 : i32
    %dma_start3A_27 = arith.constant 0 : i32
    %dma_start3A_28 = tpu.memref_slice %arg10[%dma_start3A_26, %dma_start3A_27] : memref<80x256xf32, #tpu.memory_space<vmem>> -> memref<16x256xf32, #tpu.memory_space<vmem>>
    %dma_start3A_29 = arith.constant 32 : i32
    %dma_start3A_30 = tpu.memref_slice %arg7[%dma_start3A_29] : memref<320xi32, #tpu.memory_space<vmem>> -> memref<16xi32, #tpu.memory_space<vmem>>
    %dma_start3A_31 = arith.constant 0 : i32
    %dma_start3A_32 = arith.constant 0 : i32
    %dma_start3A_33 = tpu.memref_slice %arg4[%dma_start3A_31, %dma_start3A_32] : memref<100000x256xf32, #tpu.memory_space<hbm>> -> memref<100000x256xf32, #tpu.memory_space<hbm>>
    tpu.enqueue_indirect_dma source(%dma_start3A_33 : memref<100000x256xf32, #tpu.memory_space<hbm>>) target(%dma_start3A_28 : memref<16x256xf32, #tpu.memory_space<vmem>>) offsets(%dma_start3A_30 : memref<16xi32, #tpu.memory_space<vmem>>) semaphore(%arg15 : memref<!tpu.dma_semaphore, #tpu.memory_space<semaphore_mem>>)
    %dma_start3A_34 = arith.constant 48 : i32
    %dma_start3A_35 = arith.constant 0 : i32
    %dma_start3A_36 = tpu.memref_slice %arg10[%dma_start3A_34, %dma_start3A_35] : memref<80x256xf32, #tpu.memory_space<vmem>> -> memref<16x256xf32, #tpu.memory_space<vmem>>
    %dma_start3A_37 = arith.constant 48 : i32
    %dma_start3A_38 = tpu.memref_slice %arg7[%dma_start3A_37] : memref<320xi32, #tpu.memory_space<vmem>> -> memref<16xi32, #tpu.memory_space<vmem>>
    %dma_start3A_39 = arith.constant 0 : i32
    %dma_start3A_40 = arith.constant 0 : i32
    %dma_start3A_41 = tpu.memref_slice %arg4[%dma_start3A_39, %dma_start3A_40] : memref<100000x256xf32, #tpu.memory_space<hbm>> -> memref<100000x256xf32, #tpu.memory_space<hbm>>
    tpu.enqueue_indirect_dma source(%dma_start3A_41 : memref<100000x256xf32, #tpu.memory_space<hbm>>) target(%dma_start3A_36 : memref<16x256xf32, #tpu.memory_space<vmem>>) offsets(%dma_start3A_38 : memref<16xi32, #tpu.memory_space<vmem>>) semaphore(%arg15 : memref<!tpu.dma_semaphore, #tpu.memory_space<semaphore_mem>>)
    %dma_start3A_42 = arith.constant 64 : i32
    %dma_start3A_43 = arith.constant 0 : i32
    %dma_start3A_44 = tpu.memref_slice %arg10[%dma_start3A_42, %dma_start3A_43] : memref<80x256xf32, #tpu.memory_space<vmem>> -> memref<16x256xf32, #tpu.memory_space<vmem>>
    %dma_start3A_45 = arith.constant 64 : i32
    %dma_start3A_46 = tpu.memref_slice %arg7[%dma_start3A_45] : memref<320xi32, #tpu.memory_space<vmem>> -> memref<16xi32, #tpu.memory_space<vmem>>
    %dma_start3A_47 = arith.constant 0 : i32
    %dma_start3A_48 = arith.constant 0 : i32
    %dma_start3A_49 = tpu.memref_slice %arg4[%dma_start3A_47, %dma_start3A_48] : memref<100000x256xf32, #tpu.memory_space<hbm>> -> memref<100000x256xf32, #tpu.memory_space<hbm>>
    tpu.enqueue_indirect_dma source(%dma_start3A_49 : memref<100000x256xf32, #tpu.memory_space<hbm>>) target(%dma_start3A_44 : memref<16x256xf32, #tpu.memory_space<vmem>>) offsets(%dma_start3A_46 : memref<16xi32, #tpu.memory_space<vmem>>) semaphore(%arg15 : memref<!tpu.dma_semaphore, #tpu.memory_space<semaphore_mem>>)
    %dma_start3A_50 = arith.constant 0 : i32
    %dma_start3A_51 = arith.constant 0 : i32
    %dma_start3A_52 = tpu.memref_slice %arg11[%dma_start3A_50, %dma_start3A_51] : memref<80x256xf32, #tpu.memory_space<vmem>> -> memref<16x256xf32, #tpu.memory_space<vmem>>
    %dma_start3A_53 = arith.constant 80 : i32
    %dma_start3A_54 = tpu.memref_slice %arg7[%dma_start3A_53] : memref<320xi32, #tpu.memory_space<vmem>> -> memref<16xi32, #tpu.memory_space<vmem>>
    %dma_start3A_55 = arith.constant 0 : i32
    %dma_start3A_56 = arith.constant 0 : i32
    %dma_start3A_57 = tpu.memref_slice %arg4[%dma_start3A_55, %dma_start3A_56] : memref<100000x256xf32, #tpu.memory_space<hbm>> -> memref<100000x256xf32, #tpu.memory_space<hbm>>
    tpu.enqueue_indirect_dma source(%dma_start3A_57 : memref<100000x256xf32, #tpu.memory_space<hbm>>) target(%dma_start3A_52 : memref<16x256xf32, #tpu.memory_space<vmem>>) offsets(%dma_start3A_54 : memref<16xi32, #tpu.memory_space<vmem>>) semaphore(%arg16 : memref<!tpu.dma_semaphore, #tpu.memory_space<semaphore_mem>>)
    %dma_start3A_58 = arith.constant 16 : i32
    %dma_start3A_59 = arith.constant 0 : i32
    %dma_start3A_60 = tpu.memref_slice %arg11[%dma_start3A_58, %dma_start3A_59] : memref<80x256xf32, #tpu.memory_space<vmem>> -> memref<16x256xf32, #tpu.memory_space<vmem>>
    %dma_start3A_61 = arith.constant 96 : i32
    %dma_start3A_62 = tpu.memref_slice %arg7[%dma_start3A_61] : memref<320xi32, #tpu.memory_space<vmem>> -> memref<16xi32, #tpu.memory_space<vmem>>
    %dma_start3A_63 = arith.constant 0 : i32
    %dma_start3A_64 = arith.constant 0 : i32
    %dma_start3A_65 = tpu.memref_slice %arg4[%dma_start3A_63, %dma_start3A_64] : memref<100000x256xf32, #tpu.memory_space<hbm>> -> memref<100000x256xf32, #tpu.memory_space<hbm>>
    tpu.enqueue_indirect_dma source(%dma_start3A_65 : memref<100000x256xf32, #tpu.memory_space<hbm>>) target(%dma_start3A_60 : memref<16x256xf32, #tpu.memory_space<vmem>>) offsets(%dma_start3A_62 : memref<16xi32, #tpu.memory_space<vmem>>) semaphore(%arg16 : memref<!tpu.dma_semaphore, #tpu.memory_space<semaphore_mem>>)
    %dma_start3A_66 = arith.constant 32 : i32
    %dma_start3A_67 = arith.constant 0 : i32
    %dma_start3A_68 = tpu.memref_slice %arg11[%dma_start3A_66, %dma_start3A_67] : memref<80x256xf32, #tpu.memory_space<vmem>> -> memref<16x256xf32, #tpu.memory_space<vmem>>
    %dma_start3A_69 = arith.constant 112 : i32
    %dma_start3A_70 = tpu.memref_slice %arg7[%dma_start3A_69] : memref<320xi32, #tpu.memory_space<vmem>> -> memref<16xi32, #tpu.memory_space<vmem>>
    %dma_start3A_71 = arith.constant 0 : i32
    %dma_start3A_72 = arith.constant 0 : i32
    %dma_start3A_73 = tpu.memref_slice %arg4[%dma_start3A_71, %dma_start3A_72] : memref<100000x256xf32, #tpu.memory_space<hbm>> -> memref<100000x256xf32, #tpu.memory_space<hbm>>
    tpu.enqueue_indirect_dma source(%dma_start3A_73 : memref<100000x256xf32, #tpu.memory_space<hbm>>) target(%dma_start3A_68 : memref<16x256xf32, #tpu.memory_space<vmem>>) offsets(%dma_start3A_70 : memref<16xi32, #tpu.memory_space<vmem>>) semaphore(%arg16 : memref<!tpu.dma_semaphore, #tpu.memory_space<semaphore_mem>>)
    %dma_start3A_74 = arith.constant 48 : i32
    %dma_start3A_75 = arith.constant 0 : i32
    %dma_start3A_76 = tpu.memref_slice %arg11[%dma_start3A_74, %dma_start3A_75] : memref<80x256xf32, #tpu.memory_space<vmem>> -> memref<16x256xf32, #tpu.memory_space<vmem>>
    %dma_start3A_77 = arith.constant 128 : i32
    %dma_start3A_78 = tpu.memref_slice %arg7[%dma_start3A_77] : memref<320xi32, #tpu.memory_space<vmem>> -> memref<16xi32, #tpu.memory_space<vmem>>
    %dma_start3A_79 = arith.constant 0 : i32
    %dma_start3A_80 = arith.constant 0 : i32
    %dma_start3A_81 = tpu.memref_slice %arg4[%dma_start3A_79, %dma_start3A_80] : memref<100000x256xf32, #tpu.memory_space<hbm>> -> memref<100000x256xf32, #tpu.memory_space<hbm>>
    tpu.enqueue_indirect_dma source(%dma_start3A_81 : memref<100000x256xf32, #tpu.memory_space<hbm>>) target(%dma_start3A_76 : memref<16x256xf32, #tpu.memory_space<vmem>>) offsets(%dma_start3A_78 : memref<16xi32, #tpu.memory_space<vmem>>) semaphore(%arg16 : memref<!tpu.dma_semaphore, #tpu.memory_space<semaphore_mem>>)
    %dma_start3A_82 = arith.constant 64 : i32
    %dma_start3A_83 = arith.constant 0 : i32
    %dma_start3A_84 = tpu.memref_slice %arg11[%dma_start3A_82, %dma_start3A_83] : memref<80x256xf32, #tpu.memory_space<vmem>> -> memref<16x256xf32, #tpu.memory_space<vmem>>
    %dma_start3A_85 = arith.constant 144 : i32
    %dma_start3A_86 = tpu.memref_slice %arg7[%dma_start3A_85] : memref<320xi32, #tpu.memory_space<vmem>> -> memref<16xi32, #tpu.memory_space<vmem>>
    %dma_start3A_87 = arith.constant 0 : i32
    %dma_start3A_88 = arith.constant 0 : i32
    %dma_start3A_89 = tpu.memref_slice %arg4[%dma_start3A_87, %dma_start3A_88] : memref<100000x256xf32, #tpu.memory_space<hbm>> -> memref<100000x256xf32, #tpu.memory_space<hbm>>
    tpu.enqueue_indirect_dma source(%dma_start3A_89 : memref<100000x256xf32, #tpu.memory_space<hbm>>) target(%dma_start3A_84 : memref<16x256xf32, #tpu.memory_space<vmem>>) offsets(%dma_start3A_86 : memref<16xi32, #tpu.memory_space<vmem>>) semaphore(%arg16 : memref<!tpu.dma_semaphore, #tpu.memory_space<semaphore_mem>>)
    %dma_start3A_90 = arith.constant 0 : i32
    %dma_start3A_91 = arith.constant 0 : i32
    %dma_start3A_92 = tpu.memref_slice %arg12[%dma_start3A_90, %dma_start3A_91] : memref<80x256xf32, #tpu.memory_space<vmem>> -> memref<16x256xf32, #tpu.memory_space<vmem>>
    %dma_start3A_93 = arith.constant 160 : i32
    %dma_start3A_94 = tpu.memref_slice %arg7[%dma_start3A_93] : memref<320xi32, #tpu.memory_space<vmem>> -> memref<16xi32, #tpu.memory_space<vmem>>
    %dma_start3A_95 = arith.constant 0 : i32
    %dma_start3A_96 = arith.constant 0 : i32
    %dma_start3A_97 = tpu.memref_slice %arg4[%dma_start3A_95, %dma_start3A_96] : memref<100000x256xf32, #tpu.memory_space<hbm>> -> memref<100000x256xf32, #tpu.memory_space<hbm>>
    tpu.enqueue_indirect_dma source(%dma_start3A_97 : memref<100000x256xf32, #tpu.memory_space<hbm>>) target(%dma_start3A_92 : memref<16x256xf32, #tpu.memory_space<vmem>>) offsets(%dma_start3A_94 : memref<16xi32, #tpu.memory_space<vmem>>) semaphore(%arg17 : memref<!tpu.dma_semaphore, #tpu.memory_space<semaphore_mem>>)
    %dma_start3A_98 = arith.constant 16 : i32
    %dma_start3A_99 = arith.constant 0 : i32
    %dma_start3A_100 = tpu.memref_slice %arg12[%dma_start3A_98, %dma_start3A_99] : memref<80x256xf32, #tpu.memory_space<vmem>> -> memref<16x256xf32, #tpu.memory_space<vmem>>
    %dma_start3A_101 = arith.constant 176 : i32
    %dma_start3A_102 = tpu.memref_slice %arg7[%dma_start3A_101] : memref<320xi32, #tpu.memory_space<vmem>> -> memref<16xi32, #tpu.memory_space<vmem>>
    %dma_start3A_103 = arith.constant 0 : i32
    %dma_start3A_104 = arith.constant 0 : i32
    %dma_start3A_105 = tpu.memref_slice %arg4[%dma_start3A_103, %dma_start3A_104] : memref<100000x256xf32, #tpu.memory_space<hbm>> -> memref<100000x256xf32, #tpu.memory_space<hbm>>
    tpu.enqueue_indirect_dma source(%dma_start3A_105 : memref<100000x256xf32, #tpu.memory_space<hbm>>) target(%dma_start3A_100 : memref<16x256xf32, #tpu.memory_space<vmem>>) offsets(%dma_start3A_102 : memref<16xi32, #tpu.memory_space<vmem>>) semaphore(%arg17 : memref<!tpu.dma_semaphore, #tpu.memory_space<semaphore_mem>>)
    %dma_start3A_106 = arith.constant 32 : i32
    %dma_start3A_107 = arith.constant 0 : i32
    %dma_start3A_108 = tpu.memref_slice %arg12[%dma_start3A_106, %dma_start3A_107] : memref<80x256xf32, #tpu.memory_space<vmem>> -> memref<16x256xf32, #tpu.memory_space<vmem>>
    %dma_start3A_109 = arith.constant 192 : i32
    %dma_start3A_110 = tpu.memref_slice %arg7[%dma_start3A_109] : memref<320xi32, #tpu.memory_space<vmem>> -> memref<16xi32, #tpu.memory_space<vmem>>
    %dma_start3A_111 = arith.constant 0 : i32
    %dma_start3A_112 = arith.constant 0 : i32
    %dma_start3A_113 = tpu.memref_slice %arg4[%dma_start3A_111, %dma_start3A_112] : memref<100000x256xf32, #tpu.memory_space<hbm>> -> memref<100000x256xf32, #tpu.memory_space<hbm>>
    tpu.enqueue_indirect_dma source(%dma_start3A_113 : memref<100000x256xf32, #tpu.memory_space<hbm>>) target(%dma_start3A_108 : memref<16x256xf32, #tpu.memory_space<vmem>>) offsets(%dma_start3A_110 : memref<16xi32, #tpu.memory_space<vmem>>) semaphore(%arg17 : memref<!tpu.dma_semaphore, #tpu.memory_space<semaphore_mem>>)
    %dma_start3A_114 = arith.constant 48 : i32
    %dma_start3A_115 = arith.constant 0 : i32
    %dma_start3A_116 = tpu.memref_slice %arg12[%dma_start3A_114, %dma_start3A_115] : memref<80x256xf32, #tpu.memory_space<vmem>> -> memref<16x256xf32, #tpu.memory_space<vmem>>
    %dma_start3A_117 = arith.constant 208 : i32
    %dma_start3A_118 = tpu.memref_slice %arg7[%dma_start3A_117] : memref<320xi32, #tpu.memory_space<vmem>> -> memref<16xi32, #tpu.memory_space<vmem>>
    %dma_start3A_119 = arith.constant 0 : i32
    %dma_start3A_120 = arith.constant 0 : i32
    %dma_start3A_121 = tpu.memref_slice %arg4[%dma_start3A_119, %dma_start3A_120] : memref<100000x256xf32, #tpu.memory_space<hbm>> -> memref<100000x256xf32, #tpu.memory_space<hbm>>
    tpu.enqueue_indirect_dma source(%dma_start3A_121 : memref<100000x256xf32, #tpu.memory_space<hbm>>) target(%dma_start3A_116 : memref<16x256xf32, #tpu.memory_space<vmem>>) offsets(%dma_start3A_118 : memref<16xi32, #tpu.memory_space<vmem>>) semaphore(%arg17 : memref<!tpu.dma_semaphore, #tpu.memory_space<semaphore_mem>>)
    %dma_start3A_122 = arith.constant 64 : i32
    %dma_start3A_123 = arith.constant 0 : i32
    %dma_start3A_124 = tpu.memref_slice %arg12[%dma_start3A_122, %dma_start3A_123] : memref<80x256xf32, #tpu.memory_space<vmem>> -> memref<16x256xf32, #tpu.memory_space<vmem>>
    %dma_start3A_125 = arith.constant 224 : i32
    %dma_start3A_126 = tpu.memref_slice %arg7[%dma_start3A_125] : memref<320xi32, #tpu.memory_space<vmem>> -> memref<16xi32, #tpu.memory_space<vmem>>
    %dma_start3A_127 = arith.constant 0 : i32
    %dma_start3A_128 = arith.constant 0 : i32
    %dma_start3A_129 = tpu.memref_slice %arg4[%dma_start3A_127, %dma_start3A_128] : memref<100000x256xf32, #tpu.memory_space<hbm>> -> memref<100000x256xf32, #tpu.memory_space<hbm>>
    tpu.enqueue_indirect_dma source(%dma_start3A_129 : memref<100000x256xf32, #tpu.memory_space<hbm>>) target(%dma_start3A_124 : memref<16x256xf32, #tpu.memory_space<vmem>>) offsets(%dma_start3A_126 : memref<16xi32, #tpu.memory_space<vmem>>) semaphore(%arg17 : memref<!tpu.dma_semaphore, #tpu.memory_space<semaphore_mem>>)
    %dma_start3A_130 = arith.constant 0 : i32
    %dma_start3A_131 = arith.constant 0 : i32
    %dma_start3A_132 = tpu.memref_slice %arg13[%dma_start3A_130, %dma_start3A_131] : memref<80x256xf32, #tpu.memory_space<vmem>> -> memref<16x256xf32, #tpu.memory_space<vmem>>
    %dma_start3A_133 = arith.constant 240 : i32
    %dma_start3A_134 = tpu.memref_slice %arg7[%dma_start3A_133] : memref<320xi32, #tpu.memory_space<vmem>> -> memref<16xi32, #tpu.memory_space<vmem>>
    %dma_start3A_135 = arith.constant 0 : i32
    %dma_start3A_136 = arith.constant 0 : i32
    %dma_start3A_137 = tpu.memref_slice %arg4[%dma_start3A_135, %dma_start3A_136] : memref<100000x256xf32, #tpu.memory_space<hbm>> -> memref<100000x256xf32, #tpu.memory_space<hbm>>
    tpu.enqueue_indirect_dma source(%dma_start3A_137 : memref<100000x256xf32, #tpu.memory_space<hbm>>) target(%dma_start3A_132 : memref<16x256xf32, #tpu.memory_space<vmem>>) offsets(%dma_start3A_134 : memref<16xi32, #tpu.memory_space<vmem>>) semaphore(%arg18 : memref<!tpu.dma_semaphore, #tpu.memory_space<semaphore_mem>>)
    %dma_start3A_138 = arith.constant 16 : i32
    %dma_start3A_139 = arith.constant 0 : i32
    %dma_start3A_140 = tpu.memref_slice %arg13[%dma_start3A_138, %dma_start3A_139] : memref<80x256xf32, #tpu.memory_space<vmem>> -> memref<16x256xf32, #tpu.memory_space<vmem>>
    %dma_start3A_141 = arith.constant 256 : i32
    %dma_start3A_142 = tpu.memref_slice %arg7[%dma_start3A_141] : memref<320xi32, #tpu.memory_space<vmem>> -> memref<16xi32, #tpu.memory_space<vmem>>
    %dma_start3A_143 = arith.constant 0 : i32
    %dma_start3A_144 = arith.constant 0 : i32
    %dma_start3A_145 = tpu.memref_slice %arg4[%dma_start3A_143, %dma_start3A_144] : memref<100000x256xf32, #tpu.memory_space<hbm>> -> memref<100000x256xf32, #tpu.memory_space<hbm>>
    tpu.enqueue_indirect_dma source(%dma_start3A_145 : memref<100000x256xf32, #tpu.memory_space<hbm>>) target(%dma_start3A_140 : memref<16x256xf32, #tpu.memory_space<vmem>>) offsets(%dma_start3A_142 : memref<16xi32, #tpu.memory_space<vmem>>) semaphore(%arg18 : memref<!tpu.dma_semaphore, #tpu.memory_space<semaphore_mem>>)
    %dma_start3A_146 = arith.constant 32 : i32
    %dma_start3A_147 = arith.constant 0 : i32
    %dma_start3A_148 = tpu.memref_slice %arg13[%dma_start3A_146, %dma_start3A_147] : memref<80x256xf32, #tpu.memory_space<vmem>> -> memref<16x256xf32, #tpu.memory_space<vmem>>
    %dma_start3A_149 = arith.constant 272 : i32
    %dma_start3A_150 = tpu.memref_slice %arg7[%dma_start3A_149] : memref<320xi32, #tpu.memory_space<vmem>> -> memref<16xi32, #tpu.memory_space<vmem>>
    %dma_start3A_151 = arith.constant 0 : i32
    %dma_start3A_152 = arith.constant 0 : i32
    %dma_start3A_153 = tpu.memref_slice %arg4[%dma_start3A_151, %dma_start3A_152] : memref<100000x256xf32, #tpu.memory_space<hbm>> -> memref<100000x256xf32, #tpu.memory_space<hbm>>
    tpu.enqueue_indirect_dma source(%dma_start3A_153 : memref<100000x256xf32, #tpu.memory_space<hbm>>) target(%dma_start3A_148 : memref<16x256xf32, #tpu.memory_space<vmem>>) offsets(%dma_start3A_150 : memref<16xi32, #tpu.memory_space<vmem>>) semaphore(%arg18 : memref<!tpu.dma_semaphore, #tpu.memory_space<semaphore_mem>>)
    %dma_start3A_154 = arith.constant 48 : i32
    %dma_start3A_155 = arith.constant 0 : i32
    %dma_start3A_156 = tpu.memref_slice %arg13[%dma_start3A_154, %dma_start3A_155] : memref<80x256xf32, #tpu.memory_space<vmem>> -> memref<16x256xf32, #tpu.memory_space<vmem>>
    %dma_start3A_157 = arith.constant 288 : i32
    %dma_start3A_158 = tpu.memref_slice %arg7[%dma_start3A_157] : memref<320xi32, #tpu.memory_space<vmem>> -> memref<16xi32, #tpu.memory_space<vmem>>
    %dma_start3A_159 = arith.constant 0 : i32
    %dma_start3A_160 = arith.constant 0 : i32
    %dma_start3A_161 = tpu.memref_slice %arg4[%dma_start3A_159, %dma_start3A_160] : memref<100000x256xf32, #tpu.memory_space<hbm>> -> memref<100000x256xf32, #tpu.memory_space<hbm>>
    tpu.enqueue_indirect_dma source(%dma_start3A_161 : memref<100000x256xf32, #tpu.memory_space<hbm>>) target(%dma_start3A_156 : memref<16x256xf32, #tpu.memory_space<vmem>>) offsets(%dma_start3A_158 : memref<16xi32, #tpu.memory_space<vmem>>) semaphore(%arg18 : memref<!tpu.dma_semaphore, #tpu.memory_space<semaphore_mem>>)
    %dma_start3A_162 = arith.constant 64 : i32
    %dma_start3A_163 = arith.constant 0 : i32
    %dma_start3A_164 = tpu.memref_slice %arg13[%dma_start3A_162, %dma_start3A_163] : memref<80x256xf32, #tpu.memory_space<vmem>> -> memref<16x256xf32, #tpu.memory_space<vmem>>
    %dma_start3A_165 = arith.constant 304 : i32
    %dma_start3A_166 = tpu.memref_slice %arg7[%dma_start3A_165] : memref<320xi32, #tpu.memory_space<vmem>> -> memref<16xi32, #tpu.memory_space<vmem>>
    %dma_start3A_167 = arith.constant 0 : i32
    %dma_start3A_168 = arith.constant 0 : i32
    %dma_start3A_169 = tpu.memref_slice %arg4[%dma_start3A_167, %dma_start3A_168] : memref<100000x256xf32, #tpu.memory_space<hbm>> -> memref<100000x256xf32, #tpu.memory_space<hbm>>
    tpu.enqueue_indirect_dma source(%dma_start3A_169 : memref<100000x256xf32, #tpu.memory_space<hbm>>) target(%dma_start3A_164 : memref<16x256xf32, #tpu.memory_space<vmem>>) offsets(%dma_start3A_166 : memref<16xi32, #tpu.memory_space<vmem>>) semaphore(%arg18 : memref<!tpu.dma_semaphore, #tpu.memory_space<semaphore_mem>>)
    %dma_wait3A_170 = arith.constant 0 : i32
    %dma_wait3A_171 = tpu.memref_slice %arg8[%dma_wait3A_170] : memref<10016xi32, #tpu.memory_space<vmem>> -> memref<10000xi32, #tpu.memory_space<vmem>>
    %dma_wait3A_172 = arith.constant 0 : i32
    %dma_wait3A_173 = tpu.memref_slice %arg8[%dma_wait3A_172] : memref<10016xi32, #tpu.memory_space<vmem>> -> memref<10000xi32, #tpu.memory_space<vmem>>
    tpu.wait_dma2 semaphore(%arg24 : memref<!tpu.dma_semaphore, #tpu.memory_space<semaphore_mem>>) src(%arg3 : memref<10000xi32, #tpu.memory_space<hbm>>) dst(%dma_wait3A_173 : memref<10000xi32, #tpu.memory_space<vmem>>)
    %jit3A = arith.constant 16 : i32
    "tpu.trace_start"() <{level = 10 : i32, message = "nk_prefix"}> : () -> ()
    %div3A = arith.divsi %multiple_of3A, %jit3A : i32
    %sign3A = arith.constant 0 : i32
    %sign3A_174 = arith.cmpi sgt, %multiple_of3A, %sign3A : i32
    %sign3A_175 = arith.extui %sign3A_174 : i1 to i32
    %sign3A_176 = arith.constant 0 : i32
    %sign3A_177 = arith.cmpi slt, %multiple_of3A, %sign3A_176 : i32
    %sign3A_178 = arith.extui %sign3A_177 : i1 to i32
    %sign3A_179 = arith.subi %sign3A_175, %sign3A_178 : i32
    %sign3A_180 = arith.constant 0 : i32
    %sign3A_181 = arith.cmpi sgt, %jit3A, %sign3A_180 : i32
    %sign3A_182 = arith.extui %sign3A_181 : i1 to i32
    %sign3A_183 = arith.constant 0 : i32
    %sign3A_184 = arith.cmpi slt, %jit3A, %sign3A_183 : i32
    %sign3A_185 = arith.extui %sign3A_184 : i1 to i32
    %sign3A_186 = arith.subi %sign3A_182, %sign3A_185 : i32
    %ne3A = arith.cmpi ne, %sign3A_179, %sign3A_186 : i32
    %rem3A = arith.remsi %multiple_of3A, %jit3A : i32
    %ne3A_187 = arith.constant 0 : i32
    %ne3A_188 = arith.cmpi ne, %rem3A, %ne3A_187 : i32
    %and3A = arith.andi %ne3A, %ne3A_188 : i1
    %sub3A = arith.constant 1 : i32
    %sub3A_189 = arith.subi %div3A, %sub3A : i32
    %select_n3A = arith.select %and3A, %sub3A_189, %div3A : i32
    %broadcast_in_dim3A = arith.constant 0 : i32
    %broadcast_in_dim3A_190 = vector.broadcast %broadcast_in_dim3A : i32 to vector<16xi32>
    %while3A = arith.constant 0 : i32
    %while3A_191 = arith.subi %select_n3A, %while3A : i32
    %while3A_192 = arith.addi %while3A, %while3A_191 : i32
    %while3A_193 = arith.constant 1 : i32
    %while3A_194 = arith.divsi %while3A_191, %while3A_193 : i32
    %while3A_195 = arith.muli %while3A_194, %while3A_193 : i32
    %while3A_196 = arith.addi %while3A, %while3A_195 : i32
    %while3A_197 = arith.constant 1 : i32
    %while3A_198 = scf.for %while3A_1128 = %while3A to %while3A_196 step %while3A_197 iter_args(%while3A_1129 = %broadcast_in_dim3A_190) -> (vector<16xi32>)  : i32 {
      %mul3A_1130 = arith.constant 16 : i32
      %mul3A_1131 = arith.muli %while3A_1128, %mul3A_1130 : i32
      %get3A_1132 = arith.index_cast %mul3A_1131 : i32 to index
      %get3A_1133 = tpu.vector_load %arg8[%get3A_1132] {strides = array<i32>} : memref<10016xi32, #tpu.memory_space<vmem>>, vector<16xi32>,
      %eq3A_1134 = arith.constant 1 : i32
      %eq3A_1135 = vector.broadcast %eq3A_1134 : i32 to vector<16xi32>
      %eq3A_1136 = arith.cmpi eq, %get3A_1133, %eq3A_1135 : vector<16xi32>
      %jit3A_1137 = arith.constant 1 : i32
      %jit3A_1138 = arith.constant 0 : i32
      %broadcast_in_dim3A_1139 = vector.broadcast %jit3A_1137 : i32 to vector<16xi32>
      %broadcast_in_dim3A_1140 = vector.broadcast %jit3A_1138 : i32 to vector<16xi32>
      %select_n3A_1141 = arith.select %eq3A_1136, %broadcast_in_dim3A_1139, %broadcast_in_dim3A_1140 : vector<16xi1>, vector<16xi32>
      %add3A_1142 = arith.addi %while3A_1129, %select_n3A_1141 : vector<16xi32>
      scf.yield %add3A_1142 : vector<16xi32>
    }
    %while3A_199 = arith.constant 1 : i32
    %while3A_200 = scf.for %while3A_1128 = %while3A_196 to %while3A_192 step %while3A_199 iter_args(%while3A_1129 = %while3A_198) -> (vector<16xi32>)  : i32 {
      %mul3A_1130 = arith.constant 16 : i32
      %mul3A_1131 = arith.muli %while3A_1128, %mul3A_1130 : i32
      %get3A_1132 = arith.index_cast %mul3A_1131 : i32 to index
      %get3A_1133 = tpu.vector_load %arg8[%get3A_1132] {strides = array<i32>} : memref<10016xi32, #tpu.memory_space<vmem>>, vector<16xi32>,
      %eq3A_1134 = arith.constant 1 : i32
      %eq3A_1135 = vector.broadcast %eq3A_1134 : i32 to vector<16xi32>
      %eq3A_1136 = arith.cmpi eq, %get3A_1133, %eq3A_1135 : vector<16xi32>
      %jit3A_1137 = arith.constant 1 : i32
      %jit3A_1138 = arith.constant 0 : i32
      %broadcast_in_dim3A_1139 = vector.broadcast %jit3A_1137 : i32 to vector<16xi32>
      %broadcast_in_dim3A_1140 = vector.broadcast %jit3A_1138 : i32 to vector<16xi32>
      %select_n3A_1141 = arith.select %eq3A_1136, %broadcast_in_dim3A_1139, %broadcast_in_dim3A_1140 : vector<16xi1>, vector<16xi32>
      %add3A_1142 = arith.addi %while3A_1129, %select_n3A_1141 : vector<16xi32>
      scf.yield %add3A_1142 : vector<16xi32>
    }
    %reduce_sum3A = arith.constant true
    %reduce_sum3A_201 = vector.broadcast %reduce_sum3A : i1 to vector<16xi1>
    %reduce_sum3A_202 = tpu.scan <sum>, %while3A_200 masked %reduce_sum3A_201 : vector<16xi32>, vector<16xi1> -> vector<16xi32>
    %reduce_sum3A_203 = vector.extract %reduce_sum3A_202[15] : i32 from vector<16xi32>
    "tpu.trace_stop"() : () -> ()
    "tpu.trace_start"() <{level = 10 : i32, message = "nk_ranks"}> : () -> ()
    %iota3A = tpu.iota {dimensions = array<i32: 0>} : vector<16xi32>
    %add3A_204 = arith.constant 0 : i32
    %add3A_205 = arith.addi %reduce_sum3A_203, %add3A_204 : i32
    %min3A_206 = arith.constant 9912 : i32
    %min3A_207 = arith.minsi %add3A_205, %min3A_206 : i32
    %jit3A_208 = arith.constant 8 : i32
    %div3A_209 = arith.divsi %min3A_207, %jit3A_208 : i32
    %sign3A_210 = arith.constant 0 : i32
    %sign3A_211 = arith.cmpi sgt, %min3A_207, %sign3A_210 : i32
    %sign3A_212 = arith.extui %sign3A_211 : i1 to i32
    %sign3A_213 = arith.constant 0 : i32
    %sign3A_214 = arith.cmpi slt, %min3A_207, %sign3A_213 : i32
    %sign3A_215 = arith.extui %sign3A_214 : i1 to i32
    %sign3A_216 = arith.subi %sign3A_212, %sign3A_215 : i32
    %sign3A_217 = arith.constant 0 : i32
    %sign3A_218 = arith.cmpi sgt, %jit3A_208, %sign3A_217 : i32
    %sign3A_219 = arith.extui %sign3A_218 : i1 to i32
    %sign3A_220 = arith.constant 0 : i32
    %sign3A_221 = arith.cmpi slt, %jit3A_208, %sign3A_220 : i32
    %sign3A_222 = arith.extui %sign3A_221 : i1 to i32
    %sign3A_223 = arith.subi %sign3A_219, %sign3A_222 : i32
    %ne3A_224 = arith.cmpi ne, %sign3A_216, %sign3A_223 : i32
    %rem3A_225 = arith.remsi %min3A_207, %jit3A_208 : i32
    %ne3A_226 = arith.constant 0 : i32
    %ne3A_227 = arith.cmpi ne, %rem3A_225, %ne3A_226 : i32
    %and3A_228 = arith.andi %ne3A_224, %ne3A_227 : i1
    %sub3A_229 = arith.constant 1 : i32
    %sub3A_230 = arith.subi %div3A_209, %sub3A_229 : i32
    %select_n3A_231 = arith.select %and3A_228, %sub3A_230, %div3A_209 : i32
    %mul3A_232 = arith.constant 8 : i32
    %mul3A_233 = arith.muli %select_n3A_231, %mul3A_232 : i32
    %multiple_of3A_234 = tpu.assume_multiple %mul3A_233, 8 : i32
    %add3A_235 = arith.constant 0 : i32
    %add3A_236 = arith.addi %reduce_sum3A_203, %add3A_235 : i32
    %sub3A_237 = arith.subi %add3A_236, %multiple_of3A_234 : i32
    %add3A_238 = arith.constant 0 : i32
    %add3A_239 = arith.addi %multiple_of3A, %add3A_238 : i32
    %get3A = arith.index_cast %add3A_239 : i32 to index
    %get3A_240 = tpu.vector_load %arg8[%get3A] {strides = array<i32>} : memref<10016xi32, #tpu.memory_space<vmem>>, vector<16xi32>,
    %eq3A = arith.constant 1 : i32
    %eq3A_241 = vector.broadcast %eq3A : i32 to vector<16xi32>
    %eq3A_242 = arith.cmpi eq, %get3A_240, %eq3A_241 : vector<16xi32>
    %add3A_243 = arith.constant 0 : i32
    %add3A_244 = arith.constant 0 : i32
    %add3A_245 = arith.addi %add3A_243, %add3A_244 : i32
    %add3A_246 = arith.constant 0 : i32
    %add3A_247 = vector.broadcast %add3A_246 : i32 to vector<16xi32>
    %add3A_248 = arith.addi %add3A_247, %iota3A : vector<16xi32>
    %swap3A = arith.index_cast %add3A_245 : i32 to index
    %swap3A_249 = tpu.vector_load %arg9[%swap3A] masked %eq3A_242 {strides = array<i32>} : memref<336xi32, #tpu.memory_space<vmem>>, vector<16xi32>, vector<16xi1>
    tpu.vector_store %arg9[%swap3A], %add3A_248 masked %eq3A_242 {strides = array<i32>} : memref<336xi32, #tpu.memory_space<vmem>>, vector<16xi32>, vector<16xi1>
    %jit3A_250 = arith.constant 1 : i32
    %jit3A_251 = arith.constant 0 : i32
    %broadcast_in_dim3A_252 = vector.broadcast %jit3A_250 : i32 to vector<16xi32>
    %broadcast_in_dim3A_253 = vector.broadcast %jit3A_251 : i32 to vector<16xi32>
    %select_n3A_254 = arith.select %eq3A_242, %broadcast_in_dim3A_252, %broadcast_in_dim3A_253 : vector<16xi1>, vector<16xi32>
    %reduce_sum3A_255 = arith.constant true
    %reduce_sum3A_256 = vector.broadcast %reduce_sum3A_255 : i1 to vector<16xi1>
    %reduce_sum3A_257 = tpu.scan <sum>, %select_n3A_254 masked %reduce_sum3A_256 : vector<16xi32>, vector<16xi1> -> vector<16xi32>
    %reduce_sum3A_258 = vector.extract %reduce_sum3A_257[15] : i32 from vector<16xi32>
    %add3A_259 = arith.constant 0 : i32
    %add3A_260 = arith.addi %add3A_259, %reduce_sum3A_258 : i32
    %add3A_261 = arith.constant 0 : i32
    %add3A_262 = arith.addi %add3A_261, %reduce_sum3A_258 : i32
    %add3A_263 = arith.constant 16 : i32
    %add3A_264 = arith.addi %multiple_of3A, %add3A_263 : i32
    %get3A_265 = arith.index_cast %add3A_264 : i32 to index
    %get3A_266 = tpu.vector_load %arg8[%get3A_265] {strides = array<i32>} : memref<10016xi32, #tpu.memory_space<vmem>>, vector<16xi32>,
    %eq3A_267 = arith.constant 1 : i32
    %eq3A_268 = vector.broadcast %eq3A_267 : i32 to vector<16xi32>
    %eq3A_269 = arith.cmpi eq, %get3A_266, %eq3A_268 : vector<16xi32>
    %add3A_270 = arith.constant 0 : i32
    %add3A_271 = arith.addi %add3A_270, %add3A_260 : i32
    %add3A_272 = arith.constant 16 : i32
    %add3A_273 = vector.broadcast %add3A_272 : i32 to vector<16xi32>
    %add3A_274 = arith.addi %add3A_273, %iota3A : vector<16xi32>
    %swap3A_275 = arith.index_cast %add3A_271 : i32 to index
    %swap3A_276 = tpu.vector_load %arg9[%swap3A_275] masked %eq3A_269 {strides = array<i32>} : memref<336xi32, #tpu.memory_space<vmem>>, vector<16xi32>, vector<16xi1>
    tpu.vector_store %arg9[%swap3A_275], %add3A_274 masked %eq3A_269 {strides = array<i32>} : memref<336xi32, #tpu.memory_space<vmem>>, vector<16xi32>, vector<16xi1>
    %jit3A_277 = arith.constant 1 : i32
    %jit3A_278 = arith.constant 0 : i32
    %broadcast_in_dim3A_279 = vector.broadcast %jit3A_277 : i32 to vector<16xi32>
    %broadcast_in_dim3A_280 = vector.broadcast %jit3A_278 : i32 to vector<16xi32>
    %select_n3A_281 = arith.select %eq3A_269, %broadcast_in_dim3A_279, %broadcast_in_dim3A_280 : vector<16xi1>, vector<16xi32>
    %reduce_sum3A_282 = arith.constant true
    %reduce_sum3A_283 = vector.broadcast %reduce_sum3A_282 : i1 to vector<16xi1>
    %reduce_sum3A_284 = tpu.scan <sum>, %select_n3A_281 masked %reduce_sum3A_283 : vector<16xi32>, vector<16xi1> -> vector<16xi32>
    %reduce_sum3A_285 = vector.extract %reduce_sum3A_284[15] : i32 from vector<16xi32>
    %add3A_286 = arith.addi %add3A_260, %reduce_sum3A_285 : i32
    %add3A_287 = arith.addi %add3A_262, %reduce_sum3A_285 : i32
    %add3A_288 = arith.constant 32 : i32
    %add3A_289 = arith.addi %multiple_of3A, %add3A_288 : i32
    %get3A_290 = arith.index_cast %add3A_289 : i32 to index
    %get3A_291 = tpu.vector_load %arg8[%get3A_290] {strides = array<i32>} : memref<10016xi32, #tpu.memory_space<vmem>>, vector<16xi32>,
    %eq3A_292 = arith.constant 1 : i32
    %eq3A_293 = vector.broadcast %eq3A_292 : i32 to vector<16xi32>
    %eq3A_294 = arith.cmpi eq, %get3A_291, %eq3A_293 : vector<16xi32>
    %add3A_295 = arith.constant 0 : i32
    %add3A_296 = arith.addi %add3A_295, %add3A_286 : i32
    %add3A_297 = arith.constant 32 : i32
    %add3A_298 = vector.broadcast %add3A_297 : i32 to vector<16xi32>
    %add3A_299 = arith.addi %add3A_298, %iota3A : vector<16xi32>
    %swap3A_300 = arith.index_cast %add3A_296 : i32 to index
    %swap3A_301 = tpu.vector_load %arg9[%swap3A_300] masked %eq3A_294 {strides = array<i32>} : memref<336xi32, #tpu.memory_space<vmem>>, vector<16xi32>, vector<16xi1>
    tpu.vector_store %arg9[%swap3A_300], %add3A_299 masked %eq3A_294 {strides = array<i32>} : memref<336xi32, #tpu.memory_space<vmem>>, vector<16xi32>, vector<16xi1>
    %jit3A_302 = arith.constant 1 : i32
    %jit3A_303 = arith.constant 0 : i32
    %broadcast_in_dim3A_304 = vector.broadcast %jit3A_302 : i32 to vector<16xi32>
    %broadcast_in_dim3A_305 = vector.broadcast %jit3A_303 : i32 to vector<16xi32>
    %select_n3A_306 = arith.select %eq3A_294, %broadcast_in_dim3A_304, %broadcast_in_dim3A_305 : vector<16xi1>, vector<16xi32>
    %reduce_sum3A_307 = arith.constant true
    %reduce_sum3A_308 = vector.broadcast %reduce_sum3A_307 : i1 to vector<16xi1>
    %reduce_sum3A_309 = tpu.scan <sum>, %select_n3A_306 masked %reduce_sum3A_308 : vector<16xi32>, vector<16xi1> -> vector<16xi32>
    %reduce_sum3A_310 = vector.extract %reduce_sum3A_309[15] : i32 from vector<16xi32>
    %add3A_311 = arith.addi %add3A_286, %reduce_sum3A_310 : i32
    %add3A_312 = arith.addi %add3A_287, %reduce_sum3A_310 : i32
    %add3A_313 = arith.constant 48 : i32
    %add3A_314 = arith.addi %multiple_of3A, %add3A_313 : i32
    %get3A_315 = arith.index_cast %add3A_314 : i32 to index
    %get3A_316 = tpu.vector_load %arg8[%get3A_315] {strides = array<i32>} : memref<10016xi32, #tpu.memory_space<vmem>>, vector<16xi32>,
    %eq3A_317 = arith.constant 1 : i32
    %eq3A_318 = vector.broadcast %eq3A_317 : i32 to vector<16xi32>
    %eq3A_319 = arith.cmpi eq, %get3A_316, %eq3A_318 : vector<16xi32>
    %add3A_320 = arith.constant 0 : i32
    %add3A_321 = arith.addi %add3A_320, %add3A_311 : i32
    %add3A_322 = arith.constant 48 : i32
    %add3A_323 = vector.broadcast %add3A_322 : i32 to vector<16xi32>
    %add3A_324 = arith.addi %add3A_323, %iota3A : vector<16xi32>
    %swap3A_325 = arith.index_cast %add3A_321 : i32 to index
    %swap3A_326 = tpu.vector_load %arg9[%swap3A_325] masked %eq3A_319 {strides = array<i32>} : memref<336xi32, #tpu.memory_space<vmem>>, vector<16xi32>, vector<16xi1>
    tpu.vector_store %arg9[%swap3A_325], %add3A_324 masked %eq3A_319 {strides = array<i32>} : memref<336xi32, #tpu.memory_space<vmem>>, vector<16xi32>, vector<16xi1>
    %jit3A_327 = arith.constant 1 : i32
    %jit3A_328 = arith.constant 0 : i32
    %broadcast_in_dim3A_329 = vector.broadcast %jit3A_327 : i32 to vector<16xi32>
    %broadcast_in_dim3A_330 = vector.broadcast %jit3A_328 : i32 to vector<16xi32>
    %select_n3A_331 = arith.select %eq3A_319, %broadcast_in_dim3A_329, %broadcast_in_dim3A_330 : vector<16xi1>, vector<16xi32>
    %reduce_sum3A_332 = arith.constant true
    %reduce_sum3A_333 = vector.broadcast %reduce_sum3A_332 : i1 to vector<16xi1>
    %reduce_sum3A_334 = tpu.scan <sum>, %select_n3A_331 masked %reduce_sum3A_333 : vector<16xi32>, vector<16xi1> -> vector<16xi32>
    %reduce_sum3A_335 = vector.extract %reduce_sum3A_334[15] : i32 from vector<16xi32>
    %add3A_336 = arith.addi %add3A_311, %reduce_sum3A_335 : i32
    %add3A_337 = arith.addi %add3A_312, %reduce_sum3A_335 : i32
    %add3A_338 = arith.constant 64 : i32
    %add3A_339 = arith.addi %multiple_of3A, %add3A_338 : i32
    %get3A_340 = arith.index_cast %add3A_339 : i32 to index
    %get3A_341 = tpu.vector_load %arg8[%get3A_340] {strides = array<i32>} : memref<10016xi32, #tpu.memory_space<vmem>>, vector<16xi32>,
    %eq3A_342 = arith.constant 1 : i32
    %eq3A_343 = vector.broadcast %eq3A_342 : i32 to vector<16xi32>
    %eq3A_344 = arith.cmpi eq, %get3A_341, %eq3A_343 : vector<16xi32>
    %add3A_345 = arith.constant 0 : i32
    %add3A_346 = arith.addi %add3A_345, %add3A_336 : i32
    %add3A_347 = arith.constant 64 : i32
    %add3A_348 = vector.broadcast %add3A_347 : i32 to vector<16xi32>
    %add3A_349 = arith.addi %add3A_348, %iota3A : vector<16xi32>
    %swap3A_350 = arith.index_cast %add3A_346 : i32 to index
    %swap3A_351 = tpu.vector_load %arg9[%swap3A_350] masked %eq3A_344 {strides = array<i32>} : memref<336xi32, #tpu.memory_space<vmem>>, vector<16xi32>, vector<16xi1>
    tpu.vector_store %arg9[%swap3A_350], %add3A_349 masked %eq3A_344 {strides = array<i32>} : memref<336xi32, #tpu.memory_space<vmem>>, vector<16xi32>, vector<16xi1>
    %jit3A_352 = arith.constant 1 : i32
    %jit3A_353 = arith.constant 0 : i32
    %broadcast_in_dim3A_354 = vector.broadcast %jit3A_352 : i32 to vector<16xi32>
    %broadcast_in_dim3A_355 = vector.broadcast %jit3A_353 : i32 to vector<16xi32>
    %select_n3A_356 = arith.select %eq3A_344, %broadcast_in_dim3A_354, %broadcast_in_dim3A_355 : vector<16xi1>, vector<16xi32>
    %reduce_sum3A_357 = arith.constant true
    %reduce_sum3A_358 = vector.broadcast %reduce_sum3A_357 : i1 to vector<16xi1>
    %reduce_sum3A_359 = tpu.scan <sum>, %select_n3A_356 masked %reduce_sum3A_358 : vector<16xi32>, vector<16xi1> -> vector<16xi32>
    %reduce_sum3A_360 = vector.extract %reduce_sum3A_359[15] : i32 from vector<16xi32>
    %add3A_361 = arith.addi %add3A_336, %reduce_sum3A_360 : i32
    %add3A_362 = arith.addi %add3A_337, %reduce_sum3A_360 : i32
    %add3A_363 = arith.addi %reduce_sum3A_203, %add3A_362 : i32
    %min3A_364 = arith.constant 9912 : i32
    %min3A_365 = arith.minsi %add3A_363, %min3A_364 : i32
    %jit3A_366 = arith.constant 8 : i32
    %div3A_367 = arith.divsi %min3A_365, %jit3A_366 : i32
    %sign3A_368 = arith.constant 0 : i32
    %sign3A_369 = arith.cmpi sgt, %min3A_365, %sign3A_368 : i32
    %sign3A_370 = arith.extui %sign3A_369 : i1 to i32
    %sign3A_371 = arith.constant 0 : i32
    %sign3A_372 = arith.cmpi slt, %min3A_365, %sign3A_371 : i32
    %sign3A_373 = arith.extui %sign3A_372 : i1 to i32
    %sign3A_374 = arith.subi %sign3A_370, %sign3A_373 : i32
    %sign3A_375 = arith.constant 0 : i32
    %sign3A_376 = arith.cmpi sgt, %jit3A_366, %sign3A_375 : i32
    %sign3A_377 = arith.extui %sign3A_376 : i1 to i32
    %sign3A_378 = arith.constant 0 : i32
    %sign3A_379 = arith.cmpi slt, %jit3A_366, %sign3A_378 : i32
    %sign3A_380 = arith.extui %sign3A_379 : i1 to i32
    %sign3A_381 = arith.subi %sign3A_377, %sign3A_380 : i32
    %ne3A_382 = arith.cmpi ne, %sign3A_374, %sign3A_381 : i32
    %rem3A_383 = arith.remsi %min3A_365, %jit3A_366 : i32
    %ne3A_384 = arith.constant 0 : i32
    %ne3A_385 = arith.cmpi ne, %rem3A_383, %ne3A_384 : i32
    %and3A_386 = arith.andi %ne3A_382, %ne3A_385 : i1
    %sub3A_387 = arith.constant 1 : i32
    %sub3A_388 = arith.subi %div3A_367, %sub3A_387 : i32
    %select_n3A_389 = arith.select %and3A_386, %sub3A_388, %div3A_367 : i32
    %mul3A_390 = arith.constant 8 : i32
    %mul3A_391 = arith.muli %select_n3A_389, %mul3A_390 : i32
    %multiple_of3A_392 = tpu.assume_multiple %mul3A_391, 8 : i32
    %add3A_393 = arith.addi %reduce_sum3A_203, %add3A_362 : i32
    %sub3A_394 = arith.subi %add3A_393, %multiple_of3A_392 : i32
    %add3A_395 = arith.constant 80 : i32
    %add3A_396 = arith.addi %multiple_of3A, %add3A_395 : i32
    %get3A_397 = arith.index_cast %add3A_396 : i32 to index
    %get3A_398 = tpu.vector_load %arg8[%get3A_397] {strides = array<i32>} : memref<10016xi32, #tpu.memory_space<vmem>>, vector<16xi32>,
    %eq3A_399 = arith.constant 1 : i32
    %eq3A_400 = vector.broadcast %eq3A_399 : i32 to vector<16xi32>
    %eq3A_401 = arith.cmpi eq, %get3A_398, %eq3A_400 : vector<16xi32>
    %add3A_402 = arith.constant 80 : i32
    %add3A_403 = arith.constant 0 : i32
    %add3A_404 = arith.addi %add3A_402, %add3A_403 : i32
    %add3A_405 = arith.constant 0 : i32
    %add3A_406 = vector.broadcast %add3A_405 : i32 to vector<16xi32>
    %add3A_407 = arith.addi %add3A_406, %iota3A : vector<16xi32>
    %swap3A_408 = arith.index_cast %add3A_404 : i32 to index
    %swap3A_409 = tpu.vector_load %arg9[%swap3A_408] masked %eq3A_401 {strides = array<i32>} : memref<336xi32, #tpu.memory_space<vmem>>, vector<16xi32>, vector<16xi1>
    tpu.vector_store %arg9[%swap3A_408], %add3A_407 masked %eq3A_401 {strides = array<i32>} : memref<336xi32, #tpu.memory_space<vmem>>, vector<16xi32>, vector<16xi1>
    %jit3A_410 = arith.constant 1 : i32
    %jit3A_411 = arith.constant 0 : i32
    %broadcast_in_dim3A_412 = vector.broadcast %jit3A_410 : i32 to vector<16xi32>
    %broadcast_in_dim3A_413 = vector.broadcast %jit3A_411 : i32 to vector<16xi32>
    %select_n3A_414 = arith.select %eq3A_401, %broadcast_in_dim3A_412, %broadcast_in_dim3A_413 : vector<16xi1>, vector<16xi32>
    %reduce_sum3A_415 = arith.constant true
    %reduce_sum3A_416 = vector.broadcast %reduce_sum3A_415 : i1 to vector<16xi1>
    %reduce_sum3A_417 = tpu.scan <sum>, %select_n3A_414 masked %reduce_sum3A_416 : vector<16xi32>, vector<16xi1> -> vector<16xi32>
    %reduce_sum3A_418 = vector.extract %reduce_sum3A_417[15] : i32 from vector<16xi32>
    %add3A_419 = arith.constant 0 : i32
    %add3A_420 = arith.addi %add3A_419, %reduce_sum3A_418 : i32
    %add3A_421 = arith.addi %add3A_362, %reduce_sum3A_418 : i32
    %add3A_422 = arith.constant 96 : i32
    %add3A_423 = arith.addi %multiple_of3A, %add3A_422 : i32
    %get3A_424 = arith.index_cast %add3A_423 : i32 to index
    %get3A_425 = tpu.vector_load %arg8[%get3A_424] {strides = array<i32>} : memref<10016xi32, #tpu.memory_space<vmem>>, vector<16xi32>,
    %eq3A_426 = arith.constant 1 : i32
    %eq3A_427 = vector.broadcast %eq3A_426 : i32 to vector<16xi32>
    %eq3A_428 = arith.cmpi eq, %get3A_425, %eq3A_427 : vector<16xi32>
    %add3A_429 = arith.constant 80 : i32
    %add3A_430 = arith.addi %add3A_429, %add3A_420 : i32
    %add3A_431 = arith.constant 16 : i32
    %add3A_432 = vector.broadcast %add3A_431 : i32 to vector<16xi32>
    %add3A_433 = arith.addi %add3A_432, %iota3A : vector<16xi32>
    %swap3A_434 = arith.index_cast %add3A_430 : i32 to index
    %swap3A_435 = tpu.vector_load %arg9[%swap3A_434] masked %eq3A_428 {strides = array<i32>} : memref<336xi32, #tpu.memory_space<vmem>>, vector<16xi32>, vector<16xi1>
    tpu.vector_store %arg9[%swap3A_434], %add3A_433 masked %eq3A_428 {strides = array<i32>} : memref<336xi32, #tpu.memory_space<vmem>>, vector<16xi32>, vector<16xi1>
    %jit3A_436 = arith.constant 1 : i32
    %jit3A_437 = arith.constant 0 : i32
    %broadcast_in_dim3A_438 = vector.broadcast %jit3A_436 : i32 to vector<16xi32>
    %broadcast_in_dim3A_439 = vector.broadcast %jit3A_437 : i32 to vector<16xi32>
    %select_n3A_440 = arith.select %eq3A_428, %broadcast_in_dim3A_438, %broadcast_in_dim3A_439 : vector<16xi1>, vector<16xi32>
    %reduce_sum3A_441 = arith.constant true
    %reduce_sum3A_442 = vector.broadcast %reduce_sum3A_441 : i1 to vector<16xi1>
    %reduce_sum3A_443 = tpu.scan <sum>, %select_n3A_440 masked %reduce_sum3A_442 : vector<16xi32>, vector<16xi1> -> vector<16xi32>
    %reduce_sum3A_444 = vector.extract %reduce_sum3A_443[15] : i32 from vector<16xi32>
    %add3A_445 = arith.addi %add3A_420, %reduce_sum3A_444 : i32
    %add3A_446 = arith.addi %add3A_421, %reduce_sum3A_444 : i32
    %add3A_447 = arith.constant 112 : i32
    %add3A_448 = arith.addi %multiple_of3A, %add3A_447 : i32
    %get3A_449 = arith.index_cast %add3A_448 : i32 to index
    %get3A_450 = tpu.vector_load %arg8[%get3A_449] {strides = array<i32>} : memref<10016xi32, #tpu.memory_space<vmem>>, vector<16xi32>,
    %eq3A_451 = arith.constant 1 : i32
    %eq3A_452 = vector.broadcast %eq3A_451 : i32 to vector<16xi32>
    %eq3A_453 = arith.cmpi eq, %get3A_450, %eq3A_452 : vector<16xi32>
    %add3A_454 = arith.constant 80 : i32
    %add3A_455 = arith.addi %add3A_454, %add3A_445 : i32
    %add3A_456 = arith.constant 32 : i32
    %add3A_457 = vector.broadcast %add3A_456 : i32 to vector<16xi32>
    %add3A_458 = arith.addi %add3A_457, %iota3A : vector<16xi32>
    %swap3A_459 = arith.index_cast %add3A_455 : i32 to index
    %swap3A_460 = tpu.vector_load %arg9[%swap3A_459] masked %eq3A_453 {strides = array<i32>} : memref<336xi32, #tpu.memory_space<vmem>>, vector<16xi32>, vector<16xi1>
    tpu.vector_store %arg9[%swap3A_459], %add3A_458 masked %eq3A_453 {strides = array<i32>} : memref<336xi32, #tpu.memory_space<vmem>>, vector<16xi32>, vector<16xi1>
    %jit3A_461 = arith.constant 1 : i32
    %jit3A_462 = arith.constant 0 : i32
    %broadcast_in_dim3A_463 = vector.broadcast %jit3A_461 : i32 to vector<16xi32>
    %broadcast_in_dim3A_464 = vector.broadcast %jit3A_462 : i32 to vector<16xi32>
    %select_n3A_465 = arith.select %eq3A_453, %broadcast_in_dim3A_463, %broadcast_in_dim3A_464 : vector<16xi1>, vector<16xi32>
    %reduce_sum3A_466 = arith.constant true
    %reduce_sum3A_467 = vector.broadcast %reduce_sum3A_466 : i1 to vector<16xi1>
    %reduce_sum3A_468 = tpu.scan <sum>, %select_n3A_465 masked %reduce_sum3A_467 : vector<16xi32>, vector<16xi1> -> vector<16xi32>
    %reduce_sum3A_469 = vector.extract %reduce_sum3A_468[15] : i32 from vector<16xi32>
    %add3A_470 = arith.addi %add3A_445, %reduce_sum3A_469 : i32
    %add3A_471 = arith.addi %add3A_446, %reduce_sum3A_469 : i32
    %add3A_472 = arith.constant 128 : i32
    %add3A_473 = arith.addi %multiple_of3A, %add3A_472 : i32
    %get3A_474 = arith.index_cast %add3A_473 : i32 to index
    %get3A_475 = tpu.vector_load %arg8[%get3A_474] {strides = array<i32>} : memref<10016xi32, #tpu.memory_space<vmem>>, vector<16xi32>,
    %eq3A_476 = arith.constant 1 : i32
    %eq3A_477 = vector.broadcast %eq3A_476 : i32 to vector<16xi32>
    %eq3A_478 = arith.cmpi eq, %get3A_475, %eq3A_477 : vector<16xi32>
    %add3A_479 = arith.constant 80 : i32
    %add3A_480 = arith.addi %add3A_479, %add3A_470 : i32
    %add3A_481 = arith.constant 48 : i32
    %add3A_482 = vector.broadcast %add3A_481 : i32 to vector<16xi32>
    %add3A_483 = arith.addi %add3A_482, %iota3A : vector<16xi32>
    %swap3A_484 = arith.index_cast %add3A_480 : i32 to index
    %swap3A_485 = tpu.vector_load %arg9[%swap3A_484] masked %eq3A_478 {strides = array<i32>} : memref<336xi32, #tpu.memory_space<vmem>>, vector<16xi32>, vector<16xi1>
    tpu.vector_store %arg9[%swap3A_484], %add3A_483 masked %eq3A_478 {strides = array<i32>} : memref<336xi32, #tpu.memory_space<vmem>>, vector<16xi32>, vector<16xi1>
    %jit3A_486 = arith.constant 1 : i32
    %jit3A_487 = arith.constant 0 : i32
    %broadcast_in_dim3A_488 = vector.broadcast %jit3A_486 : i32 to vector<16xi32>
    %broadcast_in_dim3A_489 = vector.broadcast %jit3A_487 : i32 to vector<16xi32>
    %select_n3A_490 = arith.select %eq3A_478, %broadcast_in_dim3A_488, %broadcast_in_dim3A_489 : vector<16xi1>, vector<16xi32>
    %reduce_sum3A_491 = arith.constant true
    %reduce_sum3A_492 = vector.broadcast %reduce_sum3A_491 : i1 to vector<16xi1>
    %reduce_sum3A_493 = tpu.scan <sum>, %select_n3A_490 masked %reduce_sum3A_492 : vector<16xi32>, vector<16xi1> -> vector<16xi32>
    %reduce_sum3A_494 = vector.extract %reduce_sum3A_493[15] : i32 from vector<16xi32>
    %add3A_495 = arith.addi %add3A_470, %reduce_sum3A_494 : i32
    %add3A_496 = arith.addi %add3A_471, %reduce_sum3A_494 : i32
    %add3A_497 = arith.constant 144 : i32
    %add3A_498 = arith.addi %multiple_of3A, %add3A_497 : i32
    %get3A_499 = arith.index_cast %add3A_498 : i32 to index
    %get3A_500 = tpu.vector_load %arg8[%get3A_499] {strides = array<i32>} : memref<10016xi32, #tpu.memory_space<vmem>>, vector<16xi32>,
    %eq3A_501 = arith.constant 1 : i32
    %eq3A_502 = vector.broadcast %eq3A_501 : i32 to vector<16xi32>
    %eq3A_503 = arith.cmpi eq, %get3A_500, %eq3A_502 : vector<16xi32>
    %add3A_504 = arith.constant 80 : i32
    %add3A_505 = arith.addi %add3A_504, %add3A_495 : i32
    %add3A_506 = arith.constant 64 : i32
    %add3A_507 = vector.broadcast %add3A_506 : i32 to vector<16xi32>
    %add3A_508 = arith.addi %add3A_507, %iota3A : vector<16xi32>
    %swap3A_509 = arith.index_cast %add3A_505 : i32 to index
    %swap3A_510 = tpu.vector_load %arg9[%swap3A_509] masked %eq3A_503 {strides = array<i32>} : memref<336xi32, #tpu.memory_space<vmem>>, vector<16xi32>, vector<16xi1>
    tpu.vector_store %arg9[%swap3A_509], %add3A_508 masked %eq3A_503 {strides = array<i32>} : memref<336xi32, #tpu.memory_space<vmem>>, vector<16xi32>, vector<16xi1>
    %jit3A_511 = arith.constant 1 : i32
    %jit3A_512 = arith.constant 0 : i32
    %broadcast_in_dim3A_513 = vector.broadcast %jit3A_511 : i32 to vector<16xi32>
    %broadcast_in_dim3A_514 = vector.broadcast %jit3A_512 : i32 to vector<16xi32>
    %select_n3A_515 = arith.select %eq3A_503, %broadcast_in_dim3A_513, %broadcast_in_dim3A_514 : vector<16xi1>, vector<16xi32>
    %reduce_sum3A_516 = arith.constant true
    %reduce_sum3A_517 = vector.broadcast %reduce_sum3A_516 : i1 to vector<16xi1>
    %reduce_sum3A_518 = tpu.scan <sum>, %select_n3A_515 masked %reduce_sum3A_517 : vector<16xi32>, vector<16xi1> -> vector<16xi32>
    %reduce_sum3A_519 = vector.extract %reduce_sum3A_518[15] : i32 from vector<16xi32>
    %add3A_520 = arith.addi %add3A_495, %reduce_sum3A_519 : i32
    %add3A_521 = arith.addi %add3A_496, %reduce_sum3A_519 : i32
    %add3A_522 = arith.addi %reduce_sum3A_203, %add3A_521 : i32
    %min3A_523 = arith.constant 9912 : i32
    %min3A_524 = arith.minsi %add3A_522, %min3A_523 : i32
    %jit3A_525 = arith.constant 8 : i32
    %div3A_526 = arith.divsi %min3A_524, %jit3A_525 : i32
    %sign3A_527 = arith.constant 0 : i32
    %sign3A_528 = arith.cmpi sgt, %min3A_524, %sign3A_527 : i32
    %sign3A_529 = arith.extui %sign3A_528 : i1 to i32
    %sign3A_530 = arith.constant 0 : i32
    %sign3A_531 = arith.cmpi slt, %min3A_524, %sign3A_530 : i32
    %sign3A_532 = arith.extui %sign3A_531 : i1 to i32
    %sign3A_533 = arith.subi %sign3A_529, %sign3A_532 : i32
    %sign3A_534 = arith.constant 0 : i32
    %sign3A_535 = arith.cmpi sgt, %jit3A_525, %sign3A_534 : i32
    %sign3A_536 = arith.extui %sign3A_535 : i1 to i32
    %sign3A_537 = arith.constant 0 : i32
    %sign3A_538 = arith.cmpi slt, %jit3A_525, %sign3A_537 : i32
    %sign3A_539 = arith.extui %sign3A_538 : i1 to i32
    %sign3A_540 = arith.subi %sign3A_536, %sign3A_539 : i32
    %ne3A_541 = arith.cmpi ne, %sign3A_533, %sign3A_540 : i32
    %rem3A_542 = arith.remsi %min3A_524, %jit3A_525 : i32
    %ne3A_543 = arith.constant 0 : i32
    %ne3A_544 = arith.cmpi ne, %rem3A_542, %ne3A_543 : i32
    %and3A_545 = arith.andi %ne3A_541, %ne3A_544 : i1
    %sub3A_546 = arith.constant 1 : i32
    %sub3A_547 = arith.subi %div3A_526, %sub3A_546 : i32
    %select_n3A_548 = arith.select %and3A_545, %sub3A_547, %div3A_526 : i32
    %mul3A_549 = arith.constant 8 : i32
    %mul3A_550 = arith.muli %select_n3A_548, %mul3A_549 : i32
    %multiple_of3A_551 = tpu.assume_multiple %mul3A_550, 8 : i32
    %add3A_552 = arith.addi %reduce_sum3A_203, %add3A_521 : i32
    %sub3A_553 = arith.subi %add3A_552, %multiple_of3A_551 : i32
    %add3A_554 = arith.constant 160 : i32
    %add3A_555 = arith.addi %multiple_of3A, %add3A_554 : i32
    %get3A_556 = arith.index_cast %add3A_555 : i32 to index
    %get3A_557 = tpu.vector_load %arg8[%get3A_556] {strides = array<i32>} : memref<10016xi32, #tpu.memory_space<vmem>>, vector<16xi32>,
    %eq3A_558 = arith.constant 1 : i32
    %eq3A_559 = vector.broadcast %eq3A_558 : i32 to vector<16xi32>
    %eq3A_560 = arith.cmpi eq, %get3A_557, %eq3A_559 : vector<16xi32>
    %add3A_561 = arith.constant 160 : i32
    %add3A_562 = arith.constant 0 : i32
    %add3A_563 = arith.addi %add3A_561, %add3A_562 : i32
    %add3A_564 = arith.constant 0 : i32
    %add3A_565 = vector.broadcast %add3A_564 : i32 to vector<16xi32>
    %add3A_566 = arith.addi %add3A_565, %iota3A : vector<16xi32>
    %swap3A_567 = arith.index_cast %add3A_563 : i32 to index
    %swap3A_568 = tpu.vector_load %arg9[%swap3A_567] masked %eq3A_560 {strides = array<i32>} : memref<336xi32, #tpu.memory_space<vmem>>, vector<16xi32>, vector<16xi1>
    tpu.vector_store %arg9[%swap3A_567], %add3A_566 masked %eq3A_560 {strides = array<i32>} : memref<336xi32, #tpu.memory_space<vmem>>, vector<16xi32>, vector<16xi1>
    %jit3A_569 = arith.constant 1 : i32
    %jit3A_570 = arith.constant 0 : i32
    %broadcast_in_dim3A_571 = vector.broadcast %jit3A_569 : i32 to vector<16xi32>
    %broadcast_in_dim3A_572 = vector.broadcast %jit3A_570 : i32 to vector<16xi32>
    %select_n3A_573 = arith.select %eq3A_560, %broadcast_in_dim3A_571, %broadcast_in_dim3A_572 : vector<16xi1>, vector<16xi32>
    %reduce_sum3A_574 = arith.constant true
    %reduce_sum3A_575 = vector.broadcast %reduce_sum3A_574 : i1 to vector<16xi1>
    %reduce_sum3A_576 = tpu.scan <sum>, %select_n3A_573 masked %reduce_sum3A_575 : vector<16xi32>, vector<16xi1> -> vector<16xi32>
    %reduce_sum3A_577 = vector.extract %reduce_sum3A_576[15] : i32 from vector<16xi32>
    %add3A_578 = arith.constant 0 : i32
    %add3A_579 = arith.addi %add3A_578, %reduce_sum3A_577 : i32
    %add3A_580 = arith.addi %add3A_521, %reduce_sum3A_577 : i32
    %add3A_581 = arith.constant 176 : i32
    %add3A_582 = arith.addi %multiple_of3A, %add3A_581 : i32
    %get3A_583 = arith.index_cast %add3A_582 : i32 to index
    %get3A_584 = tpu.vector_load %arg8[%get3A_583] {strides = array<i32>} : memref<10016xi32, #tpu.memory_space<vmem>>, vector<16xi32>,
    %eq3A_585 = arith.constant 1 : i32
    %eq3A_586 = vector.broadcast %eq3A_585 : i32 to vector<16xi32>
    %eq3A_587 = arith.cmpi eq, %get3A_584, %eq3A_586 : vector<16xi32>
    %add3A_588 = arith.constant 160 : i32
    %add3A_589 = arith.addi %add3A_588, %add3A_579 : i32
    %add3A_590 = arith.constant 16 : i32
    %add3A_591 = vector.broadcast %add3A_590 : i32 to vector<16xi32>
    %add3A_592 = arith.addi %add3A_591, %iota3A : vector<16xi32>
    %swap3A_593 = arith.index_cast %add3A_589 : i32 to index
    %swap3A_594 = tpu.vector_load %arg9[%swap3A_593] masked %eq3A_587 {strides = array<i32>} : memref<336xi32, #tpu.memory_space<vmem>>, vector<16xi32>, vector<16xi1>
    tpu.vector_store %arg9[%swap3A_593], %add3A_592 masked %eq3A_587 {strides = array<i32>} : memref<336xi32, #tpu.memory_space<vmem>>, vector<16xi32>, vector<16xi1>
    %jit3A_595 = arith.constant 1 : i32
    %jit3A_596 = arith.constant 0 : i32
    %broadcast_in_dim3A_597 = vector.broadcast %jit3A_595 : i32 to vector<16xi32>
    %broadcast_in_dim3A_598 = vector.broadcast %jit3A_596 : i32 to vector<16xi32>
    %select_n3A_599 = arith.select %eq3A_587, %broadcast_in_dim3A_597, %broadcast_in_dim3A_598 : vector<16xi1>, vector<16xi32>
    %reduce_sum3A_600 = arith.constant true
    %reduce_sum3A_601 = vector.broadcast %reduce_sum3A_600 : i1 to vector<16xi1>
    %reduce_sum3A_602 = tpu.scan <sum>, %select_n3A_599 masked %reduce_sum3A_601 : vector<16xi32>, vector<16xi1> -> vector<16xi32>
    %reduce_sum3A_603 = vector.extract %reduce_sum3A_602[15] : i32 from vector<16xi32>
    %add3A_604 = arith.addi %add3A_579, %reduce_sum3A_603 : i32
    %add3A_605 = arith.addi %add3A_580, %reduce_sum3A_603 : i32
    %add3A_606 = arith.constant 192 : i32
    %add3A_607 = arith.addi %multiple_of3A, %add3A_606 : i32
    %get3A_608 = arith.index_cast %add3A_607 : i32 to index
    %get3A_609 = tpu.vector_load %arg8[%get3A_608] {strides = array<i32>} : memref<10016xi32, #tpu.memory_space<vmem>>, vector<16xi32>,
    %eq3A_610 = arith.constant 1 : i32
    %eq3A_611 = vector.broadcast %eq3A_610 : i32 to vector<16xi32>
    %eq3A_612 = arith.cmpi eq, %get3A_609, %eq3A_611 : vector<16xi32>
    %add3A_613 = arith.constant 160 : i32
    %add3A_614 = arith.addi %add3A_613, %add3A_604 : i32
    %add3A_615 = arith.constant 32 : i32
    %add3A_616 = vector.broadcast %add3A_615 : i32 to vector<16xi32>
    %add3A_617 = arith.addi %add3A_616, %iota3A : vector<16xi32>
    %swap3A_618 = arith.index_cast %add3A_614 : i32 to index
    %swap3A_619 = tpu.vector_load %arg9[%swap3A_618] masked %eq3A_612 {strides = array<i32>} : memref<336xi32, #tpu.memory_space<vmem>>, vector<16xi32>, vector<16xi1>
    tpu.vector_store %arg9[%swap3A_618], %add3A_617 masked %eq3A_612 {strides = array<i32>} : memref<336xi32, #tpu.memory_space<vmem>>, vector<16xi32>, vector<16xi1>
    %jit3A_620 = arith.constant 1 : i32
    %jit3A_621 = arith.constant 0 : i32
    %broadcast_in_dim3A_622 = vector.broadcast %jit3A_620 : i32 to vector<16xi32>
    %broadcast_in_dim3A_623 = vector.broadcast %jit3A_621 : i32 to vector<16xi32>
    %select_n3A_624 = arith.select %eq3A_612, %broadcast_in_dim3A_622, %broadcast_in_dim3A_623 : vector<16xi1>, vector<16xi32>
    %reduce_sum3A_625 = arith.constant true
    %reduce_sum3A_626 = vector.broadcast %reduce_sum3A_625 : i1 to vector<16xi1>
    %reduce_sum3A_627 = tpu.scan <sum>, %select_n3A_624 masked %reduce_sum3A_626 : vector<16xi32>, vector<16xi1> -> vector<16xi32>
    %reduce_sum3A_628 = vector.extract %reduce_sum3A_627[15] : i32 from vector<16xi32>
    %add3A_629 = arith.addi %add3A_604, %reduce_sum3A_628 : i32
    %add3A_630 = arith.addi %add3A_605, %reduce_sum3A_628 : i32
    %add3A_631 = arith.constant 208 : i32
    %add3A_632 = arith.addi %multiple_of3A, %add3A_631 : i32
    %get3A_633 = arith.index_cast %add3A_632 : i32 to index
    %get3A_634 = tpu.vector_load %arg8[%get3A_633] {strides = array<i32>} : memref<10016xi32, #tpu.memory_space<vmem>>, vector<16xi32>,
    %eq3A_635 = arith.constant 1 : i32
    %eq3A_636 = vector.broadcast %eq3A_635 : i32 to vector<16xi32>
    %eq3A_637 = arith.cmpi eq, %get3A_634, %eq3A_636 : vector<16xi32>
    %add3A_638 = arith.constant 160 : i32
    %add3A_639 = arith.addi %add3A_638, %add3A_629 : i32
    %add3A_640 = arith.constant 48 : i32
    %add3A_641 = vector.broadcast %add3A_640 : i32 to vector<16xi32>
    %add3A_642 = arith.addi %add3A_641, %iota3A : vector<16xi32>
    %swap3A_643 = arith.index_cast %add3A_639 : i32 to index
    %swap3A_644 = tpu.vector_load %arg9[%swap3A_643] masked %eq3A_637 {strides = array<i32>} : memref<336xi32, #tpu.memory_space<vmem>>, vector<16xi32>, vector<16xi1>
    tpu.vector_store %arg9[%swap3A_643], %add3A_642 masked %eq3A_637 {strides = array<i32>} : memref<336xi32, #tpu.memory_space<vmem>>, vector<16xi32>, vector<16xi1>
    %jit3A_645 = arith.constant 1 : i32
    %jit3A_646 = arith.constant 0 : i32
    %broadcast_in_dim3A_647 = vector.broadcast %jit3A_645 : i32 to vector<16xi32>
    %broadcast_in_dim3A_648 = vector.broadcast %jit3A_646 : i32 to vector<16xi32>
    %select_n3A_649 = arith.select %eq3A_637, %broadcast_in_dim3A_647, %broadcast_in_dim3A_648 : vector<16xi1>, vector<16xi32>
    %reduce_sum3A_650 = arith.constant true
    %reduce_sum3A_651 = vector.broadcast %reduce_sum3A_650 : i1 to vector<16xi1>
    %reduce_sum3A_652 = tpu.scan <sum>, %select_n3A_649 masked %reduce_sum3A_651 : vector<16xi32>, vector<16xi1> -> vector<16xi32>
    %reduce_sum3A_653 = vector.extract %reduce_sum3A_652[15] : i32 from vector<16xi32>
    %add3A_654 = arith.addi %add3A_629, %reduce_sum3A_653 : i32
    %add3A_655 = arith.addi %add3A_630, %reduce_sum3A_653 : i32
    %add3A_656 = arith.constant 224 : i32
    %add3A_657 = arith.addi %multiple_of3A, %add3A_656 : i32
    %get3A_658 = arith.index_cast %add3A_657 : i32 to index
    %get3A_659 = tpu.vector_load %arg8[%get3A_658] {strides = array<i32>} : memref<10016xi32, #tpu.memory_space<vmem>>, vector<16xi32>,
    %eq3A_660 = arith.constant 1 : i32
    %eq3A_661 = vector.broadcast %eq3A_660 : i32 to vector<16xi32>
    %eq3A_662 = arith.cmpi eq, %get3A_659, %eq3A_661 : vector<16xi32>
    %add3A_663 = arith.constant 160 : i32
    %add3A_664 = arith.addi %add3A_663, %add3A_654 : i32
    %add3A_665 = arith.constant 64 : i32
    %add3A_666 = vector.broadcast %add3A_665 : i32 to vector<16xi32>
    %add3A_667 = arith.addi %add3A_666, %iota3A : vector<16xi32>
    %swap3A_668 = arith.index_cast %add3A_664 : i32 to index
    %swap3A_669 = tpu.vector_load %arg9[%swap3A_668] masked %eq3A_662 {strides = array<i32>} : memref<336xi32, #tpu.memory_space<vmem>>, vector<16xi32>, vector<16xi1>
    tpu.vector_store %arg9[%swap3A_668], %add3A_667 masked %eq3A_662 {strides = array<i32>} : memref<336xi32, #tpu.memory_space<vmem>>, vector<16xi32>, vector<16xi1>
    %jit3A_670 = arith.constant 1 : i32
    %jit3A_671 = arith.constant 0 : i32
    %broadcast_in_dim3A_672 = vector.broadcast %jit3A_670 : i32 to vector<16xi32>
    %broadcast_in_dim3A_673 = vector.broadcast %jit3A_671 : i32 to vector<16xi32>
    %select_n3A_674 = arith.select %eq3A_662, %broadcast_in_dim3A_672, %broadcast_in_dim3A_673 : vector<16xi1>, vector<16xi32>
    %reduce_sum3A_675 = arith.constant true
    %reduce_sum3A_676 = vector.broadcast %reduce_sum3A_675 : i1 to vector<16xi1>
    %reduce_sum3A_677 = tpu.scan <sum>, %select_n3A_674 masked %reduce_sum3A_676 : vector<16xi32>, vector<16xi1> -> vector<16xi32>
    %reduce_sum3A_678 = vector.extract %reduce_sum3A_677[15] : i32 from vector<16xi32>
    %add3A_679 = arith.addi %add3A_654, %reduce_sum3A_678 : i32
    %add3A_680 = arith.addi %add3A_655, %reduce_sum3A_678 : i32
    %add3A_681 = arith.addi %reduce_sum3A_203, %add3A_680 : i32
    %min3A_682 = arith.constant 9912 : i32
    %min3A_683 = arith.minsi %add3A_681, %min3A_682 : i32
    %jit3A_684 = arith.constant 8 : i32
    %div3A_685 = arith.divsi %min3A_683, %jit3A_684 : i32
    %sign3A_686 = arith.constant 0 : i32
    %sign3A_687 = arith.cmpi sgt, %min3A_683, %sign3A_686 : i32
    %sign3A_688 = arith.extui %sign3A_687 : i1 to i32
    %sign3A_689 = arith.constant 0 : i32
    %sign3A_690 = arith.cmpi slt, %min3A_683, %sign3A_689 : i32
    %sign3A_691 = arith.extui %sign3A_690 : i1 to i32
    %sign3A_692 = arith.subi %sign3A_688, %sign3A_691 : i32
    %sign3A_693 = arith.constant 0 : i32
    %sign3A_694 = arith.cmpi sgt, %jit3A_684, %sign3A_693 : i32
    %sign3A_695 = arith.extui %sign3A_694 : i1 to i32
    %sign3A_696 = arith.constant 0 : i32
    %sign3A_697 = arith.cmpi slt, %jit3A_684, %sign3A_696 : i32
    %sign3A_698 = arith.extui %sign3A_697 : i1 to i32
    %sign3A_699 = arith.subi %sign3A_695, %sign3A_698 : i32
    %ne3A_700 = arith.cmpi ne, %sign3A_692, %sign3A_699 : i32
    %rem3A_701 = arith.remsi %min3A_683, %jit3A_684 : i32
    %ne3A_702 = arith.constant 0 : i32
    %ne3A_703 = arith.cmpi ne, %rem3A_701, %ne3A_702 : i32
    %and3A_704 = arith.andi %ne3A_700, %ne3A_703 : i1
    %sub3A_705 = arith.constant 1 : i32
    %sub3A_706 = arith.subi %div3A_685, %sub3A_705 : i32
    %select_n3A_707 = arith.select %and3A_704, %sub3A_706, %div3A_685 : i32
    %mul3A_708 = arith.constant 8 : i32
    %mul3A_709 = arith.muli %select_n3A_707, %mul3A_708 : i32
    %multiple_of3A_710 = tpu.assume_multiple %mul3A_709, 8 : i32
    %add3A_711 = arith.addi %reduce_sum3A_203, %add3A_680 : i32
    %sub3A_712 = arith.subi %add3A_711, %multiple_of3A_710 : i32
    %add3A_713 = arith.constant 240 : i32
    %add3A_714 = arith.addi %multiple_of3A, %add3A_713 : i32
    %get3A_715 = arith.index_cast %add3A_714 : i32 to index
    %get3A_716 = tpu.vector_load %arg8[%get3A_715] {strides = array<i32>} : memref<10016xi32, #tpu.memory_space<vmem>>, vector<16xi32>,
    %eq3A_717 = arith.constant 1 : i32
    %eq3A_718 = vector.broadcast %eq3A_717 : i32 to vector<16xi32>
    %eq3A_719 = arith.cmpi eq, %get3A_716, %eq3A_718 : vector<16xi32>
    %add3A_720 = arith.constant 240 : i32
    %add3A_721 = arith.constant 0 : i32
    %add3A_722 = arith.addi %add3A_720, %add3A_721 : i32
    %add3A_723 = arith.constant 0 : i32
    %add3A_724 = vector.broadcast %add3A_723 : i32 to vector<16xi32>
    %add3A_725 = arith.addi %add3A_724, %iota3A : vector<16xi32>
    %swap3A_726 = arith.index_cast %add3A_722 : i32 to index
    %swap3A_727 = tpu.vector_load %arg9[%swap3A_726] masked %eq3A_719 {strides = array<i32>} : memref<336xi32, #tpu.memory_space<vmem>>, vector<16xi32>, vector<16xi1>
    tpu.vector_store %arg9[%swap3A_726], %add3A_725 masked %eq3A_719 {strides = array<i32>} : memref<336xi32, #tpu.memory_space<vmem>>, vector<16xi32>, vector<16xi1>
    %jit3A_728 = arith.constant 1 : i32
    %jit3A_729 = arith.constant 0 : i32
    %broadcast_in_dim3A_730 = vector.broadcast %jit3A_728 : i32 to vector<16xi32>
    %broadcast_in_dim3A_731 = vector.broadcast %jit3A_729 : i32 to vector<16xi32>
    %select_n3A_732 = arith.select %eq3A_719, %broadcast_in_dim3A_730, %broadcast_in_dim3A_731 : vector<16xi1>, vector<16xi32>
    %reduce_sum3A_733 = arith.constant true
    %reduce_sum3A_734 = vector.broadcast %reduce_sum3A_733 : i1 to vector<16xi1>
    %reduce_sum3A_735 = tpu.scan <sum>, %select_n3A_732 masked %reduce_sum3A_734 : vector<16xi32>, vector<16xi1> -> vector<16xi32>
    %reduce_sum3A_736 = vector.extract %reduce_sum3A_735[15] : i32 from vector<16xi32>
    %add3A_737 = arith.constant 0 : i32
    %add3A_738 = arith.addi %add3A_737, %reduce_sum3A_736 : i32
    %add3A_739 = arith.addi %add3A_680, %reduce_sum3A_736 : i32
    %add3A_740 = arith.constant 256 : i32
    %add3A_741 = arith.addi %multiple_of3A, %add3A_740 : i32
    %get3A_742 = arith.index_cast %add3A_741 : i32 to index
    %get3A_743 = tpu.vector_load %arg8[%get3A_742] {strides = array<i32>} : memref<10016xi32, #tpu.memory_space<vmem>>, vector<16xi32>,
    %eq3A_744 = arith.constant 1 : i32
    %eq3A_745 = vector.broadcast %eq3A_744 : i32 to vector<16xi32>
    %eq3A_746 = arith.cmpi eq, %get3A_743, %eq3A_745 : vector<16xi32>
    %add3A_747 = arith.constant 240 : i32
    %add3A_748 = arith.addi %add3A_747, %add3A_738 : i32
    %add3A_749 = arith.constant 16 : i32
    %add3A_750 = vector.broadcast %add3A_749 : i32 to vector<16xi32>
    %add3A_751 = arith.addi %add3A_750, %iota3A : vector<16xi32>
    %swap3A_752 = arith.index_cast %add3A_748 : i32 to index
    %swap3A_753 = tpu.vector_load %arg9[%swap3A_752] masked %eq3A_746 {strides = array<i32>} : memref<336xi32, #tpu.memory_space<vmem>>, vector<16xi32>, vector<16xi1>
    tpu.vector_store %arg9[%swap3A_752], %add3A_751 masked %eq3A_746 {strides = array<i32>} : memref<336xi32, #tpu.memory_space<vmem>>, vector<16xi32>, vector<16xi1>
    %jit3A_754 = arith.constant 1 : i32
    %jit3A_755 = arith.constant 0 : i32
    %broadcast_in_dim3A_756 = vector.broadcast %jit3A_754 : i32 to vector<16xi32>
    %broadcast_in_dim3A_757 = vector.broadcast %jit3A_755 : i32 to vector<16xi32>
    %select_n3A_758 = arith.select %eq3A_746, %broadcast_in_dim3A_756, %broadcast_in_dim3A_757 : vector<16xi1>, vector<16xi32>
    %reduce_sum3A_759 = arith.constant true
    %reduce_sum3A_760 = vector.broadcast %reduce_sum3A_759 : i1 to vector<16xi1>
    %reduce_sum3A_761 = tpu.scan <sum>, %select_n3A_758 masked %reduce_sum3A_760 : vector<16xi32>, vector<16xi1> -> vector<16xi32>
    %reduce_sum3A_762 = vector.extract %reduce_sum3A_761[15] : i32 from vector<16xi32>
    %add3A_763 = arith.addi %add3A_738, %reduce_sum3A_762 : i32
    %add3A_764 = arith.addi %add3A_739, %reduce_sum3A_762 : i32
    %add3A_765 = arith.constant 272 : i32
    %add3A_766 = arith.addi %multiple_of3A, %add3A_765 : i32
    %get3A_767 = arith.index_cast %add3A_766 : i32 to index
    %get3A_768 = tpu.vector_load %arg8[%get3A_767] {strides = array<i32>} : memref<10016xi32, #tpu.memory_space<vmem>>, vector<16xi32>,
    %eq3A_769 = arith.constant 1 : i32
    %eq3A_770 = vector.broadcast %eq3A_769 : i32 to vector<16xi32>
    %eq3A_771 = arith.cmpi eq, %get3A_768, %eq3A_770 : vector<16xi32>
    %add3A_772 = arith.constant 240 : i32
    %add3A_773 = arith.addi %add3A_772, %add3A_763 : i32
    %add3A_774 = arith.constant 32 : i32
    %add3A_775 = vector.broadcast %add3A_774 : i32 to vector<16xi32>
    %add3A_776 = arith.addi %add3A_775, %iota3A : vector<16xi32>
    %swap3A_777 = arith.index_cast %add3A_773 : i32 to index
    %swap3A_778 = tpu.vector_load %arg9[%swap3A_777] masked %eq3A_771 {strides = array<i32>} : memref<336xi32, #tpu.memory_space<vmem>>, vector<16xi32>, vector<16xi1>
    tpu.vector_store %arg9[%swap3A_777], %add3A_776 masked %eq3A_771 {strides = array<i32>} : memref<336xi32, #tpu.memory_space<vmem>>, vector<16xi32>, vector<16xi1>
    %jit3A_779 = arith.constant 1 : i32
    %jit3A_780 = arith.constant 0 : i32
    %broadcast_in_dim3A_781 = vector.broadcast %jit3A_779 : i32 to vector<16xi32>
    %broadcast_in_dim3A_782 = vector.broadcast %jit3A_780 : i32 to vector<16xi32>
    %select_n3A_783 = arith.select %eq3A_771, %broadcast_in_dim3A_781, %broadcast_in_dim3A_782 : vector<16xi1>, vector<16xi32>
    %reduce_sum3A_784 = arith.constant true
    %reduce_sum3A_785 = vector.broadcast %reduce_sum3A_784 : i1 to vector<16xi1>
    %reduce_sum3A_786 = tpu.scan <sum>, %select_n3A_783 masked %reduce_sum3A_785 : vector<16xi32>, vector<16xi1> -> vector<16xi32>
    %reduce_sum3A_787 = vector.extract %reduce_sum3A_786[15] : i32 from vector<16xi32>
    %add3A_788 = arith.addi %add3A_763, %reduce_sum3A_787 : i32
    %add3A_789 = arith.addi %add3A_764, %reduce_sum3A_787 : i32
    %add3A_790 = arith.constant 288 : i32
    %add3A_791 = arith.addi %multiple_of3A, %add3A_790 : i32
    %get3A_792 = arith.index_cast %add3A_791 : i32 to index
    %get3A_793 = tpu.vector_load %arg8[%get3A_792] {strides = array<i32>} : memref<10016xi32, #tpu.memory_space<vmem>>, vector<16xi32>,
    %eq3A_794 = arith.constant 1 : i32
    %eq3A_795 = vector.broadcast %eq3A_794 : i32 to vector<16xi32>
    %eq3A_796 = arith.cmpi eq, %get3A_793, %eq3A_795 : vector<16xi32>
    %add3A_797 = arith.constant 240 : i32
    %add3A_798 = arith.addi %add3A_797, %add3A_788 : i32
    %add3A_799 = arith.constant 48 : i32
    %add3A_800 = vector.broadcast %add3A_799 : i32 to vector<16xi32>
    %add3A_801 = arith.addi %add3A_800, %iota3A : vector<16xi32>
    %swap3A_802 = arith.index_cast %add3A_798 : i32 to index
    %swap3A_803 = tpu.vector_load %arg9[%swap3A_802] masked %eq3A_796 {strides = array<i32>} : memref<336xi32, #tpu.memory_space<vmem>>, vector<16xi32>, vector<16xi1>
    tpu.vector_store %arg9[%swap3A_802], %add3A_801 masked %eq3A_796 {strides = array<i32>} : memref<336xi32, #tpu.memory_space<vmem>>, vector<16xi32>, vector<16xi1>
    %jit3A_804 = arith.constant 1 : i32
    %jit3A_805 = arith.constant 0 : i32
    %broadcast_in_dim3A_806 = vector.broadcast %jit3A_804 : i32 to vector<16xi32>
    %broadcast_in_dim3A_807 = vector.broadcast %jit3A_805 : i32 to vector<16xi32>
    %select_n3A_808 = arith.select %eq3A_796, %broadcast_in_dim3A_806, %broadcast_in_dim3A_807 : vector<16xi1>, vector<16xi32>
    %reduce_sum3A_809 = arith.constant true
    %reduce_sum3A_810 = vector.broadcast %reduce_sum3A_809 : i1 to vector<16xi1>
    %reduce_sum3A_811 = tpu.scan <sum>, %select_n3A_808 masked %reduce_sum3A_810 : vector<16xi32>, vector<16xi1> -> vector<16xi32>
    %reduce_sum3A_812 = vector.extract %reduce_sum3A_811[15] : i32 from vector<16xi32>
    %add3A_813 = arith.addi %add3A_788, %reduce_sum3A_812 : i32
    %add3A_814 = arith.addi %add3A_789, %reduce_sum3A_812 : i32
    %add3A_815 = arith.constant 304 : i32
    %add3A_816 = arith.addi %multiple_of3A, %add3A_815 : i32
    %get3A_817 = arith.index_cast %add3A_816 : i32 to index
    %get3A_818 = tpu.vector_load %arg8[%get3A_817] {strides = array<i32>} : memref<10016xi32, #tpu.memory_space<vmem>>, vector<16xi32>,
    %eq3A_819 = arith.constant 1 : i32
    %eq3A_820 = vector.broadcast %eq3A_819 : i32 to vector<16xi32>
    %eq3A_821 = arith.cmpi eq, %get3A_818, %eq3A_820 : vector<16xi32>
    %add3A_822 = arith.constant 240 : i32
    %add3A_823 = arith.addi %add3A_822, %add3A_813 : i32
    %add3A_824 = arith.constant 64 : i32
    %add3A_825 = vector.broadcast %add3A_824 : i32 to vector<16xi32>
    %add3A_826 = arith.addi %add3A_825, %iota3A : vector<16xi32>
    %swap3A_827 = arith.index_cast %add3A_823 : i32 to index
    %swap3A_828 = tpu.vector_load %arg9[%swap3A_827] masked %eq3A_821 {strides = array<i32>} : memref<336xi32, #tpu.memory_space<vmem>>, vector<16xi32>, vector<16xi1>
    tpu.vector_store %arg9[%swap3A_827], %add3A_826 masked %eq3A_821 {strides = array<i32>} : memref<336xi32, #tpu.memory_space<vmem>>, vector<16xi32>, vector<16xi1>
    %jit3A_829 = arith.constant 1 : i32
    %jit3A_830 = arith.constant 0 : i32
    %broadcast_in_dim3A_831 = vector.broadcast %jit3A_829 : i32 to vector<16xi32>
    %broadcast_in_dim3A_832 = vector.broadcast %jit3A_830 : i32 to vector<16xi32>
    %select_n3A_833 = arith.select %eq3A_821, %broadcast_in_dim3A_831, %broadcast_in_dim3A_832 : vector<16xi1>, vector<16xi32>
    %reduce_sum3A_834 = arith.constant true
    %reduce_sum3A_835 = vector.broadcast %reduce_sum3A_834 : i1 to vector<16xi1>
    %reduce_sum3A_836 = tpu.scan <sum>, %select_n3A_833 masked %reduce_sum3A_835 : vector<16xi32>, vector<16xi1> -> vector<16xi32>
    %reduce_sum3A_837 = vector.extract %reduce_sum3A_836[15] : i32 from vector<16xi32>
    %add3A_838 = arith.addi %add3A_813, %reduce_sum3A_837 : i32
    %add3A_839 = arith.addi %add3A_814, %reduce_sum3A_837 : i32
    "tpu.trace_stop"() : () -> ()
    %dma_start3A_840 = arith.constant 0 : i32
    %dma_start3A_841 = tpu.memref_slice %arg5[%multiple_of3A_234, %dma_start3A_840] : memref<10000x256xf32, #tpu.memory_space<hbm>> -> memref<88x256xf32, #tpu.memory_space<hbm>>
    %dma_start3A_842 = arith.constant 0 : i32
    %dma_start3A_843 = tpu.memref_slice %arg5[%multiple_of3A_234, %dma_start3A_842] : memref<10000x256xf32, #tpu.memory_space<hbm>> -> memref<88x256xf32, #tpu.memory_space<hbm>>
    tpu.enqueue_dma source(%dma_start3A_843 : memref<88x256xf32, #tpu.memory_space<hbm>>) target(%arg14 : memref<88x256xf32, #tpu.memory_space<vmem>>) target_semaphore(%arg19 : memref<!tpu.dma_semaphore, #tpu.memory_space<semaphore_mem>>)
    "tpu.trace_start"() <{level = 10 : i32, message = "nk_wait"}> : () -> ()
    %dma_wait3A_844 = arith.constant 0 : i32
    %dma_wait3A_845 = arith.constant 0 : i32
    %dma_wait3A_846 = tpu.memref_slice %arg10[%dma_wait3A_844, %dma_wait3A_845] : memref<80x256xf32, #tpu.memory_space<vmem>> -> memref<16x256xf32, #tpu.memory_space<vmem>>
    %dma_wait3A_847 = arith.constant 0 : i32
    %dma_wait3A_848 = tpu.memref_slice %arg7[%dma_wait3A_847] : memref<320xi32, #tpu.memory_space<vmem>> -> memref<16xi32, #tpu.memory_space<vmem>>
    %dma_wait3A_849 = arith.constant 0 : i32
    %dma_wait3A_850 = arith.constant 0 : i32
    %dma_wait3A_851 = tpu.memref_slice %arg4[%dma_wait3A_849, %dma_wait3A_850] : memref<100000x256xf32, #tpu.memory_space<hbm>> -> memref<100000x256xf32, #tpu.memory_space<hbm>>
    tpu.wait_indirect_dma semaphore(%arg15 : memref<!tpu.dma_semaphore, #tpu.memory_space<semaphore_mem>>) src(%dma_wait3A_851 : memref<100000x256xf32, #tpu.memory_space<hbm>>) dst(%dma_wait3A_846 : memref<16x256xf32, #tpu.memory_space<vmem>>)
    %dma_wait3A_852 = arith.constant 16 : i32
    %dma_wait3A_853 = arith.constant 0 : i32
    %dma_wait3A_854 = tpu.memref_slice %arg10[%dma_wait3A_852, %dma_wait3A_853] : memref<80x256xf32, #tpu.memory_space<vmem>> -> memref<16x256xf32, #tpu.memory_space<vmem>>
    %dma_wait3A_855 = arith.constant 16 : i32
    %dma_wait3A_856 = tpu.memref_slice %arg7[%dma_wait3A_855] : memref<320xi32, #tpu.memory_space<vmem>> -> memref<16xi32, #tpu.memory_space<vmem>>
    %dma_wait3A_857 = arith.constant 0 : i32
    %dma_wait3A_858 = arith.constant 0 : i32
    %dma_wait3A_859 = tpu.memref_slice %arg4[%dma_wait3A_857, %dma_wait3A_858] : memref<100000x256xf32, #tpu.memory_space<hbm>> -> memref<100000x256xf32, #tpu.memory_space<hbm>>
    tpu.wait_indirect_dma semaphore(%arg15 : memref<!tpu.dma_semaphore, #tpu.memory_space<semaphore_mem>>) src(%dma_wait3A_859 : memref<100000x256xf32, #tpu.memory_space<hbm>>) dst(%dma_wait3A_854 : memref<16x256xf32, #tpu.memory_space<vmem>>)
    %dma_wait3A_860 = arith.constant 32 : i32
    %dma_wait3A_861 = arith.constant 0 : i32
    %dma_wait3A_862 = tpu.memref_slice %arg10[%dma_wait3A_860, %dma_wait3A_861] : memref<80x256xf32, #tpu.memory_space<vmem>> -> memref<16x256xf32, #tpu.memory_space<vmem>>
    %dma_wait3A_863 = arith.constant 32 : i32
    %dma_wait3A_864 = tpu.memref_slice %arg7[%dma_wait3A_863] : memref<320xi32, #tpu.memory_space<vmem>> -> memref<16xi32, #tpu.memory_space<vmem>>
    %dma_wait3A_865 = arith.constant 0 : i32
    %dma_wait3A_866 = arith.constant 0 : i32
    %dma_wait3A_867 = tpu.memref_slice %arg4[%dma_wait3A_865, %dma_wait3A_866] : memref<100000x256xf32, #tpu.memory_space<hbm>> -> memref<100000x256xf32, #tpu.memory_space<hbm>>
    tpu.wait_indirect_dma semaphore(%arg15 : memref<!tpu.dma_semaphore, #tpu.memory_space<semaphore_mem>>) src(%dma_wait3A_867 : memref<100000x256xf32, #tpu.memory_space<hbm>>) dst(%dma_wait3A_862 : memref<16x256xf32, #tpu.memory_space<vmem>>)
    %dma_wait3A_868 = arith.constant 48 : i32
    %dma_wait3A_869 = arith.constant 0 : i32
    %dma_wait3A_870 = tpu.memref_slice %arg10[%dma_wait3A_868, %dma_wait3A_869] : memref<80x256xf32, #tpu.memory_space<vmem>> -> memref<16x256xf32, #tpu.memory_space<vmem>>
    %dma_wait3A_871 = arith.constant 48 : i32
    %dma_wait3A_872 = tpu.memref_slice %arg7[%dma_wait3A_871] : memref<320xi32, #tpu.memory_space<vmem>> -> memref<16xi32, #tpu.memory_space<vmem>>
    %dma_wait3A_873 = arith.constant 0 : i32
    %dma_wait3A_874 = arith.constant 0 : i32
    %dma_wait3A_875 = tpu.memref_slice %arg4[%dma_wait3A_873, %dma_wait3A_874] : memref<100000x256xf32, #tpu.memory_space<hbm>> -> memref<100000x256xf32, #tpu.memory_space<hbm>>
    tpu.wait_indirect_dma semaphore(%arg15 : memref<!tpu.dma_semaphore, #tpu.memory_space<semaphore_mem>>) src(%dma_wait3A_875 : memref<100000x256xf32, #tpu.memory_space<hbm>>) dst(%dma_wait3A_870 : memref<16x256xf32, #tpu.memory_space<vmem>>)
    %dma_wait3A_876 = arith.constant 64 : i32
    %dma_wait3A_877 = arith.constant 0 : i32
    %dma_wait3A_878 = tpu.memref_slice %arg10[%dma_wait3A_876, %dma_wait3A_877] : memref<80x256xf32, #tpu.memory_space<vmem>> -> memref<16x256xf32, #tpu.memory_space<vmem>>
    %dma_wait3A_879 = arith.constant 64 : i32
    %dma_wait3A_880 = tpu.memref_slice %arg7[%dma_wait3A_879] : memref<320xi32, #tpu.memory_space<vmem>> -> memref<16xi32, #tpu.memory_space<vmem>>
    %dma_wait3A_881 = arith.constant 0 : i32
    %dma_wait3A_882 = arith.constant 0 : i32
    %dma_wait3A_883 = tpu.memref_slice %arg4[%dma_wait3A_881, %dma_wait3A_882] : memref<100000x256xf32, #tpu.memory_space<hbm>> -> memref<100000x256xf32, #tpu.memory_space<hbm>>
    tpu.wait_indirect_dma semaphore(%arg15 : memref<!tpu.dma_semaphore, #tpu.memory_space<semaphore_mem>>) src(%dma_wait3A_883 : memref<100000x256xf32, #tpu.memory_space<hbm>>) dst(%dma_wait3A_878 : memref<16x256xf32, #tpu.memory_space<vmem>>)
    %dma_wait3A_884 = arith.constant 0 : i32
    %dma_wait3A_885 = tpu.memref_slice %arg5[%multiple_of3A_234, %dma_wait3A_884] : memref<10000x256xf32, #tpu.memory_space<hbm>> -> memref<88x256xf32, #tpu.memory_space<hbm>>
    %dma_wait3A_886 = arith.constant 0 : i32
    %dma_wait3A_887 = tpu.memref_slice %arg5[%multiple_of3A_234, %dma_wait3A_886] : memref<10000x256xf32, #tpu.memory_space<hbm>> -> memref<88x256xf32, #tpu.memory_space<hbm>>
    tpu.wait_dma2 semaphore(%arg19 : memref<!tpu.dma_semaphore, #tpu.memory_space<semaphore_mem>>) src(%dma_wait3A_887 : memref<88x256xf32, #tpu.memory_space<hbm>>) dst(%arg14 : memref<88x256xf32, #tpu.memory_space<vmem>>)
    %while3A_888 = arith.constant 0 : i32
    %while3A_889 = arith.constant 0 : i32
    "tpu.trace_stop"() : () -> ()
    "tpu.trace_start"() <{level = 10 : i32, message = "nk_add"}> : () -> ()
    %while3A_890 = arith.subi %add3A_361, %while3A_888 : i32
    %while3A_891 = arith.addi %while3A_888, %while3A_890 : i32
    %while3A_892 = arith.constant 1 : i32
    %while3A_893 = arith.divsi %while3A_890, %while3A_892 : i32
    %while3A_894 = arith.muli %while3A_893, %while3A_892 : i32
    %while3A_895 = arith.addi %while3A_888, %while3A_894 : i32
    %while3A_896 = arith.constant 1 : i32
    %while3A_897 = scf.for %while3A_1128 = %while3A_888 to %while3A_895 step %while3A_896 iter_args(%while3A_1129 = %while3A_889) -> (i32)  : i32 {
      %add3A_1130 = arith.constant 0 : i32
      %add3A_1131 = arith.addi %add3A_1130, %while3A_1128 : i32
      %get3A_1132 = arith.index_cast %add3A_1131 : i32 to index
      %get3A_1133 = tpu.vector_load %arg9[%get3A_1132] {strides = array<i32>} : memref<336xi32, #tpu.memory_space<vmem>>, vector<16xi32>,
      %slice3A = vector.extract_strided_slice %get3A_1133 {offsets = [0], sizes = [1], strides = [1]} : vector<16xi32> to vector<1xi32>
      %squeeze3A = vector.extract %slice3A[0] : i32 from vector<1xi32>
      %add3A_1134 = arith.addi %sub3A_237, %while3A_1128 : i32
      %get3A_1135 = arith.index_cast %squeeze3A : i32 to index
      %get3A_1136 = arith.constant 0 : index
      %get3A_1137 = tpu.vector_load %arg10[%get3A_1135, %get3A_1136] {strides = array<i32>} : memref<80x256xf32, #tpu.memory_space<vmem>>, vector<16xf32>,
      %get3A_1138 = arith.index_cast %add3A_1134 : i32 to index
      %get3A_1139 = arith.constant 0 : index
      %get3A_1140 = tpu.vector_load %arg14[%get3A_1138, %get3A_1139] {strides = array<i32>} : memref<88x256xf32, #tpu.memory_space<vmem>>, vector<16xf32>,
      %add3A_1141 = arith.addf %get3A_1137, %get3A_1140 : vector<16xf32>
      %swap3A_1142 = arith.index_cast %squeeze3A : i32 to index
      %swap3A_1143 = arith.constant 0 : index
      %swap3A_1144 = tpu.vector_load %arg10[%swap3A_1142, %swap3A_1143] {strides = array<i32>} : memref<80x256xf32, #tpu.memory_space<vmem>>, vector<16xf32>,
      tpu.vector_store %arg10[%swap3A_1142, %swap3A_1143], %add3A_1141 {strides = array<i32>} : memref<80x256xf32, #tpu.memory_space<vmem>>, vector<16xf32>,
      %get3A_1145 = arith.index_cast %squeeze3A : i32 to index
      %get3A_1146 = arith.constant 16 : index
      %get3A_1147 = tpu.vector_load %arg10[%get3A_1145, %get3A_1146] {strides = array<i32>} : memref<80x256xf32, #tpu.memory_space<vmem>>, vector<16xf32>,
      %get3A_1148 = arith.index_cast %add3A_1134 : i32 to index
      %get3A_1149 = arith.constant 16 : index
      %get3A_1150 = tpu.vector_load %arg14[%get3A_1148, %get3A_1149] {strides = array<i32>} : memref<88x256xf32, #tpu.memory_space<vmem>>, vector<16xf32>,
      %add3A_1151 = arith.addf %get3A_1147, %get3A_1150 : vector<16xf32>
      %swap3A_1152 = arith.index_cast %squeeze3A : i32 to index
      %swap3A_1153 = arith.constant 16 : index
      %swap3A_1154 = tpu.vector_load %arg10[%swap3A_1152, %swap3A_1153] {strides = array<i32>} : memref<80x256xf32, #tpu.memory_space<vmem>>, vector<16xf32>,
      tpu.vector_store %arg10[%swap3A_1152, %swap3A_1153], %add3A_1151 {strides = array<i32>} : memref<80x256xf32, #tpu.memory_space<vmem>>, vector<16xf32>,
      %get3A_1155 = arith.index_cast %squeeze3A : i32 to index
      %get3A_1156 = arith.constant 32 : index
      %get3A_1157 = tpu.vector_load %arg10[%get3A_1155, %get3A_1156] {strides = array<i32>} : memref<80x256xf32, #tpu.memory_space<vmem>>, vector<16xf32>,
      %get3A_1158 = arith.index_cast %add3A_1134 : i32 to index
      %get3A_1159 = arith.constant 32 : index
      %get3A_1160 = tpu.vector_load %arg14[%get3A_1158, %get3A_1159] {strides = array<i32>} : memref<88x256xf32, #tpu.memory_space<vmem>>, vector<16xf32>,
      %add3A_1161 = arith.addf %get3A_1157, %get3A_1160 : vector<16xf32>
      %swap3A_1162 = arith.index_cast %squeeze3A : i32 to index
      %swap3A_1163 = arith.constant 32 : index
      %swap3A_1164 = tpu.vector_load %arg10[%swap3A_1162, %swap3A_1163] {strides = array<i32>} : memref<80x256xf32, #tpu.memory_space<vmem>>, vector<16xf32>,
      tpu.vector_store %arg10[%swap3A_1162, %swap3A_1163], %add3A_1161 {strides = array<i32>} : memref<80x256xf32, #tpu.memory_space<vmem>>, vector<16xf32>,
      %get3A_1165 = arith.index_cast %squeeze3A : i32 to index
      %get3A_1166 = arith.constant 48 : index
      %get3A_1167 = tpu.vector_load %arg10[%get3A_1165, %get3A_1166] {strides = array<i32>} : memref<80x256xf32, #tpu.memory_space<vmem>>, vector<16xf32>,
      %get3A_1168 = arith.index_cast %add3A_1134 : i32 to index
      %get3A_1169 = arith.constant 48 : index
      %get3A_1170 = tpu.vector_load %arg14[%get3A_1168, %get3A_1169] {strides = array<i32>} : memref<88x256xf32, #tpu.memory_space<vmem>>, vector<16xf32>,
      %add3A_1171 = arith.addf %get3A_1167, %get3A_1170 : vector<16xf32>
      %swap3A_1172 = arith.index_cast %squeeze3A : i32 to index
      %swap3A_1173 = arith.constant 48 : index
      %swap3A_1174 = tpu.vector_load %arg10[%swap3A_1172, %swap3A_1173] {strides = array<i32>} : memref<80x256xf32, #tpu.memory_space<vmem>>, vector<16xf32>,
      tpu.vector_store %arg10[%swap3A_1172, %swap3A_1173], %add3A_1171 {strides = array<i32>} : memref<80x256xf32, #tpu.memory_space<vmem>>, vector<16xf32>,
      %get3A_1175 = arith.index_cast %squeeze3A : i32 to index
      %get3A_1176 = arith.constant 64 : index
      %get3A_1177 = tpu.vector_load %arg10[%get3A_1175, %get3A_1176] {strides = array<i32>} : memref<80x256xf32, #tpu.memory_space<vmem>>, vector<16xf32>,
      %get3A_1178 = arith.index_cast %add3A_1134 : i32 to index
      %get3A_1179 = arith.constant 64 : index
      %get3A_1180 = tpu.vector_load %arg14[%get3A_1178, %get3A_1179] {strides = array<i32>} : memref<88x256xf32, #tpu.memory_space<vmem>>, vector<16xf32>,
      %add3A_1181 = arith.addf %get3A_1177, %get3A_1180 : vector<16xf32>
      %swap3A_1182 = arith.index_cast %squeeze3A : i32 to index
      %swap3A_1183 = arith.constant 64 : index
      %swap3A_1184 = tpu.vector_load %arg10[%swap3A_1182, %swap3A_1183] {strides = array<i32>} : memref<80x256xf32, #tpu.memory_space<vmem>>, vector<16xf32>,
      tpu.vector_store %arg10[%swap3A_1182, %swap3A_1183], %add3A_1181 {strides = array<i32>} : memref<80x256xf32, #tpu.memory_space<vmem>>, vector<16xf32>,
      %get3A_1185 = arith.index_cast %squeeze3A : i32 to index
      %get3A_1186 = arith.constant 80 : index
      %get3A_1187 = tpu.vector_load %arg10[%get3A_1185, %get3A_1186] {strides = array<i32>} : memref<80x256xf32, #tpu.memory_space<vmem>>, vector<16xf32>,
      %get3A_1188 = arith.index_cast %add3A_1134 : i32 to index
      %get3A_1189 = arith.constant 80 : index
      %get3A_1190 = tpu.vector_load %arg14[%get3A_1188, %get3A_1189] {strides = array<i32>} : memref<88x256xf32, #tpu.memory_space<vmem>>, vector<16xf32>,
      %add3A_1191 = arith.addf %get3A_1187, %get3A_1190 : vector<16xf32>
      %swap3A_1192 = arith.index_cast %squeeze3A : i32 to index
      %swap3A_1193 = arith.constant 80 : index
      %swap3A_1194 = tpu.vector_load %arg10[%swap3A_1192, %swap3A_1193] {strides = array<i32>} : memref<80x256xf32, #tpu.memory_space<vmem>>, vector<16xf32>,
      tpu.vector_store %arg10[%swap3A_1192, %swap3A_1193], %add3A_1191 {strides = array<i32>} : memref<80x256xf32, #tpu.memory_space<vmem>>, vector<16xf32>,
      %get3A_1195 = arith.index_cast %squeeze3A : i32 to index
      %get3A_1196 = arith.constant 96 : index
      %get3A_1197 = tpu.vector_load %arg10[%get3A_1195, %get3A_1196] {strides = array<i32>} : memref<80x256xf32, #tpu.memory_space<vmem>>, vector<16xf32>,
      %get3A_1198 = arith.index_cast %add3A_1134 : i32 to index
      %get3A_1199 = arith.constant 96 : index
      %get3A_1200 = tpu.vector_load %arg14[%get3A_1198, %get3A_1199] {strides = array<i32>} : memref<88x256xf32, #tpu.memory_space<vmem>>, vector<16xf32>,
      %add3A_1201 = arith.addf %get3A_1197, %get3A_1200 : vector<16xf32>
      %swap3A_1202 = arith.index_cast %squeeze3A : i32 to index
      %swap3A_1203 = arith.constant 96 : index
      %swap3A_1204 = tpu.vector_load %arg10[%swap3A_1202, %swap3A_1203] {strides = array<i32>} : memref<80x256xf32, #tpu.memory_space<vmem>>, vector<16xf32>,
      tpu.vector_store %arg10[%swap3A_1202, %swap3A_1203], %add3A_1201 {strides = array<i32>} : memref<80x256xf32, #tpu.memory_space<vmem>>, vector<16xf32>,
      %get3A_1205 = arith.index_cast %squeeze3A : i32 to index
      %get3A_1206 = arith.constant 112 : index
      %get3A_1207 = tpu.vector_load %arg10[%get3A_1205, %get3A_1206] {strides = array<i32>} : memref<80x256xf32, #tpu.memory_space<vmem>>, vector<16xf32>,
      %get3A_1208 = arith.index_cast %add3A_1134 : i32 to index
      %get3A_1209 = arith.constant 112 : index
      %get3A_1210 = tpu.vector_load %arg14[%get3A_1208, %get3A_1209] {strides = array<i32>} : memref<88x256xf32, #tpu.memory_space<vmem>>, vector<16xf32>,
      %add3A_1211 = arith.addf %get3A_1207, %get3A_1210 : vector<16xf32>
      %swap3A_1212 = arith.index_cast %squeeze3A : i32 to index
      %swap3A_1213 = arith.constant 112 : index
      %swap3A_1214 = tpu.vector_load %arg10[%swap3A_1212, %swap3A_1213] {strides = array<i32>} : memref<80x256xf32, #tpu.memory_space<vmem>>, vector<16xf32>,
      tpu.vector_store %arg10[%swap3A_1212, %swap3A_1213], %add3A_1211 {strides = array<i32>} : memref<80x256xf32, #tpu.memory_space<vmem>>, vector<16xf32>,
      %get3A_1215 = arith.index_cast %squeeze3A : i32 to index
      %get3A_1216 = arith.constant 128 : index
      %get3A_1217 = tpu.vector_load %arg10[%get3A_1215, %get3A_1216] {strides = array<i32>} : memref<80x256xf32, #tpu.memory_space<vmem>>, vector<16xf32>,
      %get3A_1218 = arith.index_cast %add3A_1134 : i32 to index
      %get3A_1219 = arith.constant 128 : index
      %get3A_1220 = tpu.vector_load %arg14[%get3A_1218, %get3A_1219] {strides = array<i32>} : memref<88x256xf32, #tpu.memory_space<vmem>>, vector<16xf32>,
      %add3A_1221 = arith.addf %get3A_1217, %get3A_1220 : vector<16xf32>
      %swap3A_1222 = arith.index_cast %squeeze3A : i32 to index
      %swap3A_1223 = arith.constant 128 : index
      %swap3A_1224 = tpu.vector_load %arg10[%swap3A_1222, %swap3A_1223] {strides = array<i32>} : memref<80x256xf32, #tpu.memory_space<vmem>>, vector<16xf32>,
      tpu.vector_store %arg10[%swap3A_1222, %swap3A_1223], %add3A_1221 {strides = array<i32>} : memref<80x256xf32, #tpu.memory_space<vmem>>, vector<16xf32>,
      %get3A_1225 = arith.index_cast %squeeze3A : i32 to index
      %get3A_1226 = arith.constant 144 : index
      %get3A_1227 = tpu.vector_load %arg10[%get3A_1225, %get3A_1226] {strides = array<i32>} : memref<80x256xf32, #tpu.memory_space<vmem>>, vector<16xf32>,
      %get3A_1228 = arith.index_cast %add3A_1134 : i32 to index
      %get3A_1229 = arith.constant 144 : index
      %get3A_1230 = tpu.vector_load %arg14[%get3A_1228, %get3A_1229] {strides = array<i32>} : memref<88x256xf32, #tpu.memory_space<vmem>>, vector<16xf32>,
      %add3A_1231 = arith.addf %get3A_1227, %get3A_1230 : vector<16xf32>
      %swap3A_1232 = arith.index_cast %squeeze3A : i32 to index
      %swap3A_1233 = arith.constant 144 : index
      %swap3A_1234 = tpu.vector_load %arg10[%swap3A_1232, %swap3A_1233] {strides = array<i32>} : memref<80x256xf32, #tpu.memory_space<vmem>>, vector<16xf32>,
      tpu.vector_store %arg10[%swap3A_1232, %swap3A_1233], %add3A_1231 {strides = array<i32>} : memref<80x256xf32, #tpu.memory_space<vmem>>, vector<16xf32>,
      %get3A_1235 = arith.index_cast %squeeze3A : i32 to index
      %get3A_1236 = arith.constant 160 : index
      %get3A_1237 = tpu.vector_load %arg10[%get3A_1235, %get3A_1236] {strides = array<i32>} : memref<80x256xf32, #tpu.memory_space<vmem>>, vector<16xf32>,
      %get3A_1238 = arith.index_cast %add3A_1134 : i32 to index
      %get3A_1239 = arith.constant 160 : index
      %get3A_1240 = tpu.vector_load %arg14[%get3A_1238, %get3A_1239] {strides = array<i32>} : memref<88x256xf32, #tpu.memory_space<vmem>>, vector<16xf32>,
      %add3A_1241 = arith.addf %get3A_1237, %get3A_1240 : vector<16xf32>
      %swap3A_1242 = arith.index_cast %squeeze3A : i32 to index
      %swap3A_1243 = arith.constant 160 : index
      %swap3A_1244 = tpu.vector_load %arg10[%swap3A_1242, %swap3A_1243] {strides = array<i32>} : memref<80x256xf32, #tpu.memory_space<vmem>>, vector<16xf32>,
      tpu.vector_store %arg10[%swap3A_1242, %swap3A_1243], %add3A_1241 {strides = array<i32>} : memref<80x256xf32, #tpu.memory_space<vmem>>, vector<16xf32>,
      %get3A_1245 = arith.index_cast %squeeze3A : i32 to index
      %get3A_1246 = arith.constant 176 : index
      %get3A_1247 = tpu.vector_load %arg10[%get3A_1245, %get3A_1246] {strides = array<i32>} : memref<80x256xf32, #tpu.memory_space<vmem>>, vector<16xf32>,
      %get3A_1248 = arith.index_cast %add3A_1134 : i32 to index
      %get3A_1249 = arith.constant 176 : index
      %get3A_1250 = tpu.vector_load %arg14[%get3A_1248, %get3A_1249] {strides = array<i32>} : memref<88x256xf32, #tpu.memory_space<vmem>>, vector<16xf32>,
      %add3A_1251 = arith.addf %get3A_1247, %get3A_1250 : vector<16xf32>
      %swap3A_1252 = arith.index_cast %squeeze3A : i32 to index
      %swap3A_1253 = arith.constant 176 : index
      %swap3A_1254 = tpu.vector_load %arg10[%swap3A_1252, %swap3A_1253] {strides = array<i32>} : memref<80x256xf32, #tpu.memory_space<vmem>>, vector<16xf32>,
      tpu.vector_store %arg10[%swap3A_1252, %swap3A_1253], %add3A_1251 {strides = array<i32>} : memref<80x256xf32, #tpu.memory_space<vmem>>, vector<16xf32>,
      %get3A_1255 = arith.index_cast %squeeze3A : i32 to index
      %get3A_1256 = arith.constant 192 : index
      %get3A_1257 = tpu.vector_load %arg10[%get3A_1255, %get3A_1256] {strides = array<i32>} : memref<80x256xf32, #tpu.memory_space<vmem>>, vector<16xf32>,
      %get3A_1258 = arith.index_cast %add3A_1134 : i32 to index
      %get3A_1259 = arith.constant 192 : index
      %get3A_1260 = tpu.vector_load %arg14[%get3A_1258, %get3A_1259] {strides = array<i32>} : memref<88x256xf32, #tpu.memory_space<vmem>>, vector<16xf32>,
      %add3A_1261 = arith.addf %get3A_1257, %get3A_1260 : vector<16xf32>
      %swap3A_1262 = arith.index_cast %squeeze3A : i32 to index
      %swap3A_1263 = arith.constant 192 : index
      %swap3A_1264 = tpu.vector_load %arg10[%swap3A_1262, %swap3A_1263] {strides = array<i32>} : memref<80x256xf32, #tpu.memory_space<vmem>>, vector<16xf32>,
      tpu.vector_store %arg10[%swap3A_1262, %swap3A_1263], %add3A_1261 {strides = array<i32>} : memref<80x256xf32, #tpu.memory_space<vmem>>, vector<16xf32>,
      %get3A_1265 = arith.index_cast %squeeze3A : i32 to index
      %get3A_1266 = arith.constant 208 : index
      %get3A_1267 = tpu.vector_load %arg10[%get3A_1265, %get3A_1266] {strides = array<i32>} : memref<80x256xf32, #tpu.memory_space<vmem>>, vector<16xf32>,
      %get3A_1268 = arith.index_cast %add3A_1134 : i32 to index
      %get3A_1269 = arith.constant 208 : index
      %get3A_1270 = tpu.vector_load %arg14[%get3A_1268, %get3A_1269] {strides = array<i32>} : memref<88x256xf32, #tpu.memory_space<vmem>>, vector<16xf32>,
      %add3A_1271 = arith.addf %get3A_1267, %get3A_1270 : vector<16xf32>
      %swap3A_1272 = arith.index_cast %squeeze3A : i32 to index
      %swap3A_1273 = arith.constant 208 : index
      %swap3A_1274 = tpu.vector_load %arg10[%swap3A_1272, %swap3A_1273] {strides = array<i32>} : memref<80x256xf32, #tpu.memory_space<vmem>>, vector<16xf32>,
      tpu.vector_store %arg10[%swap3A_1272, %swap3A_1273], %add3A_1271 {strides = array<i32>} : memref<80x256xf32, #tpu.memory_space<vmem>>, vector<16xf32>,
      %get3A_1275 = arith.index_cast %squeeze3A : i32 to index
      %get3A_1276 = arith.constant 224 : index
      %get3A_1277 = tpu.vector_load %arg10[%get3A_1275, %get3A_1276] {strides = array<i32>} : memref<80x256xf32, #tpu.memory_space<vmem>>, vector<16xf32>,
      %get3A_1278 = arith.index_cast %add3A_1134 : i32 to index
      %get3A_1279 = arith.constant 224 : index
      %get3A_1280 = tpu.vector_load %arg14[%get3A_1278, %get3A_1279] {strides = array<i32>} : memref<88x256xf32, #tpu.memory_space<vmem>>, vector<16xf32>,
      %add3A_1281 = arith.addf %get3A_1277, %get3A_1280 : vector<16xf32>
      %swap3A_1282 = arith.index_cast %squeeze3A : i32 to index
      %swap3A_1283 = arith.constant 224 : index
      %swap3A_1284 = tpu.vector_load %arg10[%swap3A_1282, %swap3A_1283] {strides = array<i32>} : memref<80x256xf32, #tpu.memory_space<vmem>>, vector<16xf32>,
      tpu.vector_store %arg10[%swap3A_1282, %swap3A_1283], %add3A_1281 {strides = array<i32>} : memref<80x256xf32, #tpu.memory_space<vmem>>, vector<16xf32>,
      %get3A_1285 = arith.index_cast %squeeze3A : i32 to index
      %get3A_1286 = arith.constant 240 : index
      %get3A_1287 = tpu.vector_load %arg10[%get3A_1285, %get3A_1286] {strides = array<i32>} : memref<80x256xf32, #tpu.memory_space<vmem>>, vector<16xf32>,
      %get3A_1288 = arith.index_cast %add3A_1134 : i32 to index
      %get3A_1289 = arith.constant 240 : index
      %get3A_1290 = tpu.vector_load %arg14[%get3A_1288, %get3A_1289] {strides = array<i32>} : memref<88x256xf32, #tpu.memory_space<vmem>>, vector<16xf32>,
      %add3A_1291 = arith.addf %get3A_1287, %get3A_1290 : vector<16xf32>
      %swap3A_1292 = arith.index_cast %squeeze3A : i32 to index
      %swap3A_1293 = arith.constant 240 : index
      %swap3A_1294 = tpu.vector_load %arg10[%swap3A_1292, %swap3A_1293] {strides = array<i32>} : memref<80x256xf32, #tpu.memory_space<vmem>>, vector<16xf32>,
      tpu.vector_store %arg10[%swap3A_1292, %swap3A_1293], %add3A_1291 {strides = array<i32>} : memref<80x256xf32, #tpu.memory_space<vmem>>, vector<16xf32>,
      %while3A_1295 = arith.constant 0 : i32
      scf.yield %while3A_1295 : i32
    }
    %while3A_898 = arith.constant 1 : i32
    %while3A_899 = scf.for %while3A_1128 = %while3A_895 to %while3A_891 step %while3A_898 iter_args(%while3A_1129 = %while3A_897) -> (i32)  : i32 {
      %add3A_1130 = arith.constant 0 : i32
      %add3A_1131 = arith.addi %add3A_1130, %while3A_1128 : i32
      %get3A_1132 = arith.index_cast %add3A_1131 : i32 to index
      %get3A_1133 = tpu.vector_load %arg9[%get3A_1132] {strides = array<i32>} : memref<336xi32, #tpu.memory_space<vmem>>, vector<16xi32>,
      %slice3A = vector.extract_strided_slice %get3A_1133 {offsets = [0], sizes = [1], strides = [1]} : vector<16xi32> to vector<1xi32>
      %squeeze3A = vector.extract %slice3A[0] : i32 from vector<1xi32>
      %add3A_1134 = arith.addi %sub3A_237, %while3A_1128 : i32
      %get3A_1135 = arith.index_cast %squeeze3A : i32 to index
      %get3A_1136 = arith.constant 0 : index
      %get3A_1137 = tpu.vector_load %arg10[%get3A_1135, %get3A_1136] {strides = array<i32>} : memref<80x256xf32, #tpu.memory_space<vmem>>, vector<16xf32>,
      %get3A_1138 = arith.index_cast %add3A_1134 : i32 to index
      %get3A_1139 = arith.constant 0 : index
      %get3A_1140 = tpu.vector_load %arg14[%get3A_1138, %get3A_1139] {strides = array<i32>} : memref<88x256xf32, #tpu.memory_space<vmem>>, vector<16xf32>,
      %add3A_1141 = arith.addf %get3A_1137, %get3A_1140 : vector<16xf32>
      %swap3A_1142 = arith.index_cast %squeeze3A : i32 to index
      %swap3A_1143 = arith.constant 0 : index
      %swap3A_1144 = tpu.vector_load %arg10[%swap3A_1142, %swap3A_1143] {strides = array<i32>} : memref<80x256xf32, #tpu.memory_space<vmem>>, vector<16xf32>,
      tpu.vector_store %arg10[%swap3A_1142, %swap3A_1143], %add3A_1141 {strides = array<i32>} : memref<80x256xf32, #tpu.memory_space<vmem>>, vector<16xf32>,
      %get3A_1145 = arith.index_cast %squeeze3A : i32 to index
      %get3A_1146 = arith.constant 16 : index
      %get3A_1147 = tpu.vector_load %arg10[%get3A_1145, %get3A_1146] {strides = array<i32>} : memref<80x256xf32, #tpu.memory_space<vmem>>, vector<16xf32>,
      %get3A_1148 = arith.index_cast %add3A_1134 : i32 to index
      %get3A_1149 = arith.constant 16 : index
      %get3A_1150 = tpu.vector_load %arg14[%get3A_1148, %get3A_1149] {strides = array<i32>} : memref<88x256xf32, #tpu.memory_space<vmem>>, vector<16xf32>,
      %add3A_1151 = arith.addf %get3A_1147, %get3A_1150 : vector<16xf32>
      %swap3A_1152 = arith.index_cast %squeeze3A : i32 to index
      %swap3A_1153 = arith.constant 16 : index
      %swap3A_1154 = tpu.vector_load %arg10[%swap3A_1152, %swap3A_1153] {strides = array<i32>} : memref<80x256xf32, #tpu.memory_space<vmem>>, vector<16xf32>,
      tpu.vector_store %arg10[%swap3A_1152, %swap3A_1153], %add3A_1151 {strides = array<i32>} : memref<80x256xf32, #tpu.memory_space<vmem>>, vector<16xf32>,
      %get3A_1155 = arith.index_cast %squeeze3A : i32 to index
      %get3A_1156 = arith.constant 32 : index
      %get3A_1157 = tpu.vector_load %arg10[%get3A_1155, %get3A_1156] {strides = array<i32>} : memref<80x256xf32, #tpu.memory_space<vmem>>, vector<16xf32>,
      %get3A_1158 = arith.index_cast %add3A_1134 : i32 to index
      %get3A_1159 = arith.constant 32 : index
      %get3A_1160 = tpu.vector_load %arg14[%get3A_1158, %get3A_1159] {strides = array<i32>} : memref<88x256xf32, #tpu.memory_space<vmem>>, vector<16xf32>,
      %add3A_1161 = arith.addf %get3A_1157, %get3A_1160 : vector<16xf32>
      %swap3A_1162 = arith.index_cast %squeeze3A : i32 to index
      %swap3A_1163 = arith.constant 32 : index
      %swap3A_1164 = tpu.vector_load %arg10[%swap3A_1162, %swap3A_1163] {strides = array<i32>} : memref<80x256xf32, #tpu.memory_space<vmem>>, vector<16xf32>,
      tpu.vector_store %arg10[%swap3A_1162, %swap3A_1163], %add3A_1161 {strides = array<i32>} : memref<80x256xf32, #tpu.memory_space<vmem>>, vector<16xf32>,
      %get3A_1165 = arith.index_cast %squeeze3A : i32 to index
      %get3A_1166 = arith.constant 48 : index
      %get3A_1167 = tpu.vector_load %arg10[%get3A_1165, %get3A_1166] {strides = array<i32>} : memref<80x256xf32, #tpu.memory_space<vmem>>, vector<16xf32>,
      %get3A_1168 = arith.index_cast %add3A_1134 : i32 to index
      %get3A_1169 = arith.constant 48 : index
      %get3A_1170 = tpu.vector_load %arg14[%get3A_1168, %get3A_1169] {strides = array<i32>} : memref<88x256xf32, #tpu.memory_space<vmem>>, vector<16xf32>,
      %add3A_1171 = arith.addf %get3A_1167, %get3A_1170 : vector<16xf32>
      %swap3A_1172 = arith.index_cast %squeeze3A : i32 to index
      %swap3A_1173 = arith.constant 48 : index
      %swap3A_1174 = tpu.vector_load %arg10[%swap3A_1172, %swap3A_1173] {strides = array<i32>} : memref<80x256xf32, #tpu.memory_space<vmem>>, vector<16xf32>,
      tpu.vector_store %arg10[%swap3A_1172, %swap3A_1173], %add3A_1171 {strides = array<i32>} : memref<80x256xf32, #tpu.memory_space<vmem>>, vector<16xf32>,
      %get3A_1175 = arith.index_cast %squeeze3A : i32 to index
      %get3A_1176 = arith.constant 64 : index
      %get3A_1177 = tpu.vector_load %arg10[%get3A_1175, %get3A_1176] {strides = array<i32>} : memref<80x256xf32, #tpu.memory_space<vmem>>, vector<16xf32>,
      %get3A_1178 = arith.index_cast %add3A_1134 : i32 to index
      %get3A_1179 = arith.constant 64 : index
      %get3A_1180 = tpu.vector_load %arg14[%get3A_1178, %get3A_1179] {strides = array<i32>} : memref<88x256xf32, #tpu.memory_space<vmem>>, vector<16xf32>,
      %add3A_1181 = arith.addf %get3A_1177, %get3A_1180 : vector<16xf32>
      %swap3A_1182 = arith.index_cast %squeeze3A : i32 to index
      %swap3A_1183 = arith.constant 64 : index
      %swap3A_1184 = tpu.vector_load %arg10[%swap3A_1182, %swap3A_1183] {strides = array<i32>} : memref<80x256xf32, #tpu.memory_space<vmem>>, vector<16xf32>,
      tpu.vector_store %arg10[%swap3A_1182, %swap3A_1183], %add3A_1181 {strides = array<i32>} : memref<80x256xf32, #tpu.memory_space<vmem>>, vector<16xf32>,
      %get3A_1185 = arith.index_cast %squeeze3A : i32 to index
      %get3A_1186 = arith.constant 80 : index
      %get3A_1187 = tpu.vector_load %arg10[%get3A_1185, %get3A_1186] {strides = array<i32>} : memref<80x256xf32, #tpu.memory_space<vmem>>, vector<16xf32>,
      %get3A_1188 = arith.index_cast %add3A_1134 : i32 to index
      %get3A_1189 = arith.constant 80 : index
      %get3A_1190 = tpu.vector_load %arg14[%get3A_1188, %get3A_1189] {strides = array<i32>} : memref<88x256xf32, #tpu.memory_space<vmem>>, vector<16xf32>,
      %add3A_1191 = arith.addf %get3A_1187, %get3A_1190 : vector<16xf32>
      %swap3A_1192 = arith.index_cast %squeeze3A : i32 to index
      %swap3A_1193 = arith.constant 80 : index
      %swap3A_1194 = tpu.vector_load %arg10[%swap3A_1192, %swap3A_1193] {strides = array<i32>} : memref<80x256xf32, #tpu.memory_space<vmem>>, vector<16xf32>,
      tpu.vector_store %arg10[%swap3A_1192, %swap3A_1193], %add3A_1191 {strides = array<i32>} : memref<80x256xf32, #tpu.memory_space<vmem>>, vector<16xf32>,
      %get3A_1195 = arith.index_cast %squeeze3A : i32 to index
      %get3A_1196 = arith.constant 96 : index
      %get3A_1197 = tpu.vector_load %arg10[%get3A_1195, %get3A_1196] {strides = array<i32>} : memref<80x256xf32, #tpu.memory_space<vmem>>, vector<16xf32>,
      %get3A_1198 = arith.index_cast %add3A_1134 : i32 to index
      %get3A_1199 = arith.constant 96 : index
      %get3A_1200 = tpu.vector_load %arg14[%get3A_1198, %get3A_1199] {strides = array<i32>} : memref<88x256xf32, #tpu.memory_space<vmem>>, vector<16xf32>,
      %add3A_1201 = arith.addf %get3A_1197, %get3A_1200 : vector<16xf32>
      %swap3A_1202 = arith.index_cast %squeeze3A : i32 to index
      %swap3A_1203 = arith.constant 96 : index
      %swap3A_1204 = tpu.vector_load %arg10[%swap3A_1202, %swap3A_1203] {strides = array<i32>} : memref<80x256xf32, #tpu.memory_space<vmem>>, vector<16xf32>,
      tpu.vector_store %arg10[%swap3A_1202, %swap3A_1203], %add3A_1201 {strides = array<i32>} : memref<80x256xf32, #tpu.memory_space<vmem>>, vector<16xf32>,
      %get3A_1205 = arith.index_cast %squeeze3A : i32 to index
      %get3A_1206 = arith.constant 112 : index
      %get3A_1207 = tpu.vector_load %arg10[%get3A_1205, %get3A_1206] {strides = array<i32>} : memref<80x256xf32, #tpu.memory_space<vmem>>, vector<16xf32>,
      %get3A_1208 = arith.index_cast %add3A_1134 : i32 to index
      %get3A_1209 = arith.constant 112 : index
      %get3A_1210 = tpu.vector_load %arg14[%get3A_1208, %get3A_1209] {strides = array<i32>} : memref<88x256xf32, #tpu.memory_space<vmem>>, vector<16xf32>,
      %add3A_1211 = arith.addf %get3A_1207, %get3A_1210 : vector<16xf32>
      %swap3A_1212 = arith.index_cast %squeeze3A : i32 to index
      %swap3A_1213 = arith.constant 112 : index
      %swap3A_1214 = tpu.vector_load %arg10[%swap3A_1212, %swap3A_1213] {strides = array<i32>} : memref<80x256xf32, #tpu.memory_space<vmem>>, vector<16xf32>,
      tpu.vector_store %arg10[%swap3A_1212, %swap3A_1213], %add3A_1211 {strides = array<i32>} : memref<80x256xf32, #tpu.memory_space<vmem>>, vector<16xf32>,
      %get3A_1215 = arith.index_cast %squeeze3A : i32 to index
      %get3A_1216 = arith.constant 128 : index
      %get3A_1217 = tpu.vector_load %arg10[%get3A_1215, %get3A_1216] {strides = array<i32>} : memref<80x256xf32, #tpu.memory_space<vmem>>, vector<16xf32>,
      %get3A_1218 = arith.index_cast %add3A_1134 : i32 to index
      %get3A_1219 = arith.constant 128 : index
      %get3A_1220 = tpu.vector_load %arg14[%get3A_1218, %get3A_1219] {strides = array<i32>} : memref<88x256xf32, #tpu.memory_space<vmem>>, vector<16xf32>,
      %add3A_1221 = arith.addf %get3A_1217, %get3A_1220 : vector<16xf32>
      %swap3A_1222 = arith.index_cast %squeeze3A : i32 to index
      %swap3A_1223 = arith.constant 128 : index
      %swap3A_1224 = tpu.vector_load %arg10[%swap3A_1222, %swap3A_1223] {strides = array<i32>} : memref<80x256xf32, #tpu.memory_space<vmem>>, vector<16xf32>,
      tpu.vector_store %arg10[%swap3A_1222, %swap3A_1223], %add3A_1221 {strides = array<i32>} : memref<80x256xf32, #tpu.memory_space<vmem>>, vector<16xf32>,
      %get3A_1225 = arith.index_cast %squeeze3A : i32 to index
      %get3A_1226 = arith.constant 144 : index
      %get3A_1227 = tpu.vector_load %arg10[%get3A_1225, %get3A_1226] {strides = array<i32>} : memref<80x256xf32, #tpu.memory_space<vmem>>, vector<16xf32>,
      %get3A_1228 = arith.index_cast %add3A_1134 : i32 to index
      %get3A_1229 = arith.constant 144 : index
      %get3A_1230 = tpu.vector_load %arg14[%get3A_1228, %get3A_1229] {strides = array<i32>} : memref<88x256xf32, #tpu.memory_space<vmem>>, vector<16xf32>,
      %add3A_1231 = arith.addf %get3A_1227, %get3A_1230 : vector<16xf32>
      %swap3A_1232 = arith.index_cast %squeeze3A : i32 to index
      %swap3A_1233 = arith.constant 144 : index
      %swap3A_1234 = tpu.vector_load %arg10[%swap3A_1232, %swap3A_1233] {strides = array<i32>} : memref<80x256xf32, #tpu.memory_space<vmem>>, vector<16xf32>,
      tpu.vector_store %arg10[%swap3A_1232, %swap3A_1233], %add3A_1231 {strides = array<i32>} : memref<80x256xf32, #tpu.memory_space<vmem>>, vector<16xf32>,
      %get3A_1235 = arith.index_cast %squeeze3A : i32 to index
      %get3A_1236 = arith.constant 160 : index
      %get3A_1237 = tpu.vector_load %arg10[%get3A_1235, %get3A_1236] {strides = array<i32>} : memref<80x256xf32, #tpu.memory_space<vmem>>, vector<16xf32>,
      %get3A_1238 = arith.index_cast %add3A_1134 : i32 to index
      %get3A_1239 = arith.constant 160 : index
      %get3A_1240 = tpu.vector_load %arg14[%get3A_1238, %get3A_1239] {strides = array<i32>} : memref<88x256xf32, #tpu.memory_space<vmem>>, vector<16xf32>,
      %add3A_1241 = arith.addf %get3A_1237, %get3A_1240 : vector<16xf32>
      %swap3A_1242 = arith.index_cast %squeeze3A : i32 to index
      %swap3A_1243 = arith.constant 160 : index
      %swap3A_1244 = tpu.vector_load %arg10[%swap3A_1242, %swap3A_1243] {strides = array<i32>} : memref<80x256xf32, #tpu.memory_space<vmem>>, vector<16xf32>,
      tpu.vector_store %arg10[%swap3A_1242, %swap3A_1243], %add3A_1241 {strides = array<i32>} : memref<80x256xf32, #tpu.memory_space<vmem>>, vector<16xf32>,
      %get3A_1245 = arith.index_cast %squeeze3A : i32 to index
      %get3A_1246 = arith.constant 176 : index
      %get3A_1247 = tpu.vector_load %arg10[%get3A_1245, %get3A_1246] {strides = array<i32>} : memref<80x256xf32, #tpu.memory_space<vmem>>, vector<16xf32>,
      %get3A_1248 = arith.index_cast %add3A_1134 : i32 to index
      %get3A_1249 = arith.constant 176 : index
      %get3A_1250 = tpu.vector_load %arg14[%get3A_1248, %get3A_1249] {strides = array<i32>} : memref<88x256xf32, #tpu.memory_space<vmem>>, vector<16xf32>,
      %add3A_1251 = arith.addf %get3A_1247, %get3A_1250 : vector<16xf32>
      %swap3A_1252 = arith.index_cast %squeeze3A : i32 to index
      %swap3A_1253 = arith.constant 176 : index
      %swap3A_1254 = tpu.vector_load %arg10[%swap3A_1252, %swap3A_1253] {strides = array<i32>} : memref<80x256xf32, #tpu.memory_space<vmem>>, vector<16xf32>,
      tpu.vector_store %arg10[%swap3A_1252, %swap3A_1253], %add3A_1251 {strides = array<i32>} : memref<80x256xf32, #tpu.memory_space<vmem>>, vector<16xf32>,
      %get3A_1255 = arith.index_cast %squeeze3A : i32 to index
      %get3A_1256 = arith.constant 192 : index
      %get3A_1257 = tpu.vector_load %arg10[%get3A_1255, %get3A_1256] {strides = array<i32>} : memref<80x256xf32, #tpu.memory_space<vmem>>, vector<16xf32>,
      %get3A_1258 = arith.index_cast %add3A_1134 : i32 to index
      %get3A_1259 = arith.constant 192 : index
      %get3A_1260 = tpu.vector_load %arg14[%get3A_1258, %get3A_1259] {strides = array<i32>} : memref<88x256xf32, #tpu.memory_space<vmem>>, vector<16xf32>,
      %add3A_1261 = arith.addf %get3A_1257, %get3A_1260 : vector<16xf32>
      %swap3A_1262 = arith.index_cast %squeeze3A : i32 to index
      %swap3A_1263 = arith.constant 192 : index
      %swap3A_1264 = tpu.vector_load %arg10[%swap3A_1262, %swap3A_1263] {strides = array<i32>} : memref<80x256xf32, #tpu.memory_space<vmem>>, vector<16xf32>,
      tpu.vector_store %arg10[%swap3A_1262, %swap3A_1263], %add3A_1261 {strides = array<i32>} : memref<80x256xf32, #tpu.memory_space<vmem>>, vector<16xf32>,
      %get3A_1265 = arith.index_cast %squeeze3A : i32 to index
      %get3A_1266 = arith.constant 208 : index
      %get3A_1267 = tpu.vector_load %arg10[%get3A_1265, %get3A_1266] {strides = array<i32>} : memref<80x256xf32, #tpu.memory_space<vmem>>, vector<16xf32>,
      %get3A_1268 = arith.index_cast %add3A_1134 : i32 to index
      %get3A_1269 = arith.constant 208 : index
      %get3A_1270 = tpu.vector_load %arg14[%get3A_1268, %get3A_1269] {strides = array<i32>} : memref<88x256xf32, #tpu.memory_space<vmem>>, vector<16xf32>,
      %add3A_1271 = arith.addf %get3A_1267, %get3A_1270 : vector<16xf32>
      %swap3A_1272 = arith.index_cast %squeeze3A : i32 to index
      %swap3A_1273 = arith.constant 208 : index
      %swap3A_1274 = tpu.vector_load %arg10[%swap3A_1272, %swap3A_1273] {strides = array<i32>} : memref<80x256xf32, #tpu.memory_space<vmem>>, vector<16xf32>,
      tpu.vector_store %arg10[%swap3A_1272, %swap3A_1273], %add3A_1271 {strides = array<i32>} : memref<80x256xf32, #tpu.memory_space<vmem>>, vector<16xf32>,
      %get3A_1275 = arith.index_cast %squeeze3A : i32 to index
      %get3A_1276 = arith.constant 224 : index
      %get3A_1277 = tpu.vector_load %arg10[%get3A_1275, %get3A_1276] {strides = array<i32>} : memref<80x256xf32, #tpu.memory_space<vmem>>, vector<16xf32>,
      %get3A_1278 = arith.index_cast %add3A_1134 : i32 to index
      %get3A_1279 = arith.constant 224 : index
      %get3A_1280 = tpu.vector_load %arg14[%get3A_1278, %get3A_1279] {strides = array<i32>} : memref<88x256xf32, #tpu.memory_space<vmem>>, vector<16xf32>,
      %add3A_1281 = arith.addf %get3A_1277, %get3A_1280 : vector<16xf32>
      %swap3A_1282 = arith.index_cast %squeeze3A : i32 to index
      %swap3A_1283 = arith.constant 224 : index
      %swap3A_1284 = tpu.vector_load %arg10[%swap3A_1282, %swap3A_1283] {strides = array<i32>} : memref<80x256xf32, #tpu.memory_space<vmem>>, vector<16xf32>,
      tpu.vector_store %arg10[%swap3A_1282, %swap3A_1283], %add3A_1281 {strides = array<i32>} : memref<80x256xf32, #tpu.memory_space<vmem>>, vector<16xf32>,
      %get3A_1285 = arith.index_cast %squeeze3A : i32 to index
      %get3A_1286 = arith.constant 240 : index
      %get3A_1287 = tpu.vector_load %arg10[%get3A_1285, %get3A_1286] {strides = array<i32>} : memref<80x256xf32, #tpu.memory_space<vmem>>, vector<16xf32>,
      %get3A_1288 = arith.index_cast %add3A_1134 : i32 to index
      %get3A_1289 = arith.constant 240 : index
      %get3A_1290 = tpu.vector_load %arg14[%get3A_1288, %get3A_1289] {strides = array<i32>} : memref<88x256xf32, #tpu.memory_space<vmem>>, vector<16xf32>,
      %add3A_1291 = arith.addf %get3A_1287, %get3A_1290 : vector<16xf32>
      %swap3A_1292 = arith.index_cast %squeeze3A : i32 to index
      %swap3A_1293 = arith.constant 240 : index
      %swap3A_1294 = tpu.vector_load %arg10[%swap3A_1292, %swap3A_1293] {strides = array<i32>} : memref<80x256xf32, #tpu.memory_space<vmem>>, vector<16xf32>,
      tpu.vector_store %arg10[%swap3A_1292, %swap3A_1293], %add3A_1291 {strides = array<i32>} : memref<80x256xf32, #tpu.memory_space<vmem>>, vector<16xf32>,
      %while3A_1295 = arith.constant 0 : i32
      scf.yield %while3A_1295 : i32
    }
    "tpu.trace_stop"() : () -> ()
    %add3A_900 = arith.constant 0 : i32
    %add3A_901 = arith.addi %multiple_of3A, %add3A_900 : i32
    %dma_start3A_902 = arith.constant 0 : i32
    %dma_start3A_903 = tpu.memref_slice %arg6[%add3A_901, %dma_start3A_902] : memref<10000x256xf32, #tpu.memory_space<hbm>> -> memref<80x256xf32, #tpu.memory_space<hbm>>
    %dma_start3A_904 = arith.constant 0 : i32
    %dma_start3A_905 = tpu.memref_slice %arg6[%add3A_901, %dma_start3A_904] : memref<10000x256xf32, #tpu.memory_space<hbm>> -> memref<80x256xf32, #tpu.memory_space<hbm>>
    tpu.enqueue_dma source(%arg10 : memref<80x256xf32, #tpu.memory_space<vmem>>) target(%dma_start3A_905 : memref<80x256xf32, #tpu.memory_space<hbm>>) target_semaphore(%arg20 : memref<!tpu.dma_semaphore, #tpu.memory_space<semaphore_mem>>)
    %dma_start3A_906 = arith.constant 0 : i32
    %dma_start3A_907 = tpu.memref_slice %arg5[%multiple_of3A_392, %dma_start3A_906] : memref<10000x256xf32, #tpu.memory_space<hbm>> -> memref<88x256xf32, #tpu.memory_space<hbm>>
    %dma_start3A_908 = arith.constant 0 : i32
    %dma_start3A_909 = tpu.memref_slice %arg5[%multiple_of3A_392, %dma_start3A_908] : memref<10000x256xf32, #tpu.memory_space<hbm>> -> memref<88x256xf32, #tpu.memory_space<hbm>>
    tpu.enqueue_dma source(%dma_start3A_909 : memref<88x256xf32, #tpu.memory_space<hbm>>) target(%arg14 : memref<88x256xf32, #tpu.memory_space<vmem>>) target_semaphore(%arg19 : memref<!tpu.dma_semaphore, #tpu.memory_space<semaphore_mem>>)
    "tpu.trace_start"() <{level = 10 : i32, message = "nk_wait"}> : () -> ()
    %dma_wait3A_910 = arith.constant 0 : i32
    %dma_wait3A_911 = arith.constant 0 : i32
    %dma_wait3A_912 = tpu.memref_slice %arg11[%dma_wait3A_910, %dma_wait3A_911] : memref<80x256xf32, #tpu.memory_space<vmem>> -> memref<16x256xf32, #tpu.memory_space<vmem>>
    %dma_wait3A_913 = arith.constant 80 : i32
    %dma_wait3A_914 = tpu.memref_slice %arg7[%dma_wait3A_913] : memref<320xi32, #tpu.memory_space<vmem>> -> memref<16xi32, #tpu.memory_space<vmem>>
    %dma_wait3A_915 = arith.constant 0 : i32
    %dma_wait3A_916 = arith.constant 0 : i32
    %dma_wait3A_917 = tpu.memref_slice %arg4[%dma_wait3A_915, %dma_wait3A_916] : memref<100000x256xf32, #tpu.memory_space<hbm>> -> memref<100000x256xf32, #tpu.memory_space<hbm>>
    tpu.wait_indirect_dma semaphore(%arg16 : memref<!tpu.dma_semaphore, #tpu.memory_space<semaphore_mem>>) src(%dma_wait3A_917 : memref<100000x256xf32, #tpu.memory_space<hbm>>) dst(%dma_wait3A_912 : memref<16x256xf32, #tpu.memory_space<vmem>>)
    %dma_wait3A_918 = arith.constant 16 : i32
    %dma_wait3A_919 = arith.constant 0 : i32
    %dma_wait3A_920 = tpu.memref_slice %arg11[%dma_wait3A_918, %dma_wait3A_919] : memref<80x256xf32, #tpu.memory_space<vmem>> -> memref<16x256xf32, #tpu.memory_space<vmem>>
    %dma_wait3A_921 = arith.constant 96 : i32
    %dma_wait3A_922 = tpu.memref_slice %arg7[%dma_wait3A_921] : memref<320xi32, #tpu.memory_space<vmem>> -> memref<16xi32, #tpu.memory_space<vmem>>
    %dma_wait3A_923 = arith.constant 0 : i32
    %dma_wait3A_924 = arith.constant 0 : i32
    %dma_wait3A_925 = tpu.memref_slice %arg4[%dma_wait3A_923, %dma_wait3A_924] : memref<100000x256xf32, #tpu.memory_space<hbm>> -> memref<100000x256xf32, #tpu.memory_space<hbm>>
    tpu.wait_indirect_dma semaphore(%arg16 : memref<!tpu.dma_semaphore, #tpu.memory_space<semaphore_mem>>) src(%dma_wait3A_925 : memref<100000x256xf32, #tpu.memory_space<hbm>>) dst(%dma_wait3A_920 : memref<16x256xf32, #tpu.memory_space<vmem>>)
    %dma_wait3A_926 = arith.constant 32 : i32
    %dma_wait3A_927 = arith.constant 0 : i32
    %dma_wait3A_928 = tpu.memref_slice %arg11[%dma_wait3A_926, %dma_wait3A_927] : memref<80x256xf32, #tpu.memory_space<vmem>> -> memref<16x256xf32, #tpu.memory_space<vmem>>
    %dma_wait3A_929 = arith.constant 112 : i32
    %dma_wait3A_930 = tpu.memref_slice %arg7[%dma_wait3A_929] : memref<320xi32, #tpu.memory_space<vmem>> -> memref<16xi32, #tpu.memory_space<vmem>>
    %dma_wait3A_931 = arith.constant 0 : i32
    %dma_wait3A_932 = arith.constant 0 : i32
    %dma_wait3A_933 = tpu.memref_slice %arg4[%dma_wait3A_931, %dma_wait3A_932] : memref<100000x256xf32, #tpu.memory_space<hbm>> -> memref<100000x256xf32, #tpu.memory_space<hbm>>
    tpu.wait_indirect_dma semaphore(%arg16 : memref<!tpu.dma_semaphore, #tpu.memory_space<semaphore_mem>>) src(%dma_wait3A_933 : memref<100000x256xf32, #tpu.memory_space<hbm>>) dst(%dma_wait3A_928 : memref<16x256xf32, #tpu.memory_space<vmem>>)
    %dma_wait3A_934 = arith.constant 48 : i32
    %dma_wait3A_935 = arith.constant 0 : i32
    %dma_wait3A_936 = tpu.memref_slice %arg11[%dma_wait3A_934, %dma_wait3A_935] : memref<80x256xf32, #tpu.memory_space<vmem>> -> memref<16x256xf32, #tpu.memory_space<vmem>>
    %dma_wait3A_937 = arith.constant 128 : i32
    %dma_wait3A_938 = tpu.memref_slice %arg7[%dma_wait3A_937] : memref<320xi32, #tpu.memory_space<vmem>> -> memref<16xi32, #tpu.memory_space<vmem>>
    %dma_wait3A_939 = arith.constant 0 : i32
    %dma_wait3A_940 = arith.constant 0 : i32
    %dma_wait3A_941 = tpu.memref_slice %arg4[%dma_wait3A_939, %dma_wait3A_940] : memref<100000x256xf32, #tpu.memory_space<hbm>> -> memref<100000x256xf32, #tpu.memory_space<hbm>>
    tpu.wait_indirect_dma semaphore(%arg16 : memref<!tpu.dma_semaphore, #tpu.memory_space<semaphore_mem>>) src(%dma_wait3A_941 : memref<100000x256xf32, #tpu.memory_space<hbm>>) dst(%dma_wait3A_936 : memref<16x256xf32, #tpu.memory_space<vmem>>)
    %dma_wait3A_942 = arith.constant 64 : i32
    %dma_wait3A_943 = arith.constant 0 : i32
    %dma_wait3A_944 = tpu.memref_slice %arg11[%dma_wait3A_942, %dma_wait3A_943] : memref<80x256xf32, #tpu.memory_space<vmem>> -> memref<16x256xf32, #tpu.memory_space<vmem>>
    %dma_wait3A_945 = arith.constant 144 : i32
    %dma_wait3A_946 = tpu.memref_slice %arg7[%dma_wait3A_945] : memref<320xi32, #tpu.memory_space<vmem>> -> memref<16xi32, #tpu.memory_space<vmem>>
    %dma_wait3A_947 = arith.constant 0 : i32
    %dma_wait3A_948 = arith.constant 0 : i32
    %dma_wait3A_949 = tpu.memref_slice %arg4[%dma_wait3A_947, %dma_wait3A_948] : memref<100000x256xf32, #tpu.memory_space<hbm>> -> memref<100000x256xf32, #tpu.memory_space<hbm>>
    tpu.wait_indirect_dma semaphore(%arg16 : memref<!tpu.dma_semaphore, #tpu.memory_space<semaphore_mem>>) src(%dma_wait3A_949 : memref<100000x256xf32, #tpu.memory_space<hbm>>) dst(%dma_wait3A_944 : memref<16x256xf32, #tpu.memory_space<vmem>>)
    %dma_wait3A_950 = arith.constant 0 : i32
    %dma_wait3A_951 = tpu.memref_slice %arg5[%multiple_of3A_392, %dma_wait3A_950] : memref<10000x256xf32, #tpu.memory_space<hbm>> -> memref<88x256xf32, #tpu.memory_space<hbm>>
    %dma_wait3A_952 = arith.constant 0 : i32
    %dma_wait3A_953 = tpu.memref_slice %arg5[%multiple_of3A_392, %dma_wait3A_952] : memref<10000x256xf32, #tpu.memory_space<hbm>> -> memref<88x256xf32, #tpu.memory_space<hbm>>
    tpu.wait_dma2 semaphore(%arg19 : memref<!tpu.dma_semaphore, #tpu.memory_space<semaphore_mem>>) src(%dma_wait3A_953 : memref<88x256xf32, #tpu.memory_space<hbm>>) dst(%arg14 : memref<88x256xf32, #tpu.memory_space<vmem>>)
    %while3A_954 = arith.constant 0 : i32
    %while3A_955 = arith.constant 0 : i32
    "tpu.trace_stop"() : () -> ()
    "tpu.trace_start"() <{level = 10 : i32, message = "nk_add"}> : () -> ()
    %while3A_956 = arith.subi %add3A_520, %while3A_954 : i32
    %while3A_957 = arith.addi %while3A_954, %while3A_956 : i32
    %while3A_958 = arith.constant 1 : i32
    %while3A_959 = arith.divsi %while3A_956, %while3A_958 : i32
    %while3A_960 = arith.muli %while3A_959, %while3A_958 : i32
    %while3A_961 = arith.addi %while3A_954, %while3A_960 : i32
    %while3A_962 = arith.constant 1 : i32
    %while3A_963 = scf.for %while3A_1128 = %while3A_954 to %while3A_961 step %while3A_962 iter_args(%while3A_1129 = %while3A_955) -> (i32)  : i32 {
      %add3A_1130 = arith.constant 80 : i32
      %add3A_1131 = arith.addi %add3A_1130, %while3A_1128 : i32
      %get3A_1132 = arith.index_cast %add3A_1131 : i32 to index
      %get3A_1133 = tpu.vector_load %arg9[%get3A_1132] {strides = array<i32>} : memref<336xi32, #tpu.memory_space<vmem>>, vector<16xi32>,
      %slice3A = vector.extract_strided_slice %get3A_1133 {offsets = [0], sizes = [1], strides = [1]} : vector<16xi32> to vector<1xi32>
      %squeeze3A = vector.extract %slice3A[0] : i32 from vector<1xi32>
      %add3A_1134 = arith.addi %sub3A_394, %while3A_1128 : i32
      %get3A_1135 = arith.index_cast %squeeze3A : i32 to index
      %get3A_1136 = arith.constant 0 : index
      %get3A_1137 = tpu.vector_load %arg11[%get3A_1135, %get3A_1136] {strides = array<i32>} : memref<80x256xf32, #tpu.memory_space<vmem>>, vector<16xf32>,
      %get3A_1138 = arith.index_cast %add3A_1134 : i32 to index
      %get3A_1139 = arith.constant 0 : index
      %get3A_1140 = tpu.vector_load %arg14[%get3A_1138, %get3A_1139] {strides = array<i32>} : memref<88x256xf32, #tpu.memory_space<vmem>>, vector<16xf32>,
      %add3A_1141 = arith.addf %get3A_1137, %get3A_1140 : vector<16xf32>
      %swap3A_1142 = arith.index_cast %squeeze3A : i32 to index
      %swap3A_1143 = arith.constant 0 : index
      %swap3A_1144 = tpu.vector_load %arg11[%swap3A_1142, %swap3A_1143] {strides = array<i32>} : memref<80x256xf32, #tpu.memory_space<vmem>>, vector<16xf32>,
      tpu.vector_store %arg11[%swap3A_1142, %swap3A_1143], %add3A_1141 {strides = array<i32>} : memref<80x256xf32, #tpu.memory_space<vmem>>, vector<16xf32>,
      %get3A_1145 = arith.index_cast %squeeze3A : i32 to index
      %get3A_1146 = arith.constant 16 : index
      %get3A_1147 = tpu.vector_load %arg11[%get3A_1145, %get3A_1146] {strides = array<i32>} : memref<80x256xf32, #tpu.memory_space<vmem>>, vector<16xf32>,
      %get3A_1148 = arith.index_cast %add3A_1134 : i32 to index
      %get3A_1149 = arith.constant 16 : index
      %get3A_1150 = tpu.vector_load %arg14[%get3A_1148, %get3A_1149] {strides = array<i32>} : memref<88x256xf32, #tpu.memory_space<vmem>>, vector<16xf32>,
      %add3A_1151 = arith.addf %get3A_1147, %get3A_1150 : vector<16xf32>
      %swap3A_1152 = arith.index_cast %squeeze3A : i32 to index
      %swap3A_1153 = arith.constant 16 : index
      %swap3A_1154 = tpu.vector_load %arg11[%swap3A_1152, %swap3A_1153] {strides = array<i32>} : memref<80x256xf32, #tpu.memory_space<vmem>>, vector<16xf32>,
      tpu.vector_store %arg11[%swap3A_1152, %swap3A_1153], %add3A_1151 {strides = array<i32>} : memref<80x256xf32, #tpu.memory_space<vmem>>, vector<16xf32>,
      %get3A_1155 = arith.index_cast %squeeze3A : i32 to index
      %get3A_1156 = arith.constant 32 : index
      %get3A_1157 = tpu.vector_load %arg11[%get3A_1155, %get3A_1156] {strides = array<i32>} : memref<80x256xf32, #tpu.memory_space<vmem>>, vector<16xf32>,
      %get3A_1158 = arith.index_cast %add3A_1134 : i32 to index
      %get3A_1159 = arith.constant 32 : index
      %get3A_1160 = tpu.vector_load %arg14[%get3A_1158, %get3A_1159] {strides = array<i32>} : memref<88x256xf32, #tpu.memory_space<vmem>>, vector<16xf32>,
      %add3A_1161 = arith.addf %get3A_1157, %get3A_1160 : vector<16xf32>
      %swap3A_1162 = arith.index_cast %squeeze3A : i32 to index
      %swap3A_1163 = arith.constant 32 : index
      %swap3A_1164 = tpu.vector_load %arg11[%swap3A_1162, %swap3A_1163] {strides = array<i32>} : memref<80x256xf32, #tpu.memory_space<vmem>>, vector<16xf32>,
      tpu.vector_store %arg11[%swap3A_1162, %swap3A_1163], %add3A_1161 {strides = array<i32>} : memref<80x256xf32, #tpu.memory_space<vmem>>, vector<16xf32>,
      %get3A_1165 = arith.index_cast %squeeze3A : i32 to index
      %get3A_1166 = arith.constant 48 : index
      %get3A_1167 = tpu.vector_load %arg11[%get3A_1165, %get3A_1166] {strides = array<i32>} : memref<80x256xf32, #tpu.memory_space<vmem>>, vector<16xf32>,
      %get3A_1168 = arith.index_cast %add3A_1134 : i32 to index
      %get3A_1169 = arith.constant 48 : index
      %get3A_1170 = tpu.vector_load %arg14[%get3A_1168, %get3A_1169] {strides = array<i32>} : memref<88x256xf32, #tpu.memory_space<vmem>>, vector<16xf32>,
      %add3A_1171 = arith.addf %get3A_1167, %get3A_1170 : vector<16xf32>
      %swap3A_1172 = arith.index_cast %squeeze3A : i32 to index
      %swap3A_1173 = arith.constant 48 : index
      %swap3A_1174 = tpu.vector_load %arg11[%swap3A_1172, %swap3A_1173] {strides = array<i32>} : memref<80x256xf32, #tpu.memory_space<vmem>>, vector<16xf32>,
      tpu.vector_store %arg11[%swap3A_1172, %swap3A_1173], %add3A_1171 {strides = array<i32>} : memref<80x256xf32, #tpu.memory_space<vmem>>, vector<16xf32>,
      %get3A_1175 = arith.index_cast %squeeze3A : i32 to index
      %get3A_1176 = arith.constant 64 : index
      %get3A_1177 = tpu.vector_load %arg11[%get3A_1175, %get3A_1176] {strides = array<i32>} : memref<80x256xf32, #tpu.memory_space<vmem>>, vector<16xf32>,
      %get3A_1178 = arith.index_cast %add3A_1134 : i32 to index
      %get3A_1179 = arith.constant 64 : index
      %get3A_1180 = tpu.vector_load %arg14[%get3A_1178, %get3A_1179] {strides = array<i32>} : memref<88x256xf32, #tpu.memory_space<vmem>>, vector<16xf32>,
      %add3A_1181 = arith.addf %get3A_1177, %get3A_1180 : vector<16xf32>
      %swap3A_1182 = arith.index_cast %squeeze3A : i32 to index
      %swap3A_1183 = arith.constant 64 : index
      %swap3A_1184 = tpu.vector_load %arg11[%swap3A_1182, %swap3A_1183] {strides = array<i32>} : memref<80x256xf32, #tpu.memory_space<vmem>>, vector<16xf32>,
      tpu.vector_store %arg11[%swap3A_1182, %swap3A_1183], %add3A_1181 {strides = array<i32>} : memref<80x256xf32, #tpu.memory_space<vmem>>, vector<16xf32>,
      %get3A_1185 = arith.index_cast %squeeze3A : i32 to index
      %get3A_1186 = arith.constant 80 : index
      %get3A_1187 = tpu.vector_load %arg11[%get3A_1185, %get3A_1186] {strides = array<i32>} : memref<80x256xf32, #tpu.memory_space<vmem>>, vector<16xf32>,
      %get3A_1188 = arith.index_cast %add3A_1134 : i32 to index
      %get3A_1189 = arith.constant 80 : index
      %get3A_1190 = tpu.vector_load %arg14[%get3A_1188, %get3A_1189] {strides = array<i32>} : memref<88x256xf32, #tpu.memory_space<vmem>>, vector<16xf32>,
      %add3A_1191 = arith.addf %get3A_1187, %get3A_1190 : vector<16xf32>
      %swap3A_1192 = arith.index_cast %squeeze3A : i32 to index
      %swap3A_1193 = arith.constant 80 : index
      %swap3A_1194 = tpu.vector_load %arg11[%swap3A_1192, %swap3A_1193] {strides = array<i32>} : memref<80x256xf32, #tpu.memory_space<vmem>>, vector<16xf32>,
      tpu.vector_store %arg11[%swap3A_1192, %swap3A_1193], %add3A_1191 {strides = array<i32>} : memref<80x256xf32, #tpu.memory_space<vmem>>, vector<16xf32>,
      %get3A_1195 = arith.index_cast %squeeze3A : i32 to index
      %get3A_1196 = arith.constant 96 : index
      %get3A_1197 = tpu.vector_load %arg11[%get3A_1195, %get3A_1196] {strides = array<i32>} : memref<80x256xf32, #tpu.memory_space<vmem>>, vector<16xf32>,
      %get3A_1198 = arith.index_cast %add3A_1134 : i32 to index
      %get3A_1199 = arith.constant 96 : index
      %get3A_1200 = tpu.vector_load %arg14[%get3A_1198, %get3A_1199] {strides = array<i32>} : memref<88x256xf32, #tpu.memory_space<vmem>>, vector<16xf32>,
      %add3A_1201 = arith.addf %get3A_1197, %get3A_1200 : vector<16xf32>
      %swap3A_1202 = arith.index_cast %squeeze3A : i32 to index
      %swap3A_1203 = arith.constant 96 : index
      %swap3A_1204 = tpu.vector_load %arg11[%swap3A_1202, %swap3A_1203] {strides = array<i32>} : memref<80x256xf32, #tpu.memory_space<vmem>>, vector<16xf32>,
      tpu.vector_store %arg11[%swap3A_1202, %swap3A_1203], %add3A_1201 {strides = array<i32>} : memref<80x256xf32, #tpu.memory_space<vmem>>, vector<16xf32>,
      %get3A_1205 = arith.index_cast %squeeze3A : i32 to index
      %get3A_1206 = arith.constant 112 : index
      %get3A_1207 = tpu.vector_load %arg11[%get3A_1205, %get3A_1206] {strides = array<i32>} : memref<80x256xf32, #tpu.memory_space<vmem>>, vector<16xf32>,
      %get3A_1208 = arith.index_cast %add3A_1134 : i32 to index
      %get3A_1209 = arith.constant 112 : index
      %get3A_1210 = tpu.vector_load %arg14[%get3A_1208, %get3A_1209] {strides = array<i32>} : memref<88x256xf32, #tpu.memory_space<vmem>>, vector<16xf32>,
      %add3A_1211 = arith.addf %get3A_1207, %get3A_1210 : vector<16xf32>
      %swap3A_1212 = arith.index_cast %squeeze3A : i32 to index
      %swap3A_1213 = arith.constant 112 : index
      %swap3A_1214 = tpu.vector_load %arg11[%swap3A_1212, %swap3A_1213] {strides = array<i32>} : memref<80x256xf32, #tpu.memory_space<vmem>>, vector<16xf32>,
      tpu.vector_store %arg11[%swap3A_1212, %swap3A_1213], %add3A_1211 {strides = array<i32>} : memref<80x256xf32, #tpu.memory_space<vmem>>, vector<16xf32>,
      %get3A_1215 = arith.index_cast %squeeze3A : i32 to index
      %get3A_1216 = arith.constant 128 : index
      %get3A_1217 = tpu.vector_load %arg11[%get3A_1215, %get3A_1216] {strides = array<i32>} : memref<80x256xf32, #tpu.memory_space<vmem>>, vector<16xf32>,
      %get3A_1218 = arith.index_cast %add3A_1134 : i32 to index
      %get3A_1219 = arith.constant 128 : index
      %get3A_1220 = tpu.vector_load %arg14[%get3A_1218, %get3A_1219] {strides = array<i32>} : memref<88x256xf32, #tpu.memory_space<vmem>>, vector<16xf32>,
      %add3A_1221 = arith.addf %get3A_1217, %get3A_1220 : vector<16xf32>
      %swap3A_1222 = arith.index_cast %squeeze3A : i32 to index
      %swap3A_1223 = arith.constant 128 : index
      %swap3A_1224 = tpu.vector_load %arg11[%swap3A_1222, %swap3A_1223] {strides = array<i32>} : memref<80x256xf32, #tpu.memory_space<vmem>>, vector<16xf32>,
      tpu.vector_store %arg11[%swap3A_1222, %swap3A_1223], %add3A_1221 {strides = array<i32>} : memref<80x256xf32, #tpu.memory_space<vmem>>, vector<16xf32>,
      %get3A_1225 = arith.index_cast %squeeze3A : i32 to index
      %get3A_1226 = arith.constant 144 : index
      %get3A_1227 = tpu.vector_load %arg11[%get3A_1225, %get3A_1226] {strides = array<i32>} : memref<80x256xf32, #tpu.memory_space<vmem>>, vector<16xf32>,
      %get3A_1228 = arith.index_cast %add3A_1134 : i32 to index
      %get3A_1229 = arith.constant 144 : index
      %get3A_1230 = tpu.vector_load %arg14[%get3A_1228, %get3A_1229] {strides = array<i32>} : memref<88x256xf32, #tpu.memory_space<vmem>>, vector<16xf32>,
      %add3A_1231 = arith.addf %get3A_1227, %get3A_1230 : vector<16xf32>
      %swap3A_1232 = arith.index_cast %squeeze3A : i32 to index
      %swap3A_1233 = arith.constant 144 : index
      %swap3A_1234 = tpu.vector_load %arg11[%swap3A_1232, %swap3A_1233] {strides = array<i32>} : memref<80x256xf32, #tpu.memory_space<vmem>>, vector<16xf32>,
      tpu.vector_store %arg11[%swap3A_1232, %swap3A_1233], %add3A_1231 {strides = array<i32>} : memref<80x256xf32, #tpu.memory_space<vmem>>, vector<16xf32>,
      %get3A_1235 = arith.index_cast %squeeze3A : i32 to index
      %get3A_1236 = arith.constant 160 : index
      %get3A_1237 = tpu.vector_load %arg11[%get3A_1235, %get3A_1236] {strides = array<i32>} : memref<80x256xf32, #tpu.memory_space<vmem>>, vector<16xf32>,
      %get3A_1238 = arith.index_cast %add3A_1134 : i32 to index
      %get3A_1239 = arith.constant 160 : index
      %get3A_1240 = tpu.vector_load %arg14[%get3A_1238, %get3A_1239] {strides = array<i32>} : memref<88x256xf32, #tpu.memory_space<vmem>>, vector<16xf32>,
      %add3A_1241 = arith.addf %get3A_1237, %get3A_1240 : vector<16xf32>
      %swap3A_1242 = arith.index_cast %squeeze3A : i32 to index
      %swap3A_1243 = arith.constant 160 : index
      %swap3A_1244 = tpu.vector_load %arg11[%swap3A_1242, %swap3A_1243] {strides = array<i32>} : memref<80x256xf32, #tpu.memory_space<vmem>>, vector<16xf32>,
      tpu.vector_store %arg11[%swap3A_1242, %swap3A_1243], %add3A_1241 {strides = array<i32>} : memref<80x256xf32, #tpu.memory_space<vmem>>, vector<16xf32>,
      %get3A_1245 = arith.index_cast %squeeze3A : i32 to index
      %get3A_1246 = arith.constant 176 : index
      %get3A_1247 = tpu.vector_load %arg11[%get3A_1245, %get3A_1246] {strides = array<i32>} : memref<80x256xf32, #tpu.memory_space<vmem>>, vector<16xf32>,
      %get3A_1248 = arith.index_cast %add3A_1134 : i32 to index
      %get3A_1249 = arith.constant 176 : index
      %get3A_1250 = tpu.vector_load %arg14[%get3A_1248, %get3A_1249] {strides = array<i32>} : memref<88x256xf32, #tpu.memory_space<vmem>>, vector<16xf32>,
      %add3A_1251 = arith.addf %get3A_1247, %get3A_1250 : vector<16xf32>
      %swap3A_1252 = arith.index_cast %squeeze3A : i32 to index
      %swap3A_1253 = arith.constant 176 : index
      %swap3A_1254 = tpu.vector_load %arg11[%swap3A_1252, %swap3A_1253] {strides = array<i32>} : memref<80x256xf32, #tpu.memory_space<vmem>>, vector<16xf32>,
      tpu.vector_store %arg11[%swap3A_1252, %swap3A_1253], %add3A_1251 {strides = array<i32>} : memref<80x256xf32, #tpu.memory_space<vmem>>, vector<16xf32>,
      %get3A_1255 = arith.index_cast %squeeze3A : i32 to index
      %get3A_1256 = arith.constant 192 : index
      %get3A_1257 = tpu.vector_load %arg11[%get3A_1255, %get3A_1256] {strides = array<i32>} : memref<80x256xf32, #tpu.memory_space<vmem>>, vector<16xf32>,
      %get3A_1258 = arith.index_cast %add3A_1134 : i32 to index
      %get3A_1259 = arith.constant 192 : index
      %get3A_1260 = tpu.vector_load %arg14[%get3A_1258, %get3A_1259] {strides = array<i32>} : memref<88x256xf32, #tpu.memory_space<vmem>>, vector<16xf32>,
      %add3A_1261 = arith.addf %get3A_1257, %get3A_1260 : vector<16xf32>
      %swap3A_1262 = arith.index_cast %squeeze3A : i32 to index
      %swap3A_1263 = arith.constant 192 : index
      %swap3A_1264 = tpu.vector_load %arg11[%swap3A_1262, %swap3A_1263] {strides = array<i32>} : memref<80x256xf32, #tpu.memory_space<vmem>>, vector<16xf32>,
      tpu.vector_store %arg11[%swap3A_1262, %swap3A_1263], %add3A_1261 {strides = array<i32>} : memref<80x256xf32, #tpu.memory_space<vmem>>, vector<16xf32>,
      %get3A_1265 = arith.index_cast %squeeze3A : i32 to index
      %get3A_1266 = arith.constant 208 : index
      %get3A_1267 = tpu.vector_load %arg11[%get3A_1265, %get3A_1266] {strides = array<i32>} : memref<80x256xf32, #tpu.memory_space<vmem>>, vector<16xf32>,
      %get3A_1268 = arith.index_cast %add3A_1134 : i32 to index
      %get3A_1269 = arith.constant 208 : index
      %get3A_1270 = tpu.vector_load %arg14[%get3A_1268, %get3A_1269] {strides = array<i32>} : memref<88x256xf32, #tpu.memory_space<vmem>>, vector<16xf32>,
      %add3A_1271 = arith.addf %get3A_1267, %get3A_1270 : vector<16xf32>
      %swap3A_1272 = arith.index_cast %squeeze3A : i32 to index
      %swap3A_1273 = arith.constant 208 : index
      %swap3A_1274 = tpu.vector_load %arg11[%swap3A_1272, %swap3A_1273] {strides = array<i32>} : memref<80x256xf32, #tpu.memory_space<vmem>>, vector<16xf32>,
      tpu.vector_store %arg11[%swap3A_1272, %swap3A_1273], %add3A_1271 {strides = array<i32>} : memref<80x256xf32, #tpu.memory_space<vmem>>, vector<16xf32>,
      %get3A_1275 = arith.index_cast %squeeze3A : i32 to index
      %get3A_1276 = arith.constant 224 : index
      %get3A_1277 = tpu.vector_load %arg11[%get3A_1275, %get3A_1276] {strides = array<i32>} : memref<80x256xf32, #tpu.memory_space<vmem>>, vector<16xf32>,
      %get3A_1278 = arith.index_cast %add3A_1134 : i32 to index
      %get3A_1279 = arith.constant 224 : index
      %get3A_1280 = tpu.vector_load %arg14[%get3A_1278, %get3A_1279] {strides = array<i32>} : memref<88x256xf32, #tpu.memory_space<vmem>>, vector<16xf32>,
      %add3A_1281 = arith.addf %get3A_1277, %get3A_1280 : vector<16xf32>
      %swap3A_1282 = arith.index_cast %squeeze3A : i32 to index
      %swap3A_1283 = arith.constant 224 : index
      %swap3A_1284 = tpu.vector_load %arg11[%swap3A_1282, %swap3A_1283] {strides = array<i32>} : memref<80x256xf32, #tpu.memory_space<vmem>>, vector<16xf32>,
      tpu.vector_store %arg11[%swap3A_1282, %swap3A_1283], %add3A_1281 {strides = array<i32>} : memref<80x256xf32, #tpu.memory_space<vmem>>, vector<16xf32>,
      %get3A_1285 = arith.index_cast %squeeze3A : i32 to index
      %get3A_1286 = arith.constant 240 : index
      %get3A_1287 = tpu.vector_load %arg11[%get3A_1285, %get3A_1286] {strides = array<i32>} : memref<80x256xf32, #tpu.memory_space<vmem>>, vector<16xf32>,
      %get3A_1288 = arith.index_cast %add3A_1134 : i32 to index
      %get3A_1289 = arith.constant 240 : index
      %get3A_1290 = tpu.vector_load %arg14[%get3A_1288, %get3A_1289] {strides = array<i32>} : memref<88x256xf32, #tpu.memory_space<vmem>>, vector<16xf32>,
      %add3A_1291 = arith.addf %get3A_1287, %get3A_1290 : vector<16xf32>
      %swap3A_1292 = arith.index_cast %squeeze3A : i32 to index
      %swap3A_1293 = arith.constant 240 : index
      %swap3A_1294 = tpu.vector_load %arg11[%swap3A_1292, %swap3A_1293] {strides = array<i32>} : memref<80x256xf32, #tpu.memory_space<vmem>>, vector<16xf32>,
      tpu.vector_store %arg11[%swap3A_1292, %swap3A_1293], %add3A_1291 {strides = array<i32>} : memref<80x256xf32, #tpu.memory_space<vmem>>, vector<16xf32>,
      %while3A_1295 = arith.constant 0 : i32
      scf.yield %while3A_1295 : i32
    }
    %while3A_964 = arith.constant 1 : i32
    %while3A_965 = scf.for %while3A_1128 = %while3A_961 to %while3A_957 step %while3A_964 iter_args(%while3A_1129 = %while3A_963) -> (i32)  : i32 {
      %add3A_1130 = arith.constant 80 : i32
      %add3A_1131 = arith.addi %add3A_1130, %while3A_1128 : i32
      %get3A_1132 = arith.index_cast %add3A_1131 : i32 to index
      %get3A_1133 = tpu.vector_load %arg9[%get3A_1132] {strides = array<i32>} : memref<336xi32, #tpu.memory_space<vmem>>, vector<16xi32>,
      %slice3A = vector.extract_strided_slice %get3A_1133 {offsets = [0], sizes = [1], strides = [1]} : vector<16xi32> to vector<1xi32>
      %squeeze3A = vector.extract %slice3A[0] : i32 from vector<1xi32>
      %add3A_1134 = arith.addi %sub3A_394, %while3A_1128 : i32
      %get3A_1135 = arith.index_cast %squeeze3A : i32 to index
      %get3A_1136 = arith.constant 0 : index
      %get3A_1137 = tpu.vector_load %arg11[%get3A_1135, %get3A_1136] {strides = array<i32>} : memref<80x256xf32, #tpu.memory_space<vmem>>, vector<16xf32>,
      %get3A_1138 = arith.index_cast %add3A_1134 : i32 to index
      %get3A_1139 = arith.constant 0 : index
      %get3A_1140 = tpu.vector_load %arg14[%get3A_1138, %get3A_1139] {strides = array<i32>} : memref<88x256xf32, #tpu.memory_space<vmem>>, vector<16xf32>,
      %add3A_1141 = arith.addf %get3A_1137, %get3A_1140 : vector<16xf32>
      %swap3A_1142 = arith.index_cast %squeeze3A : i32 to index
      %swap3A_1143 = arith.constant 0 : index
      %swap3A_1144 = tpu.vector_load %arg11[%swap3A_1142, %swap3A_1143] {strides = array<i32>} : memref<80x256xf32, #tpu.memory_space<vmem>>, vector<16xf32>,
      tpu.vector_store %arg11[%swap3A_1142, %swap3A_1143], %add3A_1141 {strides = array<i32>} : memref<80x256xf32, #tpu.memory_space<vmem>>, vector<16xf32>,
      %get3A_1145 = arith.index_cast %squeeze3A : i32 to index
      %get3A_1146 = arith.constant 16 : index
      %get3A_1147 = tpu.vector_load %arg11[%get3A_1145, %get3A_1146] {strides = array<i32>} : memref<80x256xf32, #tpu.memory_space<vmem>>, vector<16xf32>,
      %get3A_1148 = arith.index_cast %add3A_1134 : i32 to index
      %get3A_1149 = arith.constant 16 : index
      %get3A_1150 = tpu.vector_load %arg14[%get3A_1148, %get3A_1149] {strides = array<i32>} : memref<88x256xf32, #tpu.memory_space<vmem>>, vector<16xf32>,
      %add3A_1151 = arith.addf %get3A_1147, %get3A_1150 : vector<16xf32>
      %swap3A_1152 = arith.index_cast %squeeze3A : i32 to index
      %swap3A_1153 = arith.constant 16 : index
      %swap3A_1154 = tpu.vector_load %arg11[%swap3A_1152, %swap3A_1153] {strides = array<i32>} : memref<80x256xf32, #tpu.memory_space<vmem>>, vector<16xf32>,
      tpu.vector_store %arg11[%swap3A_1152, %swap3A_1153], %add3A_1151 {strides = array<i32>} : memref<80x256xf32, #tpu.memory_space<vmem>>, vector<16xf32>,
      %get3A_1155 = arith.index_cast %squeeze3A : i32 to index
      %get3A_1156 = arith.constant 32 : index
      %get3A_1157 = tpu.vector_load %arg11[%get3A_1155, %get3A_1156] {strides = array<i32>} : memref<80x256xf32, #tpu.memory_space<vmem>>, vector<16xf32>,
      %get3A_1158 = arith.index_cast %add3A_1134 : i32 to index
      %get3A_1159 = arith.constant 32 : index
      %get3A_1160 = tpu.vector_load %arg14[%get3A_1158, %get3A_1159] {strides = array<i32>} : memref<88x256xf32, #tpu.memory_space<vmem>>, vector<16xf32>,
      %add3A_1161 = arith.addf %get3A_1157, %get3A_1160 : vector<16xf32>
      %swap3A_1162 = arith.index_cast %squeeze3A : i32 to index
      %swap3A_1163 = arith.constant 32 : index
      %swap3A_1164 = tpu.vector_load %arg11[%swap3A_1162, %swap3A_1163] {strides = array<i32>} : memref<80x256xf32, #tpu.memory_space<vmem>>, vector<16xf32>,
      tpu.vector_store %arg11[%swap3A_1162, %swap3A_1163], %add3A_1161 {strides = array<i32>} : memref<80x256xf32, #tpu.memory_space<vmem>>, vector<16xf32>,
      %get3A_1165 = arith.index_cast %squeeze3A : i32 to index
      %get3A_1166 = arith.constant 48 : index
      %get3A_1167 = tpu.vector_load %arg11[%get3A_1165, %get3A_1166] {strides = array<i32>} : memref<80x256xf32, #tpu.memory_space<vmem>>, vector<16xf32>,
      %get3A_1168 = arith.index_cast %add3A_1134 : i32 to index
      %get3A_1169 = arith.constant 48 : index
      %get3A_1170 = tpu.vector_load %arg14[%get3A_1168, %get3A_1169] {strides = array<i32>} : memref<88x256xf32, #tpu.memory_space<vmem>>, vector<16xf32>,
      %add3A_1171 = arith.addf %get3A_1167, %get3A_1170 : vector<16xf32>
      %swap3A_1172 = arith.index_cast %squeeze3A : i32 to index
      %swap3A_1173 = arith.constant 48 : index
      %swap3A_1174 = tpu.vector_load %arg11[%swap3A_1172, %swap3A_1173] {strides = array<i32>} : memref<80x256xf32, #tpu.memory_space<vmem>>, vector<16xf32>,
      tpu.vector_store %arg11[%swap3A_1172, %swap3A_1173], %add3A_1171 {strides = array<i32>} : memref<80x256xf32, #tpu.memory_space<vmem>>, vector<16xf32>,
      %get3A_1175 = arith.index_cast %squeeze3A : i32 to index
      %get3A_1176 = arith.constant 64 : index
      %get3A_1177 = tpu.vector_load %arg11[%get3A_1175, %get3A_1176] {strides = array<i32>} : memref<80x256xf32, #tpu.memory_space<vmem>>, vector<16xf32>,
      %get3A_1178 = arith.index_cast %add3A_1134 : i32 to index
      %get3A_1179 = arith.constant 64 : index
      %get3A_1180 = tpu.vector_load %arg14[%get3A_1178, %get3A_1179] {strides = array<i32>} : memref<88x256xf32, #tpu.memory_space<vmem>>, vector<16xf32>,
      %add3A_1181 = arith.addf %get3A_1177, %get3A_1180 : vector<16xf32>
      %swap3A_1182 = arith.index_cast %squeeze3A : i32 to index
      %swap3A_1183 = arith.constant 64 : index
      %swap3A_1184 = tpu.vector_load %arg11[%swap3A_1182, %swap3A_1183] {strides = array<i32>} : memref<80x256xf32, #tpu.memory_space<vmem>>, vector<16xf32>,
      tpu.vector_store %arg11[%swap3A_1182, %swap3A_1183], %add3A_1181 {strides = array<i32>} : memref<80x256xf32, #tpu.memory_space<vmem>>, vector<16xf32>,
      %get3A_1185 = arith.index_cast %squeeze3A : i32 to index
      %get3A_1186 = arith.constant 80 : index
      %get3A_1187 = tpu.vector_load %arg11[%get3A_1185, %get3A_1186] {strides = array<i32>} : memref<80x256xf32, #tpu.memory_space<vmem>>, vector<16xf32>,
      %get3A_1188 = arith.index_cast %add3A_1134 : i32 to index
      %get3A_1189 = arith.constant 80 : index
      %get3A_1190 = tpu.vector_load %arg14[%get3A_1188, %get3A_1189] {strides = array<i32>} : memref<88x256xf32, #tpu.memory_space<vmem>>, vector<16xf32>,
      %add3A_1191 = arith.addf %get3A_1187, %get3A_1190 : vector<16xf32>
      %swap3A_1192 = arith.index_cast %squeeze3A : i32 to index
      %swap3A_1193 = arith.constant 80 : index
      %swap3A_1194 = tpu.vector_load %arg11[%swap3A_1192, %swap3A_1193] {strides = array<i32>} : memref<80x256xf32, #tpu.memory_space<vmem>>, vector<16xf32>,
      tpu.vector_store %arg11[%swap3A_1192, %swap3A_1193], %add3A_1191 {strides = array<i32>} : memref<80x256xf32, #tpu.memory_space<vmem>>, vector<16xf32>,
      %get3A_1195 = arith.index_cast %squeeze3A : i32 to index
      %get3A_1196 = arith.constant 96 : index
      %get3A_1197 = tpu.vector_load %arg11[%get3A_1195, %get3A_1196] {strides = array<i32>} : memref<80x256xf32, #tpu.memory_space<vmem>>, vector<16xf32>,
      %get3A_1198 = arith.index_cast %add3A_1134 : i32 to index
      %get3A_1199 = arith.constant 96 : index
      %get3A_1200 = tpu.vector_load %arg14[%get3A_1198, %get3A_1199] {strides = array<i32>} : memref<88x256xf32, #tpu.memory_space<vmem>>, vector<16xf32>,
      %add3A_1201 = arith.addf %get3A_1197, %get3A_1200 : vector<16xf32>
      %swap3A_1202 = arith.index_cast %squeeze3A : i32 to index
      %swap3A_1203 = arith.constant 96 : index
      %swap3A_1204 = tpu.vector_load %arg11[%swap3A_1202, %swap3A_1203] {strides = array<i32>} : memref<80x256xf32, #tpu.memory_space<vmem>>, vector<16xf32>,
      tpu.vector_store %arg11[%swap3A_1202, %swap3A_1203], %add3A_1201 {strides = array<i32>} : memref<80x256xf32, #tpu.memory_space<vmem>>, vector<16xf32>,
      %get3A_1205 = arith.index_cast %squeeze3A : i32 to index
      %get3A_1206 = arith.constant 112 : index
      %get3A_1207 = tpu.vector_load %arg11[%get3A_1205, %get3A_1206] {strides = array<i32>} : memref<80x256xf32, #tpu.memory_space<vmem>>, vector<16xf32>,
      %get3A_1208 = arith.index_cast %add3A_1134 : i32 to index
      %get3A_1209 = arith.constant 112 : index
      %get3A_1210 = tpu.vector_load %arg14[%get3A_1208, %get3A_1209] {strides = array<i32>} : memref<88x256xf32, #tpu.memory_space<vmem>>, vector<16xf32>,
      %add3A_1211 = arith.addf %get3A_1207, %get3A_1210 : vector<16xf32>
      %swap3A_1212 = arith.index_cast %squeeze3A : i32 to index
      %swap3A_1213 = arith.constant 112 : index
      %swap3A_1214 = tpu.vector_load %arg11[%swap3A_1212, %swap3A_1213] {strides = array<i32>} : memref<80x256xf32, #tpu.memory_space<vmem>>, vector<16xf32>,
      tpu.vector_store %arg11[%swap3A_1212, %swap3A_1213], %add3A_1211 {strides = array<i32>} : memref<80x256xf32, #tpu.memory_space<vmem>>, vector<16xf32>,
      %get3A_1215 = arith.index_cast %squeeze3A : i32 to index
      %get3A_1216 = arith.constant 128 : index
      %get3A_1217 = tpu.vector_load %arg11[%get3A_1215, %get3A_1216] {strides = array<i32>} : memref<80x256xf32, #tpu.memory_space<vmem>>, vector<16xf32>,
      %get3A_1218 = arith.index_cast %add3A_1134 : i32 to index
      %get3A_1219 = arith.constant 128 : index
      %get3A_1220 = tpu.vector_load %arg14[%get3A_1218, %get3A_1219] {strides = array<i32>} : memref<88x256xf32, #tpu.memory_space<vmem>>, vector<16xf32>,
      %add3A_1221 = arith.addf %get3A_1217, %get3A_1220 : vector<16xf32>
      %swap3A_1222 = arith.index_cast %squeeze3A : i32 to index
      %swap3A_1223 = arith.constant 128 : index
      %swap3A_1224 = tpu.vector_load %arg11[%swap3A_1222, %swap3A_1223] {strides = array<i32>} : memref<80x256xf32, #tpu.memory_space<vmem>>, vector<16xf32>,
      tpu.vector_store %arg11[%swap3A_1222, %swap3A_1223], %add3A_1221 {strides = array<i32>} : memref<80x256xf32, #tpu.memory_space<vmem>>, vector<16xf32>,
      %get3A_1225 = arith.index_cast %squeeze3A : i32 to index
      %get3A_1226 = arith.constant 144 : index
      %get3A_1227 = tpu.vector_load %arg11[%get3A_1225, %get3A_1226] {strides = array<i32>} : memref<80x256xf32, #tpu.memory_space<vmem>>, vector<16xf32>,
      %get3A_1228 = arith.index_cast %add3A_1134 : i32 to index
      %get3A_1229 = arith.constant 144 : index
      %get3A_1230 = tpu.vector_load %arg14[%get3A_1228, %get3A_1229] {strides = array<i32>} : memref<88x256xf32, #tpu.memory_space<vmem>>, vector<16xf32>,
      %add3A_1231 = arith.addf %get3A_1227, %get3A_1230 : vector<16xf32>
      %swap3A_1232 = arith.index_cast %squeeze3A : i32 to index
      %swap3A_1233 = arith.constant 144 : index
      %swap3A_1234 = tpu.vector_load %arg11[%swap3A_1232, %swap3A_1233] {strides = array<i32>} : memref<80x256xf32, #tpu.memory_space<vmem>>, vector<16xf32>,
      tpu.vector_store %arg11[%swap3A_1232, %swap3A_1233], %add3A_1231 {strides = array<i32>} : memref<80x256xf32, #tpu.memory_space<vmem>>, vector<16xf32>,
      %get3A_1235 = arith.index_cast %squeeze3A : i32 to index
      %get3A_1236 = arith.constant 160 : index
      %get3A_1237 = tpu.vector_load %arg11[%get3A_1235, %get3A_1236] {strides = array<i32>} : memref<80x256xf32, #tpu.memory_space<vmem>>, vector<16xf32>,
      %get3A_1238 = arith.index_cast %add3A_1134 : i32 to index
      %get3A_1239 = arith.constant 160 : index
      %get3A_1240 = tpu.vector_load %arg14[%get3A_1238, %get3A_1239] {strides = array<i32>} : memref<88x256xf32, #tpu.memory_space<vmem>>, vector<16xf32>,
      %add3A_1241 = arith.addf %get3A_1237, %get3A_1240 : vector<16xf32>
      %swap3A_1242 = arith.index_cast %squeeze3A : i32 to index
      %swap3A_1243 = arith.constant 160 : index
      %swap3A_1244 = tpu.vector_load %arg11[%swap3A_1242, %swap3A_1243] {strides = array<i32>} : memref<80x256xf32, #tpu.memory_space<vmem>>, vector<16xf32>,
      tpu.vector_store %arg11[%swap3A_1242, %swap3A_1243], %add3A_1241 {strides = array<i32>} : memref<80x256xf32, #tpu.memory_space<vmem>>, vector<16xf32>,
      %get3A_1245 = arith.index_cast %squeeze3A : i32 to index
      %get3A_1246 = arith.constant 176 : index
      %get3A_1247 = tpu.vector_load %arg11[%get3A_1245, %get3A_1246] {strides = array<i32>} : memref<80x256xf32, #tpu.memory_space<vmem>>, vector<16xf32>,
      %get3A_1248 = arith.index_cast %add3A_1134 : i32 to index
      %get3A_1249 = arith.constant 176 : index
      %get3A_1250 = tpu.vector_load %arg14[%get3A_1248, %get3A_1249] {strides = array<i32>} : memref<88x256xf32, #tpu.memory_space<vmem>>, vector<16xf32>,
      %add3A_1251 = arith.addf %get3A_1247, %get3A_1250 : vector<16xf32>
      %swap3A_1252 = arith.index_cast %squeeze3A : i32 to index
      %swap3A_1253 = arith.constant 176 : index
      %swap3A_1254 = tpu.vector_load %arg11[%swap3A_1252, %swap3A_1253] {strides = array<i32>} : memref<80x256xf32, #tpu.memory_space<vmem>>, vector<16xf32>,
      tpu.vector_store %arg11[%swap3A_1252, %swap3A_1253], %add3A_1251 {strides = array<i32>} : memref<80x256xf32, #tpu.memory_space<vmem>>, vector<16xf32>,
      %get3A_1255 = arith.index_cast %squeeze3A : i32 to index
      %get3A_1256 = arith.constant 192 : index
      %get3A_1257 = tpu.vector_load %arg11[%get3A_1255, %get3A_1256] {strides = array<i32>} : memref<80x256xf32, #tpu.memory_space<vmem>>, vector<16xf32>,
      %get3A_1258 = arith.index_cast %add3A_1134 : i32 to index
      %get3A_1259 = arith.constant 192 : index
      %get3A_1260 = tpu.vector_load %arg14[%get3A_1258, %get3A_1259] {strides = array<i32>} : memref<88x256xf32, #tpu.memory_space<vmem>>, vector<16xf32>,
      %add3A_1261 = arith.addf %get3A_1257, %get3A_1260 : vector<16xf32>
      %swap3A_1262 = arith.index_cast %squeeze3A : i32 to index
      %swap3A_1263 = arith.constant 192 : index
      %swap3A_1264 = tpu.vector_load %arg11[%swap3A_1262, %swap3A_1263] {strides = array<i32>} : memref<80x256xf32, #tpu.memory_space<vmem>>, vector<16xf32>,
      tpu.vector_store %arg11[%swap3A_1262, %swap3A_1263], %add3A_1261 {strides = array<i32>} : memref<80x256xf32, #tpu.memory_space<vmem>>, vector<16xf32>,
      %get3A_1265 = arith.index_cast %squeeze3A : i32 to index
      %get3A_1266 = arith.constant 208 : index
      %get3A_1267 = tpu.vector_load %arg11[%get3A_1265, %get3A_1266] {strides = array<i32>} : memref<80x256xf32, #tpu.memory_space<vmem>>, vector<16xf32>,
      %get3A_1268 = arith.index_cast %add3A_1134 : i32 to index
      %get3A_1269 = arith.constant 208 : index
      %get3A_1270 = tpu.vector_load %arg14[%get3A_1268, %get3A_1269] {strides = array<i32>} : memref<88x256xf32, #tpu.memory_space<vmem>>, vector<16xf32>,
      %add3A_1271 = arith.addf %get3A_1267, %get3A_1270 : vector<16xf32>
      %swap3A_1272 = arith.index_cast %squeeze3A : i32 to index
      %swap3A_1273 = arith.constant 208 : index
      %swap3A_1274 = tpu.vector_load %arg11[%swap3A_1272, %swap3A_1273] {strides = array<i32>} : memref<80x256xf32, #tpu.memory_space<vmem>>, vector<16xf32>,
      tpu.vector_store %arg11[%swap3A_1272, %swap3A_1273], %add3A_1271 {strides = array<i32>} : memref<80x256xf32, #tpu.memory_space<vmem>>, vector<16xf32>,
      %get3A_1275 = arith.index_cast %squeeze3A : i32 to index
      %get3A_1276 = arith.constant 224 : index
      %get3A_1277 = tpu.vector_load %arg11[%get3A_1275, %get3A_1276] {strides = array<i32>} : memref<80x256xf32, #tpu.memory_space<vmem>>, vector<16xf32>,
      %get3A_1278 = arith.index_cast %add3A_1134 : i32 to index
      %get3A_1279 = arith.constant 224 : index
      %get3A_1280 = tpu.vector_load %arg14[%get3A_1278, %get3A_1279] {strides = array<i32>} : memref<88x256xf32, #tpu.memory_space<vmem>>, vector<16xf32>,
      %add3A_1281 = arith.addf %get3A_1277, %get3A_1280 : vector<16xf32>
      %swap3A_1282 = arith.index_cast %squeeze3A : i32 to index
      %swap3A_1283 = arith.constant 224 : index
      %swap3A_1284 = tpu.vector_load %arg11[%swap3A_1282, %swap3A_1283] {strides = array<i32>} : memref<80x256xf32, #tpu.memory_space<vmem>>, vector<16xf32>,
      tpu.vector_store %arg11[%swap3A_1282, %swap3A_1283], %add3A_1281 {strides = array<i32>} : memref<80x256xf32, #tpu.memory_space<vmem>>, vector<16xf32>,
      %get3A_1285 = arith.index_cast %squeeze3A : i32 to index
      %get3A_1286 = arith.constant 240 : index
      %get3A_1287 = tpu.vector_load %arg11[%get3A_1285, %get3A_1286] {strides = array<i32>} : memref<80x256xf32, #tpu.memory_space<vmem>>, vector<16xf32>,
      %get3A_1288 = arith.index_cast %add3A_1134 : i32 to index
      %get3A_1289 = arith.constant 240 : index
      %get3A_1290 = tpu.vector_load %arg14[%get3A_1288, %get3A_1289] {strides = array<i32>} : memref<88x256xf32, #tpu.memory_space<vmem>>, vector<16xf32>,
      %add3A_1291 = arith.addf %get3A_1287, %get3A_1290 : vector<16xf32>
      %swap3A_1292 = arith.index_cast %squeeze3A : i32 to index
      %swap3A_1293 = arith.constant 240 : index
      %swap3A_1294 = tpu.vector_load %arg11[%swap3A_1292, %swap3A_1293] {strides = array<i32>} : memref<80x256xf32, #tpu.memory_space<vmem>>, vector<16xf32>,
      tpu.vector_store %arg11[%swap3A_1292, %swap3A_1293], %add3A_1291 {strides = array<i32>} : memref<80x256xf32, #tpu.memory_space<vmem>>, vector<16xf32>,
      %while3A_1295 = arith.constant 0 : i32
      scf.yield %while3A_1295 : i32
    }
    "tpu.trace_stop"() : () -> ()
    %add3A_966 = arith.constant 80 : i32
    %add3A_967 = arith.addi %multiple_of3A, %add3A_966 : i32
    %dma_start3A_968 = arith.constant 0 : i32
    %dma_start3A_969 = tpu.memref_slice %arg6[%add3A_967, %dma_start3A_968] : memref<10000x256xf32, #tpu.memory_space<hbm>> -> memref<80x256xf32, #tpu.memory_space<hbm>>
    %dma_start3A_970 = arith.constant 0 : i32
    %dma_start3A_971 = tpu.memref_slice %arg6[%add3A_967, %dma_start3A_970] : memref<10000x256xf32, #tpu.memory_space<hbm>> -> memref<80x256xf32, #tpu.memory_space<hbm>>
    tpu.enqueue_dma source(%arg11 : memref<80x256xf32, #tpu.memory_space<vmem>>) target(%dma_start3A_971 : memref<80x256xf32, #tpu.memory_space<hbm>>) target_semaphore(%arg21 : memref<!tpu.dma_semaphore, #tpu.memory_space<semaphore_mem>>)
    %dma_start3A_972 = arith.constant 0 : i32
    %dma_start3A_973 = tpu.memref_slice %arg5[%multiple_of3A_551, %dma_start3A_972] : memref<10000x256xf32, #tpu.memory_space<hbm>> -> memref<88x256xf32, #tpu.memory_space<hbm>>
    %dma_start3A_974 = arith.constant 0 : i32
    %dma_start3A_975 = tpu.memref_slice %arg5[%multiple_of3A_551, %dma_start3A_974] : memref<10000x256xf32, #tpu.memory_space<hbm>> -> memref<88x256xf32, #tpu.memory_space<hbm>>
    tpu.enqueue_dma source(%dma_start3A_975 : memref<88x256xf32, #tpu.memory_space<hbm>>) target(%arg14 : memref<88x256xf32, #tpu.memory_space<vmem>>) target_semaphore(%arg19 : memref<!tpu.dma_semaphore, #tpu.memory_space<semaphore_mem>>)
    "tpu.trace_start"() <{level = 10 : i32, message = "nk_wait"}> : () -> ()
    %dma_wait3A_976 = arith.constant 0 : i32
    %dma_wait3A_977 = arith.constant 0 : i32
    %dma_wait3A_978 = tpu.memref_slice %arg12[%dma_wait3A_976, %dma_wait3A_977] : memref<80x256xf32, #tpu.memory_space<vmem>> -> memref<16x256xf32, #tpu.memory_space<vmem>>
    %dma_wait3A_979 = arith.constant 160 : i32
    %dma_wait3A_980 = tpu.memref_slice %arg7[%dma_wait3A_979] : memref<320xi32, #tpu.memory_space<vmem>> -> memref<16xi32, #tpu.memory_space<vmem>>
    %dma_wait3A_981 = arith.constant 0 : i32
    %dma_wait3A_982 = arith.constant 0 : i32
    %dma_wait3A_983 = tpu.memref_slice %arg4[%dma_wait3A_981, %dma_wait3A_982] : memref<100000x256xf32, #tpu.memory_space<hbm>> -> memref<100000x256xf32, #tpu.memory_space<hbm>>
    tpu.wait_indirect_dma semaphore(%arg17 : memref<!tpu.dma_semaphore, #tpu.memory_space<semaphore_mem>>) src(%dma_wait3A_983 : memref<100000x256xf32, #tpu.memory_space<hbm>>) dst(%dma_wait3A_978 : memref<16x256xf32, #tpu.memory_space<vmem>>)
    %dma_wait3A_984 = arith.constant 16 : i32
    %dma_wait3A_985 = arith.constant 0 : i32
    %dma_wait3A_986 = tpu.memref_slice %arg12[%dma_wait3A_984, %dma_wait3A_985] : memref<80x256xf32, #tpu.memory_space<vmem>> -> memref<16x256xf32, #tpu.memory_space<vmem>>
    %dma_wait3A_987 = arith.constant 176 : i32
    %dma_wait3A_988 = tpu.memref_slice %arg7[%dma_wait3A_987] : memref<320xi32, #tpu.memory_space<vmem>> -> memref<16xi32, #tpu.memory_space<vmem>>
    %dma_wait3A_989 = arith.constant 0 : i32
    %dma_wait3A_990 = arith.constant 0 : i32
    %dma_wait3A_991 = tpu.memref_slice %arg4[%dma_wait3A_989, %dma_wait3A_990] : memref<100000x256xf32, #tpu.memory_space<hbm>> -> memref<100000x256xf32, #tpu.memory_space<hbm>>
    tpu.wait_indirect_dma semaphore(%arg17 : memref<!tpu.dma_semaphore, #tpu.memory_space<semaphore_mem>>) src(%dma_wait3A_991 : memref<100000x256xf32, #tpu.memory_space<hbm>>) dst(%dma_wait3A_986 : memref<16x256xf32, #tpu.memory_space<vmem>>)
    %dma_wait3A_992 = arith.constant 32 : i32
    %dma_wait3A_993 = arith.constant 0 : i32
    %dma_wait3A_994 = tpu.memref_slice %arg12[%dma_wait3A_992, %dma_wait3A_993] : memref<80x256xf32, #tpu.memory_space<vmem>> -> memref<16x256xf32, #tpu.memory_space<vmem>>
    %dma_wait3A_995 = arith.constant 192 : i32
    %dma_wait3A_996 = tpu.memref_slice %arg7[%dma_wait3A_995] : memref<320xi32, #tpu.memory_space<vmem>> -> memref<16xi32, #tpu.memory_space<vmem>>
    %dma_wait3A_997 = arith.constant 0 : i32
    %dma_wait3A_998 = arith.constant 0 : i32
    %dma_wait3A_999 = tpu.memref_slice %arg4[%dma_wait3A_997, %dma_wait3A_998] : memref<100000x256xf32, #tpu.memory_space<hbm>> -> memref<100000x256xf32, #tpu.memory_space<hbm>>
    tpu.wait_indirect_dma semaphore(%arg17 : memref<!tpu.dma_semaphore, #tpu.memory_space<semaphore_mem>>) src(%dma_wait3A_999 : memref<100000x256xf32, #tpu.memory_space<hbm>>) dst(%dma_wait3A_994 : memref<16x256xf32, #tpu.memory_space<vmem>>)
    %dma_wait3A_1000 = arith.constant 48 : i32
    %dma_wait3A_1001 = arith.constant 0 : i32
    %dma_wait3A_1002 = tpu.memref_slice %arg12[%dma_wait3A_1000, %dma_wait3A_1001] : memref<80x256xf32, #tpu.memory_space<vmem>> -> memref<16x256xf32, #tpu.memory_space<vmem>>
    %dma_wait3A_1003 = arith.constant 208 : i32
    %dma_wait3A_1004 = tpu.memref_slice %arg7[%dma_wait3A_1003] : memref<320xi32, #tpu.memory_space<vmem>> -> memref<16xi32, #tpu.memory_space<vmem>>
    %dma_wait3A_1005 = arith.constant 0 : i32
    %dma_wait3A_1006 = arith.constant 0 : i32
    %dma_wait3A_1007 = tpu.memref_slice %arg4[%dma_wait3A_1005, %dma_wait3A_1006] : memref<100000x256xf32, #tpu.memory_space<hbm>> -> memref<100000x256xf32, #tpu.memory_space<hbm>>
    tpu.wait_indirect_dma semaphore(%arg17 : memref<!tpu.dma_semaphore, #tpu.memory_space<semaphore_mem>>) src(%dma_wait3A_1007 : memref<100000x256xf32, #tpu.memory_space<hbm>>) dst(%dma_wait3A_1002 : memref<16x256xf32, #tpu.memory_space<vmem>>)
    %dma_wait3A_1008 = arith.constant 64 : i32
    %dma_wait3A_1009 = arith.constant 0 : i32
    %dma_wait3A_1010 = tpu.memref_slice %arg12[%dma_wait3A_1008, %dma_wait3A_1009] : memref<80x256xf32, #tpu.memory_space<vmem>> -> memref<16x256xf32, #tpu.memory_space<vmem>>
    %dma_wait3A_1011 = arith.constant 224 : i32
    %dma_wait3A_1012 = tpu.memref_slice %arg7[%dma_wait3A_1011] : memref<320xi32, #tpu.memory_space<vmem>> -> memref<16xi32, #tpu.memory_space<vmem>>
    %dma_wait3A_1013 = arith.constant 0 : i32
    %dma_wait3A_1014 = arith.constant 0 : i32
    %dma_wait3A_1015 = tpu.memref_slice %arg4[%dma_wait3A_1013, %dma_wait3A_1014] : memref<100000x256xf32, #tpu.memory_space<hbm>> -> memref<100000x256xf32, #tpu.memory_space<hbm>>
    tpu.wait_indirect_dma semaphore(%arg17 : memref<!tpu.dma_semaphore, #tpu.memory_space<semaphore_mem>>) src(%dma_wait3A_1015 : memref<100000x256xf32, #tpu.memory_space<hbm>>) dst(%dma_wait3A_1010 : memref<16x256xf32, #tpu.memory_space<vmem>>)
    %dma_wait3A_1016 = arith.constant 0 : i32
    %dma_wait3A_1017 = tpu.memref_slice %arg5[%multiple_of3A_551, %dma_wait3A_1016] : memref<10000x256xf32, #tpu.memory_space<hbm>> -> memref<88x256xf32, #tpu.memory_space<hbm>>
    %dma_wait3A_1018 = arith.constant 0 : i32
    %dma_wait3A_1019 = tpu.memref_slice %arg5[%multiple_of3A_551, %dma_wait3A_1018] : memref<10000x256xf32, #tpu.memory_space<hbm>> -> memref<88x256xf32, #tpu.memory_space<hbm>>
    tpu.wait_dma2 semaphore(%arg19 : memref<!tpu.dma_semaphore, #tpu.memory_space<semaphore_mem>>) src(%dma_wait3A_1019 : memref<88x256xf32, #tpu.memory_space<hbm>>) dst(%arg14 : memref<88x256xf32, #tpu.memory_space<vmem>>)
    %while3A_1020 = arith.constant 0 : i32
    %while3A_1021 = arith.constant 0 : i32
    "tpu.trace_stop"() : () -> ()
    "tpu.trace_start"() <{level = 10 : i32, message = "nk_add"}> : () -> ()
    %while3A_1022 = arith.subi %add3A_679, %while3A_1020 : i32
    %while3A_1023 = arith.addi %while3A_1020, %while3A_1022 : i32
    %while3A_1024 = arith.constant 1 : i32
    %while3A_1025 = arith.divsi %while3A_1022, %while3A_1024 : i32
    %while3A_1026 = arith.muli %while3A_1025, %while3A_1024 : i32
    %while3A_1027 = arith.addi %while3A_1020, %while3A_1026 : i32
    %while3A_1028 = arith.constant 1 : i32
    %while3A_1029 = scf.for %while3A_1128 = %while3A_1020 to %while3A_1027 step %while3A_1028 iter_args(%while3A_1129 = %while3A_1021) -> (i32)  : i32 {
      %add3A_1130 = arith.constant 160 : i32
      %add3A_1131 = arith.addi %add3A_1130, %while3A_1128 : i32
      %get3A_1132 = arith.index_cast %add3A_1131 : i32 to index
      %get3A_1133 = tpu.vector_load %arg9[%get3A_1132] {strides = array<i32>} : memref<336xi32, #tpu.memory_space<vmem>>, vector<16xi32>,
      %slice3A = vector.extract_strided_slice %get3A_1133 {offsets = [0], sizes = [1], strides = [1]} : vector<16xi32> to vector<1xi32>
      %squeeze3A = vector.extract %slice3A[0] : i32 from vector<1xi32>
      %add3A_1134 = arith.addi %sub3A_553, %while3A_1128 : i32
      %get3A_1135 = arith.index_cast %squeeze3A : i32 to index
      %get3A_1136 = arith.constant 0 : index
      %get3A_1137 = tpu.vector_load %arg12[%get3A_1135, %get3A_1136] {strides = array<i32>} : memref<80x256xf32, #tpu.memory_space<vmem>>, vector<16xf32>,
      %get3A_1138 = arith.index_cast %add3A_1134 : i32 to index
      %get3A_1139 = arith.constant 0 : index
      %get3A_1140 = tpu.vector_load %arg14[%get3A_1138, %get3A_1139] {strides = array<i32>} : memref<88x256xf32, #tpu.memory_space<vmem>>, vector<16xf32>,
      %add3A_1141 = arith.addf %get3A_1137, %get3A_1140 : vector<16xf32>
      %swap3A_1142 = arith.index_cast %squeeze3A : i32 to index
      %swap3A_1143 = arith.constant 0 : index
      %swap3A_1144 = tpu.vector_load %arg12[%swap3A_1142, %swap3A_1143] {strides = array<i32>} : memref<80x256xf32, #tpu.memory_space<vmem>>, vector<16xf32>,
      tpu.vector_store %arg12[%swap3A_1142, %swap3A_1143], %add3A_1141 {strides = array<i32>} : memref<80x256xf32, #tpu.memory_space<vmem>>, vector<16xf32>,
      %get3A_1145 = arith.index_cast %squeeze3A : i32 to index
      %get3A_1146 = arith.constant 16 : index
      %get3A_1147 = tpu.vector_load %arg12[%get3A_1145, %get3A_1146] {strides = array<i32>} : memref<80x256xf32, #tpu.memory_space<vmem>>, vector<16xf32>,
      %get3A_1148 = arith.index_cast %add3A_1134 : i32 to index
      %get3A_1149 = arith.constant 16 : index
      %get3A_1150 = tpu.vector_load %arg14[%get3A_1148, %get3A_1149] {strides = array<i32>} : memref<88x256xf32, #tpu.memory_space<vmem>>, vector<16xf32>,
      %add3A_1151 = arith.addf %get3A_1147, %get3A_1150 : vector<16xf32>
      %swap3A_1152 = arith.index_cast %squeeze3A : i32 to index
      %swap3A_1153 = arith.constant 16 : index
      %swap3A_1154 = tpu.vector_load %arg12[%swap3A_1152, %swap3A_1153] {strides = array<i32>} : memref<80x256xf32, #tpu.memory_space<vmem>>, vector<16xf32>,
      tpu.vector_store %arg12[%swap3A_1152, %swap3A_1153], %add3A_1151 {strides = array<i32>} : memref<80x256xf32, #tpu.memory_space<vmem>>, vector<16xf32>,
      %get3A_1155 = arith.index_cast %squeeze3A : i32 to index
      %get3A_1156 = arith.constant 32 : index
      %get3A_1157 = tpu.vector_load %arg12[%get3A_1155, %get3A_1156] {strides = array<i32>} : memref<80x256xf32, #tpu.memory_space<vmem>>, vector<16xf32>,
      %get3A_1158 = arith.index_cast %add3A_1134 : i32 to index
      %get3A_1159 = arith.constant 32 : index
      %get3A_1160 = tpu.vector_load %arg14[%get3A_1158, %get3A_1159] {strides = array<i32>} : memref<88x256xf32, #tpu.memory_space<vmem>>, vector<16xf32>,
      %add3A_1161 = arith.addf %get3A_1157, %get3A_1160 : vector<16xf32>
      %swap3A_1162 = arith.index_cast %squeeze3A : i32 to index
      %swap3A_1163 = arith.constant 32 : index
      %swap3A_1164 = tpu.vector_load %arg12[%swap3A_1162, %swap3A_1163] {strides = array<i32>} : memref<80x256xf32, #tpu.memory_space<vmem>>, vector<16xf32>,
      tpu.vector_store %arg12[%swap3A_1162, %swap3A_1163], %add3A_1161 {strides = array<i32>} : memref<80x256xf32, #tpu.memory_space<vmem>>, vector<16xf32>,
      %get3A_1165 = arith.index_cast %squeeze3A : i32 to index
      %get3A_1166 = arith.constant 48 : index
      %get3A_1167 = tpu.vector_load %arg12[%get3A_1165, %get3A_1166] {strides = array<i32>} : memref<80x256xf32, #tpu.memory_space<vmem>>, vector<16xf32>,
      %get3A_1168 = arith.index_cast %add3A_1134 : i32 to index
      %get3A_1169 = arith.constant 48 : index
      %get3A_1170 = tpu.vector_load %arg14[%get3A_1168, %get3A_1169] {strides = array<i32>} : memref<88x256xf32, #tpu.memory_space<vmem>>, vector<16xf32>,
      %add3A_1171 = arith.addf %get3A_1167, %get3A_1170 : vector<16xf32>
      %swap3A_1172 = arith.index_cast %squeeze3A : i32 to index
      %swap3A_1173 = arith.constant 48 : index
      %swap3A_1174 = tpu.vector_load %arg12[%swap3A_1172, %swap3A_1173] {strides = array<i32>} : memref<80x256xf32, #tpu.memory_space<vmem>>, vector<16xf32>,
      tpu.vector_store %arg12[%swap3A_1172, %swap3A_1173], %add3A_1171 {strides = array<i32>} : memref<80x256xf32, #tpu.memory_space<vmem>>, vector<16xf32>,
      %get3A_1175 = arith.index_cast %squeeze3A : i32 to index
      %get3A_1176 = arith.constant 64 : index
      %get3A_1177 = tpu.vector_load %arg12[%get3A_1175, %get3A_1176] {strides = array<i32>} : memref<80x256xf32, #tpu.memory_space<vmem>>, vector<16xf32>,
      %get3A_1178 = arith.index_cast %add3A_1134 : i32 to index
      %get3A_1179 = arith.constant 64 : index
      %get3A_1180 = tpu.vector_load %arg14[%get3A_1178, %get3A_1179] {strides = array<i32>} : memref<88x256xf32, #tpu.memory_space<vmem>>, vector<16xf32>,
      %add3A_1181 = arith.addf %get3A_1177, %get3A_1180 : vector<16xf32>
      %swap3A_1182 = arith.index_cast %squeeze3A : i32 to index
      %swap3A_1183 = arith.constant 64 : index
      %swap3A_1184 = tpu.vector_load %arg12[%swap3A_1182, %swap3A_1183] {strides = array<i32>} : memref<80x256xf32, #tpu.memory_space<vmem>>, vector<16xf32>,
      tpu.vector_store %arg12[%swap3A_1182, %swap3A_1183], %add3A_1181 {strides = array<i32>} : memref<80x256xf32, #tpu.memory_space<vmem>>, vector<16xf32>,
      %get3A_1185 = arith.index_cast %squeeze3A : i32 to index
      %get3A_1186 = arith.constant 80 : index
      %get3A_1187 = tpu.vector_load %arg12[%get3A_1185, %get3A_1186] {strides = array<i32>} : memref<80x256xf32, #tpu.memory_space<vmem>>, vector<16xf32>,
      %get3A_1188 = arith.index_cast %add3A_1134 : i32 to index
      %get3A_1189 = arith.constant 80 : index
      %get3A_1190 = tpu.vector_load %arg14[%get3A_1188, %get3A_1189] {strides = array<i32>} : memref<88x256xf32, #tpu.memory_space<vmem>>, vector<16xf32>,
      %add3A_1191 = arith.addf %get3A_1187, %get3A_1190 : vector<16xf32>
      %swap3A_1192 = arith.index_cast %squeeze3A : i32 to index
      %swap3A_1193 = arith.constant 80 : index
      %swap3A_1194 = tpu.vector_load %arg12[%swap3A_1192, %swap3A_1193] {strides = array<i32>} : memref<80x256xf32, #tpu.memory_space<vmem>>, vector<16xf32>,
      tpu.vector_store %arg12[%swap3A_1192, %swap3A_1193], %add3A_1191 {strides = array<i32>} : memref<80x256xf32, #tpu.memory_space<vmem>>, vector<16xf32>,
      %get3A_1195 = arith.index_cast %squeeze3A : i32 to index
      %get3A_1196 = arith.constant 96 : index
      %get3A_1197 = tpu.vector_load %arg12[%get3A_1195, %get3A_1196] {strides = array<i32>} : memref<80x256xf32, #tpu.memory_space<vmem>>, vector<16xf32>,
      %get3A_1198 = arith.index_cast %add3A_1134 : i32 to index
      %get3A_1199 = arith.constant 96 : index
      %get3A_1200 = tpu.vector_load %arg14[%get3A_1198, %get3A_1199] {strides = array<i32>} : memref<88x256xf32, #tpu.memory_space<vmem>>, vector<16xf32>,
      %add3A_1201 = arith.addf %get3A_1197, %get3A_1200 : vector<16xf32>
      %swap3A_1202 = arith.index_cast %squeeze3A : i32 to index
      %swap3A_1203 = arith.constant 96 : index
      %swap3A_1204 = tpu.vector_load %arg12[%swap3A_1202, %swap3A_1203] {strides = array<i32>} : memref<80x256xf32, #tpu.memory_space<vmem>>, vector<16xf32>,
      tpu.vector_store %arg12[%swap3A_1202, %swap3A_1203], %add3A_1201 {strides = array<i32>} : memref<80x256xf32, #tpu.memory_space<vmem>>, vector<16xf32>,
      %get3A_1205 = arith.index_cast %squeeze3A : i32 to index
      %get3A_1206 = arith.constant 112 : index
      %get3A_1207 = tpu.vector_load %arg12[%get3A_1205, %get3A_1206] {strides = array<i32>} : memref<80x256xf32, #tpu.memory_space<vmem>>, vector<16xf32>,
      %get3A_1208 = arith.index_cast %add3A_1134 : i32 to index
      %get3A_1209 = arith.constant 112 : index
      %get3A_1210 = tpu.vector_load %arg14[%get3A_1208, %get3A_1209] {strides = array<i32>} : memref<88x256xf32, #tpu.memory_space<vmem>>, vector<16xf32>,
      %add3A_1211 = arith.addf %get3A_1207, %get3A_1210 : vector<16xf32>
      %swap3A_1212 = arith.index_cast %squeeze3A : i32 to index
      %swap3A_1213 = arith.constant 112 : index
      %swap3A_1214 = tpu.vector_load %arg12[%swap3A_1212, %swap3A_1213] {strides = array<i32>} : memref<80x256xf32, #tpu.memory_space<vmem>>, vector<16xf32>,
      tpu.vector_store %arg12[%swap3A_1212, %swap3A_1213], %add3A_1211 {strides = array<i32>} : memref<80x256xf32, #tpu.memory_space<vmem>>, vector<16xf32>,
      %get3A_1215 = arith.index_cast %squeeze3A : i32 to index
      %get3A_1216 = arith.constant 128 : index
      %get3A_1217 = tpu.vector_load %arg12[%get3A_1215, %get3A_1216] {strides = array<i32>} : memref<80x256xf32, #tpu.memory_space<vmem>>, vector<16xf32>,
      %get3A_1218 = arith.index_cast %add3A_1134 : i32 to index
      %get3A_1219 = arith.constant 128 : index
      %get3A_1220 = tpu.vector_load %arg14[%get3A_1218, %get3A_1219] {strides = array<i32>} : memref<88x256xf32, #tpu.memory_space<vmem>>, vector<16xf32>,
      %add3A_1221 = arith.addf %get3A_1217, %get3A_1220 : vector<16xf32>
      %swap3A_1222 = arith.index_cast %squeeze3A : i32 to index
      %swap3A_1223 = arith.constant 128 : index
      %swap3A_1224 = tpu.vector_load %arg12[%swap3A_1222, %swap3A_1223] {strides = array<i32>} : memref<80x256xf32, #tpu.memory_space<vmem>>, vector<16xf32>,
      tpu.vector_store %arg12[%swap3A_1222, %swap3A_1223], %add3A_1221 {strides = array<i32>} : memref<80x256xf32, #tpu.memory_space<vmem>>, vector<16xf32>,
      %get3A_1225 = arith.index_cast %squeeze3A : i32 to index
      %get3A_1226 = arith.constant 144 : index
      %get3A_1227 = tpu.vector_load %arg12[%get3A_1225, %get3A_1226] {strides = array<i32>} : memref<80x256xf32, #tpu.memory_space<vmem>>, vector<16xf32>,
      %get3A_1228 = arith.index_cast %add3A_1134 : i32 to index
      %get3A_1229 = arith.constant 144 : index
      %get3A_1230 = tpu.vector_load %arg14[%get3A_1228, %get3A_1229] {strides = array<i32>} : memref<88x256xf32, #tpu.memory_space<vmem>>, vector<16xf32>,
      %add3A_1231 = arith.addf %get3A_1227, %get3A_1230 : vector<16xf32>
      %swap3A_1232 = arith.index_cast %squeeze3A : i32 to index
      %swap3A_1233 = arith.constant 144 : index
      %swap3A_1234 = tpu.vector_load %arg12[%swap3A_1232, %swap3A_1233] {strides = array<i32>} : memref<80x256xf32, #tpu.memory_space<vmem>>, vector<16xf32>,
      tpu.vector_store %arg12[%swap3A_1232, %swap3A_1233], %add3A_1231 {strides = array<i32>} : memref<80x256xf32, #tpu.memory_space<vmem>>, vector<16xf32>,
      %get3A_1235 = arith.index_cast %squeeze3A : i32 to index
      %get3A_1236 = arith.constant 160 : index
      %get3A_1237 = tpu.vector_load %arg12[%get3A_1235, %get3A_1236] {strides = array<i32>} : memref<80x256xf32, #tpu.memory_space<vmem>>, vector<16xf32>,
      %get3A_1238 = arith.index_cast %add3A_1134 : i32 to index
      %get3A_1239 = arith.constant 160 : index
      %get3A_1240 = tpu.vector_load %arg14[%get3A_1238, %get3A_1239] {strides = array<i32>} : memref<88x256xf32, #tpu.memory_space<vmem>>, vector<16xf32>,
      %add3A_1241 = arith.addf %get3A_1237, %get3A_1240 : vector<16xf32>
      %swap3A_1242 = arith.index_cast %squeeze3A : i32 to index
      %swap3A_1243 = arith.constant 160 : index
      %swap3A_1244 = tpu.vector_load %arg12[%swap3A_1242, %swap3A_1243] {strides = array<i32>} : memref<80x256xf32, #tpu.memory_space<vmem>>, vector<16xf32>,
      tpu.vector_store %arg12[%swap3A_1242, %swap3A_1243], %add3A_1241 {strides = array<i32>} : memref<80x256xf32, #tpu.memory_space<vmem>>, vector<16xf32>,
      %get3A_1245 = arith.index_cast %squeeze3A : i32 to index
      %get3A_1246 = arith.constant 176 : index
      %get3A_1247 = tpu.vector_load %arg12[%get3A_1245, %get3A_1246] {strides = array<i32>} : memref<80x256xf32, #tpu.memory_space<vmem>>, vector<16xf32>,
      %get3A_1248 = arith.index_cast %add3A_1134 : i32 to index
      %get3A_1249 = arith.constant 176 : index
      %get3A_1250 = tpu.vector_load %arg14[%get3A_1248, %get3A_1249] {strides = array<i32>} : memref<88x256xf32, #tpu.memory_space<vmem>>, vector<16xf32>,
      %add3A_1251 = arith.addf %get3A_1247, %get3A_1250 : vector<16xf32>
      %swap3A_1252 = arith.index_cast %squeeze3A : i32 to index
      %swap3A_1253 = arith.constant 176 : index
      %swap3A_1254 = tpu.vector_load %arg12[%swap3A_1252, %swap3A_1253] {strides = array<i32>} : memref<80x256xf32, #tpu.memory_space<vmem>>, vector<16xf32>,
      tpu.vector_store %arg12[%swap3A_1252, %swap3A_1253], %add3A_1251 {strides = array<i32>} : memref<80x256xf32, #tpu.memory_space<vmem>>, vector<16xf32>,
      %get3A_1255 = arith.index_cast %squeeze3A : i32 to index
      %get3A_1256 = arith.constant 192 : index
      %get3A_1257 = tpu.vector_load %arg12[%get3A_1255, %get3A_1256] {strides = array<i32>} : memref<80x256xf32, #tpu.memory_space<vmem>>, vector<16xf32>,
      %get3A_1258 = arith.index_cast %add3A_1134 : i32 to index
      %get3A_1259 = arith.constant 192 : index
      %get3A_1260 = tpu.vector_load %arg14[%get3A_1258, %get3A_1259] {strides = array<i32>} : memref<88x256xf32, #tpu.memory_space<vmem>>, vector<16xf32>,
      %add3A_1261 = arith.addf %get3A_1257, %get3A_1260 : vector<16xf32>
      %swap3A_1262 = arith.index_cast %squeeze3A : i32 to index
      %swap3A_1263 = arith.constant 192 : index
      %swap3A_1264 = tpu.vector_load %arg12[%swap3A_1262, %swap3A_1263] {strides = array<i32>} : memref<80x256xf32, #tpu.memory_space<vmem>>, vector<16xf32>,
      tpu.vector_store %arg12[%swap3A_1262, %swap3A_1263], %add3A_1261 {strides = array<i32>} : memref<80x256xf32, #tpu.memory_space<vmem>>, vector<16xf32>,
      %get3A_1265 = arith.index_cast %squeeze3A : i32 to index
      %get3A_1266 = arith.constant 208 : index
      %get3A_1267 = tpu.vector_load %arg12[%get3A_1265, %get3A_1266] {strides = array<i32>} : memref<80x256xf32, #tpu.memory_space<vmem>>, vector<16xf32>,
      %get3A_1268 = arith.index_cast %add3A_1134 : i32 to index
      %get3A_1269 = arith.constant 208 : index
      %get3A_1270 = tpu.vector_load %arg14[%get3A_1268, %get3A_1269] {strides = array<i32>} : memref<88x256xf32, #tpu.memory_space<vmem>>, vector<16xf32>,
      %add3A_1271 = arith.addf %get3A_1267, %get3A_1270 : vector<16xf32>
      %swap3A_1272 = arith.index_cast %squeeze3A : i32 to index
      %swap3A_1273 = arith.constant 208 : index
      %swap3A_1274 = tpu.vector_load %arg12[%swap3A_1272, %swap3A_1273] {strides = array<i32>} : memref<80x256xf32, #tpu.memory_space<vmem>>, vector<16xf32>,
      tpu.vector_store %arg12[%swap3A_1272, %swap3A_1273], %add3A_1271 {strides = array<i32>} : memref<80x256xf32, #tpu.memory_space<vmem>>, vector<16xf32>,
      %get3A_1275 = arith.index_cast %squeeze3A : i32 to index
      %get3A_1276 = arith.constant 224 : index
      %get3A_1277 = tpu.vector_load %arg12[%get3A_1275, %get3A_1276] {strides = array<i32>} : memref<80x256xf32, #tpu.memory_space<vmem>>, vector<16xf32>,
      %get3A_1278 = arith.index_cast %add3A_1134 : i32 to index
      %get3A_1279 = arith.constant 224 : index
      %get3A_1280 = tpu.vector_load %arg14[%get3A_1278, %get3A_1279] {strides = array<i32>} : memref<88x256xf32, #tpu.memory_space<vmem>>, vector<16xf32>,
      %add3A_1281 = arith.addf %get3A_1277, %get3A_1280 : vector<16xf32>
      %swap3A_1282 = arith.index_cast %squeeze3A : i32 to index
      %swap3A_1283 = arith.constant 224 : index
      %swap3A_1284 = tpu.vector_load %arg12[%swap3A_1282, %swap3A_1283] {strides = array<i32>} : memref<80x256xf32, #tpu.memory_space<vmem>>, vector<16xf32>,
      tpu.vector_store %arg12[%swap3A_1282, %swap3A_1283], %add3A_1281 {strides = array<i32>} : memref<80x256xf32, #tpu.memory_space<vmem>>, vector<16xf32>,
      %get3A_1285 = arith.index_cast %squeeze3A : i32 to index
      %get3A_1286 = arith.constant 240 : index
      %get3A_1287 = tpu.vector_load %arg12[%get3A_1285, %get3A_1286] {strides = array<i32>} : memref<80x256xf32, #tpu.memory_space<vmem>>, vector<16xf32>,
      %get3A_1288 = arith.index_cast %add3A_1134 : i32 to index
      %get3A_1289 = arith.constant 240 : index
      %get3A_1290 = tpu.vector_load %arg14[%get3A_1288, %get3A_1289] {strides = array<i32>} : memref<88x256xf32, #tpu.memory_space<vmem>>, vector<16xf32>,
      %add3A_1291 = arith.addf %get3A_1287, %get3A_1290 : vector<16xf32>
      %swap3A_1292 = arith.index_cast %squeeze3A : i32 to index
      %swap3A_1293 = arith.constant 240 : index
      %swap3A_1294 = tpu.vector_load %arg12[%swap3A_1292, %swap3A_1293] {strides = array<i32>} : memref<80x256xf32, #tpu.memory_space<vmem>>, vector<16xf32>,
      tpu.vector_store %arg12[%swap3A_1292, %swap3A_1293], %add3A_1291 {strides = array<i32>} : memref<80x256xf32, #tpu.memory_space<vmem>>, vector<16xf32>,
      %while3A_1295 = arith.constant 0 : i32
      scf.yield %while3A_1295 : i32
    }
    %while3A_1030 = arith.constant 1 : i32
    %while3A_1031 = scf.for %while3A_1128 = %while3A_1027 to %while3A_1023 step %while3A_1030 iter_args(%while3A_1129 = %while3A_1029) -> (i32)  : i32 {
      %add3A_1130 = arith.constant 160 : i32
      %add3A_1131 = arith.addi %add3A_1130, %while3A_1128 : i32
      %get3A_1132 = arith.index_cast %add3A_1131 : i32 to index
      %get3A_1133 = tpu.vector_load %arg9[%get3A_1132] {strides = array<i32>} : memref<336xi32, #tpu.memory_space<vmem>>, vector<16xi32>,
      %slice3A = vector.extract_strided_slice %get3A_1133 {offsets = [0], sizes = [1], strides = [1]} : vector<16xi32> to vector<1xi32>
      %squeeze3A = vector.extract %slice3A[0] : i32 from vector<1xi32>
      %add3A_1134 = arith.addi %sub3A_553, %while3A_1128 : i32
      %get3A_1135 = arith.index_cast %squeeze3A : i32 to index
      %get3A_1136 = arith.constant 0 : index
      %get3A_1137 = tpu.vector_load %arg12[%get3A_1135, %get3A_1136] {strides = array<i32>} : memref<80x256xf32, #tpu.memory_space<vmem>>, vector<16xf32>,
      %get3A_1138 = arith.index_cast %add3A_1134 : i32 to index
      %get3A_1139 = arith.constant 0 : index
      %get3A_1140 = tpu.vector_load %arg14[%get3A_1138, %get3A_1139] {strides = array<i32>} : memref<88x256xf32, #tpu.memory_space<vmem>>, vector<16xf32>,
      %add3A_1141 = arith.addf %get3A_1137, %get3A_1140 : vector<16xf32>
      %swap3A_1142 = arith.index_cast %squeeze3A : i32 to index
      %swap3A_1143 = arith.constant 0 : index
      %swap3A_1144 = tpu.vector_load %arg12[%swap3A_1142, %swap3A_1143] {strides = array<i32>} : memref<80x256xf32, #tpu.memory_space<vmem>>, vector<16xf32>,
      tpu.vector_store %arg12[%swap3A_1142, %swap3A_1143], %add3A_1141 {strides = array<i32>} : memref<80x256xf32, #tpu.memory_space<vmem>>, vector<16xf32>,
      %get3A_1145 = arith.index_cast %squeeze3A : i32 to index
      %get3A_1146 = arith.constant 16 : index
      %get3A_1147 = tpu.vector_load %arg12[%get3A_1145, %get3A_1146] {strides = array<i32>} : memref<80x256xf32, #tpu.memory_space<vmem>>, vector<16xf32>,
      %get3A_1148 = arith.index_cast %add3A_1134 : i32 to index
      %get3A_1149 = arith.constant 16 : index
      %get3A_1150 = tpu.vector_load %arg14[%get3A_1148, %get3A_1149] {strides = array<i32>} : memref<88x256xf32, #tpu.memory_space<vmem>>, vector<16xf32>,
      %add3A_1151 = arith.addf %get3A_1147, %get3A_1150 : vector<16xf32>
      %swap3A_1152 = arith.index_cast %squeeze3A : i32 to index
      %swap3A_1153 = arith.constant 16 : index
      %swap3A_1154 = tpu.vector_load %arg12[%swap3A_1152, %swap3A_1153] {strides = array<i32>} : memref<80x256xf32, #tpu.memory_space<vmem>>, vector<16xf32>,
      tpu.vector_store %arg12[%swap3A_1152, %swap3A_1153], %add3A_1151 {strides = array<i32>} : memref<80x256xf32, #tpu.memory_space<vmem>>, vector<16xf32>,
      %get3A_1155 = arith.index_cast %squeeze3A : i32 to index
      %get3A_1156 = arith.constant 32 : index
      %get3A_1157 = tpu.vector_load %arg12[%get3A_1155, %get3A_1156] {strides = array<i32>} : memref<80x256xf32, #tpu.memory_space<vmem>>, vector<16xf32>,
      %get3A_1158 = arith.index_cast %add3A_1134 : i32 to index
      %get3A_1159 = arith.constant 32 : index
      %get3A_1160 = tpu.vector_load %arg14[%get3A_1158, %get3A_1159] {strides = array<i32>} : memref<88x256xf32, #tpu.memory_space<vmem>>, vector<16xf32>,
      %add3A_1161 = arith.addf %get3A_1157, %get3A_1160 : vector<16xf32>
      %swap3A_1162 = arith.index_cast %squeeze3A : i32 to index
      %swap3A_1163 = arith.constant 32 : index
      %swap3A_1164 = tpu.vector_load %arg12[%swap3A_1162, %swap3A_1163] {strides = array<i32>} : memref<80x256xf32, #tpu.memory_space<vmem>>, vector<16xf32>,
      tpu.vector_store %arg12[%swap3A_1162, %swap3A_1163], %add3A_1161 {strides = array<i32>} : memref<80x256xf32, #tpu.memory_space<vmem>>, vector<16xf32>,
      %get3A_1165 = arith.index_cast %squeeze3A : i32 to index
      %get3A_1166 = arith.constant 48 : index
      %get3A_1167 = tpu.vector_load %arg12[%get3A_1165, %get3A_1166] {strides = array<i32>} : memref<80x256xf32, #tpu.memory_space<vmem>>, vector<16xf32>,
      %get3A_1168 = arith.index_cast %add3A_1134 : i32 to index
      %get3A_1169 = arith.constant 48 : index
      %get3A_1170 = tpu.vector_load %arg14[%get3A_1168, %get3A_1169] {strides = array<i32>} : memref<88x256xf32, #tpu.memory_space<vmem>>, vector<16xf32>,
      %add3A_1171 = arith.addf %get3A_1167, %get3A_1170 : vector<16xf32>
      %swap3A_1172 = arith.index_cast %squeeze3A : i32 to index
      %swap3A_1173 = arith.constant 48 : index
      %swap3A_1174 = tpu.vector_load %arg12[%swap3A_1172, %swap3A_1173] {strides = array<i32>} : memref<80x256xf32, #tpu.memory_space<vmem>>, vector<16xf32>,
      tpu.vector_store %arg12[%swap3A_1172, %swap3A_1173], %add3A_1171 {strides = array<i32>} : memref<80x256xf32, #tpu.memory_space<vmem>>, vector<16xf32>,
      %get3A_1175 = arith.index_cast %squeeze3A : i32 to index
      %get3A_1176 = arith.constant 64 : index
      %get3A_1177 = tpu.vector_load %arg12[%get3A_1175, %get3A_1176] {strides = array<i32>} : memref<80x256xf32, #tpu.memory_space<vmem>>, vector<16xf32>,
      %get3A_1178 = arith.index_cast %add3A_1134 : i32 to index
      %get3A_1179 = arith.constant 64 : index
      %get3A_1180 = tpu.vector_load %arg14[%get3A_1178, %get3A_1179] {strides = array<i32>} : memref<88x256xf32, #tpu.memory_space<vmem>>, vector<16xf32>,
      %add3A_1181 = arith.addf %get3A_1177, %get3A_1180 : vector<16xf32>
      %swap3A_1182 = arith.index_cast %squeeze3A : i32 to index
      %swap3A_1183 = arith.constant 64 : index
      %swap3A_1184 = tpu.vector_load %arg12[%swap3A_1182, %swap3A_1183] {strides = array<i32>} : memref<80x256xf32, #tpu.memory_space<vmem>>, vector<16xf32>,
      tpu.vector_store %arg12[%swap3A_1182, %swap3A_1183], %add3A_1181 {strides = array<i32>} : memref<80x256xf32, #tpu.memory_space<vmem>>, vector<16xf32>,
      %get3A_1185 = arith.index_cast %squeeze3A : i32 to index
      %get3A_1186 = arith.constant 80 : index
      %get3A_1187 = tpu.vector_load %arg12[%get3A_1185, %get3A_1186] {strides = array<i32>} : memref<80x256xf32, #tpu.memory_space<vmem>>, vector<16xf32>,
      %get3A_1188 = arith.index_cast %add3A_1134 : i32 to index
      %get3A_1189 = arith.constant 80 : index
      %get3A_1190 = tpu.vector_load %arg14[%get3A_1188, %get3A_1189] {strides = array<i32>} : memref<88x256xf32, #tpu.memory_space<vmem>>, vector<16xf32>,
      %add3A_1191 = arith.addf %get3A_1187, %get3A_1190 : vector<16xf32>
      %swap3A_1192 = arith.index_cast %squeeze3A : i32 to index
      %swap3A_1193 = arith.constant 80 : index
      %swap3A_1194 = tpu.vector_load %arg12[%swap3A_1192, %swap3A_1193] {strides = array<i32>} : memref<80x256xf32, #tpu.memory_space<vmem>>, vector<16xf32>,
      tpu.vector_store %arg12[%swap3A_1192, %swap3A_1193], %add3A_1191 {strides = array<i32>} : memref<80x256xf32, #tpu.memory_space<vmem>>, vector<16xf32>,
      %get3A_1195 = arith.index_cast %squeeze3A : i32 to index
      %get3A_1196 = arith.constant 96 : index
      %get3A_1197 = tpu.vector_load %arg12[%get3A_1195, %get3A_1196] {strides = array<i32>} : memref<80x256xf32, #tpu.memory_space<vmem>>, vector<16xf32>,
      %get3A_1198 = arith.index_cast %add3A_1134 : i32 to index
      %get3A_1199 = arith.constant 96 : index
      %get3A_1200 = tpu.vector_load %arg14[%get3A_1198, %get3A_1199] {strides = array<i32>} : memref<88x256xf32, #tpu.memory_space<vmem>>, vector<16xf32>,
      %add3A_1201 = arith.addf %get3A_1197, %get3A_1200 : vector<16xf32>
      %swap3A_1202 = arith.index_cast %squeeze3A : i32 to index
      %swap3A_1203 = arith.constant 96 : index
      %swap3A_1204 = tpu.vector_load %arg12[%swap3A_1202, %swap3A_1203] {strides = array<i32>} : memref<80x256xf32, #tpu.memory_space<vmem>>, vector<16xf32>,
      tpu.vector_store %arg12[%swap3A_1202, %swap3A_1203], %add3A_1201 {strides = array<i32>} : memref<80x256xf32, #tpu.memory_space<vmem>>, vector<16xf32>,
      %get3A_1205 = arith.index_cast %squeeze3A : i32 to index
      %get3A_1206 = arith.constant 112 : index
      %get3A_1207 = tpu.vector_load %arg12[%get3A_1205, %get3A_1206] {strides = array<i32>} : memref<80x256xf32, #tpu.memory_space<vmem>>, vector<16xf32>,
      %get3A_1208 = arith.index_cast %add3A_1134 : i32 to index
      %get3A_1209 = arith.constant 112 : index
      %get3A_1210 = tpu.vector_load %arg14[%get3A_1208, %get3A_1209] {strides = array<i32>} : memref<88x256xf32, #tpu.memory_space<vmem>>, vector<16xf32>,
      %add3A_1211 = arith.addf %get3A_1207, %get3A_1210 : vector<16xf32>
      %swap3A_1212 = arith.index_cast %squeeze3A : i32 to index
      %swap3A_1213 = arith.constant 112 : index
      %swap3A_1214 = tpu.vector_load %arg12[%swap3A_1212, %swap3A_1213] {strides = array<i32>} : memref<80x256xf32, #tpu.memory_space<vmem>>, vector<16xf32>,
      tpu.vector_store %arg12[%swap3A_1212, %swap3A_1213], %add3A_1211 {strides = array<i32>} : memref<80x256xf32, #tpu.memory_space<vmem>>, vector<16xf32>,
      %get3A_1215 = arith.index_cast %squeeze3A : i32 to index
      %get3A_1216 = arith.constant 128 : index
      %get3A_1217 = tpu.vector_load %arg12[%get3A_1215, %get3A_1216] {strides = array<i32>} : memref<80x256xf32, #tpu.memory_space<vmem>>, vector<16xf32>,
      %get3A_1218 = arith.index_cast %add3A_1134 : i32 to index
      %get3A_1219 = arith.constant 128 : index
      %get3A_1220 = tpu.vector_load %arg14[%get3A_1218, %get3A_1219] {strides = array<i32>} : memref<88x256xf32, #tpu.memory_space<vmem>>, vector<16xf32>,
      %add3A_1221 = arith.addf %get3A_1217, %get3A_1220 : vector<16xf32>
      %swap3A_1222 = arith.index_cast %squeeze3A : i32 to index
      %swap3A_1223 = arith.constant 128 : index
      %swap3A_1224 = tpu.vector_load %arg12[%swap3A_1222, %swap3A_1223] {strides = array<i32>} : memref<80x256xf32, #tpu.memory_space<vmem>>, vector<16xf32>,
      tpu.vector_store %arg12[%swap3A_1222, %swap3A_1223], %add3A_1221 {strides = array<i32>} : memref<80x256xf32, #tpu.memory_space<vmem>>, vector<16xf32>,
      %get3A_1225 = arith.index_cast %squeeze3A : i32 to index
      %get3A_1226 = arith.constant 144 : index
      %get3A_1227 = tpu.vector_load %arg12[%get3A_1225, %get3A_1226] {strides = array<i32>} : memref<80x256xf32, #tpu.memory_space<vmem>>, vector<16xf32>,
      %get3A_1228 = arith.index_cast %add3A_1134 : i32 to index
      %get3A_1229 = arith.constant 144 : index
      %get3A_1230 = tpu.vector_load %arg14[%get3A_1228, %get3A_1229] {strides = array<i32>} : memref<88x256xf32, #tpu.memory_space<vmem>>, vector<16xf32>,
      %add3A_1231 = arith.addf %get3A_1227, %get3A_1230 : vector<16xf32>
      %swap3A_1232 = arith.index_cast %squeeze3A : i32 to index
      %swap3A_1233 = arith.constant 144 : index
      %swap3A_1234 = tpu.vector_load %arg12[%swap3A_1232, %swap3A_1233] {strides = array<i32>} : memref<80x256xf32, #tpu.memory_space<vmem>>, vector<16xf32>,
      tpu.vector_store %arg12[%swap3A_1232, %swap3A_1233], %add3A_1231 {strides = array<i32>} : memref<80x256xf32, #tpu.memory_space<vmem>>, vector<16xf32>,
      %get3A_1235 = arith.index_cast %squeeze3A : i32 to index
      %get3A_1236 = arith.constant 160 : index
      %get3A_1237 = tpu.vector_load %arg12[%get3A_1235, %get3A_1236] {strides = array<i32>} : memref<80x256xf32, #tpu.memory_space<vmem>>, vector<16xf32>,
      %get3A_1238 = arith.index_cast %add3A_1134 : i32 to index
      %get3A_1239 = arith.constant 160 : index
      %get3A_1240 = tpu.vector_load %arg14[%get3A_1238, %get3A_1239] {strides = array<i32>} : memref<88x256xf32, #tpu.memory_space<vmem>>, vector<16xf32>,
      %add3A_1241 = arith.addf %get3A_1237, %get3A_1240 : vector<16xf32>
      %swap3A_1242 = arith.index_cast %squeeze3A : i32 to index
      %swap3A_1243 = arith.constant 160 : index
      %swap3A_1244 = tpu.vector_load %arg12[%swap3A_1242, %swap3A_1243] {strides = array<i32>} : memref<80x256xf32, #tpu.memory_space<vmem>>, vector<16xf32>,
      tpu.vector_store %arg12[%swap3A_1242, %swap3A_1243], %add3A_1241 {strides = array<i32>} : memref<80x256xf32, #tpu.memory_space<vmem>>, vector<16xf32>,
      %get3A_1245 = arith.index_cast %squeeze3A : i32 to index
      %get3A_1246 = arith.constant 176 : index
      %get3A_1247 = tpu.vector_load %arg12[%get3A_1245, %get3A_1246] {strides = array<i32>} : memref<80x256xf32, #tpu.memory_space<vmem>>, vector<16xf32>,
      %get3A_1248 = arith.index_cast %add3A_1134 : i32 to index
      %get3A_1249 = arith.constant 176 : index
      %get3A_1250 = tpu.vector_load %arg14[%get3A_1248, %get3A_1249] {strides = array<i32>} : memref<88x256xf32, #tpu.memory_space<vmem>>, vector<16xf32>,
      %add3A_1251 = arith.addf %get3A_1247, %get3A_1250 : vector<16xf32>
      %swap3A_1252 = arith.index_cast %squeeze3A : i32 to index
      %swap3A_1253 = arith.constant 176 : index
      %swap3A_1254 = tpu.vector_load %arg12[%swap3A_1252, %swap3A_1253] {strides = array<i32>} : memref<80x256xf32, #tpu.memory_space<vmem>>, vector<16xf32>,
      tpu.vector_store %arg12[%swap3A_1252, %swap3A_1253], %add3A_1251 {strides = array<i32>} : memref<80x256xf32, #tpu.memory_space<vmem>>, vector<16xf32>,
      %get3A_1255 = arith.index_cast %squeeze3A : i32 to index
      %get3A_1256 = arith.constant 192 : index
      %get3A_1257 = tpu.vector_load %arg12[%get3A_1255, %get3A_1256] {strides = array<i32>} : memref<80x256xf32, #tpu.memory_space<vmem>>, vector<16xf32>,
      %get3A_1258 = arith.index_cast %add3A_1134 : i32 to index
      %get3A_1259 = arith.constant 192 : index
      %get3A_1260 = tpu.vector_load %arg14[%get3A_1258, %get3A_1259] {strides = array<i32>} : memref<88x256xf32, #tpu.memory_space<vmem>>, vector<16xf32>,
      %add3A_1261 = arith.addf %get3A_1257, %get3A_1260 : vector<16xf32>
      %swap3A_1262 = arith.index_cast %squeeze3A : i32 to index
      %swap3A_1263 = arith.constant 192 : index
      %swap3A_1264 = tpu.vector_load %arg12[%swap3A_1262, %swap3A_1263] {strides = array<i32>} : memref<80x256xf32, #tpu.memory_space<vmem>>, vector<16xf32>,
      tpu.vector_store %arg12[%swap3A_1262, %swap3A_1263], %add3A_1261 {strides = array<i32>} : memref<80x256xf32, #tpu.memory_space<vmem>>, vector<16xf32>,
      %get3A_1265 = arith.index_cast %squeeze3A : i32 to index
      %get3A_1266 = arith.constant 208 : index
      %get3A_1267 = tpu.vector_load %arg12[%get3A_1265, %get3A_1266] {strides = array<i32>} : memref<80x256xf32, #tpu.memory_space<vmem>>, vector<16xf32>,
      %get3A_1268 = arith.index_cast %add3A_1134 : i32 to index
      %get3A_1269 = arith.constant 208 : index
      %get3A_1270 = tpu.vector_load %arg14[%get3A_1268, %get3A_1269] {strides = array<i32>} : memref<88x256xf32, #tpu.memory_space<vmem>>, vector<16xf32>,
      %add3A_1271 = arith.addf %get3A_1267, %get3A_1270 : vector<16xf32>
      %swap3A_1272 = arith.index_cast %squeeze3A : i32 to index
      %swap3A_1273 = arith.constant 208 : index
      %swap3A_1274 = tpu.vector_load %arg12[%swap3A_1272, %swap3A_1273] {strides = array<i32>} : memref<80x256xf32, #tpu.memory_space<vmem>>, vector<16xf32>,
      tpu.vector_store %arg12[%swap3A_1272, %swap3A_1273], %add3A_1271 {strides = array<i32>} : memref<80x256xf32, #tpu.memory_space<vmem>>, vector<16xf32>,
      %get3A_1275 = arith.index_cast %squeeze3A : i32 to index
      %get3A_1276 = arith.constant 224 : index
      %get3A_1277 = tpu.vector_load %arg12[%get3A_1275, %get3A_1276] {strides = array<i32>} : memref<80x256xf32, #tpu.memory_space<vmem>>, vector<16xf32>,
      %get3A_1278 = arith.index_cast %add3A_1134 : i32 to index
      %get3A_1279 = arith.constant 224 : index
      %get3A_1280 = tpu.vector_load %arg14[%get3A_1278, %get3A_1279] {strides = array<i32>} : memref<88x256xf32, #tpu.memory_space<vmem>>, vector<16xf32>,
      %add3A_1281 = arith.addf %get3A_1277, %get3A_1280 : vector<16xf32>
      %swap3A_1282 = arith.index_cast %squeeze3A : i32 to index
      %swap3A_1283 = arith.constant 224 : index
      %swap3A_1284 = tpu.vector_load %arg12[%swap3A_1282, %swap3A_1283] {strides = array<i32>} : memref<80x256xf32, #tpu.memory_space<vmem>>, vector<16xf32>,
      tpu.vector_store %arg12[%swap3A_1282, %swap3A_1283], %add3A_1281 {strides = array<i32>} : memref<80x256xf32, #tpu.memory_space<vmem>>, vector<16xf32>,
      %get3A_1285 = arith.index_cast %squeeze3A : i32 to index
      %get3A_1286 = arith.constant 240 : index
      %get3A_1287 = tpu.vector_load %arg12[%get3A_1285, %get3A_1286] {strides = array<i32>} : memref<80x256xf32, #tpu.memory_space<vmem>>, vector<16xf32>,
      %get3A_1288 = arith.index_cast %add3A_1134 : i32 to index
      %get3A_1289 = arith.constant 240 : index
      %get3A_1290 = tpu.vector_load %arg14[%get3A_1288, %get3A_1289] {strides = array<i32>} : memref<88x256xf32, #tpu.memory_space<vmem>>, vector<16xf32>,
      %add3A_1291 = arith.addf %get3A_1287, %get3A_1290 : vector<16xf32>
      %swap3A_1292 = arith.index_cast %squeeze3A : i32 to index
      %swap3A_1293 = arith.constant 240 : index
      %swap3A_1294 = tpu.vector_load %arg12[%swap3A_1292, %swap3A_1293] {strides = array<i32>} : memref<80x256xf32, #tpu.memory_space<vmem>>, vector<16xf32>,
      tpu.vector_store %arg12[%swap3A_1292, %swap3A_1293], %add3A_1291 {strides = array<i32>} : memref<80x256xf32, #tpu.memory_space<vmem>>, vector<16xf32>,
      %while3A_1295 = arith.constant 0 : i32
      scf.yield %while3A_1295 : i32
    }
    "tpu.trace_stop"() : () -> ()
    %add3A_1032 = arith.constant 160 : i32
    %add3A_1033 = arith.addi %multiple_of3A, %add3A_1032 : i32
    %dma_start3A_1034 = arith.constant 0 : i32
    %dma_start3A_1035 = tpu.memref_slice %arg6[%add3A_1033, %dma_start3A_1034] : memref<10000x256xf32, #tpu.memory_space<hbm>> -> memref<80x256xf32, #tpu.memory_space<hbm>>
    %dma_start3A_1036 = arith.constant 0 : i32
    %dma_start3A_1037 = tpu.memref_slice %arg6[%add3A_1033, %dma_start3A_1036] : memref<10000x256xf32, #tpu.memory_space<hbm>> -> memref<80x256xf32, #tpu.memory_space<hbm>>
    tpu.enqueue_dma source(%arg12 : memref<80x256xf32, #tpu.memory_space<vmem>>) target(%dma_start3A_1037 : memref<80x256xf32, #tpu.memory_space<hbm>>) target_semaphore(%arg22 : memref<!tpu.dma_semaphore, #tpu.memory_space<semaphore_mem>>)
    %dma_start3A_1038 = arith.constant 0 : i32
    %dma_start3A_1039 = tpu.memref_slice %arg5[%multiple_of3A_710, %dma_start3A_1038] : memref<10000x256xf32, #tpu.memory_space<hbm>> -> memref<88x256xf32, #tpu.memory_space<hbm>>
    %dma_start3A_1040 = arith.constant 0 : i32
    %dma_start3A_1041 = tpu.memref_slice %arg5[%multiple_of3A_710, %dma_start3A_1040] : memref<10000x256xf32, #tpu.memory_space<hbm>> -> memref<88x256xf32, #tpu.memory_space<hbm>>
    tpu.enqueue_dma source(%dma_start3A_1041 : memref<88x256xf32, #tpu.memory_space<hbm>>) target(%arg14 : memref<88x256xf32, #tpu.memory_space<vmem>>) target_semaphore(%arg19 : memref<!tpu.dma_semaphore, #tpu.memory_space<semaphore_mem>>)
    "tpu.trace_start"() <{level = 10 : i32, message = "nk_wait"}> : () -> ()
    %dma_wait3A_1042 = arith.constant 0 : i32
    %dma_wait3A_1043 = arith.constant 0 : i32
    %dma_wait3A_1044 = tpu.memref_slice %arg13[%dma_wait3A_1042, %dma_wait3A_1043] : memref<80x256xf32, #tpu.memory_space<vmem>> -> memref<16x256xf32, #tpu.memory_space<vmem>>
    %dma_wait3A_1045 = arith.constant 240 : i32
    %dma_wait3A_1046 = tpu.memref_slice %arg7[%dma_wait3A_1045] : memref<320xi32, #tpu.memory_space<vmem>> -> memref<16xi32, #tpu.memory_space<vmem>>
    %dma_wait3A_1047 = arith.constant 0 : i32
    %dma_wait3A_1048 = arith.constant 0 : i32
    %dma_wait3A_1049 = tpu.memref_slice %arg4[%dma_wait3A_1047, %dma_wait3A_1048] : memref<100000x256xf32, #tpu.memory_space<hbm>> -> memref<100000x256xf32, #tpu.memory_space<hbm>>
    tpu.wait_indirect_dma semaphore(%arg18 : memref<!tpu.dma_semaphore, #tpu.memory_space<semaphore_mem>>) src(%dma_wait3A_1049 : memref<100000x256xf32, #tpu.memory_space<hbm>>) dst(%dma_wait3A_1044 : memref<16x256xf32, #tpu.memory_space<vmem>>)
    %dma_wait3A_1050 = arith.constant 16 : i32
    %dma_wait3A_1051 = arith.constant 0 : i32
    %dma_wait3A_1052 = tpu.memref_slice %arg13[%dma_wait3A_1050, %dma_wait3A_1051] : memref<80x256xf32, #tpu.memory_space<vmem>> -> memref<16x256xf32, #tpu.memory_space<vmem>>
    %dma_wait3A_1053 = arith.constant 256 : i32
    %dma_wait3A_1054 = tpu.memref_slice %arg7[%dma_wait3A_1053] : memref<320xi32, #tpu.memory_space<vmem>> -> memref<16xi32, #tpu.memory_space<vmem>>
    %dma_wait3A_1055 = arith.constant 0 : i32
    %dma_wait3A_1056 = arith.constant 0 : i32
    %dma_wait3A_1057 = tpu.memref_slice %arg4[%dma_wait3A_1055, %dma_wait3A_1056] : memref<100000x256xf32, #tpu.memory_space<hbm>> -> memref<100000x256xf32, #tpu.memory_space<hbm>>
    tpu.wait_indirect_dma semaphore(%arg18 : memref<!tpu.dma_semaphore, #tpu.memory_space<semaphore_mem>>) src(%dma_wait3A_1057 : memref<100000x256xf32, #tpu.memory_space<hbm>>) dst(%dma_wait3A_1052 : memref<16x256xf32, #tpu.memory_space<vmem>>)
    %dma_wait3A_1058 = arith.constant 32 : i32
    %dma_wait3A_1059 = arith.constant 0 : i32
    %dma_wait3A_1060 = tpu.memref_slice %arg13[%dma_wait3A_1058, %dma_wait3A_1059] : memref<80x256xf32, #tpu.memory_space<vmem>> -> memref<16x256xf32, #tpu.memory_space<vmem>>
    %dma_wait3A_1061 = arith.constant 272 : i32
    %dma_wait3A_1062 = tpu.memref_slice %arg7[%dma_wait3A_1061] : memref<320xi32, #tpu.memory_space<vmem>> -> memref<16xi32, #tpu.memory_space<vmem>>
    %dma_wait3A_1063 = arith.constant 0 : i32
    %dma_wait3A_1064 = arith.constant 0 : i32
    %dma_wait3A_1065 = tpu.memref_slice %arg4[%dma_wait3A_1063, %dma_wait3A_1064] : memref<100000x256xf32, #tpu.memory_space<hbm>> -> memref<100000x256xf32, #tpu.memory_space<hbm>>
    tpu.wait_indirect_dma semaphore(%arg18 : memref<!tpu.dma_semaphore, #tpu.memory_space<semaphore_mem>>) src(%dma_wait3A_1065 : memref<100000x256xf32, #tpu.memory_space<hbm>>) dst(%dma_wait3A_1060 : memref<16x256xf32, #tpu.memory_space<vmem>>)
    %dma_wait3A_1066 = arith.constant 48 : i32
    %dma_wait3A_1067 = arith.constant 0 : i32
    %dma_wait3A_1068 = tpu.memref_slice %arg13[%dma_wait3A_1066, %dma_wait3A_1067] : memref<80x256xf32, #tpu.memory_space<vmem>> -> memref<16x256xf32, #tpu.memory_space<vmem>>
    %dma_wait3A_1069 = arith.constant 288 : i32
    %dma_wait3A_1070 = tpu.memref_slice %arg7[%dma_wait3A_1069] : memref<320xi32, #tpu.memory_space<vmem>> -> memref<16xi32, #tpu.memory_space<vmem>>
    %dma_wait3A_1071 = arith.constant 0 : i32
    %dma_wait3A_1072 = arith.constant 0 : i32
    %dma_wait3A_1073 = tpu.memref_slice %arg4[%dma_wait3A_1071, %dma_wait3A_1072] : memref<100000x256xf32, #tpu.memory_space<hbm>> -> memref<100000x256xf32, #tpu.memory_space<hbm>>
    tpu.wait_indirect_dma semaphore(%arg18 : memref<!tpu.dma_semaphore, #tpu.memory_space<semaphore_mem>>) src(%dma_wait3A_1073 : memref<100000x256xf32, #tpu.memory_space<hbm>>) dst(%dma_wait3A_1068 : memref<16x256xf32, #tpu.memory_space<vmem>>)
    %dma_wait3A_1074 = arith.constant 64 : i32
    %dma_wait3A_1075 = arith.constant 0 : i32
    %dma_wait3A_1076 = tpu.memref_slice %arg13[%dma_wait3A_1074, %dma_wait3A_1075] : memref<80x256xf32, #tpu.memory_space<vmem>> -> memref<16x256xf32, #tpu.memory_space<vmem>>
    %dma_wait3A_1077 = arith.constant 304 : i32
    %dma_wait3A_1078 = tpu.memref_slice %arg7[%dma_wait3A_1077] : memref<320xi32, #tpu.memory_space<vmem>> -> memref<16xi32, #tpu.memory_space<vmem>>
    %dma_wait3A_1079 = arith.constant 0 : i32
    %dma_wait3A_1080 = arith.constant 0 : i32
    %dma_wait3A_1081 = tpu.memref_slice %arg4[%dma_wait3A_1079, %dma_wait3A_1080] : memref<100000x256xf32, #tpu.memory_space<hbm>> -> memref<100000x256xf32, #tpu.memory_space<hbm>>
    tpu.wait_indirect_dma semaphore(%arg18 : memref<!tpu.dma_semaphore, #tpu.memory_space<semaphore_mem>>) src(%dma_wait3A_1081 : memref<100000x256xf32, #tpu.memory_space<hbm>>) dst(%dma_wait3A_1076 : memref<16x256xf32, #tpu.memory_space<vmem>>)
    %dma_wait3A_1082 = arith.constant 0 : i32
    %dma_wait3A_1083 = tpu.memref_slice %arg5[%multiple_of3A_710, %dma_wait3A_1082] : memref<10000x256xf32, #tpu.memory_space<hbm>> -> memref<88x256xf32, #tpu.memory_space<hbm>>
    %dma_wait3A_1084 = arith.constant 0 : i32
    %dma_wait3A_1085 = tpu.memref_slice %arg5[%multiple_of3A_710, %dma_wait3A_1084] : memref<10000x256xf32, #tpu.memory_space<hbm>> -> memref<88x256xf32, #tpu.memory_space<hbm>>
    tpu.wait_dma2 semaphore(%arg19 : memref<!tpu.dma_semaphore, #tpu.memory_space<semaphore_mem>>) src(%dma_wait3A_1085 : memref<88x256xf32, #tpu.memory_space<hbm>>) dst(%arg14 : memref<88x256xf32, #tpu.memory_space<vmem>>)
    %while3A_1086 = arith.constant 0 : i32
    %while3A_1087 = arith.constant 0 : i32
    "tpu.trace_stop"() : () -> ()
    "tpu.trace_start"() <{level = 10 : i32, message = "nk_add"}> : () -> ()
    %while3A_1088 = arith.subi %add3A_838, %while3A_1086 : i32
    %while3A_1089 = arith.addi %while3A_1086, %while3A_1088 : i32
    %while3A_1090 = arith.constant 1 : i32
    %while3A_1091 = arith.divsi %while3A_1088, %while3A_1090 : i32
    %while3A_1092 = arith.muli %while3A_1091, %while3A_1090 : i32
    %while3A_1093 = arith.addi %while3A_1086, %while3A_1092 : i32
    %while3A_1094 = arith.constant 1 : i32
    %while3A_1095 = scf.for %while3A_1128 = %while3A_1086 to %while3A_1093 step %while3A_1094 iter_args(%while3A_1129 = %while3A_1087) -> (i32)  : i32 {
      %add3A_1130 = arith.constant 240 : i32
      %add3A_1131 = arith.addi %add3A_1130, %while3A_1128 : i32
      %get3A_1132 = arith.index_cast %add3A_1131 : i32 to index
      %get3A_1133 = tpu.vector_load %arg9[%get3A_1132] {strides = array<i32>} : memref<336xi32, #tpu.memory_space<vmem>>, vector<16xi32>,
      %slice3A = vector.extract_strided_slice %get3A_1133 {offsets = [0], sizes = [1], strides = [1]} : vector<16xi32> to vector<1xi32>
      %squeeze3A = vector.extract %slice3A[0] : i32 from vector<1xi32>
      %add3A_1134 = arith.addi %sub3A_712, %while3A_1128 : i32
      %get3A_1135 = arith.index_cast %squeeze3A : i32 to index
      %get3A_1136 = arith.constant 0 : index
      %get3A_1137 = tpu.vector_load %arg13[%get3A_1135, %get3A_1136] {strides = array<i32>} : memref<80x256xf32, #tpu.memory_space<vmem>>, vector<16xf32>,
      %get3A_1138 = arith.index_cast %add3A_1134 : i32 to index
      %get3A_1139 = arith.constant 0 : index
      %get3A_1140 = tpu.vector_load %arg14[%get3A_1138, %get3A_1139] {strides = array<i32>} : memref<88x256xf32, #tpu.memory_space<vmem>>, vector<16xf32>,
      %add3A_1141 = arith.addf %get3A_1137, %get3A_1140 : vector<16xf32>
      %swap3A_1142 = arith.index_cast %squeeze3A : i32 to index
      %swap3A_1143 = arith.constant 0 : index
      %swap3A_1144 = tpu.vector_load %arg13[%swap3A_1142, %swap3A_1143] {strides = array<i32>} : memref<80x256xf32, #tpu.memory_space<vmem>>, vector<16xf32>,
      tpu.vector_store %arg13[%swap3A_1142, %swap3A_1143], %add3A_1141 {strides = array<i32>} : memref<80x256xf32, #tpu.memory_space<vmem>>, vector<16xf32>,
      %get3A_1145 = arith.index_cast %squeeze3A : i32 to index
      %get3A_1146 = arith.constant 16 : index
      %get3A_1147 = tpu.vector_load %arg13[%get3A_1145, %get3A_1146] {strides = array<i32>} : memref<80x256xf32, #tpu.memory_space<vmem>>, vector<16xf32>,
      %get3A_1148 = arith.index_cast %add3A_1134 : i32 to index
      %get3A_1149 = arith.constant 16 : index
      %get3A_1150 = tpu.vector_load %arg14[%get3A_1148, %get3A_1149] {strides = array<i32>} : memref<88x256xf32, #tpu.memory_space<vmem>>, vector<16xf32>,
      %add3A_1151 = arith.addf %get3A_1147, %get3A_1150 : vector<16xf32>
      %swap3A_1152 = arith.index_cast %squeeze3A : i32 to index
      %swap3A_1153 = arith.constant 16 : index
      %swap3A_1154 = tpu.vector_load %arg13[%swap3A_1152, %swap3A_1153] {strides = array<i32>} : memref<80x256xf32, #tpu.memory_space<vmem>>, vector<16xf32>,
      tpu.vector_store %arg13[%swap3A_1152, %swap3A_1153], %add3A_1151 {strides = array<i32>} : memref<80x256xf32, #tpu.memory_space<vmem>>, vector<16xf32>,
      %get3A_1155 = arith.index_cast %squeeze3A : i32 to index
      %get3A_1156 = arith.constant 32 : index
      %get3A_1157 = tpu.vector_load %arg13[%get3A_1155, %get3A_1156] {strides = array<i32>} : memref<80x256xf32, #tpu.memory_space<vmem>>, vector<16xf32>,
      %get3A_1158 = arith.index_cast %add3A_1134 : i32 to index
      %get3A_1159 = arith.constant 32 : index
      %get3A_1160 = tpu.vector_load %arg14[%get3A_1158, %get3A_1159] {strides = array<i32>} : memref<88x256xf32, #tpu.memory_space<vmem>>, vector<16xf32>,
      %add3A_1161 = arith.addf %get3A_1157, %get3A_1160 : vector<16xf32>
      %swap3A_1162 = arith.index_cast %squeeze3A : i32 to index
      %swap3A_1163 = arith.constant 32 : index
      %swap3A_1164 = tpu.vector_load %arg13[%swap3A_1162, %swap3A_1163] {strides = array<i32>} : memref<80x256xf32, #tpu.memory_space<vmem>>, vector<16xf32>,
      tpu.vector_store %arg13[%swap3A_1162, %swap3A_1163], %add3A_1161 {strides = array<i32>} : memref<80x256xf32, #tpu.memory_space<vmem>>, vector<16xf32>,
      %get3A_1165 = arith.index_cast %squeeze3A : i32 to index
      %get3A_1166 = arith.constant 48 : index
      %get3A_1167 = tpu.vector_load %arg13[%get3A_1165, %get3A_1166] {strides = array<i32>} : memref<80x256xf32, #tpu.memory_space<vmem>>, vector<16xf32>,
      %get3A_1168 = arith.index_cast %add3A_1134 : i32 to index
      %get3A_1169 = arith.constant 48 : index
      %get3A_1170 = tpu.vector_load %arg14[%get3A_1168, %get3A_1169] {strides = array<i32>} : memref<88x256xf32, #tpu.memory_space<vmem>>, vector<16xf32>,
      %add3A_1171 = arith.addf %get3A_1167, %get3A_1170 : vector<16xf32>
      %swap3A_1172 = arith.index_cast %squeeze3A : i32 to index
      %swap3A_1173 = arith.constant 48 : index
      %swap3A_1174 = tpu.vector_load %arg13[%swap3A_1172, %swap3A_1173] {strides = array<i32>} : memref<80x256xf32, #tpu.memory_space<vmem>>, vector<16xf32>,
      tpu.vector_store %arg13[%swap3A_1172, %swap3A_1173], %add3A_1171 {strides = array<i32>} : memref<80x256xf32, #tpu.memory_space<vmem>>, vector<16xf32>,
      %get3A_1175 = arith.index_cast %squeeze3A : i32 to index
      %get3A_1176 = arith.constant 64 : index
      %get3A_1177 = tpu.vector_load %arg13[%get3A_1175, %get3A_1176] {strides = array<i32>} : memref<80x256xf32, #tpu.memory_space<vmem>>, vector<16xf32>,
      %get3A_1178 = arith.index_cast %add3A_1134 : i32 to index
      %get3A_1179 = arith.constant 64 : index
      %get3A_1180 = tpu.vector_load %arg14[%get3A_1178, %get3A_1179] {strides = array<i32>} : memref<88x256xf32, #tpu.memory_space<vmem>>, vector<16xf32>,
      %add3A_1181 = arith.addf %get3A_1177, %get3A_1180 : vector<16xf32>
      %swap3A_1182 = arith.index_cast %squeeze3A : i32 to index
      %swap3A_1183 = arith.constant 64 : index
      %swap3A_1184 = tpu.vector_load %arg13[%swap3A_1182, %swap3A_1183] {strides = array<i32>} : memref<80x256xf32, #tpu.memory_space<vmem>>, vector<16xf32>,
      tpu.vector_store %arg13[%swap3A_1182, %swap3A_1183], %add3A_1181 {strides = array<i32>} : memref<80x256xf32, #tpu.memory_space<vmem>>, vector<16xf32>,
      %get3A_1185 = arith.index_cast %squeeze3A : i32 to index
      %get3A_1186 = arith.constant 80 : index
      %get3A_1187 = tpu.vector_load %arg13[%get3A_1185, %get3A_1186] {strides = array<i32>} : memref<80x256xf32, #tpu.memory_space<vmem>>, vector<16xf32>,
      %get3A_1188 = arith.index_cast %add3A_1134 : i32 to index
      %get3A_1189 = arith.constant 80 : index
      %get3A_1190 = tpu.vector_load %arg14[%get3A_1188, %get3A_1189] {strides = array<i32>} : memref<88x256xf32, #tpu.memory_space<vmem>>, vector<16xf32>,
      %add3A_1191 = arith.addf %get3A_1187, %get3A_1190 : vector<16xf32>
      %swap3A_1192 = arith.index_cast %squeeze3A : i32 to index
      %swap3A_1193 = arith.constant 80 : index
      %swap3A_1194 = tpu.vector_load %arg13[%swap3A_1192, %swap3A_1193] {strides = array<i32>} : memref<80x256xf32, #tpu.memory_space<vmem>>, vector<16xf32>,
      tpu.vector_store %arg13[%swap3A_1192, %swap3A_1193], %add3A_1191 {strides = array<i32>} : memref<80x256xf32, #tpu.memory_space<vmem>>, vector<16xf32>,
      %get3A_1195 = arith.index_cast %squeeze3A : i32 to index
      %get3A_1196 = arith.constant 96 : index
      %get3A_1197 = tpu.vector_load %arg13[%get3A_1195, %get3A_1196] {strides = array<i32>} : memref<80x256xf32, #tpu.memory_space<vmem>>, vector<16xf32>,
      %get3A_1198 = arith.index_cast %add3A_1134 : i32 to index
      %get3A_1199 = arith.constant 96 : index
      %get3A_1200 = tpu.vector_load %arg14[%get3A_1198, %get3A_1199] {strides = array<i32>} : memref<88x256xf32, #tpu.memory_space<vmem>>, vector<16xf32>,
      %add3A_1201 = arith.addf %get3A_1197, %get3A_1200 : vector<16xf32>
      %swap3A_1202 = arith.index_cast %squeeze3A : i32 to index
      %swap3A_1203 = arith.constant 96 : index
      %swap3A_1204 = tpu.vector_load %arg13[%swap3A_1202, %swap3A_1203] {strides = array<i32>} : memref<80x256xf32, #tpu.memory_space<vmem>>, vector<16xf32>,
      tpu.vector_store %arg13[%swap3A_1202, %swap3A_1203], %add3A_1201 {strides = array<i32>} : memref<80x256xf32, #tpu.memory_space<vmem>>, vector<16xf32>,
      %get3A_1205 = arith.index_cast %squeeze3A : i32 to index
      %get3A_1206 = arith.constant 112 : index
      %get3A_1207 = tpu.vector_load %arg13[%get3A_1205, %get3A_1206] {strides = array<i32>} : memref<80x256xf32, #tpu.memory_space<vmem>>, vector<16xf32>,
      %get3A_1208 = arith.index_cast %add3A_1134 : i32 to index
      %get3A_1209 = arith.constant 112 : index
      %get3A_1210 = tpu.vector_load %arg14[%get3A_1208, %get3A_1209] {strides = array<i32>} : memref<88x256xf32, #tpu.memory_space<vmem>>, vector<16xf32>,
      %add3A_1211 = arith.addf %get3A_1207, %get3A_1210 : vector<16xf32>
      %swap3A_1212 = arith.index_cast %squeeze3A : i32 to index
      %swap3A_1213 = arith.constant 112 : index
      %swap3A_1214 = tpu.vector_load %arg13[%swap3A_1212, %swap3A_1213] {strides = array<i32>} : memref<80x256xf32, #tpu.memory_space<vmem>>, vector<16xf32>,
      tpu.vector_store %arg13[%swap3A_1212, %swap3A_1213], %add3A_1211 {strides = array<i32>} : memref<80x256xf32, #tpu.memory_space<vmem>>, vector<16xf32>,
      %get3A_1215 = arith.index_cast %squeeze3A : i32 to index
      %get3A_1216 = arith.constant 128 : index
      %get3A_1217 = tpu.vector_load %arg13[%get3A_1215, %get3A_1216] {strides = array<i32>} : memref<80x256xf32, #tpu.memory_space<vmem>>, vector<16xf32>,
      %get3A_1218 = arith.index_cast %add3A_1134 : i32 to index
      %get3A_1219 = arith.constant 128 : index
      %get3A_1220 = tpu.vector_load %arg14[%get3A_1218, %get3A_1219] {strides = array<i32>} : memref<88x256xf32, #tpu.memory_space<vmem>>, vector<16xf32>,
      %add3A_1221 = arith.addf %get3A_1217, %get3A_1220 : vector<16xf32>
      %swap3A_1222 = arith.index_cast %squeeze3A : i32 to index
      %swap3A_1223 = arith.constant 128 : index
      %swap3A_1224 = tpu.vector_load %arg13[%swap3A_1222, %swap3A_1223] {strides = array<i32>} : memref<80x256xf32, #tpu.memory_space<vmem>>, vector<16xf32>,
      tpu.vector_store %arg13[%swap3A_1222, %swap3A_1223], %add3A_1221 {strides = array<i32>} : memref<80x256xf32, #tpu.memory_space<vmem>>, vector<16xf32>,
      %get3A_1225 = arith.index_cast %squeeze3A : i32 to index
      %get3A_1226 = arith.constant 144 : index
      %get3A_1227 = tpu.vector_load %arg13[%get3A_1225, %get3A_1226] {strides = array<i32>} : memref<80x256xf32, #tpu.memory_space<vmem>>, vector<16xf32>,
      %get3A_1228 = arith.index_cast %add3A_1134 : i32 to index
      %get3A_1229 = arith.constant 144 : index
      %get3A_1230 = tpu.vector_load %arg14[%get3A_1228, %get3A_1229] {strides = array<i32>} : memref<88x256xf32, #tpu.memory_space<vmem>>, vector<16xf32>,
      %add3A_1231 = arith.addf %get3A_1227, %get3A_1230 : vector<16xf32>
      %swap3A_1232 = arith.index_cast %squeeze3A : i32 to index
      %swap3A_1233 = arith.constant 144 : index
      %swap3A_1234 = tpu.vector_load %arg13[%swap3A_1232, %swap3A_1233] {strides = array<i32>} : memref<80x256xf32, #tpu.memory_space<vmem>>, vector<16xf32>,
      tpu.vector_store %arg13[%swap3A_1232, %swap3A_1233], %add3A_1231 {strides = array<i32>} : memref<80x256xf32, #tpu.memory_space<vmem>>, vector<16xf32>,
      %get3A_1235 = arith.index_cast %squeeze3A : i32 to index
      %get3A_1236 = arith.constant 160 : index
      %get3A_1237 = tpu.vector_load %arg13[%get3A_1235, %get3A_1236] {strides = array<i32>} : memref<80x256xf32, #tpu.memory_space<vmem>>, vector<16xf32>,
      %get3A_1238 = arith.index_cast %add3A_1134 : i32 to index
      %get3A_1239 = arith.constant 160 : index
      %get3A_1240 = tpu.vector_load %arg14[%get3A_1238, %get3A_1239] {strides = array<i32>} : memref<88x256xf32, #tpu.memory_space<vmem>>, vector<16xf32>,
      %add3A_1241 = arith.addf %get3A_1237, %get3A_1240 : vector<16xf32>
      %swap3A_1242 = arith.index_cast %squeeze3A : i32 to index
      %swap3A_1243 = arith.constant 160 : index
      %swap3A_1244 = tpu.vector_load %arg13[%swap3A_1242, %swap3A_1243] {strides = array<i32>} : memref<80x256xf32, #tpu.memory_space<vmem>>, vector<16xf32>,
      tpu.vector_store %arg13[%swap3A_1242, %swap3A_1243], %add3A_1241 {strides = array<i32>} : memref<80x256xf32, #tpu.memory_space<vmem>>, vector<16xf32>,
      %get3A_1245 = arith.index_cast %squeeze3A : i32 to index
      %get3A_1246 = arith.constant 176 : index
      %get3A_1247 = tpu.vector_load %arg13[%get3A_1245, %get3A_1246] {strides = array<i32>} : memref<80x256xf32, #tpu.memory_space<vmem>>, vector<16xf32>,
      %get3A_1248 = arith.index_cast %add3A_1134 : i32 to index
      %get3A_1249 = arith.constant 176 : index
      %get3A_1250 = tpu.vector_load %arg14[%get3A_1248, %get3A_1249] {strides = array<i32>} : memref<88x256xf32, #tpu.memory_space<vmem>>, vector<16xf32>,
      %add3A_1251 = arith.addf %get3A_1247, %get3A_1250 : vector<16xf32>
      %swap3A_1252 = arith.index_cast %squeeze3A : i32 to index
      %swap3A_1253 = arith.constant 176 : index
      %swap3A_1254 = tpu.vector_load %arg13[%swap3A_1252, %swap3A_1253] {strides = array<i32>} : memref<80x256xf32, #tpu.memory_space<vmem>>, vector<16xf32>,
      tpu.vector_store %arg13[%swap3A_1252, %swap3A_1253], %add3A_1251 {strides = array<i32>} : memref<80x256xf32, #tpu.memory_space<vmem>>, vector<16xf32>,
      %get3A_1255 = arith.index_cast %squeeze3A : i32 to index
      %get3A_1256 = arith.constant 192 : index
      %get3A_1257 = tpu.vector_load %arg13[%get3A_1255, %get3A_1256] {strides = array<i32>} : memref<80x256xf32, #tpu.memory_space<vmem>>, vector<16xf32>,
      %get3A_1258 = arith.index_cast %add3A_1134 : i32 to index
      %get3A_1259 = arith.constant 192 : index
      %get3A_1260 = tpu.vector_load %arg14[%get3A_1258, %get3A_1259] {strides = array<i32>} : memref<88x256xf32, #tpu.memory_space<vmem>>, vector<16xf32>,
      %add3A_1261 = arith.addf %get3A_1257, %get3A_1260 : vector<16xf32>
      %swap3A_1262 = arith.index_cast %squeeze3A : i32 to index
      %swap3A_1263 = arith.constant 192 : index
      %swap3A_1264 = tpu.vector_load %arg13[%swap3A_1262, %swap3A_1263] {strides = array<i32>} : memref<80x256xf32, #tpu.memory_space<vmem>>, vector<16xf32>,
      tpu.vector_store %arg13[%swap3A_1262, %swap3A_1263], %add3A_1261 {strides = array<i32>} : memref<80x256xf32, #tpu.memory_space<vmem>>, vector<16xf32>,
      %get3A_1265 = arith.index_cast %squeeze3A : i32 to index
      %get3A_1266 = arith.constant 208 : index
      %get3A_1267 = tpu.vector_load %arg13[%get3A_1265, %get3A_1266] {strides = array<i32>} : memref<80x256xf32, #tpu.memory_space<vmem>>, vector<16xf32>,
      %get3A_1268 = arith.index_cast %add3A_1134 : i32 to index
      %get3A_1269 = arith.constant 208 : index
      %get3A_1270 = tpu.vector_load %arg14[%get3A_1268, %get3A_1269] {strides = array<i32>} : memref<88x256xf32, #tpu.memory_space<vmem>>, vector<16xf32>,
      %add3A_1271 = arith.addf %get3A_1267, %get3A_1270 : vector<16xf32>
      %swap3A_1272 = arith.index_cast %squeeze3A : i32 to index
      %swap3A_1273 = arith.constant 208 : index
      %swap3A_1274 = tpu.vector_load %arg13[%swap3A_1272, %swap3A_1273] {strides = array<i32>} : memref<80x256xf32, #tpu.memory_space<vmem>>, vector<16xf32>,
      tpu.vector_store %arg13[%swap3A_1272, %swap3A_1273], %add3A_1271 {strides = array<i32>} : memref<80x256xf32, #tpu.memory_space<vmem>>, vector<16xf32>,
      %get3A_1275 = arith.index_cast %squeeze3A : i32 to index
      %get3A_1276 = arith.constant 224 : index
      %get3A_1277 = tpu.vector_load %arg13[%get3A_1275, %get3A_1276] {strides = array<i32>} : memref<80x256xf32, #tpu.memory_space<vmem>>, vector<16xf32>,
      %get3A_1278 = arith.index_cast %add3A_1134 : i32 to index
      %get3A_1279 = arith.constant 224 : index
      %get3A_1280 = tpu.vector_load %arg14[%get3A_1278, %get3A_1279] {strides = array<i32>} : memref<88x256xf32, #tpu.memory_space<vmem>>, vector<16xf32>,
      %add3A_1281 = arith.addf %get3A_1277, %get3A_1280 : vector<16xf32>
      %swap3A_1282 = arith.index_cast %squeeze3A : i32 to index
      %swap3A_1283 = arith.constant 224 : index
      %swap3A_1284 = tpu.vector_load %arg13[%swap3A_1282, %swap3A_1283] {strides = array<i32>} : memref<80x256xf32, #tpu.memory_space<vmem>>, vector<16xf32>,
      tpu.vector_store %arg13[%swap3A_1282, %swap3A_1283], %add3A_1281 {strides = array<i32>} : memref<80x256xf32, #tpu.memory_space<vmem>>, vector<16xf32>,
      %get3A_1285 = arith.index_cast %squeeze3A : i32 to index
      %get3A_1286 = arith.constant 240 : index
      %get3A_1287 = tpu.vector_load %arg13[%get3A_1285, %get3A_1286] {strides = array<i32>} : memref<80x256xf32, #tpu.memory_space<vmem>>, vector<16xf32>,
      %get3A_1288 = arith.index_cast %add3A_1134 : i32 to index
      %get3A_1289 = arith.constant 240 : index
      %get3A_1290 = tpu.vector_load %arg14[%get3A_1288, %get3A_1289] {strides = array<i32>} : memref<88x256xf32, #tpu.memory_space<vmem>>, vector<16xf32>,
      %add3A_1291 = arith.addf %get3A_1287, %get3A_1290 : vector<16xf32>
      %swap3A_1292 = arith.index_cast %squeeze3A : i32 to index
      %swap3A_1293 = arith.constant 240 : index
      %swap3A_1294 = tpu.vector_load %arg13[%swap3A_1292, %swap3A_1293] {strides = array<i32>} : memref<80x256xf32, #tpu.memory_space<vmem>>, vector<16xf32>,
      tpu.vector_store %arg13[%swap3A_1292, %swap3A_1293], %add3A_1291 {strides = array<i32>} : memref<80x256xf32, #tpu.memory_space<vmem>>, vector<16xf32>,
      %while3A_1295 = arith.constant 0 : i32
      scf.yield %while3A_1295 : i32
    }
    %while3A_1096 = arith.constant 1 : i32
    %while3A_1097 = scf.for %while3A_1128 = %while3A_1093 to %while3A_1089 step %while3A_1096 iter_args(%while3A_1129 = %while3A_1095) -> (i32)  : i32 {
      %add3A_1130 = arith.constant 240 : i32
      %add3A_1131 = arith.addi %add3A_1130, %while3A_1128 : i32
      %get3A_1132 = arith.index_cast %add3A_1131 : i32 to index
      %get3A_1133 = tpu.vector_load %arg9[%get3A_1132] {strides = array<i32>} : memref<336xi32, #tpu.memory_space<vmem>>, vector<16xi32>,
      %slice3A = vector.extract_strided_slice %get3A_1133 {offsets = [0], sizes = [1], strides = [1]} : vector<16xi32> to vector<1xi32>
      %squeeze3A = vector.extract %slice3A[0] : i32 from vector<1xi32>
      %add3A_1134 = arith.addi %sub3A_712, %while3A_1128 : i32
      %get3A_1135 = arith.index_cast %squeeze3A : i32 to index
      %get3A_1136 = arith.constant 0 : index
      %get3A_1137 = tpu.vector_load %arg13[%get3A_1135, %get3A_1136] {strides = array<i32>} : memref<80x256xf32, #tpu.memory_space<vmem>>, vector<16xf32>,
      %get3A_1138 = arith.index_cast %add3A_1134 : i32 to index
      %get3A_1139 = arith.constant 0 : index
      %get3A_1140 = tpu.vector_load %arg14[%get3A_1138, %get3A_1139] {strides = array<i32>} : memref<88x256xf32, #tpu.memory_space<vmem>>, vector<16xf32>,
      %add3A_1141 = arith.addf %get3A_1137, %get3A_1140 : vector<16xf32>
      %swap3A_1142 = arith.index_cast %squeeze3A : i32 to index
      %swap3A_1143 = arith.constant 0 : index
      %swap3A_1144 = tpu.vector_load %arg13[%swap3A_1142, %swap3A_1143] {strides = array<i32>} : memref<80x256xf32, #tpu.memory_space<vmem>>, vector<16xf32>,
      tpu.vector_store %arg13[%swap3A_1142, %swap3A_1143], %add3A_1141 {strides = array<i32>} : memref<80x256xf32, #tpu.memory_space<vmem>>, vector<16xf32>,
      %get3A_1145 = arith.index_cast %squeeze3A : i32 to index
      %get3A_1146 = arith.constant 16 : index
      %get3A_1147 = tpu.vector_load %arg13[%get3A_1145, %get3A_1146] {strides = array<i32>} : memref<80x256xf32, #tpu.memory_space<vmem>>, vector<16xf32>,
      %get3A_1148 = arith.index_cast %add3A_1134 : i32 to index
      %get3A_1149 = arith.constant 16 : index
      %get3A_1150 = tpu.vector_load %arg14[%get3A_1148, %get3A_1149] {strides = array<i32>} : memref<88x256xf32, #tpu.memory_space<vmem>>, vector<16xf32>,
      %add3A_1151 = arith.addf %get3A_1147, %get3A_1150 : vector<16xf32>
      %swap3A_1152 = arith.index_cast %squeeze3A : i32 to index
      %swap3A_1153 = arith.constant 16 : index
      %swap3A_1154 = tpu.vector_load %arg13[%swap3A_1152, %swap3A_1153] {strides = array<i32>} : memref<80x256xf32, #tpu.memory_space<vmem>>, vector<16xf32>,
      tpu.vector_store %arg13[%swap3A_1152, %swap3A_1153], %add3A_1151 {strides = array<i32>} : memref<80x256xf32, #tpu.memory_space<vmem>>, vector<16xf32>,
      %get3A_1155 = arith.index_cast %squeeze3A : i32 to index
      %get3A_1156 = arith.constant 32 : index
      %get3A_1157 = tpu.vector_load %arg13[%get3A_1155, %get3A_1156] {strides = array<i32>} : memref<80x256xf32, #tpu.memory_space<vmem>>, vector<16xf32>,
      %get3A_1158 = arith.index_cast %add3A_1134 : i32 to index
      %get3A_1159 = arith.constant 32 : index
      %get3A_1160 = tpu.vector_load %arg14[%get3A_1158, %get3A_1159] {strides = array<i32>} : memref<88x256xf32, #tpu.memory_space<vmem>>, vector<16xf32>,
      %add3A_1161 = arith.addf %get3A_1157, %get3A_1160 : vector<16xf32>
      %swap3A_1162 = arith.index_cast %squeeze3A : i32 to index
      %swap3A_1163 = arith.constant 32 : index
      %swap3A_1164 = tpu.vector_load %arg13[%swap3A_1162, %swap3A_1163] {strides = array<i32>} : memref<80x256xf32, #tpu.memory_space<vmem>>, vector<16xf32>,
      tpu.vector_store %arg13[%swap3A_1162, %swap3A_1163], %add3A_1161 {strides = array<i32>} : memref<80x256xf32, #tpu.memory_space<vmem>>, vector<16xf32>,
      %get3A_1165 = arith.index_cast %squeeze3A : i32 to index
      %get3A_1166 = arith.constant 48 : index
      %get3A_1167 = tpu.vector_load %arg13[%get3A_1165, %get3A_1166] {strides = array<i32>} : memref<80x256xf32, #tpu.memory_space<vmem>>, vector<16xf32>,
      %get3A_1168 = arith.index_cast %add3A_1134 : i32 to index
      %get3A_1169 = arith.constant 48 : index
      %get3A_1170 = tpu.vector_load %arg14[%get3A_1168, %get3A_1169] {strides = array<i32>} : memref<88x256xf32, #tpu.memory_space<vmem>>, vector<16xf32>,
      %add3A_1171 = arith.addf %get3A_1167, %get3A_1170 : vector<16xf32>
      %swap3A_1172 = arith.index_cast %squeeze3A : i32 to index
      %swap3A_1173 = arith.constant 48 : index
      %swap3A_1174 = tpu.vector_load %arg13[%swap3A_1172, %swap3A_1173] {strides = array<i32>} : memref<80x256xf32, #tpu.memory_space<vmem>>, vector<16xf32>,
      tpu.vector_store %arg13[%swap3A_1172, %swap3A_1173], %add3A_1171 {strides = array<i32>} : memref<80x256xf32, #tpu.memory_space<vmem>>, vector<16xf32>,
      %get3A_1175 = arith.index_cast %squeeze3A : i32 to index
      %get3A_1176 = arith.constant 64 : index
      %get3A_1177 = tpu.vector_load %arg13[%get3A_1175, %get3A_1176] {strides = array<i32>} : memref<80x256xf32, #tpu.memory_space<vmem>>, vector<16xf32>,
      %get3A_1178 = arith.index_cast %add3A_1134 : i32 to index
      %get3A_1179 = arith.constant 64 : index
      %get3A_1180 = tpu.vector_load %arg14[%get3A_1178, %get3A_1179] {strides = array<i32>} : memref<88x256xf32, #tpu.memory_space<vmem>>, vector<16xf32>,
      %add3A_1181 = arith.addf %get3A_1177, %get3A_1180 : vector<16xf32>
      %swap3A_1182 = arith.index_cast %squeeze3A : i32 to index
      %swap3A_1183 = arith.constant 64 : index
      %swap3A_1184 = tpu.vector_load %arg13[%swap3A_1182, %swap3A_1183] {strides = array<i32>} : memref<80x256xf32, #tpu.memory_space<vmem>>, vector<16xf32>,
      tpu.vector_store %arg13[%swap3A_1182, %swap3A_1183], %add3A_1181 {strides = array<i32>} : memref<80x256xf32, #tpu.memory_space<vmem>>, vector<16xf32>,
      %get3A_1185 = arith.index_cast %squeeze3A : i32 to index
      %get3A_1186 = arith.constant 80 : index
      %get3A_1187 = tpu.vector_load %arg13[%get3A_1185, %get3A_1186] {strides = array<i32>} : memref<80x256xf32, #tpu.memory_space<vmem>>, vector<16xf32>,
      %get3A_1188 = arith.index_cast %add3A_1134 : i32 to index
      %get3A_1189 = arith.constant 80 : index
      %get3A_1190 = tpu.vector_load %arg14[%get3A_1188, %get3A_1189] {strides = array<i32>} : memref<88x256xf32, #tpu.memory_space<vmem>>, vector<16xf32>,
      %add3A_1191 = arith.addf %get3A_1187, %get3A_1190 : vector<16xf32>
      %swap3A_1192 = arith.index_cast %squeeze3A : i32 to index
      %swap3A_1193 = arith.constant 80 : index
      %swap3A_1194 = tpu.vector_load %arg13[%swap3A_1192, %swap3A_1193] {strides = array<i32>} : memref<80x256xf32, #tpu.memory_space<vmem>>, vector<16xf32>,
      tpu.vector_store %arg13[%swap3A_1192, %swap3A_1193], %add3A_1191 {strides = array<i32>} : memref<80x256xf32, #tpu.memory_space<vmem>>, vector<16xf32>,
      %get3A_1195 = arith.index_cast %squeeze3A : i32 to index
      %get3A_1196 = arith.constant 96 : index
      %get3A_1197 = tpu.vector_load %arg13[%get3A_1195, %get3A_1196] {strides = array<i32>} : memref<80x256xf32, #tpu.memory_space<vmem>>, vector<16xf32>,
      %get3A_1198 = arith.index_cast %add3A_1134 : i32 to index
      %get3A_1199 = arith.constant 96 : index
      %get3A_1200 = tpu.vector_load %arg14[%get3A_1198, %get3A_1199] {strides = array<i32>} : memref<88x256xf32, #tpu.memory_space<vmem>>, vector<16xf32>,
      %add3A_1201 = arith.addf %get3A_1197, %get3A_1200 : vector<16xf32>
      %swap3A_1202 = arith.index_cast %squeeze3A : i32 to index
      %swap3A_1203 = arith.constant 96 : index
      %swap3A_1204 = tpu.vector_load %arg13[%swap3A_1202, %swap3A_1203] {strides = array<i32>} : memref<80x256xf32, #tpu.memory_space<vmem>>, vector<16xf32>,
      tpu.vector_store %arg13[%swap3A_1202, %swap3A_1203], %add3A_1201 {strides = array<i32>} : memref<80x256xf32, #tpu.memory_space<vmem>>, vector<16xf32>,
      %get3A_1205 = arith.index_cast %squeeze3A : i32 to index
      %get3A_1206 = arith.constant 112 : index
      %get3A_1207 = tpu.vector_load %arg13[%get3A_1205, %get3A_1206] {strides = array<i32>} : memref<80x256xf32, #tpu.memory_space<vmem>>, vector<16xf32>,
      %get3A_1208 = arith.index_cast %add3A_1134 : i32 to index
      %get3A_1209 = arith.constant 112 : index
      %get3A_1210 = tpu.vector_load %arg14[%get3A_1208, %get3A_1209] {strides = array<i32>} : memref<88x256xf32, #tpu.memory_space<vmem>>, vector<16xf32>,
      %add3A_1211 = arith.addf %get3A_1207, %get3A_1210 : vector<16xf32>
      %swap3A_1212 = arith.index_cast %squeeze3A : i32 to index
      %swap3A_1213 = arith.constant 112 : index
      %swap3A_1214 = tpu.vector_load %arg13[%swap3A_1212, %swap3A_1213] {strides = array<i32>} : memref<80x256xf32, #tpu.memory_space<vmem>>, vector<16xf32>,
      tpu.vector_store %arg13[%swap3A_1212, %swap3A_1213], %add3A_1211 {strides = array<i32>} : memref<80x256xf32, #tpu.memory_space<vmem>>, vector<16xf32>,
      %get3A_1215 = arith.index_cast %squeeze3A : i32 to index
      %get3A_1216 = arith.constant 128 : index
      %get3A_1217 = tpu.vector_load %arg13[%get3A_1215, %get3A_1216] {strides = array<i32>} : memref<80x256xf32, #tpu.memory_space<vmem>>, vector<16xf32>,
      %get3A_1218 = arith.index_cast %add3A_1134 : i32 to index
      %get3A_1219 = arith.constant 128 : index
      %get3A_1220 = tpu.vector_load %arg14[%get3A_1218, %get3A_1219] {strides = array<i32>} : memref<88x256xf32, #tpu.memory_space<vmem>>, vector<16xf32>,
      %add3A_1221 = arith.addf %get3A_1217, %get3A_1220 : vector<16xf32>
      %swap3A_1222 = arith.index_cast %squeeze3A : i32 to index
      %swap3A_1223 = arith.constant 128 : index
      %swap3A_1224 = tpu.vector_load %arg13[%swap3A_1222, %swap3A_1223] {strides = array<i32>} : memref<80x256xf32, #tpu.memory_space<vmem>>, vector<16xf32>,
      tpu.vector_store %arg13[%swap3A_1222, %swap3A_1223], %add3A_1221 {strides = array<i32>} : memref<80x256xf32, #tpu.memory_space<vmem>>, vector<16xf32>,
      %get3A_1225 = arith.index_cast %squeeze3A : i32 to index
      %get3A_1226 = arith.constant 144 : index
      %get3A_1227 = tpu.vector_load %arg13[%get3A_1225, %get3A_1226] {strides = array<i32>} : memref<80x256xf32, #tpu.memory_space<vmem>>, vector<16xf32>,
      %get3A_1228 = arith.index_cast %add3A_1134 : i32 to index
      %get3A_1229 = arith.constant 144 : index
      %get3A_1230 = tpu.vector_load %arg14[%get3A_1228, %get3A_1229] {strides = array<i32>} : memref<88x256xf32, #tpu.memory_space<vmem>>, vector<16xf32>,
      %add3A_1231 = arith.addf %get3A_1227, %get3A_1230 : vector<16xf32>
      %swap3A_1232 = arith.index_cast %squeeze3A : i32 to index
      %swap3A_1233 = arith.constant 144 : index
      %swap3A_1234 = tpu.vector_load %arg13[%swap3A_1232, %swap3A_1233] {strides = array<i32>} : memref<80x256xf32, #tpu.memory_space<vmem>>, vector<16xf32>,
      tpu.vector_store %arg13[%swap3A_1232, %swap3A_1233], %add3A_1231 {strides = array<i32>} : memref<80x256xf32, #tpu.memory_space<vmem>>, vector<16xf32>,
      %get3A_1235 = arith.index_cast %squeeze3A : i32 to index
      %get3A_1236 = arith.constant 160 : index
      %get3A_1237 = tpu.vector_load %arg13[%get3A_1235, %get3A_1236] {strides = array<i32>} : memref<80x256xf32, #tpu.memory_space<vmem>>, vector<16xf32>,
      %get3A_1238 = arith.index_cast %add3A_1134 : i32 to index
      %get3A_1239 = arith.constant 160 : index
      %get3A_1240 = tpu.vector_load %arg14[%get3A_1238, %get3A_1239] {strides = array<i32>} : memref<88x256xf32, #tpu.memory_space<vmem>>, vector<16xf32>,
      %add3A_1241 = arith.addf %get3A_1237, %get3A_1240 : vector<16xf32>
      %swap3A_1242 = arith.index_cast %squeeze3A : i32 to index
      %swap3A_1243 = arith.constant 160 : index
      %swap3A_1244 = tpu.vector_load %arg13[%swap3A_1242, %swap3A_1243] {strides = array<i32>} : memref<80x256xf32, #tpu.memory_space<vmem>>, vector<16xf32>,
      tpu.vector_store %arg13[%swap3A_1242, %swap3A_1243], %add3A_1241 {strides = array<i32>} : memref<80x256xf32, #tpu.memory_space<vmem>>, vector<16xf32>,
      %get3A_1245 = arith.index_cast %squeeze3A : i32 to index
      %get3A_1246 = arith.constant 176 : index
      %get3A_1247 = tpu.vector_load %arg13[%get3A_1245, %get3A_1246] {strides = array<i32>} : memref<80x256xf32, #tpu.memory_space<vmem>>, vector<16xf32>,
      %get3A_1248 = arith.index_cast %add3A_1134 : i32 to index
      %get3A_1249 = arith.constant 176 : index
      %get3A_1250 = tpu.vector_load %arg14[%get3A_1248, %get3A_1249] {strides = array<i32>} : memref<88x256xf32, #tpu.memory_space<vmem>>, vector<16xf32>,
      %add3A_1251 = arith.addf %get3A_1247, %get3A_1250 : vector<16xf32>
      %swap3A_1252 = arith.index_cast %squeeze3A : i32 to index
      %swap3A_1253 = arith.constant 176 : index
      %swap3A_1254 = tpu.vector_load %arg13[%swap3A_1252, %swap3A_1253] {strides = array<i32>} : memref<80x256xf32, #tpu.memory_space<vmem>>, vector<16xf32>,
      tpu.vector_store %arg13[%swap3A_1252, %swap3A_1253], %add3A_1251 {strides = array<i32>} : memref<80x256xf32, #tpu.memory_space<vmem>>, vector<16xf32>,
      %get3A_1255 = arith.index_cast %squeeze3A : i32 to index
      %get3A_1256 = arith.constant 192 : index
      %get3A_1257 = tpu.vector_load %arg13[%get3A_1255, %get3A_1256] {strides = array<i32>} : memref<80x256xf32, #tpu.memory_space<vmem>>, vector<16xf32>,
      %get3A_1258 = arith.index_cast %add3A_1134 : i32 to index
      %get3A_1259 = arith.constant 192 : index
      %get3A_1260 = tpu.vector_load %arg14[%get3A_1258, %get3A_1259] {strides = array<i32>} : memref<88x256xf32, #tpu.memory_space<vmem>>, vector<16xf32>,
      %add3A_1261 = arith.addf %get3A_1257, %get3A_1260 : vector<16xf32>
      %swap3A_1262 = arith.index_cast %squeeze3A : i32 to index
      %swap3A_1263 = arith.constant 192 : index
      %swap3A_1264 = tpu.vector_load %arg13[%swap3A_1262, %swap3A_1263] {strides = array<i32>} : memref<80x256xf32, #tpu.memory_space<vmem>>, vector<16xf32>,
      tpu.vector_store %arg13[%swap3A_1262, %swap3A_1263], %add3A_1261 {strides = array<i32>} : memref<80x256xf32, #tpu.memory_space<vmem>>, vector<16xf32>,
      %get3A_1265 = arith.index_cast %squeeze3A : i32 to index
      %get3A_1266 = arith.constant 208 : index
      %get3A_1267 = tpu.vector_load %arg13[%get3A_1265, %get3A_1266] {strides = array<i32>} : memref<80x256xf32, #tpu.memory_space<vmem>>, vector<16xf32>,
      %get3A_1268 = arith.index_cast %add3A_1134 : i32 to index
      %get3A_1269 = arith.constant 208 : index
      %get3A_1270 = tpu.vector_load %arg14[%get3A_1268, %get3A_1269] {strides = array<i32>} : memref<88x256xf32, #tpu.memory_space<vmem>>, vector<16xf32>,
      %add3A_1271 = arith.addf %get3A_1267, %get3A_1270 : vector<16xf32>
      %swap3A_1272 = arith.index_cast %squeeze3A : i32 to index
      %swap3A_1273 = arith.constant 208 : index
      %swap3A_1274 = tpu.vector_load %arg13[%swap3A_1272, %swap3A_1273] {strides = array<i32>} : memref<80x256xf32, #tpu.memory_space<vmem>>, vector<16xf32>,
      tpu.vector_store %arg13[%swap3A_1272, %swap3A_1273], %add3A_1271 {strides = array<i32>} : memref<80x256xf32, #tpu.memory_space<vmem>>, vector<16xf32>,
      %get3A_1275 = arith.index_cast %squeeze3A : i32 to index
      %get3A_1276 = arith.constant 224 : index
      %get3A_1277 = tpu.vector_load %arg13[%get3A_1275, %get3A_1276] {strides = array<i32>} : memref<80x256xf32, #tpu.memory_space<vmem>>, vector<16xf32>,
      %get3A_1278 = arith.index_cast %add3A_1134 : i32 to index
      %get3A_1279 = arith.constant 224 : index
      %get3A_1280 = tpu.vector_load %arg14[%get3A_1278, %get3A_1279] {strides = array<i32>} : memref<88x256xf32, #tpu.memory_space<vmem>>, vector<16xf32>,
      %add3A_1281 = arith.addf %get3A_1277, %get3A_1280 : vector<16xf32>
      %swap3A_1282 = arith.index_cast %squeeze3A : i32 to index
      %swap3A_1283 = arith.constant 224 : index
      %swap3A_1284 = tpu.vector_load %arg13[%swap3A_1282, %swap3A_1283] {strides = array<i32>} : memref<80x256xf32, #tpu.memory_space<vmem>>, vector<16xf32>,
      tpu.vector_store %arg13[%swap3A_1282, %swap3A_1283], %add3A_1281 {strides = array<i32>} : memref<80x256xf32, #tpu.memory_space<vmem>>, vector<16xf32>,
      %get3A_1285 = arith.index_cast %squeeze3A : i32 to index
      %get3A_1286 = arith.constant 240 : index
      %get3A_1287 = tpu.vector_load %arg13[%get3A_1285, %get3A_1286] {strides = array<i32>} : memref<80x256xf32, #tpu.memory_space<vmem>>, vector<16xf32>,
      %get3A_1288 = arith.index_cast %add3A_1134 : i32 to index
      %get3A_1289 = arith.constant 240 : index
      %get3A_1290 = tpu.vector_load %arg14[%get3A_1288, %get3A_1289] {strides = array<i32>} : memref<88x256xf32, #tpu.memory_space<vmem>>, vector<16xf32>,
      %add3A_1291 = arith.addf %get3A_1287, %get3A_1290 : vector<16xf32>
      %swap3A_1292 = arith.index_cast %squeeze3A : i32 to index
      %swap3A_1293 = arith.constant 240 : index
      %swap3A_1294 = tpu.vector_load %arg13[%swap3A_1292, %swap3A_1293] {strides = array<i32>} : memref<80x256xf32, #tpu.memory_space<vmem>>, vector<16xf32>,
      tpu.vector_store %arg13[%swap3A_1292, %swap3A_1293], %add3A_1291 {strides = array<i32>} : memref<80x256xf32, #tpu.memory_space<vmem>>, vector<16xf32>,
      %while3A_1295 = arith.constant 0 : i32
      scf.yield %while3A_1295 : i32
    }
    "tpu.trace_stop"() : () -> ()
    %add3A_1098 = arith.constant 240 : i32
    %add3A_1099 = arith.addi %multiple_of3A, %add3A_1098 : i32
    %dma_start3A_1100 = arith.constant 0 : i32
    %dma_start3A_1101 = tpu.memref_slice %arg6[%add3A_1099, %dma_start3A_1100] : memref<10000x256xf32, #tpu.memory_space<hbm>> -> memref<80x256xf32, #tpu.memory_space<hbm>>
    %dma_start3A_1102 = arith.constant 0 : i32
    %dma_start3A_1103 = tpu.memref_slice %arg6[%add3A_1099, %dma_start3A_1102] : memref<10000x256xf32, #tpu.memory_space<hbm>> -> memref<80x256xf32, #tpu.memory_space<hbm>>
    tpu.enqueue_dma source(%arg13 : memref<80x256xf32, #tpu.memory_space<vmem>>) target(%dma_start3A_1103 : memref<80x256xf32, #tpu.memory_space<hbm>>) target_semaphore(%arg23 : memref<!tpu.dma_semaphore, #tpu.memory_space<semaphore_mem>>)
    "tpu.trace_start"() <{level = 10 : i32, message = "nk_drain"}> : () -> ()
    %add3A_1104 = arith.constant 0 : i32
    %add3A_1105 = arith.addi %multiple_of3A, %add3A_1104 : i32
    %dma_wait3A_1106 = arith.constant 0 : i32
    %dma_wait3A_1107 = tpu.memref_slice %arg6[%add3A_1105, %dma_wait3A_1106] : memref<10000x256xf32, #tpu.memory_space<hbm>> -> memref<80x256xf32, #tpu.memory_space<hbm>>
    %dma_wait3A_1108 = arith.constant 0 : i32
    %dma_wait3A_1109 = tpu.memref_slice %arg6[%add3A_1105, %dma_wait3A_1108] : memref<10000x256xf32, #tpu.memory_space<hbm>> -> memref<80x256xf32, #tpu.memory_space<hbm>>
    tpu.wait_dma2 semaphore(%arg20 : memref<!tpu.dma_semaphore, #tpu.memory_space<semaphore_mem>>) src(%arg10 : memref<80x256xf32, #tpu.memory_space<vmem>>) dst(%dma_wait3A_1109 : memref<80x256xf32, #tpu.memory_space<hbm>>)
    %add3A_1110 = arith.constant 80 : i32
    %add3A_1111 = arith.addi %multiple_of3A, %add3A_1110 : i32
    %dma_wait3A_1112 = arith.constant 0 : i32
    %dma_wait3A_1113 = tpu.memref_slice %arg6[%add3A_1111, %dma_wait3A_1112] : memref<10000x256xf32, #tpu.memory_space<hbm>> -> memref<80x256xf32, #tpu.memory_space<hbm>>
    %dma_wait3A_1114 = arith.constant 0 : i32
    %dma_wait3A_1115 = tpu.memref_slice %arg6[%add3A_1111, %dma_wait3A_1114] : memref<10000x256xf32, #tpu.memory_space<hbm>> -> memref<80x256xf32, #tpu.memory_space<hbm>>
    tpu.wait_dma2 semaphore(%arg21 : memref<!tpu.dma_semaphore, #tpu.memory_space<semaphore_mem>>) src(%arg11 : memref<80x256xf32, #tpu.memory_space<vmem>>) dst(%dma_wait3A_1115 : memref<80x256xf32, #tpu.memory_space<hbm>>)
    %add3A_1116 = arith.constant 160 : i32
    %add3A_1117 = arith.addi %multiple_of3A, %add3A_1116 : i32
    %dma_wait3A_1118 = arith.constant 0 : i32
    %dma_wait3A_1119 = tpu.memref_slice %arg6[%add3A_1117, %dma_wait3A_1118] : memref<10000x256xf32, #tpu.memory_space<hbm>> -> memref<80x256xf32, #tpu.memory_space<hbm>>
    %dma_wait3A_1120 = arith.constant 0 : i32
    %dma_wait3A_1121 = tpu.memref_slice %arg6[%add3A_1117, %dma_wait3A_1120] : memref<10000x256xf32, #tpu.memory_space<hbm>> -> memref<80x256xf32, #tpu.memory_space<hbm>>
    tpu.wait_dma2 semaphore(%arg22 : memref<!tpu.dma_semaphore, #tpu.memory_space<semaphore_mem>>) src(%arg12 : memref<80x256xf32, #tpu.memory_space<vmem>>) dst(%dma_wait3A_1121 : memref<80x256xf32, #tpu.memory_space<hbm>>)
    %add3A_1122 = arith.constant 240 : i32
    %add3A_1123 = arith.addi %multiple_of3A, %add3A_1122 : i32
    %dma_wait3A_1124 = arith.constant 0 : i32
    %dma_wait3A_1125 = tpu.memref_slice %arg6[%add3A_1123, %dma_wait3A_1124] : memref<10000x256xf32, #tpu.memory_space<hbm>> -> memref<80x256xf32, #tpu.memory_space<hbm>>
    %dma_wait3A_1126 = arith.constant 0 : i32
    %dma_wait3A_1127 = tpu.memref_slice %arg6[%add3A_1123, %dma_wait3A_1126] : memref<10000x256xf32, #tpu.memory_space<hbm>> -> memref<80x256xf32, #tpu.memory_space<hbm>>
    tpu.wait_dma2 semaphore(%arg23 : memref<!tpu.dma_semaphore, #tpu.memory_space<semaphore_mem>>) src(%arg13 : memref<80x256xf32, #tpu.memory_space<vmem>>) dst(%dma_wait3A_1127 : memref<80x256xf32, #tpu.memory_space<hbm>>)
    "tpu.trace_stop"() : () -> ()
    return
  }
}

module attributes {stable_mosaic.version = 14 : i64} {
  func.func @_edge_body(%arg0: i32, %arg1: memref<1x1x16000xi32, #tpu.memory_space<vmem>>, %arg2: memref<64x256xf32, #tpu.memory_space<vmem>>, %arg3: memref<1x256xf32, #tpu.memory_space<vmem>>, %arg4: memref<1x256xf32, #tpu.memory_space<vmem>>, %arg5: memref<16000x256xf32, #tpu.memory_space<vmem>>) attributes {dimension_semantics = [#tpu.dimension_semantics<arbitrary>], iteration_bounds = array<i64: 10>, scalar_prefetch = 0 : i64, scratch_operands = 0 : i64, tpu.core_type = #tpu.core_type<tc>, window_params = [{transform_indices = @transform_0, window_bounds = array<i64: 1, 1, 16000>}, {pipeline_mode = #tpu.pipeline_mode<synchronous>, transform_indices = @transform_1, window_bounds = array<i64: 64, 256>}, {pipeline_mode = #tpu.pipeline_mode<synchronous>, transform_indices = @transform_2, window_bounds = array<i64: 1, 256>}, {pipeline_mode = #tpu.pipeline_mode<synchronous>, transform_indices = @transform_3, window_bounds = array<i64: 1, 256>}, {transform_indices = @transform_4, window_bounds = array<i64: 16000, 256>}]} {
    %get3A = arith.constant 0 : index
    %get3A_0 = arith.constant 0 : index
    %get3A_1 = vector.load %arg2[%get3A, %get3A_0] : memref<64x256xf32, #tpu.memory_space<vmem>>, vector<64x256xf32>
    %reduce_sum3A = arith.constant dense<0.000000e+00> : vector<64xf32>
    %reduce_sum3A_2 = vector.multi_reduction <add>, %get3A_1, %reduce_sum3A [1] : vector<64x256xf32> to vector<64xf32>
    %broadcast_in_dim3A = vector.shape_cast %reduce_sum3A_2 : vector<64xf32> to vector<64x1xf32>
    %div3A = arith.constant 2.560000e+02 : f32
    %div3A_3 = vector.broadcast %div3A : f32 to vector<64x1xf32>
    %div3A_4 = arith.divf %broadcast_in_dim3A, %div3A_3 : vector<64x1xf32>
    %sub3A = vector.broadcast %div3A_4 : vector<64x1xf32> to vector<64x256xf32>
    %sub3A_5 = arith.subf %get3A_1, %sub3A : vector<64x256xf32>
    %integer_pow3A = arith.mulf %sub3A_5, %sub3A_5 : vector<64x256xf32>
    %reduce_sum3A_6 = arith.constant dense<0.000000e+00> : vector<64xf32>
    %reduce_sum3A_7 = vector.multi_reduction <add>, %integer_pow3A, %reduce_sum3A_6 [1] : vector<64x256xf32> to vector<64xf32>
    %broadcast_in_dim3A_8 = vector.shape_cast %reduce_sum3A_7 : vector<64xf32> to vector<64x1xf32>
    %div3A_9 = arith.constant 2.560000e+02 : f32
    %div3A_10 = vector.broadcast %div3A_9 : f32 to vector<64x1xf32>
    %div3A_11 = arith.divf %broadcast_in_dim3A_8, %div3A_10 : vector<64x1xf32>
    %sub3A_12 = vector.broadcast %div3A_4 : vector<64x1xf32> to vector<64x256xf32>
    %sub3A_13 = arith.subf %get3A_1, %sub3A_12 : vector<64x256xf32>
    %add3A = arith.constant 9.99999974E-6 : f32
    %add3A_14 = vector.broadcast %add3A : f32 to vector<64x1xf32>
    %add3A_15 = arith.addf %div3A_11, %add3A_14 : vector<64x1xf32>
    %rsqrt3A = math.rsqrt %add3A_15 : vector<64x1xf32>
    %mul3A = vector.broadcast %rsqrt3A : vector<64x1xf32> to vector<64x256xf32>
    %mul3A_16 = arith.mulf %sub3A_13, %mul3A : vector<64x256xf32>
    %get3A_17 = arith.constant 0 : index
    %get3A_18 = arith.constant 0 : index
    %get3A_19 = vector.load %arg3[%get3A_17, %get3A_18] : memref<1x256xf32, #tpu.memory_space<vmem>>, vector<1x256xf32>
    %mul3A_20 = vector.broadcast %get3A_19 : vector<1x256xf32> to vector<64x256xf32>
    %mul3A_21 = arith.mulf %mul3A_16, %mul3A_20 : vector<64x256xf32>
    %get3A_22 = arith.constant 0 : index
    %get3A_23 = arith.constant 0 : index
    %get3A_24 = vector.load %arg4[%get3A_22, %get3A_23] : memref<1x256xf32, #tpu.memory_space<vmem>>, vector<1x256xf32>
    %add3A_25 = vector.broadcast %get3A_24 : vector<1x256xf32> to vector<64x256xf32>
    %add3A_26 = arith.addf %mul3A_21, %add3A_25 : vector<64x256xf32>
    %convert_element_type3A = arith.truncf %add3A_26 : vector<64x256xf32> to vector<64x256xbf16>
    %convert_element_type3A_27 = arith.extf %convert_element_type3A : vector<64x256xbf16> to vector<64x256xf32>
    %sub3A_28 = arith.subf %add3A_26, %convert_element_type3A_27 : vector<64x256xf32>
    %convert_element_type3A_29 = arith.truncf %sub3A_28 : vector<64x256xf32> to vector<64x256xbf16>
    %get3A_30 = arith.constant 0 : index
    %get3A_31 = arith.constant 0 : index
    %get3A_32 = arith.constant 0 : index
    %get3A_33 = vector.load %arg1[%get3A_30, %get3A_31, %get3A_32] : memref<1x1x16000xi32, #tpu.memory_space<vmem>>, vector<1x1x16000xi32>
    %get3A_34 = vector.shape_cast %get3A_33 : vector<1x1x16000xi32> to vector<16000xi32>
    %broadcast_in_dim3A_35 = vector.shape_cast %get3A_34 : vector<16000xi32> to vector<16000x1xi32>
    %iota3A = tpu.iota {dimensions = array<i32: 1>} : vector<16000x64xi32>
    %eq3A = vector.broadcast %broadcast_in_dim3A_35 : vector<16000x1xi32> to vector<16000x64xi32>
    %eq3A_36 = arith.cmpi eq, %eq3A, %iota3A : vector<16000x64xi32>
    %convert_element_type3A_37 = arith.extui %eq3A_36 : vector<16000x64xi1> to vector<16000x64xi32>
    %convert_element_type3A_38 = arith.sitofp %convert_element_type3A_37 : vector<16000x64xi32> to vector<16000x64xf32>
    %convert_element_type3A_39 = arith.truncf %convert_element_type3A_38 : vector<16000x64xf32> to vector<16000x64xbf16>
    %dot_general3A = arith.constant dense<0.000000e+00> : vector<16000x256xf32>
    %dot_general3A_40 = tpu.matmul %convert_element_type3A_39, %convert_element_type3A, %dot_general3A {dimension_numbers = #tpu.dot_dimension_numbers<[1], [0], [0], [1], [0, 0, 1, 1], [], []>, transpose_lhs_hint = false} : vector<16000x64xbf16>, vector<64x256xbf16>, vector<16000x256xf32> -> vector<16000x256xf32>
    %dot_general3A_41 = arith.constant dense<0.000000e+00> : vector<16000x256xf32>
    %dot_general3A_42 = tpu.matmul %convert_element_type3A_39, %convert_element_type3A_29, %dot_general3A_41 {dimension_numbers = #tpu.dot_dimension_numbers<[1], [0], [0], [1], [0, 0, 1, 1], [], []>, transpose_lhs_hint = false} : vector<16000x64xbf16>, vector<64x256xbf16>, vector<16000x256xf32> -> vector<16000x256xf32>
    %add3A_43 = arith.addf %dot_general3A_40, %dot_general3A_42 : vector<16000x256xf32>
    %swap3A = arith.constant 0 : index
    %swap3A_44 = arith.constant 0 : index
    %swap3A_45 = vector.load %arg5[%swap3A, %swap3A_44] : memref<16000x256xf32, #tpu.memory_space<vmem>>, vector<16000x256xf32>
    tpu.vector_store %arg5[%swap3A, %swap3A_44], %add3A_43 {strides = array<i32>} : memref<16000x256xf32, #tpu.memory_space<vmem>>, vector<16000x256xf32>,
    return
  }
  func.func @transform_0(%arg0: i32) -> (i32, i32, i32) {
    %c0_i32 = arith.constant 0 : i32
    %c0_i32_0 = arith.constant 0 : i32
    %c0_i32_1 = arith.constant 0 : i32
    return %arg0, %c0_i32, %c0_i32_0 : i32, i32, i32
  }
  func.func @transform_1(%arg0: i32) -> (i32, i32) {
    %c0_i32 = arith.constant 0 : i32
    %c0_i32_0 = arith.constant 0 : i32
    %c0_i32_1 = arith.constant 0 : i32
    return %c0_i32, %c0_i32_0 : i32, i32
  }
  func.func @transform_2(%arg0: i32) -> (i32, i32) {
    %c0_i32 = arith.constant 0 : i32
    %c0_i32_0 = arith.constant 0 : i32
    %c0_i32_1 = arith.constant 0 : i32
    return %c0_i32, %c0_i32_0 : i32, i32
  }
  func.func @transform_3(%arg0: i32) -> (i32, i32) {
    %c0_i32 = arith.constant 0 : i32
    %c0_i32_0 = arith.constant 0 : i32
    %c0_i32_1 = arith.constant 0 : i32
    return %c0_i32, %c0_i32_0 : i32, i32
  }
  func.func @transform_4(%arg0: i32) -> (i32, i32) {
    %c0_i32 = arith.constant 0 : i32
    %c0_i32_0 = arith.constant 0 : i32
    return %arg0, %c0_i32 : i32, i32
  }
}

</mosaic_0001>

<sc_bundles>
// kernel: kernel.4.cloned.1.call-start
scs
__scs_entry_jumppad:
0x0: {  	(pc) =	sbr.rel $0x88, $3  }
0x1: {  	(tag) =	ssettag $0x0;
	lr =	simm.s32 $0x1  }
0x2: {  	[smem:$0x3F99] =	sst lr;
	_ =	strace $0xD0000000  }
0x3: {  	_ = 	snop  }
0x4: {  	_ = 	snop  }
0x5: {  	_ = 	snop  }
0x6: {  	_ = 	snop  }
0x7: {  	_ = 	snop  }
__scs_overlays_trampoline_lowered:
0x8: {  	[smem:$0x3FA8] =	sst s0  }
0x9: {  	[smem:$0x3FA9] =	sst s1  }
0xa: {  	[smem:$0x3FAA] =	sst s2  }
0xb: {  	[smem:$0x3FAB] =	sst s3  }
0xc: {  	[smem:$0x3FAC] =	sst s4  }
0xd: {  	[smem:$0x3FAD] =	sst s5  }
0xe: {  	[smem:$0x3FAE] =	sst s6  }
0xf: {  	[smem:$0x3FAF] =	sst s7  }
0x10: {  	[smem:$0x3FB0] =	sst s8  }
0x11: {  	[smem:$0x3FB1] =	sst s9;
	s0 =	simm.s32 @!p0 $0x0  }
0x12: {  	s1 =	sld [smem:$0x3F97];
	s0 =	simm.s32 @p0 $0x1  }
0x13: {  	[smem:$0x3FB2] =	sst s0;
	s0 =	simm.s32 @!p1 $0x0  }
0x14: {  	s2 =	sld [smem:$0x3F96];
	s0 =	simm.s32 @p1 $0x1  }
0x15: {  	[smem:$0x3FB3] =	sst s0;
	s0 =	simm.s32 @!p2 $0x0  }
0x16: {  	s3 =	sld [smem:$0x3FDB];
	s0 =	simm.s32 @p2 $0x1  }
0x17: {  	s4 =	simm.s32 $0x1BF5;
	[smem:$0x3FB5] =	sst s0  }
0x18: {  	s0 =	sld [smem:$0x3F98];
	_ =	swait.ge [sflag:s4], $0x0  }
0x19: {  	s7 =	sld [smem:$0x3F99]  }
0x1a: {  	s8 =	sadd.s32 $0xFFFFE003, lr  }
0x1b: {  	s9 =	sadd.s32 $0xFFFFFEF7, lr;
	s5 =	simm.s32 $0xFFFFFFFF;
	p2 =	slt.u32 s8, $0xFFFFF086  }
0x1c: {  	p1 =	slt.u32 s9, $0xF7A;
	s5 =	simm.s32 @!p2 $0x0  }
0x1d: {  	s5 =	simm.s32 @p1 $0x1;
	p0 =	seq.s32 s7, s2  }
0x1e: {  	s7 =	smul.u32 @!p0 $0xF7A, s2;
	p2 =	seq.s32 @!p0 s5, $0x0  }
0x1f: {  	s9 =	smul.u32 $0xF7A, s1;
	s8 =	simm.s32 @!p0 $0x1BF5;
	p2 =	por !p2, p0  }
0x20: {  	[sflag:s8] =	ssyncset.s32 @!p0 $0xFFFFF086;
	s6 =	sadd.s32 @!p0 s3, s7;
	s7 =	simm.s32 @!p0 $0x108  }
0x21: {  	s3 =	sadd.s32 s3, s9;
	s6 =	sadd.s32 @!p0 $0x88, s6;
	s7 =	simm.s32 @p2 $0x1082  }
0x22: {  	[simem:s7], [sflag:s8] =	dma.local @!p0 [hbm:s6], $0xF7A  }
0x23: {  	s9 =	sor.u32 $0xD0000000, s2;
	s6 =	simm.s32 $0x108;
	_ =	swait.ge @!p0 [sflag:s8], $0x0  }
0x24: {  	s3 =	sadd.s32 $0x88, s3;
	s6 =	simm.s32 @!p1 $0x1082;
	[sflag:s4] =	ssyncset.s32 $0xFFFFF086  }
0x25: {  	[simem:s6], [sflag:s4] =	dma.local [hbm:s3], $0xF7A  }
0x26: {  	[smem:$0x3F99] =	sst s1;
	(tag) =	ssettag s2;
	_ =	strace s9  }
0x27: {  	s1 =	sld [smem:$0x3FA9]  }
0x28: {  	s2 =	sld [smem:$0x3FAA]  }
0x29: {  	s4 =	sld [smem:$0x3FAC]  }
0x2a: {  	p0 =	seq.s32 s5, $0x0;
	s5 =	sld [smem:$0x3FAD]  }
0x2b: {  	s6 =	sld [smem:$0x3FAE]  }
0x2c: {  	s7 =	sld [smem:$0x3FAF]  }
0x2d: {  	s3 =	simm.s32 $0x108;
	s8 =	sld [smem:$0x3FB0]  }
0x2e: {  	s3 =	simm.s32 @!p0 $0x1082;
	s9 =	sld [smem:$0x3FB1]  }
0x2f: {  	lr =	sadd.s32 s0, s3;
	s0 =	sld [smem:$0x3FA8]  }
0x30: {  	s3 =	sld [smem:$0x3FAB]  }
0x31: {  	[smem:$0x3FB4] =	sst s10  }
0x32: {  	s10 =	sld [smem:$0x3FB2];
	_ =	sdelay $0x3  }
0x33: {  	p0 =	seq.s32 s10, $0x1;
	s10 =	sld [smem:$0x3FB4];
	_ =	sdelay $0x3  }
0x34: {  	[smem:$0x3FB4] =	sst s10  }
0x35: {  	s10 =	sld [smem:$0x3FB3];
	_ =	sdelay $0x3  }
0x36: {  	p1 =	seq.s32 s10, $0x1;
	s10 =	sld [smem:$0x3FB4];
	_ =	sdelay $0x3  }
0x37: {  	[smem:$0x3FB4] =	sst s10  }
0x38: {  	s10 =	sld [smem:$0x3FB5]  }
0x39: {  	_ = 	snop;
	(pc) =	sbr.ind lr, $3  }
0x3a: {  	_ = 	snop  }
0x3b: {  	_ = 	snop  }
0x3c: {  	p2 =	seq.s32 s10, $0x1;
	s10 =	sld [smem:$0x3FB4]  }
0x3d: {  	_ =	shalt  }
0x3e: {  	_ =	shalt  }
0x3f: {  	_ =	shalt  }
0x40: {  	_ =	shalt  }
0x41: {  	_ =	shalt  }
0x42: {  	_ =	shalt  }
0x43: {  	_ =	shalt  }
0x44: {  	_ =	shalt  }
0x45: {  	_ =	shalt  }
0x46: {  	_ =	shalt  }
0x47: {  	_ =	shalt  }
0x48: {  	_ =	shalt  }
0x49: {  	_ =	shalt  }
0x4a: {  	_ =	shalt  }
0x4b: {  	_ =	shalt  }
0x4c: {  	_ =	shalt  }
0x4d: {  	_ =	shalt  }
0x4e: {  	_ =	shalt  }
0x4f: {  	_ =	shalt  }
0x50: {  	_ =	shalt  }
0x51: {  	_ =	shalt  }
0x52: {  	_ =	shalt  }
0x53: {  	_ =	shalt  }
0x54: {  	_ =	shalt  }
0x55: {  	_ =	shalt  }
0x56: {  	_ =	shalt  }
0x57: {  	_ =	shalt  }
0x58: {  	_ =	shalt  }
0x59: {  	_ =	shalt  }
0x5a: {  	_ =	shalt  }
0x5b: {  	_ =	shalt  }
0x5c: {  	_ =	shalt  }
0x5d: {  	_ =	shalt  }
0x5e: {  	_ =	shalt  }
0x5f: {  	_ =	shalt  }
0x60: {  	_ =	shalt  }
0x61: {  	_ =	shalt  }
0x62: {  	_ =	shalt  }
0x63: {  	_ =	shalt  }
0x64: {  	_ =	shalt  }
0x65: {  	_ =	shalt  }
0x66: {  	_ =	shalt  }
0x67: {  	_ =	shalt  }
0x68: {  	_ =	shalt  }
0x69: {  	_ =	shalt  }
0x6a: {  	_ =	shalt  }
0x6b: {  	_ =	shalt  }
0x6c: {  	_ =	shalt  }
0x6d: {  	_ =	shalt  }
0x6e: {  	_ =	shalt  }
0x6f: {  	_ =	shalt  }
0x70: {  	_ =	shalt  }
0x71: {  	_ =	shalt  }
0x72: {  	_ =	shalt  }
0x73: {  	_ =	shalt  }
0x74: {  	_ =	shalt  }
0x75: {  	_ =	shalt  }
0x76: {  	_ =	shalt  }
0x77: {  	_ =	shalt  }
0x78: {  	_ =	shalt  }
0x79: {  	_ =	shalt  }
0x7a: {  	_ =	shalt  }
0x7b: {  	_ =	shalt  }
0x7c: {  	_ =	shalt  }
0x7d: {  	_ =	shalt  }
0x7e: {  	_ =	shalt  }
0x7f: {  	_ =	shalt  }
0x80: {  	_ =	shalt  }
0x81: {  	_ =	shalt  }
0x82: {  	_ =	shalt  }
0x83: {  	_ =	shalt  }
0x84: {  	_ =	shalt  }
0x85: {  	_ =	shalt  }
0x86: {  	_ =	shalt  }
0x87: {  	_ =	shalt  }
.Lfunc_end0:
.L_simem_size_0:
called_computation_lowered:
.L_overlay_start_0:
0x88: {  	s2 =	sld [smem:$0x3FD9]  }
0x89: {  	s3 =	sld [smem:$0x3FFE];
	_ =	sdelay $0x1  }
0x8a: {  	s1 =	srdreg.scid  }
0x8b: {  	s0 =	sand.u32 $0x1, s1  }
0x8c: {  	s15 =	sshll.u32 s0, $0xA;
	s2 =	sadd.s32 s3, s2  }
0x8d: {  	s2 =	sadd.s32 s2, s15  }
0x8e: {  	[smem:$0x3FC0] =	sst s2  }
0x8f: {  	_ = 	snop  }
0x90: {  	s2 =	sld [smem:$0x3FC9]  }
0x91: {  	s16 =	sld [smem:$0x3FD0]  }
0x92: {  	s4 =	sld [smem:$0x3FC8]  }
0x93: {  	s5 =	sld [smem:$0x3FC6]  }
0x94: {  	s7 =	simm.s32 $0xA;
	s8 =	simm.s32 $0x10;
	s6 =	sld [smem:$0x3FC5]  }
0x95: {  	[smem:s8], [sflag:s7] =	dma.local [hbm:s16], $0x1  }
0x96: {  	_ =	swait.eq [sflag:s7], $0x1  }
0x97: {  	[sflag:s7] =	ssyncset.done $0x0  }
0x98: {  	[sflag:s7] =	ssyncadd.s32 $0xFFFFFFFF  }
0x99: {  	s17 =	sld [smem:$0x10];
	(tm) =	ssettm $0x1  }
0x9a: {  	s18 =	sld [smem:$0x3FFB];
	_ =	sdelay $0x3  }
0x9b: {  	_ =	strace s18  }
0x9c: {  	s7 =	sld [smem:$0x3FFC];
	_ =	sdelay $0x3  }
0x9d: {  	_ =	strace s7  }
0x9e: {  	s7 =	sld [smem:$0x3FFD];
	_ =	sdelay $0x3  }
0x9f: {  	_ =	strace s7  }
0xa0: {  	_ =	strace $0x8FFFFFFF  }
0xa1: {  	s19 =	sld [smem:$0x3FDB];
	_ =	sdelay $0x1  }
0xa2: {  	s20 =	simm.s32 $_scs_section_size  }
0xa3: {  	s9 =	simm.s32 $_size__tile_overlayer_lowered;
	s10 =	simm.s32 $_tile_overlayer_lowered  }
0xa4: {  	s23 =	simm.s32 $0x1BFF;
	s22 =	sshll.u32 s10, $0x1;
	s7 =	sadd.s32 s20, s19  }
0xa5: {  	s11 =	simm.s32 $0x0;
	s21 =	sshll.u32 s9, $0x1;
	s9 =	sadd.s32 s22, s7  }
0xa6: {  	[timem:s11], [sflag:s23] =	dma.local [hbm:s9], s21  }
0xa7: {  	_ =	swait.ge [sflag:s23], s21  }
0xa8: {  	s8 =	ssub.s32 $0x0, s21;
	[sflag:s23] =	ssyncset.done $0x0  }
0xa9: {  	[sflag:s23] =	ssyncadd.s32 s8;
	_ =	sdelay $0x1  }
0xaa: {  	s24 =	simm.s32 $0x1B8B  }
0xab: {  	_ =	swait.ge [sflag:s24], $0x1  }
0xac: {  	[sflag:s24] =	ssyncset.done $0x0  }
0xad: {  	s25 =	simm.s32 $0x1B8E;
	[sflag:s24] =	ssyncadd.s32 $0xFFFFFFFF  }
0xae: {  	s26 =	simm.s32 $execute0_lowered;
	[smem:$0x3FD2] =	sst s25  }
0xaf: {  	s8 =	sshll.u32 s26, $0x1;
	_ =	strace $0x80000046;
	[dreg:$0x1] =	wrdreg $0xFFFFFFFF  }
0xb0: {  	s28 =	simm.s32 $_size_execute0_lowered;
	s7 =	sadd.s32 s7, s8;
	[dreg:$0x0] =	wrdreg $0x0  }
0xb1: {  	s8 =	sshll.u32 s28, $0x1;
	[dreg:$0x2] =	wrdreg s7  }
0xb2: {  	[dreg:$0x3] =	wrdreg s8  }
0xb3: {  	[dreg:$0x4] =	wrdreg $0xC0  }
0xb4: {  	_ =	task [dreg:s11], $0x5FFFF  }
0xb5: {  	[dreg:$0x1] =	wrdreg $0xFFFFFFFF  }
0xb6: {  	[dreg:$0x0] =	wrdreg $0x60  }
0xb7: {  	[dreg:$0x2] =	wrdreg s2  }
0xb8: {  	[dreg:$0x3] =	wrdreg s4  }
0xb9: {  	[dreg:$0x4] =	wrdreg s5  }
0xba: {  	[dreg:$0x5] =	wrdreg s6  }
0xbb: {  	[dreg:$0x6] =	wrdreg s17  }
0xbc: {  	[dreg:$0x7] =	wrdreg $0x9  }
0xbd: {  	_ =	task.clear_ibuf [dreg:s11], $0x8FFFF;
	_ =	strace $0x90000046  }
0xbe: {  	s29 =	simm.s32 $0x9;
	_ =	strace $0x80000054  }
0xbf: {  	_ =	swait.ge [sflag:s29], $0x1  }
0xc0: {  	[sflag:s29] =	ssyncadd.s32 $0xFFFFFFFF  }
0xc1: {  	_ =	strace $0x90000054  }
0xc2: {  	_ =	sfence  }
0xc3: {  	s30 =	sld [smem:$0x0];
	_ =	sdelay $0x2  }
0xc4: {  	s31 =	sshll.u32 s1, $0xD;
	s1 =	sshrl.u32 s1, $0x2  }
0xc5: {  	s3 =	sand.u32 $0x4000, s31;
	s1 =	sadd.s32 s1, s30  }
0xc6: {  	s0 =	sor.u32 s3, s0;
	s1 =	sshll.u32 s1, $0x11  }
0xc7: {  	s0 =	sor.u32 s1, s0  }
0xc8: {  	s0 =	sadd.s32 $0x8F2B, s0  }
0xc9: {  	[sflag:s0] =	ssyncadd.remote.s32 $0x1  }
0xca: {  	_ =	sfence.sel $0xFFFF  }
0xcb: {  	[dreg:$0x0] =	wrdreg $0xFFFFFFFF;
	(pc) =	sbr.abs _section_cstart, $3  }
0xcc: {  	[dreg:$0x1] =	wrdreg $0xFFFFFFFF  }
0xcd: {  	_ =	task.clear_ibuf [dreg:s11], $0x2FFFF;
	_ =	strace $0x9FFFFFFF  }
0xce: {  	(tm) =	ssettm $0x7FFFFFFF  }
0xcf: {  	_ =	shalt  }
tec
execute0_lowered:
.L_overlay_start_1:
0x0: {  	(tag) =	ssettag $0x1  }
0x1: {  	s0 =	rddreg [dreg:$0x0]  }
0x2: {  	s2 =	rddreg [dreg:$0x2];
	s1 =	srdreg.scid  }
0x3: {  	s9 =	stileid.u32;
	s19 =	rddreg [dreg:$0x3]  }
0x4: {  	s4 =	rddreg [dreg:$0x4];
	s5 =	simm.s32 $0x0;
	s15 =	simm.s32 $0xCA80  }
0x5: {  	s17 =	simm.s32 $0x16A80;
	s28 =	simm.s32 $0x4;
	s20 =	simm.s32 $0x0  }
0x6: {  	s1 =	sand.u32 $0x1, s1;
	s3 =	sshll.u32 s9, $0x1;
	[smem:$0x7FF] =	sst s5  }
0x7: {  	s9 =	smul.u32 $0x280, s9;
	s3 =	sor.u32 s1, s3;
	s7 =	ssub.s32 $0x2, s1  }
0x8: {  	_ =	strace $0x80000047;
	s6 =	smul.u32 $0x140, s3;
	s8 =	sshrl.u32 s7, $0x1  }
0x9: {  	s24 =	smul.u32 $0x140, s1;
	p0 =	seq.s32 s3, $0x0;
	s7 =	ssub.s32 s7, s8  }
0xa: {  	s3 =	simm.s32 $0x1;
	s6 =	smin.u32 s6, $0x25D0;
	s31 =	smax.u32 s7, $0x1  }
0xb: {  	s7 =	simm.s32 $0x11A80;
	s23 =	sadd.s32 $0x50, s6;
	[dreg:$0xf] =	wrdreg s31  }
0xc: {  	s22 =	sshrl.u32 s6, $0x3;
	s10 =	sadd.s32 $0xA0, s6;
	[dreg:$0x7] =	wrdreg s23  }
0xd: {  	s11 =	sadd.s32 $0xF0, s6;
	s25 =	sshll.u32 s6, $0x5;
	[dreg:$0x8] =	wrdreg s10  }
0xe: {  	s0 =	sadd.s32 s0, s22;
	s1 =	sadd.s32 s4, s25;
	[dreg:$0x9] =	wrdreg s11  }
0xf: {  	s26 =	sshll.u32 s23, $0x5;
	s29 =	sshll.u32 s10, $0x5;
	[dreg:$0x6] =	wrdreg s0  }
0x10: {  	s30 =	sshll.u32 s11, $0x5;
	s22 =	simm.s32 $0x7A80;
	[dreg:$0xa] =	wrdreg s1  }
.Ltmp0:
0x11: {  	s0 =	sadd.s32 s24, s9;
	s1 =	sadd.s32 s4, s26;
	(pc) =	sbr.rel .LBB2_1-.Ltmp0, $4  }
0x12: {  	v0 =	vlaneseq.u32;
	vm0 =	vmmov $0xffff;
	[dreg:$0xb] =	wrdreg s1;
	s0 =	smin.u32 s0, $0x25D0;
	s1 =	sadd.s32 s4, s29  }
0x13: {  	v4 =	vimm.s32 $0x0;
	v2 =	vshrl.u32 v0, $0x3;
	v1 =	vand.u32 $0x7, v0;
	[dreg:$0xc] =	wrdreg s1;
	s0 =	sshrl.u32 s0, $0x4;
	s1 =	sadd.s32 s4, s30  }
0x14: {  	v3 =	vor.u32 $0x8, v0;
	v5 =	vor.u32 $0x10, v0;
	v6 =	vor.u32 $0x20, v0;
	s25 =	simm.s32 $0x2;
	[dreg:$0xd] =	wrdreg s1;
	s0 =	smax.u32 s0, $0x1  }
0x15: {  	v7 =	vor.u32 $0x30, v0;
	v8 =	vor.u32 $0x40, v0;
	v2 =	vmul.u32 $0x8, v2;
	s24 =	simm.s32 $0x5;
	s26 =	simm.s32 $0x3;
	[dreg:$0xe] =	wrdreg s0  }
.LBB2_20:
0x16: {  	v9 =	vadd.f32 v10, v9;
	_ =	sdelay $0x1  }
0x17: {  	[tilespmem:s7+$0x470] =	vst v9  }
.LBB2_21:
0x18: {  	_ =	strace $0x90000052  }
0x19: {  	s7 =	simm.s32 $0x11A80;
	s0 =	rddreg [dreg:$0xd]  }
0x1a: {  	[hbm4b:s0+s5] =	stream.linear.scatter [tilespmem:s7], [sflag:$0x9], $0x5000, $0x38;
	[tilespmem:$0x1C280] =	vst v63  }
0x1b: {  	s21 =	simm.s32 $0x6;
	_ =	strace $0x80000053  }
0x1c: {  	_ =	swait.ge [sflag:s21], $0x5000  }
0x1d: {  	[sflag:s21] =	ssyncset.done $0x0  }
0x1e: {  	s23 =	simm.s32 $0x7;
	[sflag:s21] =	ssyncadd.s32 $0xFFFFB000  }
0x1f: {  	_ =	swait.ge [sflag:s23], $0x5000  }
0x20: {  	[sflag:s23] =	ssyncset.done $0x0  }
0x21: {  	s29 =	simm.s32 $0x8;
	[sflag:s23] =	ssyncadd.s32 $0xFFFFB000  }
0x22: {  	_ =	swait.ge [sflag:s29], $0x5000  }
0x23: {  	[sflag:s29] =	ssyncset.done $0x0  }
0x24: {  	s30 =	simm.s32 $0x9;
	[sflag:s29] =	ssyncadd.s32 $0xFFFFB000  }
0x25: {  	_ =	swait.ge [sflag:s30], $0x5000  }
0x26: {  	s20 =	sadd.s32 $0x1, s20;
	s31 =	rddreg [dreg:$0xf]  }
0x27: {  	p1 =	sne.s32 s20, s31  }
.Ltmp1:
0x28: {  	_ = 	snop;
	(pc) =	sbr.rel @!p1 .LBB2_22-.Ltmp1, $4  }
0x29: {  	_ = 	snop  }
0x2a: {  	[sflag:s30] =	ssyncset.done $0x0  }
0x2b: {  	[sflag:s30] =	ssyncadd.s32 $0xFFFFB000  }
0x2c: {  	_ =	strace $0x90000053  }
.LBB2_1:
0x2d: {  	_ =	strace $0x80000048  }
0x2e: {  	s4 =	simm.s32 $0xA;
	s0 =	rddreg [dreg:$0x6]  }
0x2f: {  	[tilespmem:s5], [sflag:$0xA] =	stream.linear.gather [hbm4b:s0+s5], $0x140, $0x200038;
	[tilespmem:$0x1C280] =	vst v63  }
0x30: {  	_ =	swait.ge [sflag:s4], $0x140  }
0x31: {  	[sflag:s4] =	ssyncset.done $0x0  }
0x32: {  	[sflag:s4] =	ssyncadd.s32 $0xFFFFFEC0  }
0x33: {  	s0 =	simm.s32 $0x180;
	s1 =	rddreg [dreg:$0x1]  }
0x34: {  	[tilespmem:s0], [sflag:$0xA] =	stream.linear.gather [hbm4b:s1+s5], $0x2710, $0x200038;
	[tilespmem:$0x1C280] =	vst v63  }
0x35: {  	_ =	strace $0x90000048  }
0x36: {  	v9 =	vld [tilespmem:$0x0];
	_ =	sdelay $0x4  }
0x37: {  	v10 =	vshll.u32 v9, $0x1  }
0x38: {  	v9 =	vand.u32 $0x7, v9;
	v10 =	vand.u32 $0xFFFFFFF0, v10  }
0x39: {  	v9 =	vor.u32 v9, v10  }
0x3a: {  	v10 =	vperm.xlane v9, v1;
	_ =	sdelay $0x1  }
0x3b: {  	v9 =	vperm.xlane v9, v3;
	v10 =	vadd.s32 v2, v10;
	_ =	sdelay $0x1  }
0x3c: {  	v9 =	vadd.s32 v2, v9;
	_ =	sdelay $0x1  }
0x3d: {  	s18 =	simm.s32 $0x2A80  }
0x3e: {  	[tilespmem:s18], [sflag:$0x1] =	stream.indirect_vreg.gather [hbm4b:s2+s5], $0x80, v10, vm0, $0xb8;
	[tilespmem:$0x1C280] =	vst v63  }
0x3f: {  	s21 =	simm.s32 $0x3280  }
0x40: {  	[tilespmem:s21], [sflag:$0x1] =	stream.indirect_vreg.gather [hbm4b:s2+s5], $0x80, v9, vm0, $0xb8;
	[tilespmem:$0x1C280] =	vst v63  }
0x41: {  	v9 =	vld [tilespmem:$0x10];
	_ =	sdelay $0x4  }
0x42: {  	v10 =	vshll.u32 v9, $0x1  }
0x43: {  	v9 =	vand.u32 $0x7, v9;
	v10 =	vand.u32 $0xFFFFFFF0, v10  }
0x44: {  	v9 =	vor.u32 v9, v10  }
0x45: {  	v10 =	vperm.xlane v9, v1;
	_ =	sdelay $0x1  }
0x46: {  	v9 =	vperm.xlane v9, v3;
	v10 =	vadd.s32 v2, v10;
	_ =	sdelay $0x1  }
0x47: {  	v9 =	vadd.s32 v2, v9;
	_ =	sdelay $0x1  }
0x48: {  	s23 =	simm.s32 $0x3A80  }
0x49: {  	[tilespmem:s23], [sflag:$0x1] =	stream.indirect_vreg.gather [hbm4b:s2+s5], $0x80, v10, vm0, $0xb8;
	[tilespmem:$0x1C280] =	vst v63  }
0x4a: {  	s29 =	simm.s32 $0x4280  }
0x4b: {  	[tilespmem:s29], [sflag:$0x1] =	stream.indirect_vreg.gather [hbm4b:s2+s5], $0x80, v9, vm0, $0xb8;
	[tilespmem:$0x1C280] =	vst v63  }
0x4c: {  	v9 =	vld [tilespmem:$0x20];
	_ =	sdelay $0x4  }
0x4d: {  	v10 =	vshll.u32 v9, $0x1  }
0x4e: {  	v9 =	vand.u32 $0x7, v9;
	v10 =	vand.u32 $0xFFFFFFF0, v10  }
0x4f: {  	v9 =	vor.u32 v9, v10  }
0x50: {  	v10 =	vperm.xlane v9, v1;
	_ =	sdelay $0x1  }
0x51: {  	v9 =	vperm.xlane v9, v3;
	v10 =	vadd.s32 v2, v10;
	_ =	sdelay $0x1  }
0x52: {  	v9 =	vadd.s32 v2, v9;
	_ =	sdelay $0x1  }
0x53: {  	s30 =	simm.s32 $0x4A80  }
0x54: {  	[tilespmem:s30], [sflag:$0x1] =	stream.indirect_vreg.gather [hbm4b:s2+s5], $0x80, v10, vm0, $0xb8;
	[tilespmem:$0x1C280] =	vst v63  }
0x55: {  	s31 =	simm.s32 $0x5280  }
0x56: {  	[tilespmem:s31], [sflag:$0x1] =	stream.indirect_vreg.gather [hbm4b:s2+s5], $0x80, v9, vm0, $0xb8;
	[tilespmem:$0x1C280] =	vst v63  }
0x57: {  	v9 =	vld [tilespmem:$0x30];
	_ =	sdelay $0x4  }
0x58: {  	v10 =	vshll.u32 v9, $0x1  }
0x59: {  	v9 =	vand.u32 $0x7, v9;
	v10 =	vand.u32 $0xFFFFFFF0, v10  }
0x5a: {  	v9 =	vor.u32 v9, v10  }
0x5b: {  	v10 =	vperm.xlane v9, v1;
	_ =	sdelay $0x1  }
0x5c: {  	v9 =	vperm.xlane v9, v3;
	v10 =	vadd.s32 v2, v10;
	_ =	sdelay $0x1  }
0x5d: {  	v9 =	vadd.s32 v2, v9;
	_ =	sdelay $0x1  }
0x5e: {  	s8 =	simm.s32 $0x5A80  }
0x5f: {  	[tilespmem:s8], [sflag:$0x1] =	stream.indirect_vreg.gather [hbm4b:s2+s5], $0x80, v10, vm0, $0xb8;
	[tilespmem:$0x1C280] =	vst v63  }
0x60: {  	s9 =	simm.s32 $0x6280  }
0x61: {  	[tilespmem:s9], [sflag:$0x1] =	stream.indirect_vreg.gather [hbm4b:s2+s5], $0x80, v9, vm0, $0xb8;
	[tilespmem:$0x1C280] =	vst v63  }
0x62: {  	v9 =	vld [tilespmem:$0x40];
	_ =	sdelay $0x4  }
0x63: {  	v10 =	vshll.u32 v9, $0x1  }
0x64: {  	v9 =	vand.u32 $0x7, v9;
	v10 =	vand.u32 $0xFFFFFFF0, v10  }
0x65: {  	v9 =	vor.u32 v9, v10  }
0x66: {  	v10 =	vperm.xlane v9, v1;
	_ =	sdelay $0x1  }
0x67: {  	v9 =	vperm.xlane v9, v3;
	v10 =	vadd.s32 v2, v10;
	_ =	sdelay $0x1  }
0x68: {  	v9 =	vadd.s32 v2, v9;
	_ =	sdelay $0x1  }
0x69: {  	s10 =	simm.s32 $0x6A80  }
0x6a: {  	[tilespmem:s10], [sflag:$0x1] =	stream.indirect_vreg.gather [hbm4b:s2+s5], $0x80, v10, vm0, $0xb8;
	[tilespmem:$0x1C280] =	vst v63  }
0x6b: {  	s11 =	simm.s32 $0x7280  }
0x6c: {  	[tilespmem:s11], [sflag:$0x1] =	stream.indirect_vreg.gather [hbm4b:s2+s5], $0x80, v9, vm0, $0xb8;
	[tilespmem:$0x1C280] =	vst v63  }
0x6d: {  	v9 =	vld [tilespmem:$0x50];
	_ =	sdelay $0x4  }
0x6e: {  	v10 =	vshll.u32 v9, $0x1  }
0x6f: {  	v9 =	vand.u32 $0x7, v9;
	v10 =	vand.u32 $0xFFFFFFF0, v10  }
0x70: {  	v9 =	vor.u32 v9, v10  }
0x71: {  	v10 =	vperm.xlane v9, v1;
	_ =	sdelay $0x1  }
0x72: {  	v9 =	vperm.xlane v9, v3;
	v10 =	vadd.s32 v2, v10;
	_ =	sdelay $0x1  }
0x73: {  	v9 =	vadd.s32 v2, v9;
	_ =	sdelay $0x2  }
0x74: {  	[tilespmem:s22], [sflag:$0x2] =	stream.indirect_vreg.gather [hbm4b:s2+s5], $0x80, v10, vm0, $0xb8;
	[tilespmem:$0x1C280] =	vst v63  }
0x75: {  	s12 =	simm.s32 $0x8280  }
0x76: {  	[tilespmem:s12], [sflag:$0x2] =	stream.indirect_vreg.gather [hbm4b:s2+s5], $0x80, v9, vm0, $0xb8;
	[tilespmem:$0x1C280] =	vst v63  }
0x77: {  	v9 =	vld [tilespmem:$0x60];
	_ =	sdelay $0x4  }
0x78: {  	v10 =	vshll.u32 v9, $0x1  }
0x79: {  	v9 =	vand.u32 $0x7, v9;
	v10 =	vand.u32 $0xFFFFFFF0, v10  }
0x7a: {  	v9 =	vor.u32 v9, v10  }
0x7b: {  	v10 =	vperm.xlane v9, v1;
	_ =	sdelay $0x1  }
0x7c: {  	v9 =	vperm.xlane v9, v3;
	v10 =	vadd.s32 v2, v10;
	_ =	sdelay $0x1  }
0x7d: {  	v9 =	vadd.s32 v2, v9;
	_ =	sdelay $0x1  }
0x7e: {  	s13 =	simm.s32 $0x8A80  }
0x7f: {  	[tilespmem:s13], [sflag:$0x2] =	stream.indirect_vreg.gather [hbm4b:s2+s5], $0x80, v10, vm0, $0xb8;
	[tilespmem:$0x1C280] =	vst v63  }
0x80: {  	s14 =	simm.s32 $0x9280  }
0x81: {  	[tilespmem:s14], [sflag:$0x2] =	stream.indirect_vreg.gather [hbm4b:s2+s5], $0x80, v9, vm0, $0xb8;
	[tilespmem:$0x1C280] =	vst v63  }
0x82: {  	v9 =	vld [tilespmem:$0x70];
	_ =	sdelay $0x4  }
0x83: {  	v10 =	vshll.u32 v9, $0x1  }
0x84: {  	v9 =	vand.u32 $0x7, v9;
	v10 =	vand.u32 $0xFFFFFFF0, v10  }
0x85: {  	v9 =	vor.u32 v9, v10  }
0x86: {  	v10 =	vperm.xlane v9, v1;
	_ =	sdelay $0x1  }
0x87: {  	v9 =	vperm.xlane v9, v3;
	v10 =	vadd.s32 v2, v10;
	_ =	sdelay $0x1  }
0x88: {  	v9 =	vadd.s32 v2, v9;
	_ =	sdelay $0x1  }
0x89: {  	s16 =	simm.s32 $0x9A80  }
0x8a: {  	[tilespmem:s16], [sflag:$0x2] =	stream.indirect_vreg.gather [hbm4b:s2+s5], $0x80, v10, vm0, $0xb8;
	[tilespmem:$0x1C280] =	vst v63  }
0x8b: {  	s18 =	simm.s32 $0xA280  }
0x8c: {  	[tilespmem:s18], [sflag:$0x2] =	stream.indirect_vreg.gather [hbm4b:s2+s5], $0x80, v9, vm0, $0xb8;
	[tilespmem:$0x1C280] =	vst v63  }
0x8d: {  	v9 =	vld [tilespmem:$0x80];
	_ =	sdelay $0x4  }
0x8e: {  	v10 =	vshll.u32 v9, $0x1  }
0x8f: {  	v9 =	vand.u32 $0x7, v9;
	v10 =	vand.u32 $0xFFFFFFF0, v10  }
0x90: {  	v9 =	vor.u32 v9, v10  }
0x91: {  	v10 =	vperm.xlane v9, v1;
	_ =	sdelay $0x1  }
0x92: {  	v9 =	vperm.xlane v9, v3;
	v10 =	vadd.s32 v2, v10;
	_ =	sdelay $0x1  }
0x93: {  	v9 =	vadd.s32 v2, v9;
	_ =	sdelay $0x1  }
0x94: {  	s21 =	simm.s32 $0xAA80  }
0x95: {  	[tilespmem:s21], [sflag:$0x2] =	stream.indirect_vreg.gather [hbm4b:s2+s5], $0x80, v10, vm0, $0xb8;
	[tilespmem:$0x1C280] =	vst v63  }
0x96: {  	s22 =	simm.s32 $0xB280  }
0x97: {  	[tilespmem:s22], [sflag:$0x2] =	stream.indirect_vreg.gather [hbm4b:s2+s5], $0x80, v9, vm0, $0xb8;
	[tilespmem:$0x1C280] =	vst v63  }
0x98: {  	v9 =	vld [tilespmem:$0x90];
	_ =	sdelay $0x4  }
0x99: {  	v10 =	vshll.u32 v9, $0x1  }
0x9a: {  	v9 =	vand.u32 $0x7, v9;
	v10 =	vand.u32 $0xFFFFFFF0, v10  }
0x9b: {  	v9 =	vor.u32 v9, v10  }
0x9c: {  	v10 =	vperm.xlane v9, v1;
	_ =	sdelay $0x1  }
0x9d: {  	v9 =	vperm.xlane v9, v3;
	v10 =	vadd.s32 v2, v10;
	_ =	sdelay $0x1  }
0x9e: {  	v9 =	vadd.s32 v2, v9;
	_ =	sdelay $0x1  }
0x9f: {  	s23 =	simm.s32 $0xBA80  }
0xa0: {  	[tilespmem:s23], [sflag:$0x2] =	stream.indirect_vreg.gather [hbm4b:s2+s5], $0x80, v10, vm0, $0xb8;
	[tilespmem:$0x1C280] =	vst v63  }
0xa1: {  	s29 =	simm.s32 $0xC280  }
0xa2: {  	[tilespmem:s29], [sflag:$0x2] =	stream.indirect_vreg.gather [hbm4b:s2+s5], $0x80, v9, vm0, $0xb8;
	[tilespmem:$0x1C280] =	vst v63  }
0xa3: {  	v9 =	vld [tilespmem:$0xA0];
	_ =	sdelay $0x4  }
0xa4: {  	v10 =	vshll.u32 v9, $0x1  }
0xa5: {  	v9 =	vand.u32 $0x7, v9;
	v10 =	vand.u32 $0xFFFFFFF0, v10  }
0xa6: {  	v9 =	vor.u32 v9, v10  }
0xa7: {  	v10 =	vperm.xlane v9, v1;
	_ =	sdelay $0x1  }
0xa8: {  	v9 =	vperm.xlane v9, v3;
	v10 =	vadd.s32 v2, v10;
	_ =	sdelay $0x1  }
0xa9: {  	v9 =	vadd.s32 v2, v9;
	_ =	sdelay $0x2  }
0xaa: {  	[tilespmem:s15], [sflag:$0x3] =	stream.indirect_vreg.gather [hbm4b:s2+s5], $0x80, v10, vm0, $0xb8;
	[tilespmem:$0x1C280] =	vst v63  }
0xab: {  	s30 =	simm.s32 $0xD280  }
0xac: {  	[tilespmem:s30], [sflag:$0x3] =	stream.indirect_vreg.gather [hbm4b:s2+s5], $0x80, v9, vm0, $0xb8;
	[tilespmem:$0x1C280] =	vst v63  }
0xad: {  	v9 =	vld [tilespmem:$0xB0];
	_ =	sdelay $0x4  }
0xae: {  	v10 =	vshll.u32 v9, $0x1  }
0xaf: {  	v9 =	vand.u32 $0x7, v9;
	v10 =	vand.u32 $0xFFFFFFF0, v10  }
0xb0: {  	v9 =	vor.u32 v9, v10  }
0xb1: {  	v10 =	vperm.xlane v9, v1;
	_ =	sdelay $0x1  }
0xb2: {  	v9 =	vperm.xlane v9, v3;
	v10 =	vadd.s32 v2, v10;
	_ =	sdelay $0x1  }
0xb3: {  	v9 =	vadd.s32 v2, v9;
	_ =	sdelay $0x1  }
0xb4: {  	s31 =	simm.s32 $0xDA80  }
0xb5: {  	[tilespmem:s31], [sflag:$0x3] =	stream.indirect_vreg.gather [hbm4b:s2+s5], $0x80, v10, vm0, $0xb8;
	[tilespmem:$0x1C280] =	vst v63  }
0xb6: {  	s8 =	simm.s32 $0xE280  }
0xb7: {  	[tilespmem:s8], [sflag:$0x3] =	stream.indirect_vreg.gather [hbm4b:s2+s5], $0x80, v9, vm0, $0xb8;
	[tilespmem:$0x1C280] =	vst v63  }
0xb8: {  	v9 =	vld [tilespmem:$0xC0];
	_ =	sdelay $0x4  }
0xb9: {  	v10 =	vshll.u32 v9, $0x1  }
0xba: {  	v9 =	vand.u32 $0x7, v9;
	v10 =	vand.u32 $0xFFFFFFF0, v10  }
0xbb: {  	v9 =	vor.u32 v9, v10  }
0xbc: {  	v10 =	vperm.xlane v9, v1;
	_ =	sdelay $0x1  }
0xbd: {  	v9 =	vperm.xlane v9, v3;
	v10 =	vadd.s32 v2, v10;
	_ =	sdelay $0x1  }
0xbe: {  	v9 =	vadd.s32 v2, v9;
	_ =	sdelay $0x1  }
0xbf: {  	s9 =	simm.s32 $0xEA80  }
0xc0: {  	[tilespmem:s9], [sflag:$0x3] =	stream.indirect_vreg.gather [hbm4b:s2+s5], $0x80, v10, vm0, $0xb8;
	[tilespmem:$0x1C280] =	vst v63  }
0xc1: {  	s10 =	simm.s32 $0xF280  }
0xc2: {  	[tilespmem:s10], [sflag:$0x3] =	stream.indirect_vreg.gather [hbm4b:s2+s5], $0x80, v9, vm0, $0xb8;
	[tilespmem:$0x1C280] =	vst v63  }
0xc3: {  	v9 =	vld [tilespmem:$0xD0];
	_ =	sdelay $0x4  }
0xc4: {  	v10 =	vshll.u32 v9, $0x1  }
0xc5: {  	v9 =	vand.u32 $0x7, v9;
	v10 =	vand.u32 $0xFFFFFFF0, v10  }
0xc6: {  	v9 =	vor.u32 v9, v10  }
0xc7: {  	v10 =	vperm.xlane v9, v1;
	_ =	sdelay $0x1  }
0xc8: {  	v9 =	vperm.xlane v9, v3;
	v10 =	vadd.s32 v2, v10;
	_ =	sdelay $0x1  }
0xc9: {  	v9 =	vadd.s32 v2, v9;
	_ =	sdelay $0x1  }
0xca: {  	s11 =	simm.s32 $0xFA80  }
0xcb: {  	[tilespmem:s11], [sflag:$0x3] =	stream.indirect_vreg.gather [hbm4b:s2+s5], $0x80, v10, vm0, $0xb8;
	[tilespmem:$0x1C280] =	vst v63  }
0xcc: {  	s12 =	simm.s32 $0x10280  }
0xcd: {  	[tilespmem:s12], [sflag:$0x3] =	stream.indirect_vreg.gather [hbm4b:s2+s5], $0x80, v9, vm0, $0xb8;
	[tilespmem:$0x1C280] =	vst v63  }
0xce: {  	v9 =	vld [tilespmem:$0xE0];
	_ =	sdelay $0x4  }
0xcf: {  	v10 =	vshll.u32 v9, $0x1  }
0xd0: {  	v9 =	vand.u32 $0x7, v9;
	v10 =	vand.u32 $0xFFFFFFF0, v10  }
0xd1: {  	v9 =	vor.u32 v9, v10  }
0xd2: {  	v10 =	vperm.xlane v9, v1;
	_ =	sdelay $0x1  }
0xd3: {  	v9 =	vperm.xlane v9, v3;
	v10 =	vadd.s32 v2, v10;
	_ =	sdelay $0x1  }
0xd4: {  	v9 =	vadd.s32 v2, v9;
	_ =	sdelay $0x1  }
0xd5: {  	s13 =	simm.s32 $0x10A80  }
0xd6: {  	[tilespmem:s13], [sflag:$0x3] =	stream.indirect_vreg.gather [hbm4b:s2+s5], $0x80, v10, vm0, $0xb8;
	[tilespmem:$0x1C280] =	vst v63  }
0xd7: {  	s14 =	simm.s32 $0x11280  }
0xd8: {  	[tilespmem:s14], [sflag:$0x3] =	stream.indirect_vreg.gather [hbm4b:s2+s5], $0x80, v9, vm0, $0xb8;
	[tilespmem:$0x1C280] =	vst v63  }
0xd9: {  	v9 =	vld [tilespmem:$0xF0];
	_ =	sdelay $0x4  }
0xda: {  	v10 =	vshll.u32 v9, $0x1  }
0xdb: {  	v9 =	vand.u32 $0x7, v9;
	v10 =	vand.u32 $0xFFFFFFF0, v10  }
0xdc: {  	v9 =	vor.u32 v9, v10  }
0xdd: {  	v10 =	vperm.xlane v9, v1;
	_ =	sdelay $0x1  }
0xde: {  	v9 =	vperm.xlane v9, v3;
	v10 =	vadd.s32 v2, v10;
	_ =	sdelay $0x1  }
0xdf: {  	v9 =	vadd.s32 v2, v9;
	_ =	sdelay $0x2  }
0xe0: {  	[tilespmem:s7], [sflag:$0x4] =	stream.indirect_vreg.gather [hbm4b:s2+s5], $0x80, v10, vm0, $0xb8;
	[tilespmem:$0x1C280] =	vst v63  }
0xe1: {  	s15 =	simm.s32 $0x12280  }
0xe2: {  	[tilespmem:s15], [sflag:$0x4] =	stream.indirect_vreg.gather [hbm4b:s2+s5], $0x80, v9, vm0, $0xb8;
	[tilespmem:$0x1C280] =	vst v63  }
0xe3: {  	v9 =	vld [tilespmem:$0x100];
	_ =	sdelay $0x4  }
0xe4: {  	v10 =	vshll.u32 v9, $0x1  }
0xe5: {  	v9 =	vand.u32 $0x7, v9;
	v10 =	vand.u32 $0xFFFFFFF0, v10  }
0xe6: {  	v9 =	vor.u32 v9, v10  }
0xe7: {  	v10 =	vperm.xlane v9, v1;
	_ =	sdelay $0x1  }
0xe8: {  	v9 =	vperm.xlane v9, v3;
	v10 =	vadd.s32 v2, v10;
	_ =	sdelay $0x1  }
0xe9: {  	v9 =	vadd.s32 v2, v9;
	_ =	sdelay $0x1  }
0xea: {  	s16 =	simm.s32 $0x12A80  }
0xeb: {  	[tilespmem:s16], [sflag:$0x4] =	stream.indirect_vreg.gather [hbm4b:s2+s5], $0x80, v10, vm0, $0xb8;
	[tilespmem:$0x1C280] =	vst v63  }
0xec: {  	s18 =	simm.s32 $0x13280  }
0xed: {  	[tilespmem:s18], [sflag:$0x4] =	stream.indirect_vreg.gather [hbm4b:s2+s5], $0x80, v9, vm0, $0xb8;
	[tilespmem:$0x1C280] =	vst v63  }
0xee: {  	v9 =	vld [tilespmem:$0x110];
	_ =	sdelay $0x4  }
0xef: {  	v10 =	vshll.u32 v9, $0x1  }
0xf0: {  	v9 =	vand.u32 $0x7, v9;
	v10 =	vand.u32 $0xFFFFFFF0, v10  }
0xf1: {  	v9 =	vor.u32 v9, v10  }
0xf2: {  	v10 =	vperm.xlane v9, v1;
	_ =	sdelay $0x1  }
0xf3: {  	v9 =	vperm.xlane v9, v3;
	v10 =	vadd.s32 v2, v10;
	_ =	sdelay $0x1  }
0xf4: {  	v9 =	vadd.s32 v2, v9;
	_ =	sdelay $0x1  }
0xf5: {  	s21 =	simm.s32 $0x13A80  }
0xf6: {  	[tilespmem:s21], [sflag:$0x4] =	stream.indirect_vreg.gather [hbm4b:s2+s5], $0x80, v10, vm0, $0xb8;
	[tilespmem:$0x1C280] =	vst v63  }
0xf7: {  	s22 =	simm.s32 $0x14280  }
0xf8: {  	[tilespmem:s22], [sflag:$0x4] =	stream.indirect_vreg.gather [hbm4b:s2+s5], $0x80, v9, vm0, $0xb8;
	[tilespmem:$0x1C280] =	vst v63  }
0xf9: {  	v9 =	vld [tilespmem:$0x120];
	_ =	sdelay $0x4  }
0xfa: {  	v10 =	vshll.u32 v9, $0x1  }
0xfb: {  	v9 =	vand.u32 $0x7, v9;
	v10 =	vand.u32 $0xFFFFFFF0, v10  }
0xfc: {  	v9 =	vor.u32 v9, v10  }
0xfd: {  	v10 =	vperm.xlane v9, v1;
	_ =	sdelay $0x1  }
0xfe: {  	v9 =	vperm.xlane v9, v3;
	v10 =	vadd.s32 v2, v10;
	_ =	sdelay $0x1  }
0xff: {  	v9 =	vadd.s32 v2, v9;
	_ =	sdelay $0x1  }
0x100: {  	s23 =	simm.s32 $0x14A80  }
0x101: {  	[tilespmem:s23], [sflag:$0x4] =	stream.indirect_vreg.gather [hbm4b:s2+s5], $0x80, v10, vm0, $0xb8;
	[tilespmem:$0x1C280] =	vst v63  }
0x102: {  	s29 =	simm.s32 $0x15280  }
0x103: {  	[tilespmem:s29], [sflag:$0x4] =	stream.indirect_vreg.gather [hbm4b:s2+s5], $0x80, v9, vm0, $0xb8;
	[tilespmem:$0x1C280] =	vst v63  }
0x104: {  	v9 =	vld [tilespmem:$0x130];
	_ =	sdelay $0x4  }
0x105: {  	v10 =	vshll.u32 v9, $0x1  }
0x106: {  	v9 =	vand.u32 $0x7, v9;
	v10 =	vand.u32 $0xFFFFFFF0, v10  }
0x107: {  	v9 =	vor.u32 v9, v10  }
0x108: {  	v10 =	vperm.xlane v9, v1;
	_ =	sdelay $0x1  }
0x109: {  	v9 =	vperm.xlane v9, v3;
	v10 =	vadd.s32 v2, v10;
	_ =	sdelay $0x1  }
0x10a: {  	v9 =	vadd.s32 v2, v9;
	_ =	sdelay $0x1  }
0x10b: {  	s30 =	simm.s32 $0x15A80  }
0x10c: {  	[tilespmem:s30], [sflag:$0x4] =	stream.indirect_vreg.gather [hbm4b:s2+s5], $0x80, v10, vm0, $0xb8;
	[tilespmem:$0x1C280] =	vst v63  }
0x10d: {  	s31 =	simm.s32 $0x16280  }
0x10e: {  	[tilespmem:s31], [sflag:$0x4] =	stream.indirect_vreg.gather [hbm4b:s2+s5], $0x80, v9, vm0, $0xb8;
	[tilespmem:$0x1C280] =	vst v63  }
.Ltmp2:
0x10f: {  	_ = 	snop;
	(pc) =	sbr.rel @p0 .LBB2_5-.Ltmp2, $4  }
0x110: {  	_ =	swait.ge [sflag:s4], $0x2710  }
0x111: {  	[sflag:s4] =	ssyncset.done $0x0  }
0x112: {  	[sflag:s4] =	ssyncadd.s32 $0xFFFFD8F0  }
0x113: {  	v9 =	vimm.s32 $0x0;
	_ =	strace $0x80000049  }
0x114: {  	s1 =	rddreg [dreg:$0xe]  }
0x115: {  	v9 =	vld [tilespmem:s0+$0x0];
	p1 =	sne.s32 s1, $0x1  }
.Ltmp3:
0x116: {  	_ = 	snop;
	(pc) =	sbr.rel @!p1 .LBB2_4-.Ltmp3, $2  }
0x117: {  	_ =	sdelay $0x2  }
0x118: {  	s0 =	sadd.s32 $0x10, s0;
	s1 =	sadd.s32 $0xFFFFFFFF, s1;
	vm1 =	veq.s32 v9, $0x1;
	v9 =	vimm.s32 $0x0  }
.LBB2_3:
0x119: {  	v10 =	vld [tilespmem:s0+$0x0];
	p1 =	sne.s32 s1, $0x1;
	s1 =	sadd.s32 $0xFFFFFFFF, s1;
	v11 =	vsel vm1, $0x1, v4  }
.Ltmp4:
0x11a: {  	v9 =	vadd.s32 v11, v9;
	(pc) =	sbr.rel @p1 .LBB2_3-.Ltmp4, $2  }
0x11b: {  	_ =	sdelay $0x2  }
0x11c: {  	s0 =	sadd.s32 $0x10, s0;
	vm1 =	veq.s32 v10, $0x1  }
.LBB2_4:
0x11d: {  	v10 =	vsel vm1, $0x1, v4  }
0x11e: {  	v9 =	vadd.s32 v10, v9  }
.LBB2_5:
0x11f: {  	(xrf0) =	vadd.scan.msk.s32 $0xffff, v9;
	_ =	sdelay $0x5  }
0x120: {  	v9, _, _ =	vpop (xrf0)  }
0x121: {  	(v2sf) =	vpush v9, $0xF;
	_ =	sdelay $0xe  }
0x122: {  	s21 =	spop (v2sf)  }
0x123: {  	_ =	strace $0x90000049  }
0x124: {  	_ =	strace $0x8000004A  }
0x125: {  	v9 =	vld [tilespmem:s6+$0x180];
	_ =	sdelay $0x4  }
0x126: {  	s0 =	simm.s32 $0x2900;
	vm1 =	veq.s32 v9, $0x1  }
0x127: {  	[tilespmem:s0+$0x0] =	vst.msk vm1, v0  }
0x128: {  	v9 =	vsel vm1, $0x1, v4;
	v10 =	vld [tilespmem:s6+$0x190]  }
0x129: {  	(xrf0) =	vadd.scan.msk.s32 $0xffff, v9;
	_ =	sdelay $0x3  }
0x12a: {  	vm1 =	veq.s32 v10, $0x1  }
0x12b: {  	v9 =	vsel vm1, $0x1, v4  }
0x12c: {  	v10, _, _ =	vpop (xrf0);
	(xrf0) =	vadd.scan.msk.s32 $0xffff, v9  }
0x12d: {  	(v2sf) =	vpush v10, $0xF;
	_ =	sdelay $0x4  }
0x12e: {  	v9, _, _ =	vpop (xrf0)  }
0x12f: {  	(v2sf) =	vpush v9, $0xF;
	_ =	sdelay $0x8  }
0x130: {  	s13 =	spop (v2sf)  }
0x131: {  	[tilespmem:s13+$0x2900] =	vst.msk vm1, v5  }
0x132: {  	v9 =	vld [tilespmem:s6+$0x1A0];
	_ =	sdelay $0x3  }
0x133: {  	s1 =	spop (v2sf)  }
0x134: {  	vm1 =	veq.s32 v9, $0x1;
	s0 =	sadd.s32 s13, s1  }
0x135: {  	v9 =	vsel vm1, $0x1, v4;
	[tilespmem:s0+$0x2900] =	vst.msk vm1, v6  }
0x136: {  	(xrf0) =	vadd.scan.msk.s32 $0xffff, v9;
	v9 =	vld [tilespmem:s6+$0x1B0];
	_ =	sdelay $0x4  }
0x137: {  	vm1 =	veq.s32 v9, $0x1  }
0x138: {  	v9, _, _ =	vpop (xrf0);
	v10 =	vsel vm1, $0x1, v4  }
0x139: {  	(v2sf) =	vpush v9, $0xF;
	(xrf0) =	vadd.scan.msk.s32 $0xffff, v10;
	_ =	sdelay $0x5  }
0x13a: {  	v9, _, _ =	vpop (xrf0)  }
0x13b: {  	(v2sf) =	vpush v9, $0xF;
	_ =	sdelay $0x7  }
0x13c: {  	s4 =	spop (v2sf)  }
0x13d: {  	s1 =	sadd.s32 s0, s4  }
0x13e: {  	[tilespmem:s1+$0x2900] =	vst.msk vm1, v7  }
0x13f: {  	v9 =	vld [tilespmem:s6+$0x1C0];
	_ =	sdelay $0x3  }
0x140: {  	s7 =	spop (v2sf)  }
0x141: {  	vm1 =	veq.s32 v9, $0x1;
	s1 =	sadd.s32 s1, s7  }
0x142: {  	s14 =	rddreg [dreg:$0x7];
	[tilespmem:s1+$0x2900] =	vst.msk vm1, v8  }
0x143: {  	v9 =	vld [tilespmem:s14+$0x180];
	_ =	sdelay $0x4  }
0x144: {  	s15 =	simm.s32 $0x2950;
	vm2 =	veq.s32 v9, $0x1  }
0x145: {  	v9 =	vsel vm1, $0x1, v4;
	[tilespmem:s15+$0x0] =	vst.msk vm2, v0  }
0x146: {  	(xrf0) =	vadd.scan.msk.s32 $0xffff, v9;
	v9 =	vsel vm2, $0x1, v4;
	v10 =	vld [tilespmem:s6+$0x1E0]  }
0x147: {  	(xrf0) =	vadd.scan.msk.s32 $0xffff, v9;
	_ =	sdelay $0x3  }
0x148: {  	vm1 =	veq.s32 v10, $0x1  }
0x149: {  	v9, _, _ =	vpop (xrf0);
	v10 =	vsel vm1, $0x1, v4  }
0x14a: {  	(v2sf) =	vpush v9, $0xF;
	v9, _, _ =	vpop (xrf0);
	(xrf0) =	vadd.scan.msk.s32 $0xffff, v10  }
0x14b: {  	(v2sf) =	vpush v9, $0xF;
	_ =	sdelay $0x4  }
0x14c: {  	v9, _, _ =	vpop (xrf0)  }
0x14d: {  	(v2sf) =	vpush v9, $0xF;
	_ =	sdelay $0x7  }
0x14e: {  	[dreg:$0x10] =	wrdreg s7;
	s7 =	spop (v2sf)  }
0x14f: {  	s29 =	spop (v2sf)  }
0x150: {  	[tilespmem:s29+$0x2950] =	vst.msk vm1, v5  }
0x151: {  	v9 =	vld [tilespmem:s6+$0x1F0];
	_ =	sdelay $0x3  }
0x152: {  	s8 =	spop (v2sf)  }
0x153: {  	vm1 =	veq.s32 v9, $0x1;
	s30 =	sadd.s32 s29, s8  }
0x154: {  	v9 =	vsel vm1, $0x1, v4;
	[tilespmem:s30+$0x2950] =	vst.msk vm1, v6  }
0x155: {  	(xrf0) =	vadd.scan.msk.s32 $0xffff, v9;
	v9 =	vld [tilespmem:s6+$0x200];
	_ =	sdelay $0x4  }
0x156: {  	vm1 =	veq.s32 v9, $0x1  }
0x157: {  	v9, _, _ =	vpop (xrf0);
	v10 =	vsel vm1, $0x1, v4  }
0x158: {  	(v2sf) =	vpush v9, $0xF;
	(xrf0) =	vadd.scan.msk.s32 $0xffff, v10;
	_ =	sdelay $0x5  }
0x159: {  	v9, _, _ =	vpop (xrf0)  }
0x15a: {  	(v2sf) =	vpush v9, $0xF;
	_ =	sdelay $0x7  }
0x15b: {  	s23 =	spop (v2sf)  }
0x15c: {  	[dreg:$0x11] =	wrdreg s8;
	s8 =	sadd.s32 s30, s23  }
0x15d: {  	[tilespmem:s8+$0x2950] =	vst.msk vm1, v7  }
0x15e: {  	v9 =	vld [tilespmem:s6+$0x210];
	_ =	sdelay $0x3  }
0x15f: {  	s12 =	spop (v2sf)  }
0x160: {  	vm1 =	veq.s32 v9, $0x1;
	s22 =	sadd.s32 s8, s12  }
0x161: {  	s16 =	rddreg [dreg:$0x8];
	[tilespmem:s22+$0x2950] =	vst.msk vm1, v8  }
0x162: {  	v9 =	vld [tilespmem:s16+$0x180];
	_ =	sdelay $0x4  }
0x163: {  	s18 =	simm.s32 $0x29A0;
	vm2 =	veq.s32 v9, $0x1  }
0x164: {  	v9 =	vsel vm1, $0x1, v4;
	[tilespmem:s18+$0x0] =	vst.msk vm2, v0  }
0x165: {  	(xrf0) =	vadd.scan.msk.s32 $0xffff, v9;
	v9 =	vsel vm2, $0x1, v4;
	v10 =	vld [tilespmem:s6+$0x230]  }
0x166: {  	(xrf0) =	vadd.scan.msk.s32 $0xffff, v9;
	_ =	sdelay $0x3  }
0x167: {  	vm1 =	veq.s32 v10, $0x1  }
0x168: {  	v9, _, _ =	vpop (xrf0);
	v10 =	vsel vm1, $0x1, v4  }
0x169: {  	(v2sf) =	vpush v9, $0xF;
	v9, _, _ =	vpop (xrf0);
	(xrf0) =	vadd.scan.msk.s32 $0xffff, v10  }
0x16a: {  	(v2sf) =	vpush v9, $0xF;
	_ =	sdelay $0x4  }
0x16b: {  	v9, _, _ =	vpop (xrf0)  }
0x16c: {  	(v2sf) =	vpush v9, $0xF;
	_ =	sdelay $0x7  }
0x16d: {  	s14 =	spop (v2sf)  }
0x16e: {  	s13 =	spop (v2sf)  }
0x16f: {  	[tilespmem:s13+$0x29A0] =	vst.msk vm1, v5  }
0x170: {  	v9 =	vld [tilespmem:s6+$0x240];
	_ =	sdelay $0x3  }
0x171: {  	s9 =	spop (v2sf)  }
0x172: {  	vm1 =	veq.s32 v9, $0x1;
	s8 =	sadd.s32 s13, s9  }
0x173: {  	v9 =	vsel vm1, $0x1, v4;
	[tilespmem:s8+$0x29A0] =	vst.msk vm1, v6  }
0x174: {  	(xrf0) =	vadd.scan.msk.s32 $0xffff, v9;
	v9 =	vld [tilespmem:s6+$0x250];
	_ =	sdelay $0x4  }
0x175: {  	vm1 =	veq.s32 v9, $0x1  }
0x176: {  	v9, _, _ =	vpop (xrf0);
	v10 =	vsel vm1, $0x1, v4  }
0x177: {  	(v2sf) =	vpush v9, $0xF;
	(xrf0) =	vadd.scan.msk.s32 $0xffff, v10;
	_ =	sdelay $0x5  }
0x178: {  	v9, _, _ =	vpop (xrf0)  }
0x179: {  	(v2sf) =	vpush v9, $0xF;
	_ =	sdelay $0x7  }
0x17a: {  	[dreg:$0x12] =	wrdreg s9;
	s9 =	spop (v2sf)  }
0x17b: {  	[dreg:$0x13] =	wrdreg s9;
	s9 =	sadd.s32 s8, s9  }
0x17c: {  	[tilespmem:s9+$0x29A0] =	vst.msk vm1, v7  }
0x17d: {  	v9 =	vld [tilespmem:s6+$0x260];
	_ =	sdelay $0x3  }
0x17e: {  	s10 =	spop (v2sf)  }
0x17f: {  	vm1 =	veq.s32 v9, $0x1;
	s31 =	sadd.s32 s9, s10  }
0x180: {  	s11 =	rddreg [dreg:$0x9];
	[tilespmem:s31+$0x29A0] =	vst.msk vm1, v8  }
0x181: {  	v9 =	vld [tilespmem:s11+$0x180];
	_ =	sdelay $0x4  }
0x182: {  	v10 =	vsel vm1, $0x1, v4;
	vm1 =	veq.s32 v9, $0x1  }
0x183: {  	(xrf0) =	vadd.scan.msk.s32 $0xffff, v10;
	v9 =	vsel vm1, $0x1, v4  }
0x184: {  	(xrf0) =	vadd.scan.msk.s32 $0xffff, v9;
	_ =	sdelay $0x4  }
0x185: {  	v9, _, _ =	vpop (xrf0)  }
0x186: {  	(v2sf) =	vpush v9, $0xF;
	v9, _, _ =	vpop (xrf0)  }
0x187: {  	(v2sf) =	vpush v9, $0xF;
	_ =	sdelay $0x7  }
0x188: {  	s15 =	simm.s32 $0x29F0  }
0x189: {  	[tilespmem:s15+$0x0] =	vst.msk vm1, v0  }
0x18a: {  	v9 =	vld [tilespmem:s6+$0x280];
	_ =	sdelay $0x3  }
0x18b: {  	s9 =	spop (v2sf)  }
0x18c: {  	[dreg:$0x14] =	wrdreg s10;
	vm1 =	veq.s32 v9, $0x1;
	s10 =	spop (v2sf)  }
0x18d: {  	v9 =	vsel vm1, $0x1, v4;
	[tilespmem:s10+$0x29F0] =	vst.msk vm1, v5  }
0x18e: {  	(xrf0) =	vadd.scan.msk.s32 $0xffff, v9;
	v9 =	vld [tilespmem:s6+$0x290];
	_ =	sdelay $0x4  }
0x18f: {  	vm1 =	veq.s32 v9, $0x1  }
0x190: {  	v9, _, _ =	vpop (xrf0);
	v10 =	vsel vm1, $0x1, v4  }
0x191: {  	(v2sf) =	vpush v9, $0xF;
	(xrf0) =	vadd.scan.msk.s32 $0xffff, v10;
	_ =	sdelay $0x5  }
0x192: {  	v9, _, _ =	vpop (xrf0)  }
0x193: {  	(v2sf) =	vpush v9, $0xF;
	_ =	sdelay $0x7  }
0x194: {  	s11 =	spop (v2sf)  }
0x195: {  	s10 =	sadd.s32 s10, s11  }
0x196: {  	[tilespmem:s10+$0x29F0] =	vst.msk vm1, v6  }
0x197: {  	v9 =	vld [tilespmem:s6+$0x2A0];
	_ =	sdelay $0x3  }
0x198: {  	s16 =	spop (v2sf)  }
0x199: {  	vm1 =	veq.s32 v9, $0x1;
	s11 =	sadd.s32 s10, s16  }
0x19a: {  	[tilespmem:s11+$0x29F0] =	vst.msk vm1, v7  }
0x19b: {  	v9 =	vld [tilespmem:s6+$0x2B0];
	_ =	sdelay $0x3  }
0x19c: {  	v10 =	vsel vm1, $0x1, v4  }
0x19d: {  	(xrf0) =	vadd.scan.msk.s32 $0xffff, v10;
	vm1 =	veq.s32 v9, $0x1  }
0x19e: {  	v9 =	vsel vm1, $0x1, v4  }
0x19f: {  	(xrf0) =	vadd.scan.msk.s32 $0xffff, v9;
	_ =	sdelay $0x3  }
0x1a0: {  	v9, _, _ =	vpop (xrf0)  }
0x1a1: {  	(v2sf) =	vpush v9, $0xF  }
0x1a2: {  	v9, _, _ =	vpop (xrf0)  }
0x1a3: {  	(v2sf) =	vpush v9, $0xF;
	_ =	sdelay $0x6  }
0x1a4: {  	p1 =	slt.s32 s21, $0x26B8;
	s10 =	smov.u32 s21  }
0x1a5: {  	s10 =	simm.s32 @!p1 $0x26B8  }
0x1a6: {  	s15 =	sand.u32 $0x7, s10  }
0x1a7: {  	p6 =	slt.s32 s21, $0x1;
	s16 =	sshra.s32 s10, $0x1F;
	p2 =	sne.s32 s15, $0x0  }
0x1a8: {  	s18 =	sshrl.u32 s16, $0x1D;
	p1 =	por !p6, !p2  }
0x1a9: {  	s15 =	simm.s32 $0x1;
	s10 =	sadd.s32 s18, s10;
	p1 =	por !p1, !p1  }
0x1aa: {  	s10 =	sshra.s32 s10, $0x3;
	s15 =	simm.s32 @!p1 $0x0;
	s8 =	spop (v2sf)  }
0x1ab: {  	s10 =	ssub.s32 s10, s15;
	s15 =	sadd.s32 s11, s8  }
0x1ac: {  	s16 =	sshll.u32 s10, $0x8;
	[dreg:$0x15] =	wrdreg s15;
	s18 =	spop (v2sf)  }
0x1ad: {  	s11 =	sand.u32 $0x1FFFFF00, s16;
	[tilespmem:s15+$0x29F0] =	vst.msk vm1, v8;
	[dreg:$0x16] =	wrdreg s18  }
0x1ae: {  	s11 =	sadd.s32 s19, s11;
	_ =	strace $0x9000004A  }
0x1af: {  	[tilespmem:s17], [sflag:$0x5] =	stream.linear.gather [hbm4b:s11+s5], $0x5800, $0x38;
	[tilespmem:$0x1C280] =	vst v63  }
0x1b0: {  	_ =	strace $0x8000004B  }
0x1b1: {  	_ =	swait.ge [sflag:s3], $0x1000  }
0x1b2: {  	[sflag:s3] =	ssyncset.done $0x0  }
0x1b3: {  	[sflag:s3] =	ssyncadd.s32 $0xFFFFF000  }
0x1b4: {  	_ =	swait.ge [sflag:s3], $0x1000  }
0x1b5: {  	[sflag:s3] =	ssyncset.done $0x0  }
0x1b6: {  	[sflag:s3] =	ssyncadd.s32 $0xFFFFF000  }
0x1b7: {  	_ =	swait.ge [sflag:s3], $0x1000  }
0x1b8: {  	[sflag:s3] =	ssyncset.done $0x0  }
0x1b9: {  	[sflag:s3] =	ssyncadd.s32 $0xFFFFF000  }
0x1ba: {  	_ =	swait.ge [sflag:s3], $0x1000  }
0x1bb: {  	[sflag:s3] =	ssyncset.done $0x0  }
0x1bc: {  	[sflag:s3] =	ssyncadd.s32 $0xFFFFF000  }
0x1bd: {  	_ =	swait.ge [sflag:s3], $0x1000  }
0x1be: {  	s1 =	sadd.s32 s1, s7;
	[sflag:s3] =	ssyncset.done $0x0  }
0x1bf: {  	p1 =	slt.s32 s1, $0x1;
	[sflag:s3] =	ssyncadd.s32 $0xFFFFF000  }
.Ltmp5:
0x1c0: {  	_ =	swait.ge [sflag:s24], $0x5800;
	(pc) =	sbr.rel @p1 .LBB2_9-.Ltmp5, $4  }
0x1c1: {  	[sflag:s24] =	ssyncset.done $0x0  }
0x1c2: {  	[sflag:s24] =	ssyncadd.s32 $0xFFFFA800  }
0x1c3: {  	_ =	strace $0x9000004B  }
0x1c4: {  	_ =	strace $0x8000004C  }
0x1c5: {  	s11 =	simm.s32 $0x2900  }
0x1c6: {  	v9 =	vld [tilespmem:s11+$0x0];
	_ =	sdelay $0x4  }
0x1c7: {  	(v2sf) =	vpush v9, $0x0;
	_ =	sdelay $0xc  }
0x1c8: {  	s8 =	sshll.u32 s21, $0x7;
	s15 =	sshll.u32 s10, $0xA  }
0x1c9: {  	s16 =	sshll.u32 s10, $0xB;
	s17 =	ssub.s32 s8, s15;
	s15 =	sshll.u32 s21, $0x8  }
0x1ca: {  	s15 =	ssub.s32 s15, s16;
	s18 =	sand.u32 $0x380, s17;
	s19 =	spop (v2sf)  }
0x1cb: {  	s16 =	sshll.u32 s19, $0x8;
	s11 =	sshll.u32 s19, $0x7;
	s19 =	sand.u32 $0xFFFFF800, s15  }
0x1cc: {  	s16 =	sand.u32 $0xFFFFF800, s16;
	s11 =	sand.u32 $0x380, s11;
	s10 =	sor.u32 s18, s19  }
0x1cd: {  	s11 =	sor.u32 s11, s16;
	v9 =	vld [tilespmem:s10+$0x16A80]  }
0x1ce: {  	v10 =	vld [tilespmem:s11+$0x2A80];
	_ =	sdelay $0x4  }
0x1cf: {  	v9 =	vadd.f32 v9, v10;
	_ =	sdelay $0x1  }
0x1d0: {  	s10 =	sadd.s32 $0x16A80, s10;
	[tilespmem:s11+$0x2A80] =	vst v9;
	v9 =	vld [tilespmem:s11+$0x2A90]  }
0x1d1: {  	v10 =	vld [tilespmem:s10+$0x10];
	_ =	sdelay $0x4  }
0x1d2: {  	v9 =	vadd.f32 v10, v9;
	_ =	sdelay $0x1  }
0x1d3: {  	[tilespmem:s11+$0x2A90] =	vst v9;
	v9 =	vld [tilespmem:s11+$0x2AA0]  }
0x1d4: {  	v10 =	vld [tilespmem:s10+$0x20];
	_ =	sdelay $0x4  }
0x1d5: {  	v9 =	vadd.f32 v10, v9;
	_ =	sdelay $0x1  }
0x1d6: {  	[tilespmem:s11+$0x2AA0] =	vst v9;
	v9 =	vld [tilespmem:s11+$0x2AB0]  }
0x1d7: {  	v10 =	vld [tilespmem:s10+$0x30];
	_ =	sdelay $0x4  }
0x1d8: {  	v9 =	vadd.f32 v10, v9;
	_ =	sdelay $0x1  }
0x1d9: {  	[tilespmem:s11+$0x2AB0] =	vst v9;
	v9 =	vld [tilespmem:s11+$0x2AC0]  }
0x1da: {  	v10 =	vld [tilespmem:s10+$0x40];
	_ =	sdelay $0x4  }
0x1db: {  	v9 =	vadd.f32 v10, v9;
	_ =	sdelay $0x1  }
0x1dc: {  	[tilespmem:s11+$0x2AC0] =	vst v9;
	v9 =	vld [tilespmem:s11+$0x2AD0]  }
0x1dd: {  	v10 =	vld [tilespmem:s10+$0x50];
	_ =	sdelay $0x4  }
0x1de: {  	v9 =	vadd.f32 v10, v9;
	_ =	sdelay $0x1  }
0x1df: {  	[tilespmem:s11+$0x2AD0] =	vst v9;
	v9 =	vld [tilespmem:s11+$0x2AE0]  }
0x1e0: {  	v10 =	vld [tilespmem:s10+$0x60];
	_ =	sdelay $0x4  }
0x1e1: {  	v9 =	vadd.f32 v10, v9;
	_ =	sdelay $0x1  }
0x1e2: {  	[tilespmem:s11+$0x2AE0] =	vst v9;
	v9 =	vld [tilespmem:s11+$0x2AF0]  }
0x1e3: {  	v10 =	vld [tilespmem:s10+$0x70];
	_ =	sdelay $0x4  }
0x1e4: {  	v9 =	vadd.f32 v10, v9;
	_ =	sdelay $0x1  }
0x1e5: {  	[tilespmem:s11+$0x2AF0] =	vst v9;
	v9 =	vld [tilespmem:s11+$0x2E80]  }
0x1e6: {  	v10 =	vld [tilespmem:s10+$0x400];
	_ =	sdelay $0x4  }
0x1e7: {  	v9 =	vadd.f32 v10, v9;
	_ =	sdelay $0x1  }
0x1e8: {  	[tilespmem:s11+$0x2E80] =	vst v9;
	v9 =	vld [tilespmem:s11+$0x2E90]  }
0x1e9: {  	v10 =	vld [tilespmem:s10+$0x410];
	_ =	sdelay $0x4  }
0x1ea: {  	v9 =	vadd.f32 v10, v9;
	_ =	sdelay $0x1  }
0x1eb: {  	[tilespmem:s11+$0x2E90] =	vst v9;
	v9 =	vld [tilespmem:s11+$0x2EA0]  }
0x1ec: {  	v10 =	vld [tilespmem:s10+$0x420];
	_ =	sdelay $0x4  }
0x1ed: {  	v9 =	vadd.f32 v10, v9;
	_ =	sdelay $0x1  }
0x1ee: {  	[tilespmem:s11+$0x2EA0] =	vst v9;
	v9 =	vld [tilespmem:s11+$0x2EB0]  }
0x1ef: {  	v10 =	vld [tilespmem:s10+$0x430];
	_ =	sdelay $0x4  }
0x1f0: {  	v9 =	vadd.f32 v10, v9;
	_ =	sdelay $0x1  }
0x1f1: {  	[tilespmem:s11+$0x2EB0] =	vst v9;
	v9 =	vld [tilespmem:s11+$0x2EC0]  }
0x1f2: {  	v10 =	vld [tilespmem:s10+$0x440];
	_ =	sdelay $0x4  }
0x1f3: {  	v9 =	vadd.f32 v10, v9;
	_ =	sdelay $0x1  }
0x1f4: {  	[tilespmem:s11+$0x2EC0] =	vst v9;
	v9 =	vld [tilespmem:s11+$0x2ED0]  }
0x1f5: {  	v10 =	vld [tilespmem:s10+$0x450];
	_ =	sdelay $0x4  }
0x1f6: {  	v9 =	vadd.f32 v10, v9;
	_ =	sdelay $0x1  }
0x1f7: {  	[tilespmem:s11+$0x2ED0] =	vst v9;
	v9 =	vld [tilespmem:s11+$0x2EE0]  }
0x1f8: {  	v10 =	vld [tilespmem:s10+$0x460];
	_ =	sdelay $0x4  }
0x1f9: {  	v9 =	vadd.f32 v10, v9;
	_ =	sdelay $0x1  }
0x1fa: {  	[tilespmem:s11+$0x2EE0] =	vst v9;
	v9 =	vld [tilespmem:s11+$0x2EF0]  }
0x1fb: {  	p1 =	sgt.s32 s1, $0x1;
	v10 =	vld [tilespmem:s10+$0x470]  }
.Ltmp6:
0x1fc: {  	_ = 	snop;
	(pc) =	sbr.rel @!p1 .LBB2_8-.Ltmp6, $2  }
0x1fd: {  	_ =	sdelay $0x2  }
0x1fe: {  	s16 =	simm.s32 $0x2901;
	s10 =	simm.s32 $0x1;
	v9 =	vadd.f32 v10, v9  }
.LBB2_7:
0x1ff: {  	s10 =	sadd.s32 $0x1, s10;
	s17 =	sadd.s32 $0x80, s17;
	s15 =	sadd.s32 $0x100, s15  }
0x200: {  	p1 =	slt.s32 s10, s1;
	[tilespmem:s11+$0x2EF0] =	vst v9  }
0x201: {  	v9 =	vld [tilespmem:s16+$0x0];
	_ =	sdelay $0x4  }
0x202: {  	(v2sf) =	vpush v9, $0x0;
	_ =	sdelay $0xe  }
0x203: {  	s11 =	sand.u32 $0x380, s17;
	s19 =	spop (v2sf)  }
0x204: {  	s18 =	sand.u32 $0xFFFFF800, s15;
	s8 =	sshll.u32 s19, $0x8;
	s19 =	sshll.u32 s19, $0x7  }
0x205: {  	s18 =	sor.u32 s11, s18;
	s8 =	sand.u32 $0xFFFFF800, s8;
	s19 =	sand.u32 $0x380, s19  }
0x206: {  	s11 =	sor.u32 s19, s8;
	v9 =	vld [tilespmem:s18+$0x16A80]  }
0x207: {  	v10 =	vld [tilespmem:s11+$0x2A80];
	_ =	sdelay $0x4  }
0x208: {  	v9 =	vadd.f32 v9, v10  }
0x209: {  	s19 =	sadd.s32 $0x16A80, s18  }
0x20a: {  	[tilespmem:s11+$0x2A80] =	vst v9;
	v9 =	vld [tilespmem:s11+$0x2A90]  }
0x20b: {  	v10 =	vld [tilespmem:s19+$0x10];
	_ =	sdelay $0x4  }
0x20c: {  	v9 =	vadd.f32 v10, v9;
	_ =	sdelay $0x1  }
0x20d: {  	[tilespmem:s11+$0x2A90] =	vst v9;
	v9 =	vld [tilespmem:s11+$0x2AA0]  }
0x20e: {  	v10 =	vld [tilespmem:s19+$0x20];
	_ =	sdelay $0x4  }
0x20f: {  	v9 =	vadd.f32 v10, v9;
	_ =	sdelay $0x1  }
0x210: {  	[tilespmem:s11+$0x2AA0] =	vst v9;
	v9 =	vld [tilespmem:s11+$0x2AB0]  }
0x211: {  	v10 =	vld [tilespmem:s19+$0x30];
	_ =	sdelay $0x4  }
0x212: {  	v9 =	vadd.f32 v10, v9;
	_ =	sdelay $0x1  }
0x213: {  	[tilespmem:s11+$0x2AB0] =	vst v9;
	v9 =	vld [tilespmem:s11+$0x2AC0]  }
0x214: {  	v10 =	vld [tilespmem:s19+$0x40];
	_ =	sdelay $0x4  }
0x215: {  	v9 =	vadd.f32 v10, v9;
	_ =	sdelay $0x1  }
0x216: {  	[tilespmem:s11+$0x2AC0] =	vst v9;
	v9 =	vld [tilespmem:s11+$0x2AD0]  }
0x217: {  	v10 =	vld [tilespmem:s19+$0x50];
	_ =	sdelay $0x4  }
0x218: {  	v9 =	vadd.f32 v10, v9;
	_ =	sdelay $0x1  }
0x219: {  	[tilespmem:s11+$0x2AD0] =	vst v9;
	v9 =	vld [tilespmem:s11+$0x2AE0]  }
0x21a: {  	v10 =	vld [tilespmem:s19+$0x60];
	_ =	sdelay $0x4  }
0x21b: {  	v9 =	vadd.f32 v10, v9;
	_ =	sdelay $0x1  }
0x21c: {  	[tilespmem:s11+$0x2AE0] =	vst v9;
	v9 =	vld [tilespmem:s11+$0x2AF0]  }
0x21d: {  	v10 =	vld [tilespmem:s19+$0x70];
	_ =	sdelay $0x4  }
0x21e: {  	v9 =	vadd.f32 v10, v9;
	_ =	sdelay $0x1  }
0x21f: {  	[tilespmem:s11+$0x2AF0] =	vst v9;
	v9 =	vld [tilespmem:s11+$0x2E80]  }
0x220: {  	v10 =	vld [tilespmem:s19+$0x400];
	_ =	sdelay $0x4  }
0x221: {  	v9 =	vadd.f32 v10, v9;
	_ =	sdelay $0x1  }
0x222: {  	[tilespmem:s11+$0x2E80] =	vst v9;
	v9 =	vld [tilespmem:s11+$0x2E90]  }
0x223: {  	v10 =	vld [tilespmem:s19+$0x410];
	_ =	sdelay $0x4  }
0x224: {  	v9 =	vadd.f32 v10, v9;
	_ =	sdelay $0x1  }
0x225: {  	[tilespmem:s11+$0x2E90] =	vst v9;
	v9 =	vld [tilespmem:s11+$0x2EA0]  }
0x226: {  	v10 =	vld [tilespmem:s19+$0x420];
	_ =	sdelay $0x4  }
0x227: {  	v9 =	vadd.f32 v10, v9;
	_ =	sdelay $0x1  }
0x228: {  	[tilespmem:s11+$0x2EA0] =	vst v9;
	v9 =	vld [tilespmem:s11+$0x2EB0]  }
0x229: {  	v10 =	vld [tilespmem:s19+$0x430];
	_ =	sdelay $0x4  }
0x22a: {  	v9 =	vadd.f32 v10, v9;
	_ =	sdelay $0x1  }
0x22b: {  	[tilespmem:s11+$0x2EB0] =	vst v9;
	v9 =	vld [tilespmem:s11+$0x2EC0]  }
0x22c: {  	v10 =	vld [tilespmem:s19+$0x440];
	_ =	sdelay $0x4  }
0x22d: {  	v9 =	vadd.f32 v10, v9;
	_ =	sdelay $0x1  }
0x22e: {  	[tilespmem:s11+$0x2EC0] =	vst v9;
	v9 =	vld [tilespmem:s11+$0x2ED0]  }
0x22f: {  	v10 =	vld [tilespmem:s19+$0x450];
	_ =	sdelay $0x4  }
0x230: {  	v9 =	vadd.f32 v10, v9;
	_ =	sdelay $0x1  }
0x231: {  	[tilespmem:s11+$0x2ED0] =	vst v9;
	v9 =	vld [tilespmem:s11+$0x2EE0]  }
0x232: {  	v10 =	vld [tilespmem:s19+$0x460];
	_ =	sdelay $0x4  }
0x233: {  	v9 =	vadd.f32 v10, v9;
	_ =	sdelay $0x1  }
0x234: {  	[tilespmem:s11+$0x2EE0] =	vst v9;
	v9 =	vld [tilespmem:s11+$0x2EF0]  }
0x235: {  	v10 =	vld [tilespmem:s19+$0x470]  }
.Ltmp7:
0x236: {  	(pc) =	sbr.rel @p1 .LBB2_7-.Ltmp7, $2  }
0x237: {  	_ =	sdelay $0x2  }
0x238: {  	s16 =	sadd.s32 $0x1, s16;
	v9 =	vadd.f32 v10, v9  }
.LBB2_8:
0x239: {  	_ = 	snop  }
0x23a: {  	s19 =	rddreg [dreg:$0x3];
	s17 =	simm.s32 $0x16A80;
	[tilespmem:s11+$0x2EF0] =	vst v9  }
.LBB2_9:
0x23b: {  	s8 =	sadd.s32 s21, s1  }
0x23c: {  	_ =	strace $0x9000004C;
	s11 =	simm.s32 $0x2A80;
	p1 =	slt.s32 s8, $0x26B8  }
0x23d: {  	p2 =	slt.s32 s8, $0x1;
	s16 =	rddreg [dreg:$0xa];
	s8 =	simm.s32 @!p1 $0x26B8  }
0x23e: {  	[hbm4b:s16+s5] =	stream.linear.scatter [tilespmem:s11], [sflag:$0x6], $0x5000, $0x38;
	[tilespmem:$0x1C280] =	vst v63  }
0x23f: {  	s10 =	sand.u32 $0x7, s8  }
0x240: {  	s15 =	sshra.s32 s8, $0x1F;
	p6 =	sne.s32 s10, $0x0  }
0x241: {  	s10 =	sshrl.u32 s15, $0x1D;
	p1 =	por !p2, !p6  }
0x242: {  	s8 =	sadd.s32 s10, s8;
	s10 =	simm.s32 $0x1;
	p1 =	por !p1, !p1  }
0x243: {  	s8 =	sshra.s32 s8, $0x3;
	s10 =	simm.s32 @!p1 $0x0  }
0x244: {  	s10 =	ssub.s32 s8, s10  }
0x245: {  	s18 =	sshll.u32 s10, $0x8  }
0x246: {  	s8 =	sand.u32 $0x1FFFFF00, s18  }
0x247: {  	s8 =	sadd.s32 s19, s8  }
0x248: {  	[tilespmem:s17], [sflag:$0x5] =	stream.linear.gather [hbm4b:s8+s5], $0x5800, $0x38;
	[tilespmem:$0x1C280] =	vst v63  }
0x249: {  	_ =	strace $0x8000004D  }
0x24a: {  	_ =	swait.ge [sflag:s25], $0x1000  }
0x24b: {  	[sflag:s25] =	ssyncset.done $0x0  }
0x24c: {  	[sflag:s25] =	ssyncadd.s32 $0xFFFFF000  }
0x24d: {  	_ =	swait.ge [sflag:s25], $0x1000  }
0x24e: {  	[sflag:s25] =	ssyncset.done $0x0  }
0x24f: {  	[sflag:s25] =	ssyncadd.s32 $0xFFFFF000  }
0x250: {  	_ =	swait.ge [sflag:s25], $0x1000  }
0x251: {  	[sflag:s25] =	ssyncset.done $0x0  }
0x252: {  	[sflag:s25] =	ssyncadd.s32 $0xFFFFF000  }
0x253: {  	_ =	swait.ge [sflag:s25], $0x1000  }
0x254: {  	[sflag:s25] =	ssyncset.done $0x0  }
0x255: {  	[sflag:s25] =	ssyncadd.s32 $0xFFFFF000  }
0x256: {  	_ =	swait.ge [sflag:s25], $0x1000  }
0x257: {  	s22 =	sadd.s32 s22, s14;
	[sflag:s25] =	ssyncset.done $0x0  }
0x258: {  	p1 =	slt.s32 s22, $0x1;
	[sflag:s25] =	ssyncadd.s32 $0xFFFFF000  }
.Ltmp8:
0x259: {  	_ =	swait.ge [sflag:s24], $0x5800;
	(pc) =	sbr.rel @p1 .LBB2_13-.Ltmp8, $4  }
0x25a: {  	[sflag:s24] =	ssyncset.done $0x0  }
0x25b: {  	[sflag:s24] =	ssyncadd.s32 $0xFFFFA800  }
0x25c: {  	_ =	strace $0x9000004D  }
0x25d: {  	s0 =	sadd.s32 s4, s0;
	_ =	strace $0x8000004E  }
0x25e: {  	s4 =	simm.s32 $0x2950  }
0x25f: {  	v9 =	vld [tilespmem:s4+$0x0];
	_ =	sdelay $0x4  }
0x260: {  	(v2sf) =	vpush v9, $0x0;
	_ =	sdelay $0x8  }
0x261: {  	s16 =	rddreg [dreg:$0x10]  }
0x262: {  	s4 =	sadd.s32 s16, s0  }
0x263: {  	s4 =	sadd.s32 s7, s4  }
0x264: {  	s8 =	sshll.u32 s10, $0x3;
	s4 =	sadd.s32 s21, s4  }
0x265: {  	s8 =	ssub.s32 s4, s8  }
0x266: {  	s4 =	sshll.u32 s8, $0x7  }
0x267: {  	s15 =	sshll.u32 s8, $0x8;
	s17 =	sand.u32 $0x380, s4;
	s18 =	spop (v2sf)  }
0x268: {  	s16 =	sand.u32 $0xFFFFF800, s15;
	s11 =	sshll.u32 s18, $0x8;
	s10 =	sshll.u32 s18, $0x7  }
0x269: {  	s8 =	sor.u32 s17, s16;
	s11 =	sand.u32 $0xFFFFF800, s11;
	s10 =	sand.u32 $0x380, s10  }
0x26a: {  	v9 =	vld [tilespmem:s8+$0x16A80];
	s11 =	sor.u32 s10, s11  }
0x26b: {  	v10 =	vld [tilespmem:s11+$0x7A80];
	_ =	sdelay $0x4  }
0x26c: {  	v9 =	vadd.f32 v9, v10;
	_ =	sdelay $0x1  }
0x26d: {  	s8 =	sadd.s32 $0x16A80, s8;
	[tilespmem:s11+$0x7A80] =	vst v9;
	v9 =	vld [tilespmem:s11+$0x7A90]  }
0x26e: {  	v10 =	vld [tilespmem:s8+$0x10];
	_ =	sdelay $0x4  }
0x26f: {  	v9 =	vadd.f32 v10, v9;
	_ =	sdelay $0x1  }
0x270: {  	[tilespmem:s11+$0x7A90] =	vst v9;
	v9 =	vld [tilespmem:s11+$0x7AA0]  }
0x271: {  	v10 =	vld [tilespmem:s8+$0x20];
	_ =	sdelay $0x4  }
0x272: {  	v9 =	vadd.f32 v10, v9;
	_ =	sdelay $0x1  }
0x273: {  	[tilespmem:s11+$0x7AA0] =	vst v9;
	v9 =	vld [tilespmem:s11+$0x7AB0]  }
0x274: {  	v10 =	vld [tilespmem:s8+$0x30];
	_ =	sdelay $0x4  }
0x275: {  	v9 =	vadd.f32 v10, v9;
	_ =	sdelay $0x1  }
0x276: {  	[tilespmem:s11+$0x7AB0] =	vst v9;
	v9 =	vld [tilespmem:s11+$0x7AC0]  }
0x277: {  	v10 =	vld [tilespmem:s8+$0x40];
	_ =	sdelay $0x4  }
0x278: {  	v9 =	vadd.f32 v10, v9;
	_ =	sdelay $0x1  }
0x279: {  	[tilespmem:s11+$0x7AC0] =	vst v9;
	v9 =	vld [tilespmem:s11+$0x7AD0]  }
0x27a: {  	v10 =	vld [tilespmem:s8+$0x50];
	_ =	sdelay $0x4  }
0x27b: {  	v9 =	vadd.f32 v10, v9;
	_ =	sdelay $0x1  }
0x27c: {  	[tilespmem:s11+$0x7AD0] =	vst v9;
	v9 =	vld [tilespmem:s11+$0x7AE0]  }
0x27d: {  	v10 =	vld [tilespmem:s8+$0x60];
	_ =	sdelay $0x4  }
0x27e: {  	v9 =	vadd.f32 v10, v9;
	_ =	sdelay $0x1  }
0x27f: {  	[tilespmem:s11+$0x7AE0] =	vst v9;
	v9 =	vld [tilespmem:s11+$0x7AF0]  }
0x280: {  	v10 =	vld [tilespmem:s8+$0x70];
	_ =	sdelay $0x4  }
0x281: {  	v9 =	vadd.f32 v10, v9;
	_ =	sdelay $0x1  }
0x282: {  	[tilespmem:s11+$0x7AF0] =	vst v9;
	v9 =	vld [tilespmem:s11+$0x7E80]  }
0x283: {  	v10 =	vld [tilespmem:s8+$0x400];
	_ =	sdelay $0x4  }
0x284: {  	v9 =	vadd.f32 v10, v9;
	_ =	sdelay $0x1  }
0x285: {  	[tilespmem:s11+$0x7E80] =	vst v9;
	v9 =	vld [tilespmem:s11+$0x7E90]  }
0x286: {  	v10 =	vld [tilespmem:s8+$0x410];
	_ =	sdelay $0x4  }
0x287: {  	v9 =	vadd.f32 v10, v9;
	_ =	sdelay $0x1  }
0x288: {  	[tilespmem:s11+$0x7E90] =	vst v9;
	v9 =	vld [tilespmem:s11+$0x7EA0]  }
0x289: {  	v10 =	vld [tilespmem:s8+$0x420];
	_ =	sdelay $0x4  }
0x28a: {  	v9 =	vadd.f32 v10, v9;
	_ =	sdelay $0x1  }
0x28b: {  	[tilespmem:s11+$0x7EA0] =	vst v9;
	v9 =	vld [tilespmem:s11+$0x7EB0]  }
0x28c: {  	v10 =	vld [tilespmem:s8+$0x430];
	_ =	sdelay $0x4  }
0x28d: {  	v9 =	vadd.f32 v10, v9;
	_ =	sdelay $0x1  }
0x28e: {  	[tilespmem:s11+$0x7EB0] =	vst v9;
	v9 =	vld [tilespmem:s11+$0x7EC0]  }
0x28f: {  	v10 =	vld [tilespmem:s8+$0x440];
	_ =	sdelay $0x4  }
0x290: {  	v9 =	vadd.f32 v10, v9;
	_ =	sdelay $0x1  }
0x291: {  	[tilespmem:s11+$0x7EC0] =	vst v9;
	v9 =	vld [tilespmem:s11+$0x7ED0]  }
0x292: {  	v10 =	vld [tilespmem:s8+$0x450];
	_ =	sdelay $0x4  }
0x293: {  	v9 =	vadd.f32 v10, v9;
	_ =	sdelay $0x1  }
0x294: {  	[tilespmem:s11+$0x7ED0] =	vst v9;
	v9 =	vld [tilespmem:s11+$0x7EE0]  }
0x295: {  	v10 =	vld [tilespmem:s8+$0x460];
	_ =	sdelay $0x4  }
0x296: {  	v9 =	vadd.f32 v10, v9;
	_ =	sdelay $0x1  }
0x297: {  	[tilespmem:s11+$0x7EE0] =	vst v9;
	v9 =	vld [tilespmem:s11+$0x7EF0]  }
0x298: {  	p1 =	sgt.s32 s22, $0x1;
	v10 =	vld [tilespmem:s8+$0x470]  }
.Ltmp9:
0x299: {  	_ = 	snop;
	(pc) =	sbr.rel @!p1 .LBB2_12-.Ltmp9, $2  }
0x29a: {  	_ =	sdelay $0x2  }
0x29b: {  	s16 =	simm.s32 $0x2951;
	s10 =	simm.s32 $0x1;
	v9 =	vadd.f32 v10, v9  }
.LBB2_11:
0x29c: {  	s10 =	sadd.s32 $0x1, s10;
	s4 =	sadd.s32 $0x80, s4;
	s15 =	sadd.s32 $0x100, s15  }
0x29d: {  	p1 =	slt.s32 s10, s22;
	[tilespmem:s11+$0x7EF0] =	vst v9  }
0x29e: {  	v9 =	vld [tilespmem:s16+$0x0];
	_ =	sdelay $0x4  }
0x29f: {  	(v2sf) =	vpush v9, $0x0;
	_ =	sdelay $0xe  }
0x2a0: {  	s8 =	sand.u32 $0x380, s4;
	s11 =	spop (v2sf)  }
0x2a1: {  	s18 =	sand.u32 $0xFFFFF800, s15;
	s17 =	sshll.u32 s11, $0x8;
	s11 =	sshll.u32 s11, $0x7  }
0x2a2: {  	s8 =	sor.u32 s8, s18;
	s17 =	sand.u32 $0xFFFFF800, s17;
	s11 =	sand.u32 $0x380, s11  }
0x2a3: {  	s11 =	sor.u32 s11, s17;
	v9 =	vld [tilespmem:s8+$0x16A80]  }
0x2a4: {  	v10 =	vld [tilespmem:s11+$0x7A80];
	_ =	sdelay $0x4  }
0x2a5: {  	v9 =	vadd.f32 v9, v10  }
0x2a6: {  	s17 =	sadd.s32 $0x16A80, s8  }
0x2a7: {  	[tilespmem:s11+$0x7A80] =	vst v9;
	v9 =	vld [tilespmem:s11+$0x7A90]  }
0x2a8: {  	v10 =	vld [tilespmem:s17+$0x10];
	_ =	sdelay $0x4  }
0x2a9: {  	v9 =	vadd.f32 v10, v9;
	_ =	sdelay $0x1  }
0x2aa: {  	[tilespmem:s11+$0x7A90] =	vst v9;
	v9 =	vld [tilespmem:s11+$0x7AA0]  }
0x2ab: {  	v10 =	vld [tilespmem:s17+$0x20];
	_ =	sdelay $0x4  }
0x2ac: {  	v9 =	vadd.f32 v10, v9;
	_ =	sdelay $0x1  }
0x2ad: {  	[tilespmem:s11+$0x7AA0] =	vst v9;
	v9 =	vld [tilespmem:s11+$0x7AB0]  }
0x2ae: {  	v10 =	vld [tilespmem:s17+$0x30];
	_ =	sdelay $0x4  }
0x2af: {  	v9 =	vadd.f32 v10, v9;
	_ =	sdelay $0x1  }
0x2b0: {  	[tilespmem:s11+$0x7AB0] =	vst v9;
	v9 =	vld [tilespmem:s11+$0x7AC0]  }
0x2b1: {  	v10 =	vld [tilespmem:s17+$0x40];
	_ =	sdelay $0x4  }
0x2b2: {  	v9 =	vadd.f32 v10, v9;
	_ =	sdelay $0x1  }
0x2b3: {  	[tilespmem:s11+$0x7AC0] =	vst v9;
	v9 =	vld [tilespmem:s11+$0x7AD0]  }
0x2b4: {  	v10 =	vld [tilespmem:s17+$0x50];
	_ =	sdelay $0x4  }
0x2b5: {  	v9 =	vadd.f32 v10, v9;
	_ =	sdelay $0x1  }
0x2b6: {  	[tilespmem:s11+$0x7AD0] =	vst v9;
	v9 =	vld [tilespmem:s11+$0x7AE0]  }
0x2b7: {  	v10 =	vld [tilespmem:s17+$0x60];
	_ =	sdelay $0x4  }
0x2b8: {  	v9 =	vadd.f32 v10, v9;
	_ =	sdelay $0x1  }
0x2b9: {  	[tilespmem:s11+$0x7AE0] =	vst v9;
	v9 =	vld [tilespmem:s11+$0x7AF0]  }
0x2ba: {  	v10 =	vld [tilespmem:s17+$0x70];
	_ =	sdelay $0x4  }
0x2bb: {  	v9 =	vadd.f32 v10, v9;
	_ =	sdelay $0x1  }
0x2bc: {  	[tilespmem:s11+$0x7AF0] =	vst v9;
	v9 =	vld [tilespmem:s11+$0x7E80]  }
0x2bd: {  	v10 =	vld [tilespmem:s17+$0x400];
	_ =	sdelay $0x4  }
0x2be: {  	v9 =	vadd.f32 v10, v9;
	_ =	sdelay $0x1  }
0x2bf: {  	[tilespmem:s11+$0x7E80] =	vst v9;
	v9 =	vld [tilespmem:s11+$0x7E90]  }
0x2c0: {  	v10 =	vld [tilespmem:s17+$0x410];
	_ =	sdelay $0x4  }
0x2c1: {  	v9 =	vadd.f32 v10, v9;
	_ =	sdelay $0x1  }
0x2c2: {  	[tilespmem:s11+$0x7E90] =	vst v9;
	v9 =	vld [tilespmem:s11+$0x7EA0]  }
0x2c3: {  	v10 =	vld [tilespmem:s17+$0x420];
	_ =	sdelay $0x4  }
0x2c4: {  	v9 =	vadd.f32 v10, v9;
	_ =	sdelay $0x1  }
0x2c5: {  	[tilespmem:s11+$0x7EA0] =	vst v9;
	v9 =	vld [tilespmem:s11+$0x7EB0]  }
0x2c6: {  	v10 =	vld [tilespmem:s17+$0x430];
	_ =	sdelay $0x4  }
0x2c7: {  	v9 =	vadd.f32 v10, v9;
	_ =	sdelay $0x1  }
0x2c8: {  	[tilespmem:s11+$0x7EB0] =	vst v9;
	v9 =	vld [tilespmem:s11+$0x7EC0]  }
0x2c9: {  	v10 =	vld [tilespmem:s17+$0x440];
	_ =	sdelay $0x4  }
0x2ca: {  	v9 =	vadd.f32 v10, v9;
	_ =	sdelay $0x1  }
0x2cb: {  	[tilespmem:s11+$0x7EC0] =	vst v9;
	v9 =	vld [tilespmem:s11+$0x7ED0]  }
0x2cc: {  	v10 =	vld [tilespmem:s17+$0x450];
	_ =	sdelay $0x4  }
0x2cd: {  	v9 =	vadd.f32 v10, v9;
	_ =	sdelay $0x1  }
0x2ce: {  	[tilespmem:s11+$0x7ED0] =	vst v9;
	v9 =	vld [tilespmem:s11+$0x7EE0]  }
0x2cf: {  	v10 =	vld [tilespmem:s17+$0x460];
	_ =	sdelay $0x4  }
0x2d0: {  	v9 =	vadd.f32 v10, v9;
	_ =	sdelay $0x1  }
0x2d1: {  	[tilespmem:s11+$0x7EE0] =	vst v9;
	v9 =	vld [tilespmem:s11+$0x7EF0]  }
0x2d2: {  	v10 =	vld [tilespmem:s17+$0x470]  }
.Ltmp10:
0x2d3: {  	(pc) =	sbr.rel @p1 .LBB2_11-.Ltmp10, $2  }
0x2d4: {  	_ =	sdelay $0x2  }
0x2d5: {  	s16 =	sadd.s32 $0x1, s16;
	v9 =	vadd.f32 v10, v9  }
.LBB2_12:
0x2d6: {  	_ = 	snop  }
0x2d7: {  	s17 =	simm.s32 $0x16A80;
	[tilespmem:s11+$0x7EF0] =	vst v9  }
.LBB2_13:
0x2d8: {  	s1 =	sadd.s32 s1, s30  }
0x2d9: {  	_ =	strace $0x9000004E;
	s1 =	sadd.s32 s23, s1  }
0x2da: {  	s22 =	simm.s32 $0x7A80;
	s16 =	rddreg [dreg:$0xb];
	s1 =	sadd.s32 s12, s1  }
0x2db: {  	[hbm4b:s16+s5] =	stream.linear.scatter [tilespmem:s22], [sflag:$0x7], $0x5000, $0x38;
	[tilespmem:$0x1C280] =	vst v63  }
0x2dc: {  	s1 =	sadd.s32 s14, s1  }
0x2dd: {  	s1 =	sadd.s32 s21, s1  }
0x2de: {  	p1 =	slt.s32 s1, $0x26B8;
	s4 =	smov.u32 s1  }
0x2df: {  	s4 =	simm.s32 @!p1 $0x26B8  }
0x2e0: {  	s8 =	sand.u32 $0x7, s4  }
0x2e1: {  	p2 =	slt.s32 s1, $0x1;
	s15 =	sshra.s32 s4, $0x1F;
	p6 =	sne.s32 s8, $0x0  }
0x2e2: {  	s8 =	sshrl.u32 s15, $0x1D;
	p1 =	por !p2, !p6  }
0x2e3: {  	s4 =	sadd.s32 s8, s4;
	s8 =	simm.s32 $0x1;
	p1 =	por !p1, !p1  }
0x2e4: {  	s4 =	sshra.s32 s4, $0x3;
	s8 =	simm.s32 @!p1 $0x0  }
0x2e5: {  	s10 =	ssub.s32 s4, s8  }
0x2e6: {  	s18 =	sshll.u32 s10, $0x8  }
0x2e7: {  	s4 =	sand.u32 $0x1FFFFF00, s18  }
0x2e8: {  	s4 =	sadd.s32 s19, s4  }
0x2e9: {  	[tilespmem:s17], [sflag:$0x5] =	stream.linear.gather [hbm4b:s4+s5], $0x5800, $0x38;
	[tilespmem:$0x1C280] =	vst v63  }
0x2ea: {  	_ =	strace $0x8000004F  }
0x2eb: {  	_ =	swait.ge [sflag:s26], $0x1000  }
0x2ec: {  	[sflag:s26] =	ssyncset.done $0x0  }
0x2ed: {  	[sflag:s26] =	ssyncadd.s32 $0xFFFFF000  }
0x2ee: {  	_ =	swait.ge [sflag:s26], $0x1000  }
0x2ef: {  	[sflag:s26] =	ssyncset.done $0x0  }
0x2f0: {  	[sflag:s26] =	ssyncadd.s32 $0xFFFFF000  }
0x2f1: {  	_ =	swait.ge [sflag:s26], $0x1000  }
0x2f2: {  	[sflag:s26] =	ssyncset.done $0x0  }
0x2f3: {  	[sflag:s26] =	ssyncadd.s32 $0xFFFFF000  }
0x2f4: {  	_ =	swait.ge [sflag:s26], $0x1000  }
0x2f5: {  	[sflag:s26] =	ssyncset.done $0x0  }
0x2f6: {  	[sflag:s26] =	ssyncadd.s32 $0xFFFFF000  }
0x2f7: {  	_ =	swait.ge [sflag:s26], $0x1000  }
0x2f8: {  	[sflag:s26] =	ssyncset.done $0x0  }
0x2f9: {  	s4 =	sadd.s32 s31, s9;
	[sflag:s26] =	ssyncadd.s32 $0xFFFFF000  }
0x2fa: {  	p1 =	slt.s32 s4, $0x1;
	_ =	swait.ge [sflag:s24], $0x5800  }
.Ltmp11:
0x2fb: {  	[sflag:s24] =	ssyncset.done $0x0;
	(pc) =	sbr.rel @p1 .LBB2_17-.Ltmp11, $4  }
0x2fc: {  	[sflag:s24] =	ssyncadd.s32 $0xFFFFA800  }
0x2fd: {  	_ =	strace $0x9000004F  }
0x2fe: {  	_ =	strace $0x80000050  }
0x2ff: {  	s30 =	rddreg [dreg:$0x11]  }
0x300: {  	s8 =	simm.s32 $0x29A0  }
0x301: {  	v9 =	vld [tilespmem:s8+$0x0];
	_ =	sdelay $0x4  }
0x302: {  	(v2sf) =	vpush v9, $0x0;
	_ =	sdelay $0x3  }
0x303: {  	s18 =	rddreg [dreg:$0x10]  }
0x304: {  	s8 =	sadd.s32 s18, s0  }
0x305: {  	s8 =	sadd.s32 s7, s8  }
0x306: {  	s8 =	sadd.s32 s30, s8  }
0x307: {  	s8 =	sadd.s32 s29, s8  }
0x308: {  	s8 =	sadd.s32 s23, s8  }
0x309: {  	s8 =	sadd.s32 s12, s8  }
0x30a: {  	s8 =	sadd.s32 s14, s8  }
0x30b: {  	s10 =	sshll.u32 s10, $0x3;
	s8 =	sadd.s32 s21, s8  }
0x30c: {  	s8 =	ssub.s32 s8, s10  }
0x30d: {  	s17 =	sshll.u32 s8, $0x7  }
0x30e: {  	s15 =	sshll.u32 s8, $0x8;
	s19 =	sand.u32 $0x380, s17;
	s31 =	spop (v2sf)  }
0x30f: {  	s16 =	sand.u32 $0xFFFFF800, s15;
	s11 =	sshll.u32 s31, $0x8;
	s10 =	sshll.u32 s31, $0x7  }
0x310: {  	s8 =	sor.u32 s19, s16;
	s11 =	sand.u32 $0xFFFFF800, s11;
	s10 =	sand.u32 $0x380, s10  }
0x311: {  	v9 =	vld [tilespmem:s8+$0x16A80];
	s11 =	sor.u32 s10, s11  }
0x312: {  	v10 =	vld [tilespmem:s11+$0xCA80];
	_ =	sdelay $0x4  }
0x313: {  	v9 =	vadd.f32 v9, v10;
	_ =	sdelay $0x1  }
0x314: {  	s8 =	sadd.s32 $0x16A80, s8;
	[tilespmem:s11+$0xCA80] =	vst v9;
	v9 =	vld [tilespmem:s11+$0xCA90]  }
0x315: {  	v10 =	vld [tilespmem:s8+$0x10];
	_ =	sdelay $0x4  }
0x316: {  	v9 =	vadd.f32 v10, v9;
	_ =	sdelay $0x1  }
0x317: {  	[tilespmem:s11+$0xCA90] =	vst v9;
	v9 =	vld [tilespmem:s11+$0xCAA0]  }
0x318: {  	v10 =	vld [tilespmem:s8+$0x20];
	_ =	sdelay $0x4  }
0x319: {  	v9 =	vadd.f32 v10, v9;
	_ =	sdelay $0x1  }
0x31a: {  	[tilespmem:s11+$0xCAA0] =	vst v9;
	v9 =	vld [tilespmem:s11+$0xCAB0]  }
0x31b: {  	v10 =	vld [tilespmem:s8+$0x30];
	_ =	sdelay $0x4  }
0x31c: {  	v9 =	vadd.f32 v10, v9;
	_ =	sdelay $0x1  }
0x31d: {  	[tilespmem:s11+$0xCAB0] =	vst v9;
	v9 =	vld [tilespmem:s11+$0xCAC0]  }
0x31e: {  	v10 =	vld [tilespmem:s8+$0x40];
	_ =	sdelay $0x4  }
0x31f: {  	v9 =	vadd.f32 v10, v9;
	_ =	sdelay $0x1  }
0x320: {  	[tilespmem:s11+$0xCAC0] =	vst v9;
	v9 =	vld [tilespmem:s11+$0xCAD0]  }
0x321: {  	v10 =	vld [tilespmem:s8+$0x50];
	_ =	sdelay $0x4  }
0x322: {  	v9 =	vadd.f32 v10, v9;
	_ =	sdelay $0x1  }
0x323: {  	[tilespmem:s11+$0xCAD0] =	vst v9;
	v9 =	vld [tilespmem:s11+$0xCAE0]  }
0x324: {  	v10 =	vld [tilespmem:s8+$0x60];
	_ =	sdelay $0x4  }
0x325: {  	v9 =	vadd.f32 v10, v9;
	_ =	sdelay $0x1  }
0x326: {  	[tilespmem:s11+$0xCAE0] =	vst v9;
	v9 =	vld [tilespmem:s11+$0xCAF0]  }
0x327: {  	v10 =	vld [tilespmem:s8+$0x70];
	_ =	sdelay $0x4  }
0x328: {  	v9 =	vadd.f32 v10, v9;
	_ =	sdelay $0x1  }
0x329: {  	[tilespmem:s11+$0xCAF0] =	vst v9;
	v9 =	vld [tilespmem:s11+$0xCE80]  }
0x32a: {  	v10 =	vld [tilespmem:s8+$0x400];
	_ =	sdelay $0x4  }
0x32b: {  	v9 =	vadd.f32 v10, v9;
	_ =	sdelay $0x1  }
0x32c: {  	[tilespmem:s11+$0xCE80] =	vst v9;
	v9 =	vld [tilespmem:s11+$0xCE90]  }
0x32d: {  	v10 =	vld [tilespmem:s8+$0x410];
	_ =	sdelay $0x4  }
0x32e: {  	v9 =	vadd.f32 v10, v9;
	_ =	sdelay $0x1  }
0x32f: {  	[tilespmem:s11+$0xCE90] =	vst v9;
	v9 =	vld [tilespmem:s11+$0xCEA0]  }
0x330: {  	v10 =	vld [tilespmem:s8+$0x420];
	_ =	sdelay $0x4  }
0x331: {  	v9 =	vadd.f32 v10, v9;
	_ =	sdelay $0x1  }
0x332: {  	[tilespmem:s11+$0xCEA0] =	vst v9;
	v9 =	vld [tilespmem:s11+$0xCEB0]  }
0x333: {  	v10 =	vld [tilespmem:s8+$0x430];
	_ =	sdelay $0x4  }
0x334: {  	v9 =	vadd.f32 v10, v9;
	_ =	sdelay $0x1  }
0x335: {  	[tilespmem:s11+$0xCEB0] =	vst v9;
	v9 =	vld [tilespmem:s11+$0xCEC0]  }
0x336: {  	v10 =	vld [tilespmem:s8+$0x440];
	_ =	sdelay $0x4  }
0x337: {  	v9 =	vadd.f32 v10, v9;
	_ =	sdelay $0x1  }
0x338: {  	[tilespmem:s11+$0xCEC0] =	vst v9;
	v9 =	vld [tilespmem:s11+$0xCED0]  }
0x339: {  	v10 =	vld [tilespmem:s8+$0x450];
	_ =	sdelay $0x4  }
0x33a: {  	v9 =	vadd.f32 v10, v9;
	_ =	sdelay $0x1  }
0x33b: {  	[tilespmem:s11+$0xCED0] =	vst v9;
	v9 =	vld [tilespmem:s11+$0xCEE0]  }
0x33c: {  	v10 =	vld [tilespmem:s8+$0x460];
	_ =	sdelay $0x4  }
0x33d: {  	v9 =	vadd.f32 v10, v9;
	_ =	sdelay $0x1  }
0x33e: {  	[tilespmem:s11+$0xCEE0] =	vst v9;
	v9 =	vld [tilespmem:s11+$0xCEF0]  }
0x33f: {  	p1 =	sgt.s32 s4, $0x1;
	v10 =	vld [tilespmem:s8+$0x470]  }
.Ltmp12:
0x340: {  	_ = 	snop;
	(pc) =	sbr.rel @!p1 .LBB2_16-.Ltmp12, $2  }
0x341: {  	_ =	sdelay $0x2  }
0x342: {  	s16 =	simm.s32 $0x29A1;
	s10 =	simm.s32 $0x1;
	v9 =	vadd.f32 v10, v9  }
.LBB2_15:
0x343: {  	s10 =	sadd.s32 $0x1, s10;
	s17 =	sadd.s32 $0x80, s17;
	s15 =	sadd.s32 $0x100, s15  }
0x344: {  	p1 =	slt.s32 s10, s4;
	[tilespmem:s11+$0xCEF0] =	vst v9  }
0x345: {  	v9 =	vld [tilespmem:s16+$0x0];
	_ =	sdelay $0x4  }
0x346: {  	(v2sf) =	vpush v9, $0x0;
	_ =	sdelay $0xe  }
0x347: {  	s8 =	sand.u32 $0x380, s17;
	s11 =	spop (v2sf)  }
0x348: {  	s19 =	sand.u32 $0xFFFFF800, s15;
	s18 =	sshll.u32 s11, $0x8;
	s11 =	sshll.u32 s11, $0x7  }
0x349: {  	s8 =	sor.u32 s8, s19;
	s18 =	sand.u32 $0xFFFFF800, s18;
	s11 =	sand.u32 $0x380, s11  }
0x34a: {  	s11 =	sor.u32 s11, s18;
	v9 =	vld [tilespmem:s8+$0x16A80]  }
0x34b: {  	v10 =	vld [tilespmem:s11+$0xCA80];
	_ =	sdelay $0x4  }
0x34c: {  	v9 =	vadd.f32 v9, v10  }
0x34d: {  	s19 =	sadd.s32 $0x16A80, s8  }
0x34e: {  	[tilespmem:s11+$0xCA80] =	vst v9;
	v9 =	vld [tilespmem:s11+$0xCA90]  }
0x34f: {  	v10 =	vld [tilespmem:s19+$0x10];
	_ =	sdelay $0x4  }
0x350: {  	v9 =	vadd.f32 v10, v9;
	_ =	sdelay $0x1  }
0x351: {  	[tilespmem:s11+$0xCA90] =	vst v9;
	v9 =	vld [tilespmem:s11+$0xCAA0]  }
0x352: {  	v10 =	vld [tilespmem:s19+$0x20];
	_ =	sdelay $0x4  }
0x353: {  	v9 =	vadd.f32 v10, v9;
	_ =	sdelay $0x1  }
0x354: {  	[tilespmem:s11+$0xCAA0] =	vst v9;
	v9 =	vld [tilespmem:s11+$0xCAB0]  }
0x355: {  	v10 =	vld [tilespmem:s19+$0x30];
	_ =	sdelay $0x4  }
0x356: {  	v9 =	vadd.f32 v10, v9;
	_ =	sdelay $0x1  }
0x357: {  	[tilespmem:s11+$0xCAB0] =	vst v9;
	v9 =	vld [tilespmem:s11+$0xCAC0]  }
0x358: {  	v10 =	vld [tilespmem:s19+$0x40];
	_ =	sdelay $0x4  }
0x359: {  	v9 =	vadd.f32 v10, v9;
	_ =	sdelay $0x1  }
0x35a: {  	[tilespmem:s11+$0xCAC0] =	vst v9;
	v9 =	vld [tilespmem:s11+$0xCAD0]  }
0x35b: {  	v10 =	vld [tilespmem:s19+$0x50];
	_ =	sdelay $0x4  }
0x35c: {  	v9 =	vadd.f32 v10, v9;
	_ =	sdelay $0x1  }
0x35d: {  	[tilespmem:s11+$0xCAD0] =	vst v9;
	v9 =	vld [tilespmem:s11+$0xCAE0]  }
0x35e: {  	v10 =	vld [tilespmem:s19+$0x60];
	_ =	sdelay $0x4  }
0x35f: {  	v9 =	vadd.f32 v10, v9;
	_ =	sdelay $0x1  }
0x360: {  	[tilespmem:s11+$0xCAE0] =	vst v9;
	v9 =	vld [tilespmem:s11+$0xCAF0]  }
0x361: {  	v10 =	vld [tilespmem:s19+$0x70];
	_ =	sdelay $0x4  }
0x362: {  	v9 =	vadd.f32 v10, v9;
	_ =	sdelay $0x1  }
0x363: {  	[tilespmem:s11+$0xCAF0] =	vst v9;
	v9 =	vld [tilespmem:s11+$0xCE80]  }
0x364: {  	v10 =	vld [tilespmem:s19+$0x400];
	_ =	sdelay $0x4  }
0x365: {  	v9 =	vadd.f32 v10, v9;
	_ =	sdelay $0x1  }
0x366: {  	[tilespmem:s11+$0xCE80] =	vst v9;
	v9 =	vld [tilespmem:s11+$0xCE90]  }
0x367: {  	v10 =	vld [tilespmem:s19+$0x410];
	_ =	sdelay $0x4  }
0x368: {  	v9 =	vadd.f32 v10, v9;
	_ =	sdelay $0x1  }
0x369: {  	[tilespmem:s11+$0xCE90] =	vst v9;
	v9 =	vld [tilespmem:s11+$0xCEA0]  }
0x36a: {  	v10 =	vld [tilespmem:s19+$0x420];
	_ =	sdelay $0x4  }
0x36b: {  	v9 =	vadd.f32 v10, v9;
	_ =	sdelay $0x1  }
0x36c: {  	[tilespmem:s11+$0xCEA0] =	vst v9;
	v9 =	vld [tilespmem:s11+$0xCEB0]  }
0x36d: {  	v10 =	vld [tilespmem:s19+$0x430];
	_ =	sdelay $0x4  }
0x36e: {  	v9 =	vadd.f32 v10, v9;
	_ =	sdelay $0x1  }
0x36f: {  	[tilespmem:s11+$0xCEB0] =	vst v9;
	v9 =	vld [tilespmem:s11+$0xCEC0]  }
0x370: {  	v10 =	vld [tilespmem:s19+$0x440];
	_ =	sdelay $0x4  }
0x371: {  	v9 =	vadd.f32 v10, v9;
	_ =	sdelay $0x1  }
0x372: {  	[tilespmem:s11+$0xCEC0] =	vst v9;
	v9 =	vld [tilespmem:s11+$0xCED0]  }
0x373: {  	v10 =	vld [tilespmem:s19+$0x450];
	_ =	sdelay $0x4  }
0x374: {  	v9 =	vadd.f32 v10, v9;
	_ =	sdelay $0x1  }
0x375: {  	[tilespmem:s11+$0xCED0] =	vst v9;
	v9 =	vld [tilespmem:s11+$0xCEE0]  }
0x376: {  	v10 =	vld [tilespmem:s19+$0x460];
	_ =	sdelay $0x4  }
0x377: {  	v9 =	vadd.f32 v10, v9;
	_ =	sdelay $0x1  }
0x378: {  	[tilespmem:s11+$0xCEE0] =	vst v9;
	v9 =	vld [tilespmem:s11+$0xCEF0]  }
0x379: {  	v10 =	vld [tilespmem:s19+$0x470]  }
.Ltmp13:
0x37a: {  	(pc) =	sbr.rel @p1 .LBB2_15-.Ltmp13, $2  }
0x37b: {  	_ =	sdelay $0x2  }
0x37c: {  	s16 =	sadd.s32 $0x1, s16;
	v9 =	vadd.f32 v10, v9  }
.LBB2_16:
0x37d: {  	_ = 	snop  }
0x37e: {  	s19 =	rddreg [dreg:$0x3];
	s17 =	simm.s32 $0x16A80;
	[tilespmem:s11+$0xCEF0] =	vst v9  }
.LBB2_17:
0x37f: {  	s10 =	rddreg [dreg:$0x12]  }
0x380: {  	s1 =	sadd.s32 s13, s1;
	s11 =	rddreg [dreg:$0x13]  }
0x381: {  	s16 =	rddreg [dreg:$0x14];
	_ =	strace $0x90000050;
	s1 =	sadd.s32 s10, s1  }
0x382: {  	s15 =	simm.s32 $0xCA80;
	s8 =	rddreg [dreg:$0xc];
	s1 =	sadd.s32 s11, s1  }
0x383: {  	[hbm4b:s8+s5] =	stream.linear.scatter [tilespmem:s15], [sflag:$0x8], $0x5000, $0x38;
	[tilespmem:$0x1C280] =	vst v63  }
0x384: {  	s1 =	sadd.s32 s16, s1  }
0x385: {  	s1 =	sadd.s32 s9, s1  }
0x386: {  	p1 =	slt.s32 s1, $0x26B8  }
0x387: {  	p2 =	slt.s32 s1, $0x1;
	s1 =	simm.s32 @!p1 $0x26B8  }
0x388: {  	s4 =	sand.u32 $0x7, s1  }
0x389: {  	s31 =	sshra.s32 s1, $0x1F;
	p6 =	sne.s32 s4, $0x0  }
0x38a: {  	s4 =	sshrl.u32 s31, $0x1D;
	p1 =	por !p2, !p6  }
0x38b: {  	s1 =	sadd.s32 s4, s1;
	s4 =	simm.s32 $0x1;
	p1 =	por !p1, !p1  }
0x38c: {  	s1 =	sshra.s32 s1, $0x3;
	s4 =	simm.s32 @!p1 $0x0  }
0x38d: {  	s4 =	ssub.s32 s1, s4  }
0x38e: {  	s18 =	sshll.u32 s4, $0x8  }
0x38f: {  	s1 =	sand.u32 $0x1FFFFF00, s18  }
0x390: {  	s1 =	sadd.s32 s19, s1  }
0x391: {  	[tilespmem:s17], [sflag:$0x5] =	stream.linear.gather [hbm4b:s1+s5], $0x5800, $0x38;
	[tilespmem:$0x1C280] =	vst v63  }
0x392: {  	_ =	strace $0x80000051  }
0x393: {  	_ =	swait.ge [sflag:s28], $0x1000  }
0x394: {  	[sflag:s28] =	ssyncset.done $0x0  }
0x395: {  	[sflag:s28] =	ssyncadd.s32 $0xFFFFF000  }
0x396: {  	_ =	swait.ge [sflag:s28], $0x1000  }
0x397: {  	[sflag:s28] =	ssyncset.done $0x0  }
0x398: {  	[sflag:s28] =	ssyncadd.s32 $0xFFFFF000  }
0x399: {  	_ =	swait.ge [sflag:s28], $0x1000  }
0x39a: {  	[sflag:s28] =	ssyncset.done $0x0  }
0x39b: {  	[sflag:s28] =	ssyncadd.s32 $0xFFFFF000  }
0x39c: {  	_ =	swait.ge [sflag:s28], $0x1000  }
0x39d: {  	[sflag:s28] =	ssyncset.done $0x0  }
0x39e: {  	[sflag:s28] =	ssyncadd.s32 $0xFFFFF000  }
0x39f: {  	_ =	swait.ge [sflag:s28], $0x1000  }
0x3a0: {  	[sflag:s28] =	ssyncset.done $0x0  }
0x3a1: {  	[sflag:s28] =	ssyncadd.s32 $0xFFFFF000  }
0x3a2: {  	_ =	swait.ge [sflag:s24], $0x5800  }
0x3a3: {  	s31 =	rddreg [dreg:$0x15]  }
0x3a4: {  	s8 =	rddreg [dreg:$0x16]  }
0x3a5: {  	s1 =	sadd.s32 s31, s8  }
0x3a6: {  	p1 =	slt.s32 s1, $0x1  }
.Ltmp14:
0x3a7: {  	_ = 	snop;
	(pc) =	sbr.rel @p1 .LBB2_21-.Ltmp14, $4  }
0x3a8: {  	[sflag:s24] =	ssyncset.done $0x0  }
0x3a9: {  	[sflag:s24] =	ssyncadd.s32 $0xFFFFA800  }
0x3aa: {  	_ =	strace $0x90000051  }
0x3ab: {  	_ =	strace $0x80000052  }
0x3ac: {  	s8 =	simm.s32 $0x29F0  }
0x3ad: {  	v9 =	vld [tilespmem:s8+$0x0];
	_ =	sdelay $0x3  }
0x3ae: {  	s18 =	rddreg [dreg:$0x10]  }
0x3af: {  	s0 =	sadd.s32 s18, s0;
	(v2sf) =	vpush v9, $0x0  }
0x3b0: {  	s0 =	sadd.s32 s7, s0  }
0x3b1: {  	s0 =	sadd.s32 s30, s0  }
0x3b2: {  	s0 =	sadd.s32 s29, s0  }
0x3b3: {  	s0 =	sadd.s32 s23, s0  }
0x3b4: {  	s0 =	sadd.s32 s12, s0  }
0x3b5: {  	s0 =	sadd.s32 s14, s0  }
0x3b6: {  	s0 =	sadd.s32 s21, s0  }
0x3b7: {  	s0 =	sadd.s32 s13, s0  }
0x3b8: {  	s0 =	sadd.s32 s10, s0  }
0x3b9: {  	s0 =	sadd.s32 s11, s0  }
0x3ba: {  	s0 =	sadd.s32 s16, s0  }
0x3bb: {  	s4 =	sshll.u32 s4, $0x3;
	s0 =	sadd.s32 s9, s0  }
0x3bc: {  	s4 =	ssub.s32 s0, s4  }
0x3bd: {  	s0 =	sshll.u32 s4, $0x7  }
0x3be: {  	s4 =	sshll.u32 s4, $0x8;
	s21 =	sand.u32 $0x380, s0;
	s23 =	spop (v2sf)  }
0x3bf: {  	s30 =	sand.u32 $0xFFFFF800, s4;
	s29 =	sshll.u32 s23, $0x8;
	s8 =	sshll.u32 s23, $0x7  }
0x3c0: {  	s10 =	sor.u32 s21, s30;
	s9 =	sand.u32 $0xFFFFF800, s29;
	s8 =	sand.u32 $0x380, s8  }
0x3c1: {  	v9 =	vld [tilespmem:s10+$0x16A80];
	s8 =	sor.u32 s8, s9  }
0x3c2: {  	v10 =	vld [tilespmem:s8+$0x11A80];
	_ =	sdelay $0x4  }
0x3c3: {  	v9 =	vadd.f32 v9, v10;
	_ =	sdelay $0x1  }
0x3c4: {  	s7 =	sadd.s32 $0x11A80, s8;
	[tilespmem:s8+$0x11A80] =	vst v9  }
0x3c5: {  	s31 =	sadd.s32 $0x16A80, s10;
	v9 =	vld [tilespmem:s7+$0x10]  }
0x3c6: {  	v10 =	vld [tilespmem:s31+$0x10];
	_ =	sdelay $0x4  }
0x3c7: {  	v9 =	vadd.f32 v10, v9;
	_ =	sdelay $0x1  }
0x3c8: {  	[tilespmem:s7+$0x10] =	vst v9;
	v9 =	vld [tilespmem:s7+$0x20]  }
0x3c9: {  	v10 =	vld [tilespmem:s31+$0x20];
	_ =	sdelay $0x4  }
0x3ca: {  	v9 =	vadd.f32 v10, v9;
	_ =	sdelay $0x1  }
0x3cb: {  	[tilespmem:s7+$0x20] =	vst v9;
	v9 =	vld [tilespmem:s7+$0x30]  }
0x3cc: {  	v10 =	vld [tilespmem:s31+$0x30];
	_ =	sdelay $0x4  }
0x3cd: {  	v9 =	vadd.f32 v10, v9;
	_ =	sdelay $0x1  }
0x3ce: {  	[tilespmem:s7+$0x30] =	vst v9;
	v9 =	vld [tilespmem:s7+$0x40]  }
0x3cf: {  	v10 =	vld [tilespmem:s31+$0x40];
	_ =	sdelay $0x4  }
0x3d0: {  	v9 =	vadd.f32 v10, v9;
	_ =	sdelay $0x1  }
0x3d1: {  	[tilespmem:s7+$0x40] =	vst v9;
	v9 =	vld [tilespmem:s7+$0x50]  }
0x3d2: {  	v10 =	vld [tilespmem:s31+$0x50];
	_ =	sdelay $0x4  }
0x3d3: {  	v9 =	vadd.f32 v10, v9;
	_ =	sdelay $0x1  }
0x3d4: {  	[tilespmem:s7+$0x50] =	vst v9;
	v9 =	vld [tilespmem:s7+$0x60]  }
0x3d5: {  	v10 =	vld [tilespmem:s31+$0x60];
	_ =	sdelay $0x4  }
0x3d6: {  	v9 =	vadd.f32 v10, v9;
	_ =	sdelay $0x1  }
0x3d7: {  	[tilespmem:s7+$0x60] =	vst v9;
	v9 =	vld [tilespmem:s7+$0x70]  }
0x3d8: {  	v10 =	vld [tilespmem:s31+$0x70];
	_ =	sdelay $0x4  }
0x3d9: {  	v9 =	vadd.f32 v10, v9;
	_ =	sdelay $0x1  }
0x3da: {  	[tilespmem:s7+$0x70] =	vst v9;
	v9 =	vld [tilespmem:s7+$0x400]  }
0x3db: {  	v10 =	vld [tilespmem:s31+$0x400];
	_ =	sdelay $0x4  }
0x3dc: {  	v9 =	vadd.f32 v10, v9;
	_ =	sdelay $0x1  }
0x3dd: {  	[tilespmem:s7+$0x400] =	vst v9;
	v9 =	vld [tilespmem:s7+$0x410]  }
0x3de: {  	v10 =	vld [tilespmem:s31+$0x410];
	_ =	sdelay $0x4  }
0x3df: {  	v9 =	vadd.f32 v10, v9;
	_ =	sdelay $0x1  }
0x3e0: {  	[tilespmem:s7+$0x410] =	vst v9;
	v9 =	vld [tilespmem:s7+$0x420]  }
0x3e1: {  	v10 =	vld [tilespmem:s31+$0x420];
	_ =	sdelay $0x4  }
0x3e2: {  	v9 =	vadd.f32 v10, v9;
	_ =	sdelay $0x1  }
0x3e3: {  	[tilespmem:s7+$0x420] =	vst v9;
	v9 =	vld [tilespmem:s7+$0x430]  }
0x3e4: {  	v10 =	vld [tilespmem:s31+$0x430];
	_ =	sdelay $0x4  }
0x3e5: {  	v9 =	vadd.f32 v10, v9;
	_ =	sdelay $0x1  }
0x3e6: {  	[tilespmem:s7+$0x430] =	vst v9;
	v9 =	vld [tilespmem:s7+$0x440]  }
0x3e7: {  	v10 =	vld [tilespmem:s31+$0x440];
	_ =	sdelay $0x4  }
0x3e8: {  	v9 =	vadd.f32 v10, v9;
	_ =	sdelay $0x1  }
0x3e9: {  	[tilespmem:s7+$0x440] =	vst v9;
	v9 =	vld [tilespmem:s7+$0x450]  }
0x3ea: {  	v10 =	vld [tilespmem:s31+$0x450];
	_ =	sdelay $0x4  }
0x3eb: {  	v9 =	vadd.f32 v10, v9;
	_ =	sdelay $0x1  }
0x3ec: {  	[tilespmem:s7+$0x450] =	vst v9;
	v9 =	vld [tilespmem:s7+$0x460]  }
0x3ed: {  	v10 =	vld [tilespmem:s31+$0x460];
	_ =	sdelay $0x4  }
0x3ee: {  	v9 =	vadd.f32 v10, v9;
	_ =	sdelay $0x1  }
0x3ef: {  	p1 =	sgt.s32 s1, $0x1;
	[tilespmem:s7+$0x460] =	vst v9;
	v9 =	vld [tilespmem:s7+$0x470]  }
.Ltmp15:
0x3f0: {  	v10 =	vld [tilespmem:s31+$0x470];
	(pc) =	sbr.rel @!p1 .LBB2_20-.Ltmp15, $2  }
0x3f1: {  	_ =	sdelay $0x2  }
0x3f2: {  	s9 =	simm.s32 $0x29F1;
	s8 =	simm.s32 $0x1  }
.LBB2_19:
0x3f3: {  	s8 =	sadd.s32 $0x1, s8;
	v9 =	vadd.f32 v10, v9;
	s0 =	sadd.s32 $0x80, s0;
	s4 =	sadd.s32 $0x100, s4  }
0x3f4: {  	p1 =	slt.s32 s8, s1  }
0x3f5: {  	[tilespmem:s7+$0x470] =	vst v9  }
0x3f6: {  	v9 =	vld [tilespmem:s9+$0x0];
	_ =	sdelay $0x4  }
0x3f7: {  	(v2sf) =	vpush v9, $0x0;
	_ =	sdelay $0xe  }
0x3f8: {  	s7 =	sand.u32 $0x380, s0;
	s10 =	spop (v2sf)  }
0x3f9: {  	s12 =	sand.u32 $0xFFFFF800, s4;
	s11 =	sshll.u32 s10, $0x8;
	s10 =	sshll.u32 s10, $0x7  }
0x3fa: {  	s12 =	sor.u32 s7, s12;
	s11 =	sand.u32 $0xFFFFF800, s11;
	s10 =	sand.u32 $0x380, s10  }
0x3fb: {  	s11 =	sor.u32 s10, s11;
	v9 =	vld [tilespmem:s12+$0x16A80]  }
0x3fc: {  	v10 =	vld [tilespmem:s11+$0x11A80];
	_ =	sdelay $0x4  }
0x3fd: {  	v9 =	vadd.f32 v9, v10  }
0x3fe: {  	s7 =	sadd.s32 $0x11A80, s11  }
0x3ff: {  	s10 =	sadd.s32 $0x16A80, s12;
	[tilespmem:s11+$0x11A80] =	vst v9  }
0x400: {  	v9 =	vld [tilespmem:s7+$0x10]  }
0x401: {  	v10 =	vld [tilespmem:s10+$0x10];
	_ =	sdelay $0x4  }
0x402: {  	v9 =	vadd.f32 v10, v9;
	_ =	sdelay $0x1  }
0x403: {  	[tilespmem:s7+$0x10] =	vst v9;
	v9 =	vld [tilespmem:s7+$0x20]  }
0x404: {  	v10 =	vld [tilespmem:s10+$0x20];
	_ =	sdelay $0x4  }
0x405: {  	v9 =	vadd.f32 v10, v9;
	_ =	sdelay $0x1  }
0x406: {  	[tilespmem:s7+$0x20] =	vst v9;
	v9 =	vld [tilespmem:s7+$0x30]  }
0x407: {  	v10 =	vld [tilespmem:s10+$0x30];
	_ =	sdelay $0x4  }
0x408: {  	v9 =	vadd.f32 v10, v9;
	_ =	sdelay $0x1  }
0x409: {  	[tilespmem:s7+$0x30] =	vst v9;
	v9 =	vld [tilespmem:s7+$0x40]  }
0x40a: {  	v10 =	vld [tilespmem:s10+$0x40];
	_ =	sdelay $0x4  }
0x40b: {  	v9 =	vadd.f32 v10, v9;
	_ =	sdelay $0x1  }
0x40c: {  	[tilespmem:s7+$0x40] =	vst v9;
	v9 =	vld [tilespmem:s7+$0x50]  }
0x40d: {  	v10 =	vld [tilespmem:s10+$0x50];
	_ =	sdelay $0x4  }
0x40e: {  	v9 =	vadd.f32 v10, v9;
	_ =	sdelay $0x1  }
0x40f: {  	[tilespmem:s7+$0x50] =	vst v9;
	v9 =	vld [tilespmem:s7+$0x60]  }
0x410: {  	v10 =	vld [tilespmem:s10+$0x60];
	_ =	sdelay $0x4  }
0x411: {  	v9 =	vadd.f32 v10, v9;
	_ =	sdelay $0x1  }
0x412: {  	[tilespmem:s7+$0x60] =	vst v9;
	v9 =	vld [tilespmem:s7+$0x70]  }
0x413: {  	v10 =	vld [tilespmem:s10+$0x70];
	_ =	sdelay $0x4  }
0x414: {  	v9 =	vadd.f32 v10, v9;
	_ =	sdelay $0x1  }
0x415: {  	[tilespmem:s7+$0x70] =	vst v9;
	v9 =	vld [tilespmem:s7+$0x400]  }
0x416: {  	v10 =	vld [tilespmem:s10+$0x400];
	_ =	sdelay $0x4  }
0x417: {  	v9 =	vadd.f32 v10, v9;
	_ =	sdelay $0x1  }
0x418: {  	[tilespmem:s7+$0x400] =	vst v9;
	v9 =	vld [tilespmem:s7+$0x410]  }
0x419: {  	v10 =	vld [tilespmem:s10+$0x410];
	_ =	sdelay $0x4  }
0x41a: {  	v9 =	vadd.f32 v10, v9;
	_ =	sdelay $0x1  }
0x41b: {  	[tilespmem:s7+$0x410] =	vst v9;
	v9 =	vld [tilespmem:s7+$0x420]  }
0x41c: {  	v10 =	vld [tilespmem:s10+$0x420];
	_ =	sdelay $0x4  }
0x41d: {  	v9 =	vadd.f32 v10, v9;
	_ =	sdelay $0x1  }
0x41e: {  	[tilespmem:s7+$0x420] =	vst v9;
	v9 =	vld [tilespmem:s7+$0x430]  }
0x41f: {  	v10 =	vld [tilespmem:s10+$0x430];
	_ =	sdelay $0x4  }
0x420: {  	v9 =	vadd.f32 v10, v9;
	_ =	sdelay $0x1  }
0x421: {  	[tilespmem:s7+$0x430] =	vst v9;
	v9 =	vld [tilespmem:s7+$0x440]  }
0x422: {  	v10 =	vld [tilespmem:s10+$0x440];
	_ =	sdelay $0x4  }
0x423: {  	v9 =	vadd.f32 v10, v9;
	_ =	sdelay $0x1  }
0x424: {  	[tilespmem:s7+$0x440] =	vst v9;
	v9 =	vld [tilespmem:s7+$0x450]  }
0x425: {  	v10 =	vld [tilespmem:s10+$0x450];
	_ =	sdelay $0x4  }
0x426: {  	v9 =	vadd.f32 v10, v9;
	_ =	sdelay $0x1  }
0x427: {  	[tilespmem:s7+$0x450] =	vst v9;
	v9 =	vld [tilespmem:s7+$0x460]  }
0x428: {  	v10 =	vld [tilespmem:s10+$0x460];
	_ =	sdelay $0x4  }
0x429: {  	v9 =	vadd.f32 v10, v9;
	_ =	sdelay $0x1  }
0x42a: {  	[tilespmem:s7+$0x460] =	vst v9;
	v9 =	vld [tilespmem:s7+$0x470]  }
.Ltmp16:
0x42b: {  	v10 =	vld [tilespmem:s10+$0x470];
	(pc) =	sbr.rel @p1 .LBB2_19-.Ltmp16, $2  }
0x42c: {  	_ =	sdelay $0x2  }
0x42d: {  	s9 =	sadd.s32 $0x1, s9  }
.Ltmp17:
0x42e: {  	_ = 	snop;
	(pc) =	sbr.rel .LBB2_20-.Ltmp17, $1  }
0x42f: {  	_ =	sdelay $0x3  }
.LBB2_22:
0x430: {  	_ =	sfence.sel $0x180000  }
0x431: {  	[bflag:$0x0] =	sbarrier.arrive $0xFFFF  }
0x432: {  	_ =	strace $0x90000047  }
0x433: {  	s0 =	stileid.u32;
	[bflag:$0x2] =	sbarrier.arrive $0xFFFF  }
0x434: {  	p0 =	sne.s32 s0, $0x0;
	s0 =	rddreg [dreg:$0x5]  }
0x435: {  	s0 =	sadd.s32 @!p0 $0x100000, s0  }
0x436: {  	[sflag:s0] =	ssyncadd.tile.s32 @!p0 $0x1;
	_ =	shalt  }
.Lfunc_end2:
_tile_overlayer_lowered:
.L_overlay_start_2:
0x437: {  	(tag) =	ssettag $0x2  }
0x438: {  	s0 =	rddreg [dreg:$0x0];
	s2 =	stileid.u32  }
0x439: {  	s1 =	rddreg [dreg:$0x1];
	p0 =	sne.s32 s2, $0x0  }
0x43a: {  	s3 =	rddreg [dreg:$0x2];
	[bflag:$0x3] =	sbarrier.arrive $0xFFFF;
	s2 =	simm.s32 @!p0 $0x1C0B  }
0x43b: {  	[timem:s3], [sflag:s2] =	dma.local @!p0 [hbm:s0], s1  }
0x43c: {  	s0 =	simm.s32 @!p0 $0xB  }
0x43d: {  	_ =	swait.ge @!p0 [sflag:s0], s1  }
0x43e: {  	s1 =	ssub.s32 @!p0 $0x0, s1;
	[sflag:s0] =	ssyncset.done @!p0 $0x0  }
0x43f: {  	[sflag:s0] =	ssyncadd.s32 @!p0 s1  }
0x440: {  	[bflag:$0x3] =	sbarrier.arrive $0xFFFF  }
0x441: {  	_ =	shalt  }

</sc_bundles>
